<compile_context>
chip_gen: v7x
topology: tpu7x:2x2x1
jax: 0.10.2.dev20260603
libtpu: 0.0.44.dev20260713+nightly
codegen_flags: <defaults>
</compile_context>

<pallas_src>
import functools

import jax
import jax.numpy as jnp
from jax import lax
from jax.experimental import pallas as pl
from jax.experimental.pallas import tpu as pltpu
from jax.experimental.pallas import tpu_sc as plsc

N = 10000
E = 160000
D_IN = 256
HEADS = 4
D_HEAD = 64
D_OUT = HEADS * D_HEAD

NP = 10240
NW = 32
EP = 163840
SEG = 5120
NSEG = EP // SEG
WIN = 320
CHUNK = 128

_ROW_BLK = 1024

_SC_PARAMS = pltpu.CompilerParams(needs_layout_passes=False)


def _proj_body(x_ref, w_ref, ab_ref, h_ref, a_ref):
    h = jnp.dot(x_ref[...], w_ref[...], preferred_element_type=jnp.float32)
    h_ref[...] = h
    a_ref[...] = lax.dot_general(
        ab_ref[...], h,
        dimension_numbers=(((0,), (1,)), ((), ())),
        preferred_element_type=jnp.float32,
    )


def _project(x_pad, W, ablock):
    return pl.pallas_call(
        _proj_body,
        grid=(NP // _ROW_BLK,),
        in_specs=[
            pl.BlockSpec((_ROW_BLK, D_IN), lambda i: (i, 0)),
            pl.BlockSpec((D_IN, D_OUT), lambda i: (0, 0)),
            pl.BlockSpec((D_IN, 8), lambda i: (0, 0)),
        ],
        out_specs=[
            pl.BlockSpec((_ROW_BLK, D_OUT), lambda i: (i, 0)),
            pl.BlockSpec((8, _ROW_BLK), lambda i: (0, i)),
        ],
        out_shape=[
            jax.ShapeDtypeStruct((NP, D_OUT), jnp.float32),
            jax.ShapeDtypeStruct((8, NP), jnp.float32),
        ],
    )(x_pad, W, ablock)


def _sc_gat_body(src_hbm, dst_hbm, s0, s1, s2, s3, t0, t1, t2, t3,
                 h_hbm, out_hbm,
                 segb, posf, posc, srcc, dlc,
                 b0, b1, b2, b3, v0, v1, v2, v3,
                 n0, n1, n2, n3, l0, l1, l2, l3, hbuf, acc, sem):
    c = lax.axis_index("c")
    s = lax.axis_index("s")
    g = s * 2 + c
    asrc = (s0, s1, s2, s3)
    adst = (t0, t1, t2, t3)
    asb = (b0, b1, b2, b3)
    avc = (v0, v1, v2, v3)
    den = (n0, n1, n2, n3)
    adl = (l0, l1, l2, l3)
    iota = lax.iota(jnp.int32, 16)

    w0 = g * WIN
    w0v = jnp.broadcast_to(w0, (16,)).astype(jnp.int32)

    for k in range(HEADS):
        def _zd(i, _, k=k):
            den[k][pl.ds(i * 16, 16)] = jnp.zeros((16,), jnp.float32)
            return 0
        lax.fori_loop(0, WIN // 16, _zd, 0)
        pltpu.sync_copy(adst[k].at[pl.ds(w0, WIN)], adl[k])

    def _za(i, _):
        for q in range(16):
            acc[i, pl.ds(q * 16, 16)] = jnp.zeros((16,), jnp.float32)
        return 0
    lax.fori_loop(0, WIN, _za, 0)

    def _seg_body(seg, _):
        pltpu.sync_copy(dst_hbm.at[pl.ds(seg * SEG, SEG)], segb)
        segbase = seg * SEG

        def _cmp(ob, cnt):
            for q in range(8):
                dv = segb[pl.ds(ob * CHUNK + q * 16, 16)]
                inr = (dv >= w0) & (dv < w0 + WIN)
                csum = plsc.cumsum(inr.astype(jnp.int32))
                offs = cnt + csum - 1
                posv = (jnp.broadcast_to(segbase + ob * CHUNK + q * 16,
                                         (16,)).astype(jnp.int32) + iota)
                plsc.store_scatter(posf, [offs], posv, mask=inr)
                cnt = cnt + jnp.broadcast_to(csum[15], (16,))
            return cnt
        cnt = lax.fori_loop(0, SEG // CHUNK, _cmp,
                            jnp.zeros((16,), jnp.int32))
        m = cnt[0]
        m_v = jnp.broadcast_to(m, (16,)).astype(jnp.int32)
        nch = (m + (CHUNK - 1)) // CHUNK

        def _chunk(j, _, segbase=segbase, m_v=m_v):
            for q in range(8):
                slot = (jnp.broadcast_to(j * CHUNK + q * 16, (16,))
                        .astype(jnp.int32) + iota)
                oksl = slot < m_v
                posq = posf[pl.ds(j * CHUNK + q * 16, 16)]
                loc = jnp.where(oksl, posq - segbase, 0)
                posc[pl.ds(q * 16, 16)] = loc + segbase
                dv = plsc.load_gather(segb, [loc])
                dl = dv - w0v
                dlc[pl.ds(q * 16, 16)] = jnp.where(oksl, dl, 0)
            pltpu.async_copy(src_hbm.at[posc], srcc, sem).wait()
            cps = [pltpu.async_copy(asrc[k].at[srcc], asb[k], sem)
                   for k in range(HEADS)]
            cps.append(pltpu.async_copy(h_hbm.at[srcc], hbuf, sem))
            for cp in cps:
                cp.wait()

            for q in range(8):
                sl = pl.ds(q * 16, 16)
                dl = dlc[sl]
                slot = (jnp.broadcast_to(j * CHUNK + q * 16, (16,))
                        .astype(jnp.int32) + iota)
                ok = slot < m_v
                for k in range(HEADS):
                    a_s = asb[k][sl]
                    a_d = plsc.load_gather(adl[k], [dl])
                    e = a_s + a_d
                    e = jnp.where(e >= 0.0, e, 0.2 * e)
                    ex = jnp.exp(e)
                    plsc.addupdate_scatter(den[k], [dl], ex, mask=ok)
                    avc[k][sl] = jnp.where(ok, ex, 0.0)

            def _scale(e2, _):
                gb = (e2 // 16) * 16
                lane = (jnp.broadcast_to(e2 - gb, (16,))
                        .astype(jnp.int32))
                dlv = dlc[pl.ds(gb, 16)]
                dlb = dlv.at[lane].get(mode="promise_in_bounds")
                for k in range(HEADS):
                    av = avc[k][pl.ds(gb, 16)]
                    ab = av.at[lane].get(mode="promise_in_bounds")
                    for q4 in range(4):
                        col = k * D_HEAD + q4 * 16
                        hv = hbuf[e2, pl.ds(col, 16)]
                        colv = jnp.full((16,), col, jnp.int32) + iota
                        plsc.addupdate_scatter(acc, [dlb, colv], hv * ab)
                return 0
            lax.fori_loop(0, CHUNK, _scale, 0)
            return 0
        lax.fori_loop(0, nch, _chunk, 0)
        return 0
    lax.fori_loop(0, NSEG, _seg_body, 0)

    for k in range(HEADS):
        def _rd(i, _, k=k):
            sl = pl.ds(i * 16, 16)
            den[k][sl] = 1.0 / (den[k][sl] + 1e-16)
            return 0
        lax.fori_loop(0, WIN // 16, _rd, 0)

    def _norm(r, _):
        gb = (r // 16) * 16
        lane = jnp.broadcast_to(r - gb, (16,)).astype(jnp.int32)
        for k in range(HEADS):
            rv = den[k][pl.ds(gb, 16)]
            rb = rv.at[lane].get(mode="promise_in_bounds")
            for q4 in range(4):
                col = k * D_HEAD + q4 * 16
                acc[r, pl.ds(col, 16)] = acc[r, pl.ds(col, 16)] * rb
        return 0
    lax.fori_loop(0, WIN, _norm, 0)

    pltpu.sync_copy(acc, out_hbm.at[pl.ds(w0, WIN)])


def _sc_gat(srcf, dstf, asrcs, adsts, h_pad):
    mesh = plsc.VectorSubcoreMesh(core_axis_name="c", subcore_axis_name="s")
    f = pl.kernel(
        _sc_gat_body,
        out_type=jax.ShapeDtypeStruct((NP, D_OUT), jnp.float32),
        mesh=mesh,
        compiler_params=_SC_PARAMS,
        scratch_types=(
            [pltpu.VMEM((SEG,), jnp.int32),
             pltpu.VMEM((SEG + CHUNK,), jnp.int32),
             pltpu.VMEM((CHUNK,), jnp.int32),
             pltpu.VMEM((CHUNK,), jnp.int32),
             pltpu.VMEM((CHUNK,), jnp.int32)]
            + [pltpu.VMEM((CHUNK,), jnp.float32)] * 8
            + [pltpu.VMEM((WIN,), jnp.float32)] * 8
            + [pltpu.VMEM((CHUNK, D_OUT), jnp.float32),
               pltpu.VMEM((WIN, D_OUT), jnp.float32),
               pltpu.SemaphoreType.DMA]
        ),
    )
    return f(srcf, dstf, *asrcs, *adsts, h_pad)


def _epi_body(p_ref, b_ref, o_ref):
    o_ref[...] = jax.nn.relu(p_ref[...] + b_ref[...])


def _epilogue(p, bias2d):
    return pl.pallas_call(
        _epi_body,
        grid=(NP // _ROW_BLK,),
        in_specs=[
            pl.BlockSpec((_ROW_BLK, D_OUT), lambda i: (i, 0)),
            pl.BlockSpec((1, D_OUT), lambda i: (0, 0)),
        ],
        out_specs=pl.BlockSpec((_ROW_BLK, D_OUT), lambda i: (i, 0)),
        out_shape=jax.ShapeDtypeStruct((NP, D_OUT), jnp.float32),
    )(p, bias2d)


def kernel(x, edge_index, W, att_src, att_dst, bias):
    eye = jnp.eye(HEADS, dtype=jnp.float32)
    msrc = (att_src[0][:, :, None] * eye[:, None, :]).reshape(D_OUT, HEADS)
    mdst = (att_dst[0][:, :, None] * eye[:, None, :]).reshape(D_OUT, HEADS)
    ablock = jnp.concatenate([msrc, mdst], axis=1)

    x_pad = jnp.pad(x, ((0, NP - N), (0, 0)))
    ei_pad = jnp.concatenate(
        [edge_index, jnp.full((2, EP - E), N, jnp.int32)], axis=1)
    srcf = ei_pad[0]
    dstf = ei_pad[1]

    h_pad, aT = _project(x_pad, W, ablock)
    asrcs = [aT[k] for k in range(HEADS)]
    adsts = [aT[HEADS + k] for k in range(HEADS)]
    agg = _sc_gat(srcf, dstf, asrcs, adsts, h_pad)
    out = _epilogue(agg, bias.reshape(1, D_OUT))
    return out[:N]

# --- scband reference (transcript-rebuilt; emitter-appended) ---
"""Pipeline reference for scband-gra-mi-88407606820909 (READ-ONLY COPY).

The authoritative reference and input builder live on the scoring server;
editing this copy changes nothing except your own understanding.
"""

import jax, jax.numpy as jnp
import numpy as np

N = 10000
E = 160000
D_IN = 256
HEADS = 4
D_HEAD = 64


def setup_inputs(seed: int = 0) -> dict:
    key = jax.random.key(seed)
    k1, k2, k3, k4, k5 = jax.random.split(key, 5)
    x = jax.random.normal(k1, (N, D_IN), dtype=jnp.float32)
    edge_index = jax.random.randint(k2, (2, E), 0, N, dtype=jnp.int32)
    # GATConv parameters (one relation of the RGATLayer, glorot init)
    std_w = float(np.sqrt(2.0 / (D_IN + HEADS * D_HEAD)))
    W = jax.random.normal(k3, (D_IN, HEADS * D_HEAD), dtype=jnp.float32) * std_w
    std_a = float(np.sqrt(2.0 / (D_HEAD + 1)))
    att_src = jax.random.normal(k4, (1, HEADS, D_HEAD), dtype=jnp.float32) * std_a
    att_dst = jax.random.normal(k5, (1, HEADS, D_HEAD), dtype=jnp.float32) * std_a
    bias = jnp.zeros((HEADS * D_HEAD,), dtype=jnp.float32)
    return {"x": x, "edge_index": edge_index, "W": W, "att_src": att_src, "att_dst": att_dst, "bias": bias}


def reference(x, edge_index, W, att_src, att_dst, bias):
    # Faithful GATConv message passing (PyG semantics) as used inside RGATLayer,
    # followed by the layer's ReLU activation and head concatenation
    # (out.view(-1, out_feats)). Dropout is identity in eval mode.
    src = edge_index[0]
    dst = edge_index[1]
    h = (x @ W).reshape(N, HEADS, D_HEAD)
    a_src = jnp.sum(h * att_src, axis=-1)  # [N, H]
    a_dst = jnp.sum(h * att_dst, axis=-1)  # [N, H]
    e = a_src[src] + a_dst[dst]            # [E, H]
    e = jax.nn.leaky_relu(e, negative_slope=0.2)
    # softmax over incoming edges per destination node
    e_max = jax.ops.segment_max(e, dst, num_segments=N)
    e_max = jnp.where(jnp.isfinite(e_max), e_max, 0.0)
    e_max = jax.lax.stop_gradient(e_max)
    ex = jnp.exp(e - e_max[dst])
    denom = jax.ops.segment_sum(ex, dst, num_segments=N)
    alpha = ex / (denom[dst] + 1e-16)      # [E, H]
    msg = h[src] * alpha[:, :, None]       # [E, H, D_HEAD]
    out = jax.ops.segment_sum(msg, dst, num_segments=N)  # [N, H, D_HEAD]
    out = out.reshape(N, HEADS * D_HEAD) + bias
    return jax.nn.relu(out)

if __name__ == "__main__":
    import jax
    _d = setup_inputs()
    print(jax.jit(kernel)(*tuple(_d.values())))

</pallas_src>

<mosaic_0001>
#map = affine_map<(d0, d1) -> (0)>
#map1 = affine_map<(d0, d1) -> (0, 0)>
module attributes {stable_mosaic.version = 14 : i64} {
  func.func @_sc_gat_body(%arg0: i32, %arg1: i32, %arg2: memref<163840xi32, #tpu.memory_space<hbm>>, %arg3: memref<163840xi32, #tpu.memory_space<hbm>>, %arg4: memref<10240xf32, #tpu.memory_space<hbm>>, %arg5: memref<10240xf32, #tpu.memory_space<hbm>>, %arg6: memref<10240xf32, #tpu.memory_space<hbm>>, %arg7: memref<10240xf32, #tpu.memory_space<hbm>>, %arg8: memref<10240xf32, #tpu.memory_space<hbm>>, %arg9: memref<10240xf32, #tpu.memory_space<hbm>>, %arg10: memref<10240xf32, #tpu.memory_space<hbm>>, %arg11: memref<10240xf32, #tpu.memory_space<hbm>>, %arg12: memref<10240x256xf32, #tpu.memory_space<hbm>>, %arg13: memref<10240x256xf32, #tpu.memory_space<hbm>>, %arg14: memref<5120xi32, #tpu.memory_space<vmem>>, %arg15: memref<5248xi32, #tpu.memory_space<vmem>>, %arg16: memref<128xi32, #tpu.memory_space<vmem>>, %arg17: memref<128xi32, #tpu.memory_space<vmem>>, %arg18: memref<128xi32, #tpu.memory_space<vmem>>, %arg19: memref<128xf32, #tpu.memory_space<vmem>>, %arg20: memref<128xf32, #tpu.memory_space<vmem>>, %arg21: memref<128xf32, #tpu.memory_space<vmem>>, %arg22: memref<128xf32, #tpu.memory_space<vmem>>, %arg23: memref<128xf32, #tpu.memory_space<vmem>>, %arg24: memref<128xf32, #tpu.memory_space<vmem>>, %arg25: memref<128xf32, #tpu.memory_space<vmem>>, %arg26: memref<128xf32, #tpu.memory_space<vmem>>, %arg27: memref<320xf32, #tpu.memory_space<vmem>>, %arg28: memref<320xf32, #tpu.memory_space<vmem>>, %arg29: memref<320xf32, #tpu.memory_space<vmem>>, %arg30: memref<320xf32, #tpu.memory_space<vmem>>, %arg31: memref<320xf32, #tpu.memory_space<vmem>>, %arg32: memref<320xf32, #tpu.memory_space<vmem>>, %arg33: memref<320xf32, #tpu.memory_space<vmem>>, %arg34: memref<320xf32, #tpu.memory_space<vmem>>, %arg35: memref<128x256xf32, #tpu.memory_space<vmem>>, %arg36: memref<320x256xf32, #tpu.memory_space<vmem>>, %arg37: memref<!tpu.dma_semaphore, #tpu.memory_space<semaphore_mem>>) attributes {dimension_semantics = [#tpu.dimension_semantics<core_parallel>, #tpu.dimension_semantics<subcore_parallel>], iteration_bounds = array<i64: 2, 16>, scalar_prefetch = 0 : i64, scratch_operands = 24 : i64, tpu.core_type = #tpu.core_type<sc_vector_subcore>, window_params = [{transform_indices = #map}, {transform_indices = #map}, {transform_indices = #map}, {transform_indices = #map}, {transform_indices = #map}, {transform_indices = #map}, {transform_indices = #map}, {transform_indices = #map}, {transform_indices = #map}, {transform_indices = #map}, {transform_indices = #map1}, {transform_indices = #map1}]} {
    %mul3A = arith.constant 2 : i32
    %mul3A_0 = arith.muli %arg1, %mul3A : i32
    %add3A = arith.addi %mul3A_0, %arg0 : i32
    %iota3A = tpu.iota {dimensions = array<i32: 0>} : vector<16xi32>
    %mul3A_1 = arith.constant 320 : i32
    %mul3A_2 = arith.muli %add3A, %mul3A_1 : i32
    %broadcast_in_dim3A = vector.broadcast %mul3A_2 : i32 to vector<16xi32>
    %scan3A = arith.constant 0 : i32
    %scan3A_3 = arith.constant 0 : i32
    %scan3A_4 = arith.constant 20 : i32
    %scan3A_5 = arith.addi %scan3A_3, %scan3A_4 : i32
    %scan3A_6 = arith.constant 1 : i32
    %scan3A_7 = scf.for %scan3A_79 = %scan3A_3 to %scan3A_5 step %scan3A_6 iter_args(%scan3A_80 = %scan3A) -> (i32)  : i32 {
      %broadcast_in_dim3A_81 = arith.constant 0.000000e+00 : f32
      %broadcast_in_dim3A_82 = vector.broadcast %broadcast_in_dim3A_81 : f32 to vector<16xf32>
      %mul3A_83 = arith.constant 16 : i32
      %mul3A_84 = arith.muli %scan3A_79, %mul3A_83 : i32
      %swap3A = arith.index_cast %mul3A_84 : i32 to index
      %swap3A_85 = tpu.vector_load %arg27[%swap3A] {strides = array<i32>} : memref<320xf32, #tpu.memory_space<vmem>>, vector<16xf32>,
      tpu.vector_store %arg27[%swap3A], %broadcast_in_dim3A_82 {strides = array<i32>} : memref<320xf32, #tpu.memory_space<vmem>>, vector<16xf32>,
      %scan3A_86 = arith.constant 0 : i32
      scf.yield %scan3A_86 : i32
    }
    %scan3A_8 = arith.constant 20 : i32
    "tpu.region"() ({
      %run_scoped3A = tpu.sem_alloc : memref<!tpu.dma_semaphore, #tpu.memory_space<semaphore_mem>>
      %dma_start3A = tpu.memref_slice %arg8[%mul3A_2] : memref<10240xf32, #tpu.memory_space<hbm>> -> memref<320xf32, #tpu.memory_space<hbm>>
      %dma_start3A_79 = tpu.memref_slice %arg8[%mul3A_2] : memref<10240xf32, #tpu.memory_space<hbm>> -> memref<320xf32, #tpu.memory_space<hbm>>
      tpu.enqueue_dma source(%dma_start3A_79 : memref<320xf32, #tpu.memory_space<hbm>>) target(%arg31 : memref<320xf32, #tpu.memory_space<vmem>>) target_semaphore(%run_scoped3A : memref<!tpu.dma_semaphore, #tpu.memory_space<semaphore_mem>>)
      %dma_wait3A = tpu.memref_slice %arg8[%mul3A_2] : memref<10240xf32, #tpu.memory_space<hbm>> -> memref<320xf32, #tpu.memory_space<hbm>>
      %dma_wait3A_80 = tpu.memref_slice %arg8[%mul3A_2] : memref<10240xf32, #tpu.memory_space<hbm>> -> memref<320xf32, #tpu.memory_space<hbm>>
      tpu.wait_dma2 semaphore(%run_scoped3A : memref<!tpu.dma_semaphore, #tpu.memory_space<semaphore_mem>>) src(%dma_wait3A_80 : memref<320xf32, #tpu.memory_space<hbm>>) dst(%arg31 : memref<320xf32, #tpu.memory_space<vmem>>)
      tpu.yield
    }) : () -> ()
    %scan3A_9 = arith.constant 0 : i32
    %scan3A_10 = arith.constant 0 : i32
    %scan3A_11 = arith.constant 20 : i32
    %scan3A_12 = arith.addi %scan3A_10, %scan3A_11 : i32
    %scan3A_13 = arith.constant 1 : i32
    %scan3A_14 = scf.for %scan3A_79 = %scan3A_10 to %scan3A_12 step %scan3A_13 iter_args(%scan3A_80 = %scan3A_9) -> (i32)  : i32 {
      %broadcast_in_dim3A_81 = arith.constant 0.000000e+00 : f32
      %broadcast_in_dim3A_82 = vector.broadcast %broadcast_in_dim3A_81 : f32 to vector<16xf32>
      %mul3A_83 = arith.constant 16 : i32
      %mul3A_84 = arith.muli %scan3A_79, %mul3A_83 : i32
      %swap3A = arith.index_cast %mul3A_84 : i32 to index
      %swap3A_85 = tpu.vector_load %arg28[%swap3A] {strides = array<i32>} : memref<320xf32, #tpu.memory_space<vmem>>, vector<16xf32>,
      tpu.vector_store %arg28[%swap3A], %broadcast_in_dim3A_82 {strides = array<i32>} : memref<320xf32, #tpu.memory_space<vmem>>, vector<16xf32>,
      %scan3A_86 = arith.constant 0 : i32
      scf.yield %scan3A_86 : i32
    }
    %scan3A_15 = arith.constant 20 : i32
    "tpu.region"() ({
      %run_scoped3A = tpu.sem_alloc : memref<!tpu.dma_semaphore, #tpu.memory_space<semaphore_mem>>
      %dma_start3A = tpu.memref_slice %arg9[%mul3A_2] : memref<10240xf32, #tpu.memory_space<hbm>> -> memref<320xf32, #tpu.memory_space<hbm>>
      %dma_start3A_79 = tpu.memref_slice %arg9[%mul3A_2] : memref<10240xf32, #tpu.memory_space<hbm>> -> memref<320xf32, #tpu.memory_space<hbm>>
      tpu.enqueue_dma source(%dma_start3A_79 : memref<320xf32, #tpu.memory_space<hbm>>) target(%arg32 : memref<320xf32, #tpu.memory_space<vmem>>) target_semaphore(%run_scoped3A : memref<!tpu.dma_semaphore, #tpu.memory_space<semaphore_mem>>)
      %dma_wait3A = tpu.memref_slice %arg9[%mul3A_2] : memref<10240xf32, #tpu.memory_space<hbm>> -> memref<320xf32, #tpu.memory_space<hbm>>
      %dma_wait3A_80 = tpu.memref_slice %arg9[%mul3A_2] : memref<10240xf32, #tpu.memory_space<hbm>> -> memref<320xf32, #tpu.memory_space<hbm>>
      tpu.wait_dma2 semaphore(%run_scoped3A : memref<!tpu.dma_semaphore, #tpu.memory_space<semaphore_mem>>) src(%dma_wait3A_80 : memref<320xf32, #tpu.memory_space<hbm>>) dst(%arg32 : memref<320xf32, #tpu.memory_space<vmem>>)
      tpu.yield
    }) : () -> ()
    %scan3A_16 = arith.constant 0 : i32
    %scan3A_17 = arith.constant 0 : i32
    %scan3A_18 = arith.constant 20 : i32
    %scan3A_19 = arith.addi %scan3A_17, %scan3A_18 : i32
    %scan3A_20 = arith.constant 1 : i32
    %scan3A_21 = scf.for %scan3A_79 = %scan3A_17 to %scan3A_19 step %scan3A_20 iter_args(%scan3A_80 = %scan3A_16) -> (i32)  : i32 {
      %broadcast_in_dim3A_81 = arith.constant 0.000000e+00 : f32
      %broadcast_in_dim3A_82 = vector.broadcast %broadcast_in_dim3A_81 : f32 to vector<16xf32>
      %mul3A_83 = arith.constant 16 : i32
      %mul3A_84 = arith.muli %scan3A_79, %mul3A_83 : i32
      %swap3A = arith.index_cast %mul3A_84 : i32 to index
      %swap3A_85 = tpu.vector_load %arg29[%swap3A] {strides = array<i32>} : memref<320xf32, #tpu.memory_space<vmem>>, vector<16xf32>,
      tpu.vector_store %arg29[%swap3A], %broadcast_in_dim3A_82 {strides = array<i32>} : memref<320xf32, #tpu.memory_space<vmem>>, vector<16xf32>,
      %scan3A_86 = arith.constant 0 : i32
      scf.yield %scan3A_86 : i32
    }
    %scan3A_22 = arith.constant 20 : i32
    "tpu.region"() ({
      %run_scoped3A = tpu.sem_alloc : memref<!tpu.dma_semaphore, #tpu.memory_space<semaphore_mem>>
      %dma_start3A = tpu.memref_slice %arg10[%mul3A_2] : memref<10240xf32, #tpu.memory_space<hbm>> -> memref<320xf32, #tpu.memory_space<hbm>>
      %dma_start3A_79 = tpu.memref_slice %arg10[%mul3A_2] : memref<10240xf32, #tpu.memory_space<hbm>> -> memref<320xf32, #tpu.memory_space<hbm>>
      tpu.enqueue_dma source(%dma_start3A_79 : memref<320xf32, #tpu.memory_space<hbm>>) target(%arg33 : memref<320xf32, #tpu.memory_space<vmem>>) target_semaphore(%run_scoped3A : memref<!tpu.dma_semaphore, #tpu.memory_space<semaphore_mem>>)
      %dma_wait3A = tpu.memref_slice %arg10[%mul3A_2] : memref<10240xf32, #tpu.memory_space<hbm>> -> memref<320xf32, #tpu.memory_space<hbm>>
      %dma_wait3A_80 = tpu.memref_slice %arg10[%mul3A_2] : memref<10240xf32, #tpu.memory_space<hbm>> -> memref<320xf32, #tpu.memory_space<hbm>>
      tpu.wait_dma2 semaphore(%run_scoped3A : memref<!tpu.dma_semaphore, #tpu.memory_space<semaphore_mem>>) src(%dma_wait3A_80 : memref<320xf32, #tpu.memory_space<hbm>>) dst(%arg33 : memref<320xf32, #tpu.memory_space<vmem>>)
      tpu.yield
    }) : () -> ()
    %scan3A_23 = arith.constant 0 : i32
    %scan3A_24 = arith.constant 0 : i32
    %scan3A_25 = arith.constant 20 : i32
    %scan3A_26 = arith.addi %scan3A_24, %scan3A_25 : i32
    %scan3A_27 = arith.constant 1 : i32
    %scan3A_28 = scf.for %scan3A_79 = %scan3A_24 to %scan3A_26 step %scan3A_27 iter_args(%scan3A_80 = %scan3A_23) -> (i32)  : i32 {
      %broadcast_in_dim3A_81 = arith.constant 0.000000e+00 : f32
      %broadcast_in_dim3A_82 = vector.broadcast %broadcast_in_dim3A_81 : f32 to vector<16xf32>
      %mul3A_83 = arith.constant 16 : i32
      %mul3A_84 = arith.muli %scan3A_79, %mul3A_83 : i32
      %swap3A = arith.index_cast %mul3A_84 : i32 to index
      %swap3A_85 = tpu.vector_load %arg30[%swap3A] {strides = array<i32>} : memref<320xf32, #tpu.memory_space<vmem>>, vector<16xf32>,
      tpu.vector_store %arg30[%swap3A], %broadcast_in_dim3A_82 {strides = array<i32>} : memref<320xf32, #tpu.memory_space<vmem>>, vector<16xf32>,
      %scan3A_86 = arith.constant 0 : i32
      scf.yield %scan3A_86 : i32
    }
    %scan3A_29 = arith.constant 20 : i32
    "tpu.region"() ({
      %run_scoped3A = tpu.sem_alloc : memref<!tpu.dma_semaphore, #tpu.memory_space<semaphore_mem>>
      %dma_start3A = tpu.memref_slice %arg11[%mul3A_2] : memref<10240xf32, #tpu.memory_space<hbm>> -> memref<320xf32, #tpu.memory_space<hbm>>
      %dma_start3A_79 = tpu.memref_slice %arg11[%mul3A_2] : memref<10240xf32, #tpu.memory_space<hbm>> -> memref<320xf32, #tpu.memory_space<hbm>>
      tpu.enqueue_dma source(%dma_start3A_79 : memref<320xf32, #tpu.memory_space<hbm>>) target(%arg34 : memref<320xf32, #tpu.memory_space<vmem>>) target_semaphore(%run_scoped3A : memref<!tpu.dma_semaphore, #tpu.memory_space<semaphore_mem>>)
      %dma_wait3A = tpu.memref_slice %arg11[%mul3A_2] : memref<10240xf32, #tpu.memory_space<hbm>> -> memref<320xf32, #tpu.memory_space<hbm>>
      %dma_wait3A_80 = tpu.memref_slice %arg11[%mul3A_2] : memref<10240xf32, #tpu.memory_space<hbm>> -> memref<320xf32, #tpu.memory_space<hbm>>
      tpu.wait_dma2 semaphore(%run_scoped3A : memref<!tpu.dma_semaphore, #tpu.memory_space<semaphore_mem>>) src(%dma_wait3A_80 : memref<320xf32, #tpu.memory_space<hbm>>) dst(%arg34 : memref<320xf32, #tpu.memory_space<vmem>>)
      tpu.yield
    }) : () -> ()
    %scan3A_30 = arith.constant 0 : i32
    %scan3A_31 = arith.constant 0 : i32
    %scan3A_32 = arith.constant 320 : i32
    %scan3A_33 = arith.addi %scan3A_31, %scan3A_32 : i32
    %scan3A_34 = arith.constant 1 : i32
    %scan3A_35 = scf.for %scan3A_79 = %scan3A_31 to %scan3A_33 step %scan3A_34 iter_args(%scan3A_80 = %scan3A_30) -> (i32)  : i32 {
      %broadcast_in_dim3A_81 = arith.constant 0.000000e+00 : f32
      %broadcast_in_dim3A_82 = vector.broadcast %broadcast_in_dim3A_81 : f32 to vector<16xf32>
      %swap3A = arith.index_cast %scan3A_79 : i32 to index
      %swap3A_83 = arith.constant 0 : index
      %swap3A_84 = tpu.vector_load %arg36[%swap3A, %swap3A_83] {strides = array<i32>} : memref<320x256xf32, #tpu.memory_space<vmem>>, vector<16xf32>,
      tpu.vector_store %arg36[%swap3A, %swap3A_83], %broadcast_in_dim3A_82 {strides = array<i32>} : memref<320x256xf32, #tpu.memory_space<vmem>>, vector<16xf32>,
      %broadcast_in_dim3A_85 = arith.constant 0.000000e+00 : f32
      %broadcast_in_dim3A_86 = vector.broadcast %broadcast_in_dim3A_85 : f32 to vector<16xf32>
      %swap3A_87 = arith.index_cast %scan3A_79 : i32 to index
      %swap3A_88 = arith.constant 16 : index
      %swap3A_89 = tpu.vector_load %arg36[%swap3A_87, %swap3A_88] {strides = array<i32>} : memref<320x256xf32, #tpu.memory_space<vmem>>, vector<16xf32>,
      tpu.vector_store %arg36[%swap3A_87, %swap3A_88], %broadcast_in_dim3A_86 {strides = array<i32>} : memref<320x256xf32, #tpu.memory_space<vmem>>, vector<16xf32>,
      %broadcast_in_dim3A_90 = arith.constant 0.000000e+00 : f32
      %broadcast_in_dim3A_91 = vector.broadcast %broadcast_in_dim3A_90 : f32 to vector<16xf32>
      %swap3A_92 = arith.index_cast %scan3A_79 : i32 to index
      %swap3A_93 = arith.constant 32 : index
      %swap3A_94 = tpu.vector_load %arg36[%swap3A_92, %swap3A_93] {strides = array<i32>} : memref<320x256xf32, #tpu.memory_space<vmem>>, vector<16xf32>,
      tpu.vector_store %arg36[%swap3A_92, %swap3A_93], %broadcast_in_dim3A_91 {strides = array<i32>} : memref<320x256xf32, #tpu.memory_space<vmem>>, vector<16xf32>,
      %broadcast_in_dim3A_95 = arith.constant 0.000000e+00 : f32
      %broadcast_in_dim3A_96 = vector.broadcast %broadcast_in_dim3A_95 : f32 to vector<16xf32>
      %swap3A_97 = arith.index_cast %scan3A_79 : i32 to index
      %swap3A_98 = arith.constant 48 : index
      %swap3A_99 = tpu.vector_load %arg36[%swap3A_97, %swap3A_98] {strides = array<i32>} : memref<320x256xf32, #tpu.memory_space<vmem>>, vector<16xf32>,
      tpu.vector_store %arg36[%swap3A_97, %swap3A_98], %broadcast_in_dim3A_96 {strides = array<i32>} : memref<320x256xf32, #tpu.memory_space<vmem>>, vector<16xf32>,
      %broadcast_in_dim3A_100 = arith.constant 0.000000e+00 : f32
      %broadcast_in_dim3A_101 = vector.broadcast %broadcast_in_dim3A_100 : f32 to vector<16xf32>
      %swap3A_102 = arith.index_cast %scan3A_79 : i32 to index
      %swap3A_103 = arith.constant 64 : index
      %swap3A_104 = tpu.vector_load %arg36[%swap3A_102, %swap3A_103] {strides = array<i32>} : memref<320x256xf32, #tpu.memory_space<vmem>>, vector<16xf32>,
      tpu.vector_store %arg36[%swap3A_102, %swap3A_103], %broadcast_in_dim3A_101 {strides = array<i32>} : memref<320x256xf32, #tpu.memory_space<vmem>>, vector<16xf32>,
      %broadcast_in_dim3A_105 = arith.constant 0.000000e+00 : f32
      %broadcast_in_dim3A_106 = vector.broadcast %broadcast_in_dim3A_105 : f32 to vector<16xf32>
      %swap3A_107 = arith.index_cast %scan3A_79 : i32 to index
      %swap3A_108 = arith.constant 80 : index
      %swap3A_109 = tpu.vector_load %arg36[%swap3A_107, %swap3A_108] {strides = array<i32>} : memref<320x256xf32, #tpu.memory_space<vmem>>, vector<16xf32>,
      tpu.vector_store %arg36[%swap3A_107, %swap3A_108], %broadcast_in_dim3A_106 {strides = array<i32>} : memref<320x256xf32, #tpu.memory_space<vmem>>, vector<16xf32>,
      %broadcast_in_dim3A_110 = arith.constant 0.000000e+00 : f32
      %broadcast_in_dim3A_111 = vector.broadcast %broadcast_in_dim3A_110 : f32 to vector<16xf32>
      %swap3A_112 = arith.index_cast %scan3A_79 : i32 to index
      %swap3A_113 = arith.constant 96 : index
      %swap3A_114 = tpu.vector_load %arg36[%swap3A_112, %swap3A_113] {strides = array<i32>} : memref<320x256xf32, #tpu.memory_space<vmem>>, vector<16xf32>,
      tpu.vector_store %arg36[%swap3A_112, %swap3A_113], %broadcast_in_dim3A_111 {strides = array<i32>} : memref<320x256xf32, #tpu.memory_space<vmem>>, vector<16xf32>,
      %broadcast_in_dim3A_115 = arith.constant 0.000000e+00 : f32
      %broadcast_in_dim3A_116 = vector.broadcast %broadcast_in_dim3A_115 : f32 to vector<16xf32>
      %swap3A_117 = arith.index_cast %scan3A_79 : i32 to index
      %swap3A_118 = arith.constant 112 : index
      %swap3A_119 = tpu.vector_load %arg36[%swap3A_117, %swap3A_118] {strides = array<i32>} : memref<320x256xf32, #tpu.memory_space<vmem>>, vector<16xf32>,
      tpu.vector_store %arg36[%swap3A_117, %swap3A_118], %broadcast_in_dim3A_116 {strides = array<i32>} : memref<320x256xf32, #tpu.memory_space<vmem>>, vector<16xf32>,
      %broadcast_in_dim3A_120 = arith.constant 0.000000e+00 : f32
      %broadcast_in_dim3A_121 = vector.broadcast %broadcast_in_dim3A_120 : f32 to vector<16xf32>
      %swap3A_122 = arith.index_cast %scan3A_79 : i32 to index
      %swap3A_123 = arith.constant 128 : index
      %swap3A_124 = tpu.vector_load %arg36[%swap3A_122, %swap3A_123] {strides = array<i32>} : memref<320x256xf32, #tpu.memory_space<vmem>>, vector<16xf32>,
      tpu.vector_store %arg36[%swap3A_122, %swap3A_123], %broadcast_in_dim3A_121 {strides = array<i32>} : memref<320x256xf32, #tpu.memory_space<vmem>>, vector<16xf32>,
      %broadcast_in_dim3A_125 = arith.constant 0.000000e+00 : f32
      %broadcast_in_dim3A_126 = vector.broadcast %broadcast_in_dim3A_125 : f32 to vector<16xf32>
      %swap3A_127 = arith.index_cast %scan3A_79 : i32 to index
      %swap3A_128 = arith.constant 144 : index
      %swap3A_129 = tpu.vector_load %arg36[%swap3A_127, %swap3A_128] {strides = array<i32>} : memref<320x256xf32, #tpu.memory_space<vmem>>, vector<16xf32>,
      tpu.vector_store %arg36[%swap3A_127, %swap3A_128], %broadcast_in_dim3A_126 {strides = array<i32>} : memref<320x256xf32, #tpu.memory_space<vmem>>, vector<16xf32>,
      %broadcast_in_dim3A_130 = arith.constant 0.000000e+00 : f32
      %broadcast_in_dim3A_131 = vector.broadcast %broadcast_in_dim3A_130 : f32 to vector<16xf32>
      %swap3A_132 = arith.index_cast %scan3A_79 : i32 to index
      %swap3A_133 = arith.constant 160 : index
      %swap3A_134 = tpu.vector_load %arg36[%swap3A_132, %swap3A_133] {strides = array<i32>} : memref<320x256xf32, #tpu.memory_space<vmem>>, vector<16xf32>,
      tpu.vector_store %arg36[%swap3A_132, %swap3A_133], %broadcast_in_dim3A_131 {strides = array<i32>} : memref<320x256xf32, #tpu.memory_space<vmem>>, vector<16xf32>,
      %broadcast_in_dim3A_135 = arith.constant 0.000000e+00 : f32
      %broadcast_in_dim3A_136 = vector.broadcast %broadcast_in_dim3A_135 : f32 to vector<16xf32>
      %swap3A_137 = arith.index_cast %scan3A_79 : i32 to index
      %swap3A_138 = arith.constant 176 : index
      %swap3A_139 = tpu.vector_load %arg36[%swap3A_137, %swap3A_138] {strides = array<i32>} : memref<320x256xf32, #tpu.memory_space<vmem>>, vector<16xf32>,
      tpu.vector_store %arg36[%swap3A_137, %swap3A_138], %broadcast_in_dim3A_136 {strides = array<i32>} : memref<320x256xf32, #tpu.memory_space<vmem>>, vector<16xf32>,
      %broadcast_in_dim3A_140 = arith.constant 0.000000e+00 : f32
      %broadcast_in_dim3A_141 = vector.broadcast %broadcast_in_dim3A_140 : f32 to vector<16xf32>
      %swap3A_142 = arith.index_cast %scan3A_79 : i32 to index
      %swap3A_143 = arith.constant 192 : index
      %swap3A_144 = tpu.vector_load %arg36[%swap3A_142, %swap3A_143] {strides = array<i32>} : memref<320x256xf32, #tpu.memory_space<vmem>>, vector<16xf32>,
      tpu.vector_store %arg36[%swap3A_142, %swap3A_143], %broadcast_in_dim3A_141 {strides = array<i32>} : memref<320x256xf32, #tpu.memory_space<vmem>>, vector<16xf32>,
      %broadcast_in_dim3A_145 = arith.constant 0.000000e+00 : f32
      %broadcast_in_dim3A_146 = vector.broadcast %broadcast_in_dim3A_145 : f32 to vector<16xf32>
      %swap3A_147 = arith.index_cast %scan3A_79 : i32 to index
      %swap3A_148 = arith.constant 208 : index
      %swap3A_149 = tpu.vector_load %arg36[%swap3A_147, %swap3A_148] {strides = array<i32>} : memref<320x256xf32, #tpu.memory_space<vmem>>, vector<16xf32>,
      tpu.vector_store %arg36[%swap3A_147, %swap3A_148], %broadcast_in_dim3A_146 {strides = array<i32>} : memref<320x256xf32, #tpu.memory_space<vmem>>, vector<16xf32>,
      %broadcast_in_dim3A_150 = arith.constant 0.000000e+00 : f32
      %broadcast_in_dim3A_151 = vector.broadcast %broadcast_in_dim3A_150 : f32 to vector<16xf32>
      %swap3A_152 = arith.index_cast %scan3A_79 : i32 to index
      %swap3A_153 = arith.constant 224 : index
      %swap3A_154 = tpu.vector_load %arg36[%swap3A_152, %swap3A_153] {strides = array<i32>} : memref<320x256xf32, #tpu.memory_space<vmem>>, vector<16xf32>,
      tpu.vector_store %arg36[%swap3A_152, %swap3A_153], %broadcast_in_dim3A_151 {strides = array<i32>} : memref<320x256xf32, #tpu.memory_space<vmem>>, vector<16xf32>,
      %broadcast_in_dim3A_155 = arith.constant 0.000000e+00 : f32
      %broadcast_in_dim3A_156 = vector.broadcast %broadcast_in_dim3A_155 : f32 to vector<16xf32>
      %swap3A_157 = arith.index_cast %scan3A_79 : i32 to index
      %swap3A_158 = arith.constant 240 : index
      %swap3A_159 = tpu.vector_load %arg36[%swap3A_157, %swap3A_158] {strides = array<i32>} : memref<320x256xf32, #tpu.memory_space<vmem>>, vector<16xf32>,
      tpu.vector_store %arg36[%swap3A_157, %swap3A_158], %broadcast_in_dim3A_156 {strides = array<i32>} : memref<320x256xf32, #tpu.memory_space<vmem>>, vector<16xf32>,
      %scan3A_160 = arith.constant 0 : i32
      scf.yield %scan3A_160 : i32
    }
    %scan3A_36 = arith.constant 320 : i32
    %scan3A_37 = arith.constant 0 : i32
    %scan3A_38 = arith.constant 0 : i32
    %scan3A_39 = arith.constant 32 : i32
    %scan3A_40 = arith.addi %scan3A_38, %scan3A_39 : i32
    %scan3A_41 = arith.constant 1 : i32
    %scan3A_42 = scf.for %scan3A_79 = %scan3A_38 to %scan3A_40 step %scan3A_41 iter_args(%scan3A_80 = %scan3A_37) -> (i32)  : i32 {
      %mul3A_81 = arith.constant 5120 : i32
      %mul3A_82 = arith.muli %scan3A_79, %mul3A_81 : i32
      "tpu.region"() ({
        %run_scoped3A = tpu.sem_alloc : memref<!tpu.dma_semaphore, #tpu.memory_space<semaphore_mem>>
        %dma_start3A = tpu.memref_slice %arg3[%mul3A_82] : memref<163840xi32, #tpu.memory_space<hbm>> -> memref<5120xi32, #tpu.memory_space<hbm>>
        %dma_start3A_124 = tpu.memref_slice %arg3[%mul3A_82] : memref<163840xi32, #tpu.memory_space<hbm>> -> memref<5120xi32, #tpu.memory_space<hbm>>
        tpu.enqueue_dma source(%dma_start3A_124 : memref<5120xi32, #tpu.memory_space<hbm>>) target(%arg14 : memref<5120xi32, #tpu.memory_space<vmem>>) target_semaphore(%run_scoped3A : memref<!tpu.dma_semaphore, #tpu.memory_space<semaphore_mem>>)
        %dma_wait3A = tpu.memref_slice %arg3[%mul3A_82] : memref<163840xi32, #tpu.memory_space<hbm>> -> memref<5120xi32, #tpu.memory_space<hbm>>
        %dma_wait3A_125 = tpu.memref_slice %arg3[%mul3A_82] : memref<163840xi32, #tpu.memory_space<hbm>> -> memref<5120xi32, #tpu.memory_space<hbm>>
        tpu.wait_dma2 semaphore(%run_scoped3A : memref<!tpu.dma_semaphore, #tpu.memory_space<semaphore_mem>>) src(%dma_wait3A_125 : memref<5120xi32, #tpu.memory_space<hbm>>) dst(%arg14 : memref<5120xi32, #tpu.memory_space<vmem>>)
        tpu.yield
      }) : () -> ()
      %mul3A_83 = arith.constant 5120 : i32
      %mul3A_84 = arith.muli %scan3A_79, %mul3A_83 : i32
      %broadcast_in_dim3A_85 = arith.constant 0 : i32
      %broadcast_in_dim3A_86 = vector.broadcast %broadcast_in_dim3A_85 : i32 to vector<16xi32>
      %scan3A_87 = arith.constant 0 : i32
      %scan3A_88 = arith.constant 40 : i32
      %scan3A_89 = arith.addi %scan3A_87, %scan3A_88 : i32
      %scan3A_90 = arith.constant 1 : i32
      %scan3A_91 = scf.for %scan3A_124 = %scan3A_87 to %scan3A_89 step %scan3A_90 iter_args(%scan3A_125 = %broadcast_in_dim3A_86) -> (vector<16xi32>)  : i32 {
        %mul3A_126 = arith.constant 128 : i32
        %mul3A_127 = arith.muli %scan3A_124, %mul3A_126 : i32
        %add3A_128 = arith.constant 0 : i32
        %add3A_129 = arith.addi %mul3A_127, %add3A_128 : i32
        %get3A = arith.index_cast %add3A_129 : i32 to index
        %get3A_130 = tpu.vector_load %arg14[%get3A] {strides = array<i32>} : memref<5120xi32, #tpu.memory_space<vmem>>, vector<16xi32>,
        %ge3A = vector.broadcast %mul3A_2 : i32 to vector<16xi32>
        %ge3A_131 = arith.cmpi sge, %get3A_130, %ge3A : vector<16xi32>
        %add3A_132 = arith.constant 320 : i32
        %add3A_133 = arith.addi %mul3A_2, %add3A_132 : i32
        %lt3A = vector.broadcast %add3A_133 : i32 to vector<16xi32>
        %lt3A_134 = arith.cmpi slt, %get3A_130, %lt3A : vector<16xi32>
        %and3A_135 = arith.andi %ge3A_131, %lt3A_134 : vector<16xi1>
        %convert_element_type3A = arith.extui %and3A_135 : vector<16xi1> to vector<16xi32>
        %broadcast_in_dim3A_136 = arith.constant true
        %broadcast_in_dim3A_137 = vector.broadcast %broadcast_in_dim3A_136 : i1 to vector<16xi1>
        %masked_cumsum3A = tpu.scan <sum>, %convert_element_type3A masked %broadcast_in_dim3A_137 : vector<16xi32>, vector<16xi1> -> vector<16xi32>
        %add3A_138 = arith.addi %scan3A_125, %masked_cumsum3A : vector<16xi32>
        %sub3A_139 = arith.constant 1 : i32
        %sub3A_140 = vector.broadcast %sub3A_139 : i32 to vector<16xi32>
        %sub3A_141 = arith.subi %add3A_138, %sub3A_140 : vector<16xi32>
        %mul3A_142 = arith.constant 128 : i32
        %mul3A_143 = arith.muli %scan3A_124, %mul3A_142 : i32
        %add3A_144 = arith.addi %mul3A_84, %mul3A_143 : i32
        %add3A_145 = arith.constant 0 : i32
        %add3A_146 = arith.addi %add3A_144, %add3A_145 : i32
        %broadcast_in_dim3A_147 = vector.broadcast %add3A_146 : i32 to vector<16xi32>
        %add3A_148 = arith.addi %broadcast_in_dim3A_147, %iota3A : vector<16xi32>
        tpu.vector_store_idx %arg15[%sub3A_141], %add3A_148 masked %and3A_135 : memref<5248xi32, #tpu.memory_space<vmem>>[vector<16xi32>], vector<16xi32>, vector<16xi1>
        %slice3A_149 = vector.extract_strided_slice %masked_cumsum3A {offsets = [15], sizes = [1], strides = [1]} : vector<16xi32> to vector<1xi32>
        %squeeze3A_150 = vector.extract %slice3A_149[0] : i32 from vector<1xi32>
        %broadcast_in_dim3A_151 = vector.broadcast %squeeze3A_150 : i32 to vector<16xi32>
        %add3A_152 = arith.addi %scan3A_125, %broadcast_in_dim3A_151 : vector<16xi32>
        %mul3A_153 = arith.constant 128 : i32
        %mul3A_154 = arith.muli %scan3A_124, %mul3A_153 : i32
        %add3A_155 = arith.constant 16 : i32
        %add3A_156 = arith.addi %mul3A_154, %add3A_155 : i32
        %get3A_157 = arith.index_cast %add3A_156 : i32 to index
        %get3A_158 = tpu.vector_load %arg14[%get3A_157] {strides = array<i32>} : memref<5120xi32, #tpu.memory_space<vmem>>, vector<16xi32>,
        %ge3A_159 = vector.broadcast %mul3A_2 : i32 to vector<16xi32>
        %ge3A_160 = arith.cmpi sge, %get3A_158, %ge3A_159 : vector<16xi32>
        %add3A_161 = arith.constant 320 : i32
        %add3A_162 = arith.addi %mul3A_2, %add3A_161 : i32
        %lt3A_163 = vector.broadcast %add3A_162 : i32 to vector<16xi32>
        %lt3A_164 = arith.cmpi slt, %get3A_158, %lt3A_163 : vector<16xi32>
        %and3A_165 = arith.andi %ge3A_160, %lt3A_164 : vector<16xi1>
        %convert_element_type3A_166 = arith.extui %and3A_165 : vector<16xi1> to vector<16xi32>
        %broadcast_in_dim3A_167 = arith.constant true
        %broadcast_in_dim3A_168 = vector.broadcast %broadcast_in_dim3A_167 : i1 to vector<16xi1>
        %masked_cumsum3A_169 = tpu.scan <sum>, %convert_element_type3A_166 masked %broadcast_in_dim3A_168 : vector<16xi32>, vector<16xi1> -> vector<16xi32>
        %add3A_170 = arith.addi %add3A_152, %masked_cumsum3A_169 : vector<16xi32>
        %sub3A_171 = arith.constant 1 : i32
        %sub3A_172 = vector.broadcast %sub3A_171 : i32 to vector<16xi32>
        %sub3A_173 = arith.subi %add3A_170, %sub3A_172 : vector<16xi32>
        %mul3A_174 = arith.constant 128 : i32
        %mul3A_175 = arith.muli %scan3A_124, %mul3A_174 : i32
        %add3A_176 = arith.addi %mul3A_84, %mul3A_175 : i32
        %add3A_177 = arith.constant 16 : i32
        %add3A_178 = arith.addi %add3A_176, %add3A_177 : i32
        %broadcast_in_dim3A_179 = vector.broadcast %add3A_178 : i32 to vector<16xi32>
        %add3A_180 = arith.addi %broadcast_in_dim3A_179, %iota3A : vector<16xi32>
        tpu.vector_store_idx %arg15[%sub3A_173], %add3A_180 masked %and3A_165 : memref<5248xi32, #tpu.memory_space<vmem>>[vector<16xi32>], vector<16xi32>, vector<16xi1>
        %slice3A_181 = vector.extract_strided_slice %masked_cumsum3A_169 {offsets = [15], sizes = [1], strides = [1]} : vector<16xi32> to vector<1xi32>
        %squeeze3A_182 = vector.extract %slice3A_181[0] : i32 from vector<1xi32>
        %broadcast_in_dim3A_183 = vector.broadcast %squeeze3A_182 : i32 to vector<16xi32>
        %add3A_184 = arith.addi %add3A_152, %broadcast_in_dim3A_183 : vector<16xi32>
        %mul3A_185 = arith.constant 128 : i32
        %mul3A_186 = arith.muli %scan3A_124, %mul3A_185 : i32
        %add3A_187 = arith.constant 32 : i32
        %add3A_188 = arith.addi %mul3A_186, %add3A_187 : i32
        %get3A_189 = arith.index_cast %add3A_188 : i32 to index
        %get3A_190 = tpu.vector_load %arg14[%get3A_189] {strides = array<i32>} : memref<5120xi32, #tpu.memory_space<vmem>>, vector<16xi32>,
        %ge3A_191 = vector.broadcast %mul3A_2 : i32 to vector<16xi32>
        %ge3A_192 = arith.cmpi sge, %get3A_190, %ge3A_191 : vector<16xi32>
        %add3A_193 = arith.constant 320 : i32
        %add3A_194 = arith.addi %mul3A_2, %add3A_193 : i32
        %lt3A_195 = vector.broadcast %add3A_194 : i32 to vector<16xi32>
        %lt3A_196 = arith.cmpi slt, %get3A_190, %lt3A_195 : vector<16xi32>
        %and3A_197 = arith.andi %ge3A_192, %lt3A_196 : vector<16xi1>
        %convert_element_type3A_198 = arith.extui %and3A_197 : vector<16xi1> to vector<16xi32>
        %broadcast_in_dim3A_199 = arith.constant true
        %broadcast_in_dim3A_200 = vector.broadcast %broadcast_in_dim3A_199 : i1 to vector<16xi1>
        %masked_cumsum3A_201 = tpu.scan <sum>, %convert_element_type3A_198 masked %broadcast_in_dim3A_200 : vector<16xi32>, vector<16xi1> -> vector<16xi32>
        %add3A_202 = arith.addi %add3A_184, %masked_cumsum3A_201 : vector<16xi32>
        %sub3A_203 = arith.constant 1 : i32
        %sub3A_204 = vector.broadcast %sub3A_203 : i32 to vector<16xi32>
        %sub3A_205 = arith.subi %add3A_202, %sub3A_204 : vector<16xi32>
        %mul3A_206 = arith.constant 128 : i32
        %mul3A_207 = arith.muli %scan3A_124, %mul3A_206 : i32
        %add3A_208 = arith.addi %mul3A_84, %mul3A_207 : i32
        %add3A_209 = arith.constant 32 : i32
        %add3A_210 = arith.addi %add3A_208, %add3A_209 : i32
        %broadcast_in_dim3A_211 = vector.broadcast %add3A_210 : i32 to vector<16xi32>
        %add3A_212 = arith.addi %broadcast_in_dim3A_211, %iota3A : vector<16xi32>
        tpu.vector_store_idx %arg15[%sub3A_205], %add3A_212 masked %and3A_197 : memref<5248xi32, #tpu.memory_space<vmem>>[vector<16xi32>], vector<16xi32>, vector<16xi1>
        %slice3A_213 = vector.extract_strided_slice %masked_cumsum3A_201 {offsets = [15], sizes = [1], strides = [1]} : vector<16xi32> to vector<1xi32>
        %squeeze3A_214 = vector.extract %slice3A_213[0] : i32 from vector<1xi32>
        %broadcast_in_dim3A_215 = vector.broadcast %squeeze3A_214 : i32 to vector<16xi32>
        %add3A_216 = arith.addi %add3A_184, %broadcast_in_dim3A_215 : vector<16xi32>
        %mul3A_217 = arith.constant 128 : i32
        %mul3A_218 = arith.muli %scan3A_124, %mul3A_217 : i32
        %add3A_219 = arith.constant 48 : i32
        %add3A_220 = arith.addi %mul3A_218, %add3A_219 : i32
        %get3A_221 = arith.index_cast %add3A_220 : i32 to index
        %get3A_222 = tpu.vector_load %arg14[%get3A_221] {strides = array<i32>} : memref<5120xi32, #tpu.memory_space<vmem>>, vector<16xi32>,
        %ge3A_223 = vector.broadcast %mul3A_2 : i32 to vector<16xi32>
        %ge3A_224 = arith.cmpi sge, %get3A_222, %ge3A_223 : vector<16xi32>
        %add3A_225 = arith.constant 320 : i32
        %add3A_226 = arith.addi %mul3A_2, %add3A_225 : i32
        %lt3A_227 = vector.broadcast %add3A_226 : i32 to vector<16xi32>
        %lt3A_228 = arith.cmpi slt, %get3A_222, %lt3A_227 : vector<16xi32>
        %and3A_229 = arith.andi %ge3A_224, %lt3A_228 : vector<16xi1>
        %convert_element_type3A_230 = arith.extui %and3A_229 : vector<16xi1> to vector<16xi32>
        %broadcast_in_dim3A_231 = arith.constant true
        %broadcast_in_dim3A_232 = vector.broadcast %broadcast_in_dim3A_231 : i1 to vector<16xi1>
        %masked_cumsum3A_233 = tpu.scan <sum>, %convert_element_type3A_230 masked %broadcast_in_dim3A_232 : vector<16xi32>, vector<16xi1> -> vector<16xi32>
        %add3A_234 = arith.addi %add3A_216, %masked_cumsum3A_233 : vector<16xi32>
        %sub3A_235 = arith.constant 1 : i32
        %sub3A_236 = vector.broadcast %sub3A_235 : i32 to vector<16xi32>
        %sub3A_237 = arith.subi %add3A_234, %sub3A_236 : vector<16xi32>
        %mul3A_238 = arith.constant 128 : i32
        %mul3A_239 = arith.muli %scan3A_124, %mul3A_238 : i32
        %add3A_240 = arith.addi %mul3A_84, %mul3A_239 : i32
        %add3A_241 = arith.constant 48 : i32
        %add3A_242 = arith.addi %add3A_240, %add3A_241 : i32
        %broadcast_in_dim3A_243 = vector.broadcast %add3A_242 : i32 to vector<16xi32>
        %add3A_244 = arith.addi %broadcast_in_dim3A_243, %iota3A : vector<16xi32>
        tpu.vector_store_idx %arg15[%sub3A_237], %add3A_244 masked %and3A_229 : memref<5248xi32, #tpu.memory_space<vmem>>[vector<16xi32>], vector<16xi32>, vector<16xi1>
        %slice3A_245 = vector.extract_strided_slice %masked_cumsum3A_233 {offsets = [15], sizes = [1], strides = [1]} : vector<16xi32> to vector<1xi32>
        %squeeze3A_246 = vector.extract %slice3A_245[0] : i32 from vector<1xi32>
        %broadcast_in_dim3A_247 = vector.broadcast %squeeze3A_246 : i32 to vector<16xi32>
        %add3A_248 = arith.addi %add3A_216, %broadcast_in_dim3A_247 : vector<16xi32>
        %mul3A_249 = arith.constant 128 : i32
        %mul3A_250 = arith.muli %scan3A_124, %mul3A_249 : i32
        %add3A_251 = arith.constant 64 : i32
        %add3A_252 = arith.addi %mul3A_250, %add3A_251 : i32
        %get3A_253 = arith.index_cast %add3A_252 : i32 to index
        %get3A_254 = tpu.vector_load %arg14[%get3A_253] {strides = array<i32>} : memref<5120xi32, #tpu.memory_space<vmem>>, vector<16xi32>,
        %ge3A_255 = vector.broadcast %mul3A_2 : i32 to vector<16xi32>
        %ge3A_256 = arith.cmpi sge, %get3A_254, %ge3A_255 : vector<16xi32>
        %add3A_257 = arith.constant 320 : i32
        %add3A_258 = arith.addi %mul3A_2, %add3A_257 : i32
        %lt3A_259 = vector.broadcast %add3A_258 : i32 to vector<16xi32>
        %lt3A_260 = arith.cmpi slt, %get3A_254, %lt3A_259 : vector<16xi32>
        %and3A_261 = arith.andi %ge3A_256, %lt3A_260 : vector<16xi1>
        %convert_element_type3A_262 = arith.extui %and3A_261 : vector<16xi1> to vector<16xi32>
        %broadcast_in_dim3A_263 = arith.constant true
        %broadcast_in_dim3A_264 = vector.broadcast %broadcast_in_dim3A_263 : i1 to vector<16xi1>
        %masked_cumsum3A_265 = tpu.scan <sum>, %convert_element_type3A_262 masked %broadcast_in_dim3A_264 : vector<16xi32>, vector<16xi1> -> vector<16xi32>
        %add3A_266 = arith.addi %add3A_248, %masked_cumsum3A_265 : vector<16xi32>
        %sub3A_267 = arith.constant 1 : i32
        %sub3A_268 = vector.broadcast %sub3A_267 : i32 to vector<16xi32>
        %sub3A_269 = arith.subi %add3A_266, %sub3A_268 : vector<16xi32>
        %mul3A_270 = arith.constant 128 : i32
        %mul3A_271 = arith.muli %scan3A_124, %mul3A_270 : i32
        %add3A_272 = arith.addi %mul3A_84, %mul3A_271 : i32
        %add3A_273 = arith.constant 64 : i32
        %add3A_274 = arith.addi %add3A_272, %add3A_273 : i32
        %broadcast_in_dim3A_275 = vector.broadcast %add3A_274 : i32 to vector<16xi32>
        %add3A_276 = arith.addi %broadcast_in_dim3A_275, %iota3A : vector<16xi32>
        tpu.vector_store_idx %arg15[%sub3A_269], %add3A_276 masked %and3A_261 : memref<5248xi32, #tpu.memory_space<vmem>>[vector<16xi32>], vector<16xi32>, vector<16xi1>
        %slice3A_277 = vector.extract_strided_slice %masked_cumsum3A_265 {offsets = [15], sizes = [1], strides = [1]} : vector<16xi32> to vector<1xi32>
        %squeeze3A_278 = vector.extract %slice3A_277[0] : i32 from vector<1xi32>
        %broadcast_in_dim3A_279 = vector.broadcast %squeeze3A_278 : i32 to vector<16xi32>
        %add3A_280 = arith.addi %add3A_248, %broadcast_in_dim3A_279 : vector<16xi32>
        %mul3A_281 = arith.constant 128 : i32
        %mul3A_282 = arith.muli %scan3A_124, %mul3A_281 : i32
        %add3A_283 = arith.constant 80 : i32
        %add3A_284 = arith.addi %mul3A_282, %add3A_283 : i32
        %get3A_285 = arith.index_cast %add3A_284 : i32 to index
        %get3A_286 = tpu.vector_load %arg14[%get3A_285] {strides = array<i32>} : memref<5120xi32, #tpu.memory_space<vmem>>, vector<16xi32>,
        %ge3A_287 = vector.broadcast %mul3A_2 : i32 to vector<16xi32>
        %ge3A_288 = arith.cmpi sge, %get3A_286, %ge3A_287 : vector<16xi32>
        %add3A_289 = arith.constant 320 : i32
        %add3A_290 = arith.addi %mul3A_2, %add3A_289 : i32
        %lt3A_291 = vector.broadcast %add3A_290 : i32 to vector<16xi32>
        %lt3A_292 = arith.cmpi slt, %get3A_286, %lt3A_291 : vector<16xi32>
        %and3A_293 = arith.andi %ge3A_288, %lt3A_292 : vector<16xi1>
        %convert_element_type3A_294 = arith.extui %and3A_293 : vector<16xi1> to vector<16xi32>
        %broadcast_in_dim3A_295 = arith.constant true
        %broadcast_in_dim3A_296 = vector.broadcast %broadcast_in_dim3A_295 : i1 to vector<16xi1>
        %masked_cumsum3A_297 = tpu.scan <sum>, %convert_element_type3A_294 masked %broadcast_in_dim3A_296 : vector<16xi32>, vector<16xi1> -> vector<16xi32>
        %add3A_298 = arith.addi %add3A_280, %masked_cumsum3A_297 : vector<16xi32>
        %sub3A_299 = arith.constant 1 : i32
        %sub3A_300 = vector.broadcast %sub3A_299 : i32 to vector<16xi32>
        %sub3A_301 = arith.subi %add3A_298, %sub3A_300 : vector<16xi32>
        %mul3A_302 = arith.constant 128 : i32
        %mul3A_303 = arith.muli %scan3A_124, %mul3A_302 : i32
        %add3A_304 = arith.addi %mul3A_84, %mul3A_303 : i32
        %add3A_305 = arith.constant 80 : i32
        %add3A_306 = arith.addi %add3A_304, %add3A_305 : i32
        %broadcast_in_dim3A_307 = vector.broadcast %add3A_306 : i32 to vector<16xi32>
        %add3A_308 = arith.addi %broadcast_in_dim3A_307, %iota3A : vector<16xi32>
        tpu.vector_store_idx %arg15[%sub3A_301], %add3A_308 masked %and3A_293 : memref<5248xi32, #tpu.memory_space<vmem>>[vector<16xi32>], vector<16xi32>, vector<16xi1>
        %slice3A_309 = vector.extract_strided_slice %masked_cumsum3A_297 {offsets = [15], sizes = [1], strides = [1]} : vector<16xi32> to vector<1xi32>
        %squeeze3A_310 = vector.extract %slice3A_309[0] : i32 from vector<1xi32>
        %broadcast_in_dim3A_311 = vector.broadcast %squeeze3A_310 : i32 to vector<16xi32>
        %add3A_312 = arith.addi %add3A_280, %broadcast_in_dim3A_311 : vector<16xi32>
        %mul3A_313 = arith.constant 128 : i32
        %mul3A_314 = arith.muli %scan3A_124, %mul3A_313 : i32
        %add3A_315 = arith.constant 96 : i32
        %add3A_316 = arith.addi %mul3A_314, %add3A_315 : i32
        %get3A_317 = arith.index_cast %add3A_316 : i32 to index
        %get3A_318 = tpu.vector_load %arg14[%get3A_317] {strides = array<i32>} : memref<5120xi32, #tpu.memory_space<vmem>>, vector<16xi32>,
        %ge3A_319 = vector.broadcast %mul3A_2 : i32 to vector<16xi32>
        %ge3A_320 = arith.cmpi sge, %get3A_318, %ge3A_319 : vector<16xi32>
        %add3A_321 = arith.constant 320 : i32
        %add3A_322 = arith.addi %mul3A_2, %add3A_321 : i32
        %lt3A_323 = vector.broadcast %add3A_322 : i32 to vector<16xi32>
        %lt3A_324 = arith.cmpi slt, %get3A_318, %lt3A_323 : vector<16xi32>
        %and3A_325 = arith.andi %ge3A_320, %lt3A_324 : vector<16xi1>
        %convert_element_type3A_326 = arith.extui %and3A_325 : vector<16xi1> to vector<16xi32>
        %broadcast_in_dim3A_327 = arith.constant true
        %broadcast_in_dim3A_328 = vector.broadcast %broadcast_in_dim3A_327 : i1 to vector<16xi1>
        %masked_cumsum3A_329 = tpu.scan <sum>, %convert_element_type3A_326 masked %broadcast_in_dim3A_328 : vector<16xi32>, vector<16xi1> -> vector<16xi32>
        %add3A_330 = arith.addi %add3A_312, %masked_cumsum3A_329 : vector<16xi32>
        %sub3A_331 = arith.constant 1 : i32
        %sub3A_332 = vector.broadcast %sub3A_331 : i32 to vector<16xi32>
        %sub3A_333 = arith.subi %add3A_330, %sub3A_332 : vector<16xi32>
        %mul3A_334 = arith.constant 128 : i32
        %mul3A_335 = arith.muli %scan3A_124, %mul3A_334 : i32
        %add3A_336 = arith.addi %mul3A_84, %mul3A_335 : i32
        %add3A_337 = arith.constant 96 : i32
        %add3A_338 = arith.addi %add3A_336, %add3A_337 : i32
        %broadcast_in_dim3A_339 = vector.broadcast %add3A_338 : i32 to vector<16xi32>
        %add3A_340 = arith.addi %broadcast_in_dim3A_339, %iota3A : vector<16xi32>
        tpu.vector_store_idx %arg15[%sub3A_333], %add3A_340 masked %and3A_325 : memref<5248xi32, #tpu.memory_space<vmem>>[vector<16xi32>], vector<16xi32>, vector<16xi1>
        %slice3A_341 = vector.extract_strided_slice %masked_cumsum3A_329 {offsets = [15], sizes = [1], strides = [1]} : vector<16xi32> to vector<1xi32>
        %squeeze3A_342 = vector.extract %slice3A_341[0] : i32 from vector<1xi32>
        %broadcast_in_dim3A_343 = vector.broadcast %squeeze3A_342 : i32 to vector<16xi32>
        %add3A_344 = arith.addi %add3A_312, %broadcast_in_dim3A_343 : vector<16xi32>
        %mul3A_345 = arith.constant 128 : i32
        %mul3A_346 = arith.muli %scan3A_124, %mul3A_345 : i32
        %add3A_347 = arith.constant 112 : i32
        %add3A_348 = arith.addi %mul3A_346, %add3A_347 : i32
        %get3A_349 = arith.index_cast %add3A_348 : i32 to index
        %get3A_350 = tpu.vector_load %arg14[%get3A_349] {strides = array<i32>} : memref<5120xi32, #tpu.memory_space<vmem>>, vector<16xi32>,
        %ge3A_351 = vector.broadcast %mul3A_2 : i32 to vector<16xi32>
        %ge3A_352 = arith.cmpi sge, %get3A_350, %ge3A_351 : vector<16xi32>
        %add3A_353 = arith.constant 320 : i32
        %add3A_354 = arith.addi %mul3A_2, %add3A_353 : i32
        %lt3A_355 = vector.broadcast %add3A_354 : i32 to vector<16xi32>
        %lt3A_356 = arith.cmpi slt, %get3A_350, %lt3A_355 : vector<16xi32>
        %and3A_357 = arith.andi %ge3A_352, %lt3A_356 : vector<16xi1>
        %convert_element_type3A_358 = arith.extui %and3A_357 : vector<16xi1> to vector<16xi32>
        %broadcast_in_dim3A_359 = arith.constant true
        %broadcast_in_dim3A_360 = vector.broadcast %broadcast_in_dim3A_359 : i1 to vector<16xi1>
        %masked_cumsum3A_361 = tpu.scan <sum>, %convert_element_type3A_358 masked %broadcast_in_dim3A_360 : vector<16xi32>, vector<16xi1> -> vector<16xi32>
        %add3A_362 = arith.addi %add3A_344, %masked_cumsum3A_361 : vector<16xi32>
        %sub3A_363 = arith.constant 1 : i32
        %sub3A_364 = vector.broadcast %sub3A_363 : i32 to vector<16xi32>
        %sub3A_365 = arith.subi %add3A_362, %sub3A_364 : vector<16xi32>
        %mul3A_366 = arith.constant 128 : i32
        %mul3A_367 = arith.muli %scan3A_124, %mul3A_366 : i32
        %add3A_368 = arith.addi %mul3A_84, %mul3A_367 : i32
        %add3A_369 = arith.constant 112 : i32
        %add3A_370 = arith.addi %add3A_368, %add3A_369 : i32
        %broadcast_in_dim3A_371 = vector.broadcast %add3A_370 : i32 to vector<16xi32>
        %add3A_372 = arith.addi %broadcast_in_dim3A_371, %iota3A : vector<16xi32>
        tpu.vector_store_idx %arg15[%sub3A_365], %add3A_372 masked %and3A_357 : memref<5248xi32, #tpu.memory_space<vmem>>[vector<16xi32>], vector<16xi32>, vector<16xi1>
        %slice3A_373 = vector.extract_strided_slice %masked_cumsum3A_361 {offsets = [15], sizes = [1], strides = [1]} : vector<16xi32> to vector<1xi32>
        %squeeze3A_374 = vector.extract %slice3A_373[0] : i32 from vector<1xi32>
        %broadcast_in_dim3A_375 = vector.broadcast %squeeze3A_374 : i32 to vector<16xi32>
        %add3A_376 = arith.addi %add3A_344, %broadcast_in_dim3A_375 : vector<16xi32>
        scf.yield %add3A_376 : vector<16xi32>
      }
      %scan3A_92 = arith.constant 40 : i32
      %slice3A = vector.extract_strided_slice %scan3A_91 {offsets = [0], sizes = [1], strides = [1]} : vector<16xi32> to vector<1xi32>
      %squeeze3A = vector.extract %slice3A[0] : i32 from vector<1xi32>
      %broadcast_in_dim3A_93 = vector.broadcast %squeeze3A : i32 to vector<16xi32>
      %add3A_94 = arith.constant 127 : i32
      %add3A_95 = arith.addi %squeeze3A, %add3A_94 : i32
      %jit3A = arith.constant 128 : i32
      %div3A = arith.divsi %add3A_95, %jit3A : i32
      %sign3A = arith.constant 0 : i32
      %sign3A_96 = arith.cmpi sgt, %add3A_95, %sign3A : i32
      %sign3A_97 = arith.extui %sign3A_96 : i1 to i32
      %sign3A_98 = arith.constant 0 : i32
      %sign3A_99 = arith.cmpi slt, %add3A_95, %sign3A_98 : i32
      %sign3A_100 = arith.extui %sign3A_99 : i1 to i32
      %sign3A_101 = arith.subi %sign3A_97, %sign3A_100 : i32
      %sign3A_102 = arith.constant 0 : i32
      %sign3A_103 = arith.cmpi sgt, %jit3A, %sign3A_102 : i32
      %sign3A_104 = arith.extui %sign3A_103 : i1 to i32
      %sign3A_105 = arith.constant 0 : i32
      %sign3A_106 = arith.cmpi slt, %jit3A, %sign3A_105 : i32
      %sign3A_107 = arith.extui %sign3A_106 : i1 to i32
      %sign3A_108 = arith.subi %sign3A_104, %sign3A_107 : i32
      %ne3A = arith.cmpi ne, %sign3A_101, %sign3A_108 : i32
      %rem3A = arith.remsi %add3A_95, %jit3A : i32
      %ne3A_109 = arith.constant 0 : i32
      %ne3A_110 = arith.cmpi ne, %rem3A, %ne3A_109 : i32
      %and3A = arith.andi %ne3A, %ne3A_110 : i1
      %sub3A = arith.constant 1 : i32
      %sub3A_111 = arith.subi %div3A, %sub3A : i32
      %select_n3A = arith.select %and3A, %sub3A_111, %div3A : i32
      %while3A = arith.constant 0 : i32
      %while3A_112 = arith.constant 0 : i32
      %while3A_113 = arith.subi %select_n3A, %while3A : i32
      %while3A_114 = arith.addi %while3A, %while3A_113 : i32
      %while3A_115 = arith.constant 1 : i32
      %while3A_116 = arith.divsi %while3A_113, %while3A_115 : i32
      %while3A_117 = arith.muli %while3A_116, %while3A_115 : i32
      %while3A_118 = arith.addi %while3A, %while3A_117 : i32
      %while3A_119 = arith.constant 1 : i32
      %while3A_120 = scf.for %while3A_124 = %while3A to %while3A_118 step %while3A_119 iter_args(%while3A_125 = %while3A_112) -> (i32)  : i32 {
        %mul3A_126 = arith.constant 128 : i32
        %mul3A_127 = arith.muli %while3A_124, %mul3A_126 : i32
        %add3A_128 = arith.constant 0 : i32
        %add3A_129 = arith.addi %mul3A_127, %add3A_128 : i32
        %broadcast_in_dim3A_130 = vector.broadcast %add3A_129 : i32 to vector<16xi32>
        %add3A_131 = arith.addi %broadcast_in_dim3A_130, %iota3A : vector<16xi32>
        %lt3A = arith.cmpi slt, %add3A_131, %broadcast_in_dim3A_93 : vector<16xi32>
        %mul3A_132 = arith.constant 128 : i32
        %mul3A_133 = arith.muli %while3A_124, %mul3A_132 : i32
        %add3A_134 = arith.constant 0 : i32
        %add3A_135 = arith.addi %mul3A_133, %add3A_134 : i32
        %get3A = arith.index_cast %add3A_135 : i32 to index
        %get3A_136 = tpu.vector_load %arg15[%get3A] {strides = array<i32>} : memref<5248xi32, #tpu.memory_space<vmem>>, vector<16xi32>,
        %sub3A_137 = vector.broadcast %mul3A_84 : i32 to vector<16xi32>
        %sub3A_138 = arith.subi %get3A_136, %sub3A_137 : vector<16xi32>
        %jit3A_139 = arith.constant 0 : i32
        %broadcast_in_dim3A_140 = vector.broadcast %jit3A_139 : i32 to vector<16xi32>
        %select_n3A_141 = arith.select %lt3A, %sub3A_138, %broadcast_in_dim3A_140 : vector<16xi1>, vector<16xi32>
        %add3A_142 = vector.broadcast %mul3A_84 : i32 to vector<16xi32>
        %add3A_143 = arith.addi %select_n3A_141, %add3A_142 : vector<16xi32>
        %swap3A = arith.constant 0 : index
        %swap3A_144 = tpu.vector_load %arg16[%swap3A] {strides = array<i32>} : memref<128xi32, #tpu.memory_space<vmem>>, vector<16xi32>,
        tpu.vector_store %arg16[%swap3A], %add3A_143 {strides = array<i32>} : memref<128xi32, #tpu.memory_space<vmem>>, vector<16xi32>,
        %gather3A = tpu.vector_load_idx %arg14[%select_n3A_141] : memref<5120xi32, #tpu.memory_space<vmem>>[vector<16xi32>], vector<16xi32>,
        %sub3A_145 = arith.subi %gather3A, %broadcast_in_dim3A : vector<16xi32>
        %jit3A_146 = arith.constant 0 : i32
        %broadcast_in_dim3A_147 = vector.broadcast %jit3A_146 : i32 to vector<16xi32>
        %select_n3A_148 = arith.select %lt3A, %sub3A_145, %broadcast_in_dim3A_147 : vector<16xi1>, vector<16xi32>
        %swap3A_149 = arith.constant 0 : index
        %swap3A_150 = tpu.vector_load %arg18[%swap3A_149] {strides = array<i32>} : memref<128xi32, #tpu.memory_space<vmem>>, vector<16xi32>,
        tpu.vector_store %arg18[%swap3A_149], %select_n3A_148 {strides = array<i32>} : memref<128xi32, #tpu.memory_space<vmem>>, vector<16xi32>,
        %mul3A_151 = arith.constant 128 : i32
        %mul3A_152 = arith.muli %while3A_124, %mul3A_151 : i32
        %add3A_153 = arith.constant 16 : i32
        %add3A_154 = arith.addi %mul3A_152, %add3A_153 : i32
        %broadcast_in_dim3A_155 = vector.broadcast %add3A_154 : i32 to vector<16xi32>
        %add3A_156 = arith.addi %broadcast_in_dim3A_155, %iota3A : vector<16xi32>
        %lt3A_157 = arith.cmpi slt, %add3A_156, %broadcast_in_dim3A_93 : vector<16xi32>
        %mul3A_158 = arith.constant 128 : i32
        %mul3A_159 = arith.muli %while3A_124, %mul3A_158 : i32
        %add3A_160 = arith.constant 16 : i32
        %add3A_161 = arith.addi %mul3A_159, %add3A_160 : i32
        %get3A_162 = arith.index_cast %add3A_161 : i32 to index
        %get3A_163 = tpu.vector_load %arg15[%get3A_162] {strides = array<i32>} : memref<5248xi32, #tpu.memory_space<vmem>>, vector<16xi32>,
        %sub3A_164 = vector.broadcast %mul3A_84 : i32 to vector<16xi32>
        %sub3A_165 = arith.subi %get3A_163, %sub3A_164 : vector<16xi32>
        %jit3A_166 = arith.constant 0 : i32
        %broadcast_in_dim3A_167 = vector.broadcast %jit3A_166 : i32 to vector<16xi32>
        %select_n3A_168 = arith.select %lt3A_157, %sub3A_165, %broadcast_in_dim3A_167 : vector<16xi1>, vector<16xi32>
        %add3A_169 = vector.broadcast %mul3A_84 : i32 to vector<16xi32>
        %add3A_170 = arith.addi %select_n3A_168, %add3A_169 : vector<16xi32>
        %swap3A_171 = arith.constant 16 : index
        %swap3A_172 = tpu.vector_load %arg16[%swap3A_171] {strides = array<i32>} : memref<128xi32, #tpu.memory_space<vmem>>, vector<16xi32>,
        tpu.vector_store %arg16[%swap3A_171], %add3A_170 {strides = array<i32>} : memref<128xi32, #tpu.memory_space<vmem>>, vector<16xi32>,
        %gather3A_173 = tpu.vector_load_idx %arg14[%select_n3A_168] : memref<5120xi32, #tpu.memory_space<vmem>>[vector<16xi32>], vector<16xi32>,
        %sub3A_174 = arith.subi %gather3A_173, %broadcast_in_dim3A : vector<16xi32>
        %jit3A_175 = arith.constant 0 : i32
        %broadcast_in_dim3A_176 = vector.broadcast %jit3A_175 : i32 to vector<16xi32>
        %select_n3A_177 = arith.select %lt3A_157, %sub3A_174, %broadcast_in_dim3A_176 : vector<16xi1>, vector<16xi32>
        %swap3A_178 = arith.constant 16 : index
        %swap3A_179 = tpu.vector_load %arg18[%swap3A_178] {strides = array<i32>} : memref<128xi32, #tpu.memory_space<vmem>>, vector<16xi32>,
        tpu.vector_store %arg18[%swap3A_178], %select_n3A_177 {strides = array<i32>} : memref<128xi32, #tpu.memory_space<vmem>>, vector<16xi32>,
        %mul3A_180 = arith.constant 128 : i32
        %mul3A_181 = arith.muli %while3A_124, %mul3A_180 : i32
        %add3A_182 = arith.constant 32 : i32
        %add3A_183 = arith.addi %mul3A_181, %add3A_182 : i32
        %broadcast_in_dim3A_184 = vector.broadcast %add3A_183 : i32 to vector<16xi32>
        %add3A_185 = arith.addi %broadcast_in_dim3A_184, %iota3A : vector<16xi32>
        %lt3A_186 = arith.cmpi slt, %add3A_185, %broadcast_in_dim3A_93 : vector<16xi32>
        %mul3A_187 = arith.constant 128 : i32
        %mul3A_188 = arith.muli %while3A_124, %mul3A_187 : i32
        %add3A_189 = arith.constant 32 : i32
        %add3A_190 = arith.addi %mul3A_188, %add3A_189 : i32
        %get3A_191 = arith.index_cast %add3A_190 : i32 to index
        %get3A_192 = tpu.vector_load %arg15[%get3A_191] {strides = array<i32>} : memref<5248xi32, #tpu.memory_space<vmem>>, vector<16xi32>,
        %sub3A_193 = vector.broadcast %mul3A_84 : i32 to vector<16xi32>
        %sub3A_194 = arith.subi %get3A_192, %sub3A_193 : vector<16xi32>
        %jit3A_195 = arith.constant 0 : i32
        %broadcast_in_dim3A_196 = vector.broadcast %jit3A_195 : i32 to vector<16xi32>
        %select_n3A_197 = arith.select %lt3A_186, %sub3A_194, %broadcast_in_dim3A_196 : vector<16xi1>, vector<16xi32>
        %add3A_198 = vector.broadcast %mul3A_84 : i32 to vector<16xi32>
        %add3A_199 = arith.addi %select_n3A_197, %add3A_198 : vector<16xi32>
        %swap3A_200 = arith.constant 32 : index
        %swap3A_201 = tpu.vector_load %arg16[%swap3A_200] {strides = array<i32>} : memref<128xi32, #tpu.memory_space<vmem>>, vector<16xi32>,
        tpu.vector_store %arg16[%swap3A_200], %add3A_199 {strides = array<i32>} : memref<128xi32, #tpu.memory_space<vmem>>, vector<16xi32>,
        %gather3A_202 = tpu.vector_load_idx %arg14[%select_n3A_197] : memref<5120xi32, #tpu.memory_space<vmem>>[vector<16xi32>], vector<16xi32>,
        %sub3A_203 = arith.subi %gather3A_202, %broadcast_in_dim3A : vector<16xi32>
        %jit3A_204 = arith.constant 0 : i32
        %broadcast_in_dim3A_205 = vector.broadcast %jit3A_204 : i32 to vector<16xi32>
        %select_n3A_206 = arith.select %lt3A_186, %sub3A_203, %broadcast_in_dim3A_205 : vector<16xi1>, vector<16xi32>
        %swap3A_207 = arith.constant 32 : index
        %swap3A_208 = tpu.vector_load %arg18[%swap3A_207] {strides = array<i32>} : memref<128xi32, #tpu.memory_space<vmem>>, vector<16xi32>,
        tpu.vector_store %arg18[%swap3A_207], %select_n3A_206 {strides = array<i32>} : memref<128xi32, #tpu.memory_space<vmem>>, vector<16xi32>,
        %mul3A_209 = arith.constant 128 : i32
        %mul3A_210 = arith.muli %while3A_124, %mul3A_209 : i32
        %add3A_211 = arith.constant 48 : i32
        %add3A_212 = arith.addi %mul3A_210, %add3A_211 : i32
        %broadcast_in_dim3A_213 = vector.broadcast %add3A_212 : i32 to vector<16xi32>
        %add3A_214 = arith.addi %broadcast_in_dim3A_213, %iota3A : vector<16xi32>
        %lt3A_215 = arith.cmpi slt, %add3A_214, %broadcast_in_dim3A_93 : vector<16xi32>
        %mul3A_216 = arith.constant 128 : i32
        %mul3A_217 = arith.muli %while3A_124, %mul3A_216 : i32
        %add3A_218 = arith.constant 48 : i32
        %add3A_219 = arith.addi %mul3A_217, %add3A_218 : i32
        %get3A_220 = arith.index_cast %add3A_219 : i32 to index
        %get3A_221 = tpu.vector_load %arg15[%get3A_220] {strides = array<i32>} : memref<5248xi32, #tpu.memory_space<vmem>>, vector<16xi32>,
        %sub3A_222 = vector.broadcast %mul3A_84 : i32 to vector<16xi32>
        %sub3A_223 = arith.subi %get3A_221, %sub3A_222 : vector<16xi32>
        %jit3A_224 = arith.constant 0 : i32
        %broadcast_in_dim3A_225 = vector.broadcast %jit3A_224 : i32 to vector<16xi32>
        %select_n3A_226 = arith.select %lt3A_215, %sub3A_223, %broadcast_in_dim3A_225 : vector<16xi1>, vector<16xi32>
        %add3A_227 = vector.broadcast %mul3A_84 : i32 to vector<16xi32>
        %add3A_228 = arith.addi %select_n3A_226, %add3A_227 : vector<16xi32>
        %swap3A_229 = arith.constant 48 : index
        %swap3A_230 = tpu.vector_load %arg16[%swap3A_229] {strides = array<i32>} : memref<128xi32, #tpu.memory_space<vmem>>, vector<16xi32>,
        tpu.vector_store %arg16[%swap3A_229], %add3A_228 {strides = array<i32>} : memref<128xi32, #tpu.memory_space<vmem>>, vector<16xi32>,
        %gather3A_231 = tpu.vector_load_idx %arg14[%select_n3A_226] : memref<5120xi32, #tpu.memory_space<vmem>>[vector<16xi32>], vector<16xi32>,
        %sub3A_232 = arith.subi %gather3A_231, %broadcast_in_dim3A : vector<16xi32>
        %jit3A_233 = arith.constant 0 : i32
        %broadcast_in_dim3A_234 = vector.broadcast %jit3A_233 : i32 to vector<16xi32>
        %select_n3A_235 = arith.select %lt3A_215, %sub3A_232, %broadcast_in_dim3A_234 : vector<16xi1>, vector<16xi32>
        %swap3A_236 = arith.constant 48 : index
        %swap3A_237 = tpu.vector_load %arg18[%swap3A_236] {strides = array<i32>} : memref<128xi32, #tpu.memory_space<vmem>>, vector<16xi32>,
        tpu.vector_store %arg18[%swap3A_236], %select_n3A_235 {strides = array<i32>} : memref<128xi32, #tpu.memory_space<vmem>>, vector<16xi32>,
        %mul3A_238 = arith.constant 128 : i32
        %mul3A_239 = arith.muli %while3A_124, %mul3A_238 : i32
        %add3A_240 = arith.constant 64 : i32
        %add3A_241 = arith.addi %mul3A_239, %add3A_240 : i32
        %broadcast_in_dim3A_242 = vector.broadcast %add3A_241 : i32 to vector<16xi32>
        %add3A_243 = arith.addi %broadcast_in_dim3A_242, %iota3A : vector<16xi32>
        %lt3A_244 = arith.cmpi slt, %add3A_243, %broadcast_in_dim3A_93 : vector<16xi32>
        %mul3A_245 = arith.constant 128 : i32
        %mul3A_246 = arith.muli %while3A_124, %mul3A_245 : i32
        %add3A_247 = arith.constant 64 : i32
        %add3A_248 = arith.addi %mul3A_246, %add3A_247 : i32
        %get3A_249 = arith.index_cast %add3A_248 : i32 to index
        %get3A_250 = tpu.vector_load %arg15[%get3A_249] {strides = array<i32>} : memref<5248xi32, #tpu.memory_space<vmem>>, vector<16xi32>,
        %sub3A_251 = vector.broadcast %mul3A_84 : i32 to vector<16xi32>
        %sub3A_252 = arith.subi %get3A_250, %sub3A_251 : vector<16xi32>
        %jit3A_253 = arith.constant 0 : i32
        %broadcast_in_dim3A_254 = vector.broadcast %jit3A_253 : i32 to vector<16xi32>
        %select_n3A_255 = arith.select %lt3A_244, %sub3A_252, %broadcast_in_dim3A_254 : vector<16xi1>, vector<16xi32>
        %add3A_256 = vector.broadcast %mul3A_84 : i32 to vector<16xi32>
        %add3A_257 = arith.addi %select_n3A_255, %add3A_256 : vector<16xi32>
        %swap3A_258 = arith.constant 64 : index
        %swap3A_259 = tpu.vector_load %arg16[%swap3A_258] {strides = array<i32>} : memref<128xi32, #tpu.memory_space<vmem>>, vector<16xi32>,
        tpu.vector_store %arg16[%swap3A_258], %add3A_257 {strides = array<i32>} : memref<128xi32, #tpu.memory_space<vmem>>, vector<16xi32>,
        %gather3A_260 = tpu.vector_load_idx %arg14[%select_n3A_255] : memref<5120xi32, #tpu.memory_space<vmem>>[vector<16xi32>], vector<16xi32>,
        %sub3A_261 = arith.subi %gather3A_260, %broadcast_in_dim3A : vector<16xi32>
        %jit3A_262 = arith.constant 0 : i32
        %broadcast_in_dim3A_263 = vector.broadcast %jit3A_262 : i32 to vector<16xi32>
        %select_n3A_264 = arith.select %lt3A_244, %sub3A_261, %broadcast_in_dim3A_263 : vector<16xi1>, vector<16xi32>
        %swap3A_265 = arith.constant 64 : index
        %swap3A_266 = tpu.vector_load %arg18[%swap3A_265] {strides = array<i32>} : memref<128xi32, #tpu.memory_space<vmem>>, vector<16xi32>,
        tpu.vector_store %arg18[%swap3A_265], %select_n3A_264 {strides = array<i32>} : memref<128xi32, #tpu.memory_space<vmem>>, vector<16xi32>,
        %mul3A_267 = arith.constant 128 : i32
        %mul3A_268 = arith.muli %while3A_124, %mul3A_267 : i32
        %add3A_269 = arith.constant 80 : i32
        %add3A_270 = arith.addi %mul3A_268, %add3A_269 : i32
        %broadcast_in_dim3A_271 = vector.broadcast %add3A_270 : i32 to vector<16xi32>
        %add3A_272 = arith.addi %broadcast_in_dim3A_271, %iota3A : vector<16xi32>
        %lt3A_273 = arith.cmpi slt, %add3A_272, %broadcast_in_dim3A_93 : vector<16xi32>
        %mul3A_274 = arith.constant 128 : i32
        %mul3A_275 = arith.muli %while3A_124, %mul3A_274 : i32
        %add3A_276 = arith.constant 80 : i32
        %add3A_277 = arith.addi %mul3A_275, %add3A_276 : i32
        %get3A_278 = arith.index_cast %add3A_277 : i32 to index
        %get3A_279 = tpu.vector_load %arg15[%get3A_278] {strides = array<i32>} : memref<5248xi32, #tpu.memory_space<vmem>>, vector<16xi32>,
        %sub3A_280 = vector.broadcast %mul3A_84 : i32 to vector<16xi32>
        %sub3A_281 = arith.subi %get3A_279, %sub3A_280 : vector<16xi32>
        %jit3A_282 = arith.constant 0 : i32
        %broadcast_in_dim3A_283 = vector.broadcast %jit3A_282 : i32 to vector<16xi32>
        %select_n3A_284 = arith.select %lt3A_273, %sub3A_281, %broadcast_in_dim3A_283 : vector<16xi1>, vector<16xi32>
        %add3A_285 = vector.broadcast %mul3A_84 : i32 to vector<16xi32>
        %add3A_286 = arith.addi %select_n3A_284, %add3A_285 : vector<16xi32>
        %swap3A_287 = arith.constant 80 : index
        %swap3A_288 = tpu.vector_load %arg16[%swap3A_287] {strides = array<i32>} : memref<128xi32, #tpu.memory_space<vmem>>, vector<16xi32>,
        tpu.vector_store %arg16[%swap3A_287], %add3A_286 {strides = array<i32>} : memref<128xi32, #tpu.memory_space<vmem>>, vector<16xi32>,
        %gather3A_289 = tpu.vector_load_idx %arg14[%select_n3A_284] : memref<5120xi32, #tpu.memory_space<vmem>>[vector<16xi32>], vector<16xi32>,
        %sub3A_290 = arith.subi %gather3A_289, %broadcast_in_dim3A : vector<16xi32>
        %jit3A_291 = arith.constant 0 : i32
        %broadcast_in_dim3A_292 = vector.broadcast %jit3A_291 : i32 to vector<16xi32>
        %select_n3A_293 = arith.select %lt3A_273, %sub3A_290, %broadcast_in_dim3A_292 : vector<16xi1>, vector<16xi32>
        %swap3A_294 = arith.constant 80 : index
        %swap3A_295 = tpu.vector_load %arg18[%swap3A_294] {strides = array<i32>} : memref<128xi32, #tpu.memory_space<vmem>>, vector<16xi32>,
        tpu.vector_store %arg18[%swap3A_294], %select_n3A_293 {strides = array<i32>} : memref<128xi32, #tpu.memory_space<vmem>>, vector<16xi32>,
        %mul3A_296 = arith.constant 128 : i32
        %mul3A_297 = arith.muli %while3A_124, %mul3A_296 : i32
        %add3A_298 = arith.constant 96 : i32
        %add3A_299 = arith.addi %mul3A_297, %add3A_298 : i32
        %broadcast_in_dim3A_300 = vector.broadcast %add3A_299 : i32 to vector<16xi32>
        %add3A_301 = arith.addi %broadcast_in_dim3A_300, %iota3A : vector<16xi32>
        %lt3A_302 = arith.cmpi slt, %add3A_301, %broadcast_in_dim3A_93 : vector<16xi32>
        %mul3A_303 = arith.constant 128 : i32
        %mul3A_304 = arith.muli %while3A_124, %mul3A_303 : i32
        %add3A_305 = arith.constant 96 : i32
        %add3A_306 = arith.addi %mul3A_304, %add3A_305 : i32
        %get3A_307 = arith.index_cast %add3A_306 : i32 to index
        %get3A_308 = tpu.vector_load %arg15[%get3A_307] {strides = array<i32>} : memref<5248xi32, #tpu.memory_space<vmem>>, vector<16xi32>,
        %sub3A_309 = vector.broadcast %mul3A_84 : i32 to vector<16xi32>
        %sub3A_310 = arith.subi %get3A_308, %sub3A_309 : vector<16xi32>
        %jit3A_311 = arith.constant 0 : i32
        %broadcast_in_dim3A_312 = vector.broadcast %jit3A_311 : i32 to vector<16xi32>
        %select_n3A_313 = arith.select %lt3A_302, %sub3A_310, %broadcast_in_dim3A_312 : vector<16xi1>, vector<16xi32>
        %add3A_314 = vector.broadcast %mul3A_84 : i32 to vector<16xi32>
        %add3A_315 = arith.addi %select_n3A_313, %add3A_314 : vector<16xi32>
        %swap3A_316 = arith.constant 96 : index
        %swap3A_317 = tpu.vector_load %arg16[%swap3A_316] {strides = array<i32>} : memref<128xi32, #tpu.memory_space<vmem>>, vector<16xi32>,
        tpu.vector_store %arg16[%swap3A_316], %add3A_315 {strides = array<i32>} : memref<128xi32, #tpu.memory_space<vmem>>, vector<16xi32>,
        %gather3A_318 = tpu.vector_load_idx %arg14[%select_n3A_313] : memref<5120xi32, #tpu.memory_space<vmem>>[vector<16xi32>], vector<16xi32>,
        %sub3A_319 = arith.subi %gather3A_318, %broadcast_in_dim3A : vector<16xi32>
        %jit3A_320 = arith.constant 0 : i32
        %broadcast_in_dim3A_321 = vector.broadcast %jit3A_320 : i32 to vector<16xi32>
        %select_n3A_322 = arith.select %lt3A_302, %sub3A_319, %broadcast_in_dim3A_321 : vector<16xi1>, vector<16xi32>
        %swap3A_323 = arith.constant 96 : index
        %swap3A_324 = tpu.vector_load %arg18[%swap3A_323] {strides = array<i32>} : memref<128xi32, #tpu.memory_space<vmem>>, vector<16xi32>,
        tpu.vector_store %arg18[%swap3A_323], %select_n3A_322 {strides = array<i32>} : memref<128xi32, #tpu.memory_space<vmem>>, vector<16xi32>,
        %mul3A_325 = arith.constant 128 : i32
        %mul3A_326 = arith.muli %while3A_124, %mul3A_325 : i32
        %add3A_327 = arith.constant 112 : i32
        %add3A_328 = arith.addi %mul3A_326, %add3A_327 : i32
        %broadcast_in_dim3A_329 = vector.broadcast %add3A_328 : i32 to vector<16xi32>
        %add3A_330 = arith.addi %broadcast_in_dim3A_329, %iota3A : vector<16xi32>
        %lt3A_331 = arith.cmpi slt, %add3A_330, %broadcast_in_dim3A_93 : vector<16xi32>
        %mul3A_332 = arith.constant 128 : i32
        %mul3A_333 = arith.muli %while3A_124, %mul3A_332 : i32
        %add3A_334 = arith.constant 112 : i32
        %add3A_335 = arith.addi %mul3A_333, %add3A_334 : i32
        %get3A_336 = arith.index_cast %add3A_335 : i32 to index
        %get3A_337 = tpu.vector_load %arg15[%get3A_336] {strides = array<i32>} : memref<5248xi32, #tpu.memory_space<vmem>>, vector<16xi32>,
        %sub3A_338 = vector.broadcast %mul3A_84 : i32 to vector<16xi32>
        %sub3A_339 = arith.subi %get3A_337, %sub3A_338 : vector<16xi32>
        %jit3A_340 = arith.constant 0 : i32
        %broadcast_in_dim3A_341 = vector.broadcast %jit3A_340 : i32 to vector<16xi32>
        %select_n3A_342 = arith.select %lt3A_331, %sub3A_339, %broadcast_in_dim3A_341 : vector<16xi1>, vector<16xi32>
        %add3A_343 = vector.broadcast %mul3A_84 : i32 to vector<16xi32>
        %add3A_344 = arith.addi %select_n3A_342, %add3A_343 : vector<16xi32>
        %swap3A_345 = arith.constant 112 : index
        %swap3A_346 = tpu.vector_load %arg16[%swap3A_345] {strides = array<i32>} : memref<128xi32, #tpu.memory_space<vmem>>, vector<16xi32>,
        tpu.vector_store %arg16[%swap3A_345], %add3A_344 {strides = array<i32>} : memref<128xi32, #tpu.memory_space<vmem>>, vector<16xi32>,
        %gather3A_347 = tpu.vector_load_idx %arg14[%select_n3A_342] : memref<5120xi32, #tpu.memory_space<vmem>>[vector<16xi32>], vector<16xi32>,
        %sub3A_348 = arith.subi %gather3A_347, %broadcast_in_dim3A : vector<16xi32>
        %jit3A_349 = arith.constant 0 : i32
        %broadcast_in_dim3A_350 = vector.broadcast %jit3A_349 : i32 to vector<16xi32>
        %select_n3A_351 = arith.select %lt3A_331, %sub3A_348, %broadcast_in_dim3A_350 : vector<16xi1>, vector<16xi32>
        %swap3A_352 = arith.constant 112 : index
        %swap3A_353 = tpu.vector_load %arg18[%swap3A_352] {strides = array<i32>} : memref<128xi32, #tpu.memory_space<vmem>>, vector<16xi32>,
        tpu.vector_store %arg18[%swap3A_352], %select_n3A_351 {strides = array<i32>} : memref<128xi32, #tpu.memory_space<vmem>>, vector<16xi32>,
        %dma_start3A = arith.constant 0 : i32
        %dma_start3A_354 = tpu.memref_slice %arg2[%dma_start3A] : memref<163840xi32, #tpu.memory_space<hbm>> -> memref<163840xi32, #tpu.memory_space<hbm>>
        tpu.enqueue_indirect_dma source(%dma_start3A_354 : memref<163840xi32, #tpu.memory_space<hbm>>) target(%arg17 : memref<128xi32, #tpu.memory_space<vmem>>) offsets(%arg16 : memref<128xi32, #tpu.memory_space<vmem>>) semaphore(%arg37 : memref<!tpu.dma_semaphore, #tpu.memory_space<semaphore_mem>>)
        %dma_wait3A = arith.constant 0 : i32
        %dma_wait3A_355 = tpu.memref_slice %arg2[%dma_wait3A] : memref<163840xi32, #tpu.memory_space<hbm>> -> memref<163840xi32, #tpu.memory_space<hbm>>
        tpu.wait_indirect_dma semaphore(%arg37 : memref<!tpu.dma_semaphore, #tpu.memory_space<semaphore_mem>>) src(%dma_wait3A_355 : memref<163840xi32, #tpu.memory_space<hbm>>) dst(%arg17 : memref<128xi32, #tpu.memory_space<vmem>>)
        %dma_start3A_356 = arith.constant 0 : i32
        %dma_start3A_357 = tpu.memref_slice %arg4[%dma_start3A_356] : memref<10240xf32, #tpu.memory_space<hbm>> -> memref<10240xf32, #tpu.memory_space<hbm>>
        tpu.enqueue_indirect_dma source(%dma_start3A_357 : memref<10240xf32, #tpu.memory_space<hbm>>) target(%arg19 : memref<128xf32, #tpu.memory_space<vmem>>) offsets(%arg17 : memref<128xi32, #tpu.memory_space<vmem>>) semaphore(%arg37 : memref<!tpu.dma_semaphore, #tpu.memory_space<semaphore_mem>>)
        %dma_start3A_358 = arith.constant 0 : i32
        %dma_start3A_359 = tpu.memref_slice %arg5[%dma_start3A_358] : memref<10240xf32, #tpu.memory_space<hbm>> -> memref<10240xf32, #tpu.memory_space<hbm>>
        tpu.enqueue_indirect_dma source(%dma_start3A_359 : memref<10240xf32, #tpu.memory_space<hbm>>) target(%arg20 : memref<128xf32, #tpu.memory_space<vmem>>) offsets(%arg17 : memref<128xi32, #tpu.memory_space<vmem>>) semaphore(%arg37 : memref<!tpu.dma_semaphore, #tpu.memory_space<semaphore_mem>>)
        %dma_start3A_360 = arith.constant 0 : i32
        %dma_start3A_361 = tpu.memref_slice %arg6[%dma_start3A_360] : memref<10240xf32, #tpu.memory_space<hbm>> -> memref<10240xf32, #tpu.memory_space<hbm>>
        tpu.enqueue_indirect_dma source(%dma_start3A_361 : memref<10240xf32, #tpu.memory_space<hbm>>) target(%arg21 : memref<128xf32, #tpu.memory_space<vmem>>) offsets(%arg17 : memref<128xi32, #tpu.memory_space<vmem>>) semaphore(%arg37 : memref<!tpu.dma_semaphore, #tpu.memory_space<semaphore_mem>>)
        %dma_start3A_362 = arith.constant 0 : i32
        %dma_start3A_363 = tpu.memref_slice %arg7[%dma_start3A_362] : memref<10240xf32, #tpu.memory_space<hbm>> -> memref<10240xf32, #tpu.memory_space<hbm>>
        tpu.enqueue_indirect_dma source(%dma_start3A_363 : memref<10240xf32, #tpu.memory_space<hbm>>) target(%arg22 : memref<128xf32, #tpu.memory_space<vmem>>) offsets(%arg17 : memref<128xi32, #tpu.memory_space<vmem>>) semaphore(%arg37 : memref<!tpu.dma_semaphore, #tpu.memory_space<semaphore_mem>>)
        %dma_start3A_364 = arith.constant 0 : i32
        %dma_start3A_365 = arith.constant 0 : i32
        %dma_start3A_366 = tpu.memref_slice %arg12[%dma_start3A_364, %dma_start3A_365] : memref<10240x256xf32, #tpu.memory_space<hbm>> -> memref<10240x256xf32, #tpu.memory_space<hbm>>
        tpu.enqueue_indirect_dma source(%dma_start3A_366 : memref<10240x256xf32, #tpu.memory_space<hbm>>) target(%arg35 : memref<128x256xf32, #tpu.memory_space<vmem>>) offsets(%arg17 : memref<128xi32, #tpu.memory_space<vmem>>) semaphore(%arg37 : memref<!tpu.dma_semaphore, #tpu.memory_space<semaphore_mem>>)
        %dma_wait3A_367 = arith.constant 0 : i32
        %dma_wait3A_368 = tpu.memref_slice %arg4[%dma_wait3A_367] : memref<10240xf32, #tpu.memory_space<hbm>> -> memref<10240xf32, #tpu.memory_space<hbm>>
        tpu.wait_indirect_dma semaphore(%arg37 : memref<!tpu.dma_semaphore, #tpu.memory_space<semaphore_mem>>) src(%dma_wait3A_368 : memref<10240xf32, #tpu.memory_space<hbm>>) dst(%arg19 : memref<128xf32, #tpu.memory_space<vmem>>)
        %dma_wait3A_369 = arith.constant 0 : i32
        %dma_wait3A_370 = tpu.memref_slice %arg5[%dma_wait3A_369] : memref<10240xf32, #tpu.memory_space<hbm>> -> memref<10240xf32, #tpu.memory_space<hbm>>
        tpu.wait_indirect_dma semaphore(%arg37 : memref<!tpu.dma_semaphore, #tpu.memory_space<semaphore_mem>>) src(%dma_wait3A_370 : memref<10240xf32, #tpu.memory_space<hbm>>) dst(%arg20 : memref<128xf32, #tpu.memory_space<vmem>>)
        %dma_wait3A_371 = arith.constant 0 : i32
        %dma_wait3A_372 = tpu.memref_slice %arg6[%dma_wait3A_371] : memref<10240xf32, #tpu.memory_space<hbm>> -> memref<10240xf32, #tpu.memory_space<hbm>>
        tpu.wait_indirect_dma semaphore(%arg37 : memref<!tpu.dma_semaphore, #tpu.memory_space<semaphore_mem>>) src(%dma_wait3A_372 : memref<10240xf32, #tpu.memory_space<hbm>>) dst(%arg21 : memref<128xf32, #tpu.memory_space<vmem>>)
        %dma_wait3A_373 = arith.constant 0 : i32
        %dma_wait3A_374 = tpu.memref_slice %arg7[%dma_wait3A_373] : memref<10240xf32, #tpu.memory_space<hbm>> -> memref<10240xf32, #tpu.memory_space<hbm>>
        tpu.wait_indirect_dma semaphore(%arg37 : memref<!tpu.dma_semaphore, #tpu.memory_space<semaphore_mem>>) src(%dma_wait3A_374 : memref<10240xf32, #tpu.memory_space<hbm>>) dst(%arg22 : memref<128xf32, #tpu.memory_space<vmem>>)
        %dma_wait3A_375 = arith.constant 0 : i32
        %dma_wait3A_376 = arith.constant 0 : i32
        %dma_wait3A_377 = tpu.memref_slice %arg12[%dma_wait3A_375, %dma_wait3A_376] : memref<10240x256xf32, #tpu.memory_space<hbm>> -> memref<10240x256xf32, #tpu.memory_space<hbm>>
        tpu.wait_indirect_dma semaphore(%arg37 : memref<!tpu.dma_semaphore, #tpu.memory_space<semaphore_mem>>) src(%dma_wait3A_377 : memref<10240x256xf32, #tpu.memory_space<hbm>>) dst(%arg35 : memref<128x256xf32, #tpu.memory_space<vmem>>)
        %get3A_378 = arith.constant 0 : index
        %get3A_379 = tpu.vector_load %arg18[%get3A_378] {strides = array<i32>} : memref<128xi32, #tpu.memory_space<vmem>>, vector<16xi32>,
        %mul3A_380 = arith.constant 128 : i32
        %mul3A_381 = arith.muli %while3A_124, %mul3A_380 : i32
        %add3A_382 = arith.constant 0 : i32
        %add3A_383 = arith.addi %mul3A_381, %add3A_382 : i32
        %broadcast_in_dim3A_384 = vector.broadcast %add3A_383 : i32 to vector<16xi32>
        %add3A_385 = arith.addi %broadcast_in_dim3A_384, %iota3A : vector<16xi32>
        %lt3A_386 = arith.cmpi slt, %add3A_385, %broadcast_in_dim3A_93 : vector<16xi32>
        %get3A_387 = arith.constant 0 : index
        %get3A_388 = tpu.vector_load %arg19[%get3A_387] {strides = array<i32>} : memref<128xf32, #tpu.memory_space<vmem>>, vector<16xf32>,
        %gather3A_389 = tpu.vector_load_idx %arg31[%get3A_379] : memref<320xf32, #tpu.memory_space<vmem>>[vector<16xi32>], vector<16xf32>,
        %add3A_390 = arith.addf %get3A_388, %gather3A_389 : vector<16xf32>
        %ge3A = arith.constant 0.000000e+00 : f32
        %ge3A_391 = vector.broadcast %ge3A : f32 to vector<16xf32>
        %ge3A_392 = arith.cmpf oge, %add3A_390, %ge3A_391 : vector<16xf32>
        %mul3A_393 = arith.constant 2.000000e-01 : f32
        %mul3A_394 = vector.broadcast %mul3A_393 : f32 to vector<16xf32>
        %mul3A_395 = arith.mulf %mul3A_394, %add3A_390 : vector<16xf32>
        %select_n3A_396 = arith.select %ge3A_392, %add3A_390, %mul3A_395 : vector<16xi1>, vector<16xf32>
        %exp3A = math.exp %select_n3A_396 : vector<16xf32>
        tpu.vector_store_idx %arg27[%get3A_379], %exp3A masked %lt3A_386 {add = true} : memref<320xf32, #tpu.memory_space<vmem>>[vector<16xi32>], vector<16xf32>, vector<16xi1>
        %jit3A_397 = arith.constant 0.000000e+00 : f32
        %broadcast_in_dim3A_398 = vector.broadcast %jit3A_397 : f32 to vector<16xf32>
        %select_n3A_399 = arith.select %lt3A_386, %exp3A, %broadcast_in_dim3A_398 : vector<16xi1>, vector<16xf32>
        %swap3A_400 = arith.constant 0 : index
        %swap3A_401 = tpu.vector_load %arg23[%swap3A_400] {strides = array<i32>} : memref<128xf32, #tpu.memory_space<vmem>>, vector<16xf32>,
        tpu.vector_store %arg23[%swap3A_400], %select_n3A_399 {strides = array<i32>} : memref<128xf32, #tpu.memory_space<vmem>>, vector<16xf32>,
        %get3A_402 = arith.constant 0 : index
        %get3A_403 = tpu.vector_load %arg20[%get3A_402] {strides = array<i32>} : memref<128xf32, #tpu.memory_space<vmem>>, vector<16xf32>,
        %gather3A_404 = tpu.vector_load_idx %arg32[%get3A_379] : memref<320xf32, #tpu.memory_space<vmem>>[vector<16xi32>], vector<16xf32>,
        %add3A_405 = arith.addf %get3A_403, %gather3A_404 : vector<16xf32>
        %ge3A_406 = arith.constant 0.000000e+00 : f32
        %ge3A_407 = vector.broadcast %ge3A_406 : f32 to vector<16xf32>
        %ge3A_408 = arith.cmpf oge, %add3A_405, %ge3A_407 : vector<16xf32>
        %mul3A_409 = arith.constant 2.000000e-01 : f32
        %mul3A_410 = vector.broadcast %mul3A_409 : f32 to vector<16xf32>
        %mul3A_411 = arith.mulf %mul3A_410, %add3A_405 : vector<16xf32>
        %select_n3A_412 = arith.select %ge3A_408, %add3A_405, %mul3A_411 : vector<16xi1>, vector<16xf32>
        %exp3A_413 = math.exp %select_n3A_412 : vector<16xf32>
        tpu.vector_store_idx %arg28[%get3A_379], %exp3A_413 masked %lt3A_386 {add = true} : memref<320xf32, #tpu.memory_space<vmem>>[vector<16xi32>], vector<16xf32>, vector<16xi1>
        %jit3A_414 = arith.constant 0.000000e+00 : f32
        %broadcast_in_dim3A_415 = vector.broadcast %jit3A_414 : f32 to vector<16xf32>
        %select_n3A_416 = arith.select %lt3A_386, %exp3A_413, %broadcast_in_dim3A_415 : vector<16xi1>, vector<16xf32>
        %swap3A_417 = arith.constant 0 : index
        %swap3A_418 = tpu.vector_load %arg24[%swap3A_417] {strides = array<i32>} : memref<128xf32, #tpu.memory_space<vmem>>, vector<16xf32>,
        tpu.vector_store %arg24[%swap3A_417], %select_n3A_416 {strides = array<i32>} : memref<128xf32, #tpu.memory_space<vmem>>, vector<16xf32>,
        %get3A_419 = arith.constant 0 : index
        %get3A_420 = tpu.vector_load %arg21[%get3A_419] {strides = array<i32>} : memref<128xf32, #tpu.memory_space<vmem>>, vector<16xf32>,
        %gather3A_421 = tpu.vector_load_idx %arg33[%get3A_379] : memref<320xf32, #tpu.memory_space<vmem>>[vector<16xi32>], vector<16xf32>,
        %add3A_422 = arith.addf %get3A_420, %gather3A_421 : vector<16xf32>
        %ge3A_423 = arith.constant 0.000000e+00 : f32
        %ge3A_424 = vector.broadcast %ge3A_423 : f32 to vector<16xf32>
        %ge3A_425 = arith.cmpf oge, %add3A_422, %ge3A_424 : vector<16xf32>
        %mul3A_426 = arith.constant 2.000000e-01 : f32
        %mul3A_427 = vector.broadcast %mul3A_426 : f32 to vector<16xf32>
        %mul3A_428 = arith.mulf %mul3A_427, %add3A_422 : vector<16xf32>
        %select_n3A_429 = arith.select %ge3A_425, %add3A_422, %mul3A_428 : vector<16xi1>, vector<16xf32>
        %exp3A_430 = math.exp %select_n3A_429 : vector<16xf32>
        tpu.vector_store_idx %arg29[%get3A_379], %exp3A_430 masked %lt3A_386 {add = true} : memref<320xf32, #tpu.memory_space<vmem>>[vector<16xi32>], vector<16xf32>, vector<16xi1>
        %jit3A_431 = arith.constant 0.000000e+00 : f32
        %broadcast_in_dim3A_432 = vector.broadcast %jit3A_431 : f32 to vector<16xf32>
        %select_n3A_433 = arith.select %lt3A_386, %exp3A_430, %broadcast_in_dim3A_432 : vector<16xi1>, vector<16xf32>
        %swap3A_434 = arith.constant 0 : index
        %swap3A_435 = tpu.vector_load %arg25[%swap3A_434] {strides = array<i32>} : memref<128xf32, #tpu.memory_space<vmem>>, vector<16xf32>,
        tpu.vector_store %arg25[%swap3A_434], %select_n3A_433 {strides = array<i32>} : memref<128xf32, #tpu.memory_space<vmem>>, vector<16xf32>,
        %get3A_436 = arith.constant 0 : index
        %get3A_437 = tpu.vector_load %arg22[%get3A_436] {strides = array<i32>} : memref<128xf32, #tpu.memory_space<vmem>>, vector<16xf32>,
        %gather3A_438 = tpu.vector_load_idx %arg34[%get3A_379] : memref<320xf32, #tpu.memory_space<vmem>>[vector<16xi32>], vector<16xf32>,
        %add3A_439 = arith.addf %get3A_437, %gather3A_438 : vector<16xf32>
        %ge3A_440 = arith.constant 0.000000e+00 : f32
        %ge3A_441 = vector.broadcast %ge3A_440 : f32 to vector<16xf32>
        %ge3A_442 = arith.cmpf oge, %add3A_439, %ge3A_441 : vector<16xf32>
        %mul3A_443 = arith.constant 2.000000e-01 : f32
        %mul3A_444 = vector.broadcast %mul3A_443 : f32 to vector<16xf32>
        %mul3A_445 = arith.mulf %mul3A_444, %add3A_439 : vector<16xf32>
        %select_n3A_446 = arith.select %ge3A_442, %add3A_439, %mul3A_445 : vector<16xi1>, vector<16xf32>
        %exp3A_447 = math.exp %select_n3A_446 : vector<16xf32>
        tpu.vector_store_idx %arg30[%get3A_379], %exp3A_447 masked %lt3A_386 {add = true} : memref<320xf32, #tpu.memory_space<vmem>>[vector<16xi32>], vector<16xf32>, vector<16xi1>
        %jit3A_448 = arith.constant 0.000000e+00 : f32
        %broadcast_in_dim3A_449 = vector.broadcast %jit3A_448 : f32 to vector<16xf32>
        %select_n3A_450 = arith.select %lt3A_386, %exp3A_447, %broadcast_in_dim3A_449 : vector<16xi1>, vector<16xf32>
        %swap3A_451 = arith.constant 0 : index
        %swap3A_452 = tpu.vector_load %arg26[%swap3A_451] {strides = array<i32>} : memref<128xf32, #tpu.memory_space<vmem>>, vector<16xf32>,
        tpu.vector_store %arg26[%swap3A_451], %select_n3A_450 {strides = array<i32>} : memref<128xf32, #tpu.memory_space<vmem>>, vector<16xf32>,
        %get3A_453 = arith.constant 16 : index
        %get3A_454 = tpu.vector_load %arg18[%get3A_453] {strides = array<i32>} : memref<128xi32, #tpu.memory_space<vmem>>, vector<16xi32>,
        %mul3A_455 = arith.constant 128 : i32
        %mul3A_456 = arith.muli %while3A_124, %mul3A_455 : i32
        %add3A_457 = arith.constant 16 : i32
        %add3A_458 = arith.addi %mul3A_456, %add3A_457 : i32
        %broadcast_in_dim3A_459 = vector.broadcast %add3A_458 : i32 to vector<16xi32>
        %add3A_460 = arith.addi %broadcast_in_dim3A_459, %iota3A : vector<16xi32>
        %lt3A_461 = arith.cmpi slt, %add3A_460, %broadcast_in_dim3A_93 : vector<16xi32>
        %get3A_462 = arith.constant 16 : index
        %get3A_463 = tpu.vector_load %arg19[%get3A_462] {strides = array<i32>} : memref<128xf32, #tpu.memory_space<vmem>>, vector<16xf32>,
        %gather3A_464 = tpu.vector_load_idx %arg31[%get3A_454] : memref<320xf32, #tpu.memory_space<vmem>>[vector<16xi32>], vector<16xf32>,
        %add3A_465 = arith.addf %get3A_463, %gather3A_464 : vector<16xf32>
        %ge3A_466 = arith.constant 0.000000e+00 : f32
        %ge3A_467 = vector.broadcast %ge3A_466 : f32 to vector<16xf32>
        %ge3A_468 = arith.cmpf oge, %add3A_465, %ge3A_467 : vector<16xf32>
        %mul3A_469 = arith.constant 2.000000e-01 : f32
        %mul3A_470 = vector.broadcast %mul3A_469 : f32 to vector<16xf32>
        %mul3A_471 = arith.mulf %mul3A_470, %add3A_465 : vector<16xf32>
        %select_n3A_472 = arith.select %ge3A_468, %add3A_465, %mul3A_471 : vector<16xi1>, vector<16xf32>
        %exp3A_473 = math.exp %select_n3A_472 : vector<16xf32>
        tpu.vector_store_idx %arg27[%get3A_454], %exp3A_473 masked %lt3A_461 {add = true} : memref<320xf32, #tpu.memory_space<vmem>>[vector<16xi32>], vector<16xf32>, vector<16xi1>
        %jit3A_474 = arith.constant 0.000000e+00 : f32
        %broadcast_in_dim3A_475 = vector.broadcast %jit3A_474 : f32 to vector<16xf32>
        %select_n3A_476 = arith.select %lt3A_461, %exp3A_473, %broadcast_in_dim3A_475 : vector<16xi1>, vector<16xf32>
        %swap3A_477 = arith.constant 16 : index
        %swap3A_478 = tpu.vector_load %arg23[%swap3A_477] {strides = array<i32>} : memref<128xf32, #tpu.memory_space<vmem>>, vector<16xf32>,
        tpu.vector_store %arg23[%swap3A_477], %select_n3A_476 {strides = array<i32>} : memref<128xf32, #tpu.memory_space<vmem>>, vector<16xf32>,
        %get3A_479 = arith.constant 16 : index
        %get3A_480 = tpu.vector_load %arg20[%get3A_479] {strides = array<i32>} : memref<128xf32, #tpu.memory_space<vmem>>, vector<16xf32>,
        %gather3A_481 = tpu.vector_load_idx %arg32[%get3A_454] : memref<320xf32, #tpu.memory_space<vmem>>[vector<16xi32>], vector<16xf32>,
        %add3A_482 = arith.addf %get3A_480, %gather3A_481 : vector<16xf32>
        %ge3A_483 = arith.constant 0.000000e+00 : f32
        %ge3A_484 = vector.broadcast %ge3A_483 : f32 to vector<16xf32>
        %ge3A_485 = arith.cmpf oge, %add3A_482, %ge3A_484 : vector<16xf32>
        %mul3A_486 = arith.constant 2.000000e-01 : f32
        %mul3A_487 = vector.broadcast %mul3A_486 : f32 to vector<16xf32>
        %mul3A_488 = arith.mulf %mul3A_487, %add3A_482 : vector<16xf32>
        %select_n3A_489 = arith.select %ge3A_485, %add3A_482, %mul3A_488 : vector<16xi1>, vector<16xf32>
        %exp3A_490 = math.exp %select_n3A_489 : vector<16xf32>
        tpu.vector_store_idx %arg28[%get3A_454], %exp3A_490 masked %lt3A_461 {add = true} : memref<320xf32, #tpu.memory_space<vmem>>[vector<16xi32>], vector<16xf32>, vector<16xi1>
        %jit3A_491 = arith.constant 0.000000e+00 : f32
        %broadcast_in_dim3A_492 = vector.broadcast %jit3A_491 : f32 to vector<16xf32>
        %select_n3A_493 = arith.select %lt3A_461, %exp3A_490, %broadcast_in_dim3A_492 : vector<16xi1>, vector<16xf32>
        %swap3A_494 = arith.constant 16 : index
        %swap3A_495 = tpu.vector_load %arg24[%swap3A_494] {strides = array<i32>} : memref<128xf32, #tpu.memory_space<vmem>>, vector<16xf32>,
        tpu.vector_store %arg24[%swap3A_494], %select_n3A_493 {strides = array<i32>} : memref<128xf32, #tpu.memory_space<vmem>>, vector<16xf32>,
        %get3A_496 = arith.constant 16 : index
        %get3A_497 = tpu.vector_load %arg21[%get3A_496] {strides = array<i32>} : memref<128xf32, #tpu.memory_space<vmem>>, vector<16xf32>,
        %gather3A_498 = tpu.vector_load_idx %arg33[%get3A_454] : memref<320xf32, #tpu.memory_space<vmem>>[vector<16xi32>], vector<16xf32>,
        %add3A_499 = arith.addf %get3A_497, %gather3A_498 : vector<16xf32>
        %ge3A_500 = arith.constant 0.000000e+00 : f32
        %ge3A_501 = vector.broadcast %ge3A_500 : f32 to vector<16xf32>
        %ge3A_502 = arith.cmpf oge, %add3A_499, %ge3A_501 : vector<16xf32>
        %mul3A_503 = arith.constant 2.000000e-01 : f32
        %mul3A_504 = vector.broadcast %mul3A_503 : f32 to vector<16xf32>
        %mul3A_505 = arith.mulf %mul3A_504, %add3A_499 : vector<16xf32>
        %select_n3A_506 = arith.select %ge3A_502, %add3A_499, %mul3A_505 : vector<16xi1>, vector<16xf32>
        %exp3A_507 = math.exp %select_n3A_506 : vector<16xf32>
        tpu.vector_store_idx %arg29[%get3A_454], %exp3A_507 masked %lt3A_461 {add = true} : memref<320xf32, #tpu.memory_space<vmem>>[vector<16xi32>], vector<16xf32>, vector<16xi1>
        %jit3A_508 = arith.constant 0.000000e+00 : f32
        %broadcast_in_dim3A_509 = vector.broadcast %jit3A_508 : f32 to vector<16xf32>
        %select_n3A_510 = arith.select %lt3A_461, %exp3A_507, %broadcast_in_dim3A_509 : vector<16xi1>, vector<16xf32>
        %swap3A_511 = arith.constant 16 : index
        %swap3A_512 = tpu.vector_load %arg25[%swap3A_511] {strides = array<i32>} : memref<128xf32, #tpu.memory_space<vmem>>, vector<16xf32>,
        tpu.vector_store %arg25[%swap3A_511], %select_n3A_510 {strides = array<i32>} : memref<128xf32, #tpu.memory_space<vmem>>, vector<16xf32>,
        %get3A_513 = arith.constant 16 : index
        %get3A_514 = tpu.vector_load %arg22[%get3A_513] {strides = array<i32>} : memref<128xf32, #tpu.memory_space<vmem>>, vector<16xf32>,
        %gather3A_515 = tpu.vector_load_idx %arg34[%get3A_454] : memref<320xf32, #tpu.memory_space<vmem>>[vector<16xi32>], vector<16xf32>,
        %add3A_516 = arith.addf %get3A_514, %gather3A_515 : vector<16xf32>
        %ge3A_517 = arith.constant 0.000000e+00 : f32
        %ge3A_518 = vector.broadcast %ge3A_517 : f32 to vector<16xf32>
        %ge3A_519 = arith.cmpf oge, %add3A_516, %ge3A_518 : vector<16xf32>
        %mul3A_520 = arith.constant 2.000000e-01 : f32
        %mul3A_521 = vector.broadcast %mul3A_520 : f32 to vector<16xf32>
        %mul3A_522 = arith.mulf %mul3A_521, %add3A_516 : vector<16xf32>
        %select_n3A_523 = arith.select %ge3A_519, %add3A_516, %mul3A_522 : vector<16xi1>, vector<16xf32>
        %exp3A_524 = math.exp %select_n3A_523 : vector<16xf32>
        tpu.vector_store_idx %arg30[%get3A_454], %exp3A_524 masked %lt3A_461 {add = true} : memref<320xf32, #tpu.memory_space<vmem>>[vector<16xi32>], vector<16xf32>, vector<16xi1>
        %jit3A_525 = arith.constant 0.000000e+00 : f32
        %broadcast_in_dim3A_526 = vector.broadcast %jit3A_525 : f32 to vector<16xf32>
        %select_n3A_527 = arith.select %lt3A_461, %exp3A_524, %broadcast_in_dim3A_526 : vector<16xi1>, vector<16xf32>
        %swap3A_528 = arith.constant 16 : index
        %swap3A_529 = tpu.vector_load %arg26[%swap3A_528] {strides = array<i32>} : memref<128xf32, #tpu.memory_space<vmem>>, vector<16xf32>,
        tpu.vector_store %arg26[%swap3A_528], %select_n3A_527 {strides = array<i32>} : memref<128xf32, #tpu.memory_space<vmem>>, vector<16xf32>,
        %get3A_530 = arith.constant 32 : index
        %get3A_531 = tpu.vector_load %arg18[%get3A_530] {strides = array<i32>} : memref<128xi32, #tpu.memory_space<vmem>>, vector<16xi32>,
        %mul3A_532 = arith.constant 128 : i32
        %mul3A_533 = arith.muli %while3A_124, %mul3A_532 : i32
        %add3A_534 = arith.constant 32 : i32
        %add3A_535 = arith.addi %mul3A_533, %add3A_534 : i32
        %broadcast_in_dim3A_536 = vector.broadcast %add3A_535 : i32 to vector<16xi32>
        %add3A_537 = arith.addi %broadcast_in_dim3A_536, %iota3A : vector<16xi32>
        %lt3A_538 = arith.cmpi slt, %add3A_537, %broadcast_in_dim3A_93 : vector<16xi32>
        %get3A_539 = arith.constant 32 : index
        %get3A_540 = tpu.vector_load %arg19[%get3A_539] {strides = array<i32>} : memref<128xf32, #tpu.memory_space<vmem>>, vector<16xf32>,
        %gather3A_541 = tpu.vector_load_idx %arg31[%get3A_531] : memref<320xf32, #tpu.memory_space<vmem>>[vector<16xi32>], vector<16xf32>,
        %add3A_542 = arith.addf %get3A_540, %gather3A_541 : vector<16xf32>
        %ge3A_543 = arith.constant 0.000000e+00 : f32
        %ge3A_544 = vector.broadcast %ge3A_543 : f32 to vector<16xf32>
        %ge3A_545 = arith.cmpf oge, %add3A_542, %ge3A_544 : vector<16xf32>
        %mul3A_546 = arith.constant 2.000000e-01 : f32
        %mul3A_547 = vector.broadcast %mul3A_546 : f32 to vector<16xf32>
        %mul3A_548 = arith.mulf %mul3A_547, %add3A_542 : vector<16xf32>
        %select_n3A_549 = arith.select %ge3A_545, %add3A_542, %mul3A_548 : vector<16xi1>, vector<16xf32>
        %exp3A_550 = math.exp %select_n3A_549 : vector<16xf32>
        tpu.vector_store_idx %arg27[%get3A_531], %exp3A_550 masked %lt3A_538 {add = true} : memref<320xf32, #tpu.memory_space<vmem>>[vector<16xi32>], vector<16xf32>, vector<16xi1>
        %jit3A_551 = arith.constant 0.000000e+00 : f32
        %broadcast_in_dim3A_552 = vector.broadcast %jit3A_551 : f32 to vector<16xf32>
        %select_n3A_553 = arith.select %lt3A_538, %exp3A_550, %broadcast_in_dim3A_552 : vector<16xi1>, vector<16xf32>
        %swap3A_554 = arith.constant 32 : index
        %swap3A_555 = tpu.vector_load %arg23[%swap3A_554] {strides = array<i32>} : memref<128xf32, #tpu.memory_space<vmem>>, vector<16xf32>,
        tpu.vector_store %arg23[%swap3A_554], %select_n3A_553 {strides = array<i32>} : memref<128xf32, #tpu.memory_space<vmem>>, vector<16xf32>,
        %get3A_556 = arith.constant 32 : index
        %get3A_557 = tpu.vector_load %arg20[%get3A_556] {strides = array<i32>} : memref<128xf32, #tpu.memory_space<vmem>>, vector<16xf32>,
        %gather3A_558 = tpu.vector_load_idx %arg32[%get3A_531] : memref<320xf32, #tpu.memory_space<vmem>>[vector<16xi32>], vector<16xf32>,
        %add3A_559 = arith.addf %get3A_557, %gather3A_558 : vector<16xf32>
        %ge3A_560 = arith.constant 0.000000e+00 : f32
        %ge3A_561 = vector.broadcast %ge3A_560 : f32 to vector<16xf32>
        %ge3A_562 = arith.cmpf oge, %add3A_559, %ge3A_561 : vector<16xf32>
        %mul3A_563 = arith.constant 2.000000e-01 : f32
        %mul3A_564 = vector.broadcast %mul3A_563 : f32 to vector<16xf32>
        %mul3A_565 = arith.mulf %mul3A_564, %add3A_559 : vector<16xf32>
        %select_n3A_566 = arith.select %ge3A_562, %add3A_559, %mul3A_565 : vector<16xi1>, vector<16xf32>
        %exp3A_567 = math.exp %select_n3A_566 : vector<16xf32>
        tpu.vector_store_idx %arg28[%get3A_531], %exp3A_567 masked %lt3A_538 {add = true} : memref<320xf32, #tpu.memory_space<vmem>>[vector<16xi32>], vector<16xf32>, vector<16xi1>
        %jit3A_568 = arith.constant 0.000000e+00 : f32
        %broadcast_in_dim3A_569 = vector.broadcast %jit3A_568 : f32 to vector<16xf32>
        %select_n3A_570 = arith.select %lt3A_538, %exp3A_567, %broadcast_in_dim3A_569 : vector<16xi1>, vector<16xf32>
        %swap3A_571 = arith.constant 32 : index
        %swap3A_572 = tpu.vector_load %arg24[%swap3A_571] {strides = array<i32>} : memref<128xf32, #tpu.memory_space<vmem>>, vector<16xf32>,
        tpu.vector_store %arg24[%swap3A_571], %select_n3A_570 {strides = array<i32>} : memref<128xf32, #tpu.memory_space<vmem>>, vector<16xf32>,
        %get3A_573 = arith.constant 32 : index
        %get3A_574 = tpu.vector_load %arg21[%get3A_573] {strides = array<i32>} : memref<128xf32, #tpu.memory_space<vmem>>, vector<16xf32>,
        %gather3A_575 = tpu.vector_load_idx %arg33[%get3A_531] : memref<320xf32, #tpu.memory_space<vmem>>[vector<16xi32>], vector<16xf32>,
        %add3A_576 = arith.addf %get3A_574, %gather3A_575 : vector<16xf32>
        %ge3A_577 = arith.constant 0.000000e+00 : f32
        %ge3A_578 = vector.broadcast %ge3A_577 : f32 to vector<16xf32>
        %ge3A_579 = arith.cmpf oge, %add3A_576, %ge3A_578 : vector<16xf32>
        %mul3A_580 = arith.constant 2.000000e-01 : f32
        %mul3A_581 = vector.broadcast %mul3A_580 : f32 to vector<16xf32>
        %mul3A_582 = arith.mulf %mul3A_581, %add3A_576 : vector<16xf32>
        %select_n3A_583 = arith.select %ge3A_579, %add3A_576, %mul3A_582 : vector<16xi1>, vector<16xf32>
        %exp3A_584 = math.exp %select_n3A_583 : vector<16xf32>
        tpu.vector_store_idx %arg29[%get3A_531], %exp3A_584 masked %lt3A_538 {add = true} : memref<320xf32, #tpu.memory_space<vmem>>[vector<16xi32>], vector<16xf32>, vector<16xi1>
        %jit3A_585 = arith.constant 0.000000e+00 : f32
        %broadcast_in_dim3A_586 = vector.broadcast %jit3A_585 : f32 to vector<16xf32>
        %select_n3A_587 = arith.select %lt3A_538, %exp3A_584, %broadcast_in_dim3A_586 : vector<16xi1>, vector<16xf32>
        %swap3A_588 = arith.constant 32 : index
        %swap3A_589 = tpu.vector_load %arg25[%swap3A_588] {strides = array<i32>} : memref<128xf32, #tpu.memory_space<vmem>>, vector<16xf32>,
        tpu.vector_store %arg25[%swap3A_588], %select_n3A_587 {strides = array<i32>} : memref<128xf32, #tpu.memory_space<vmem>>, vector<16xf32>,
        %get3A_590 = arith.constant 32 : index
        %get3A_591 = tpu.vector_load %arg22[%get3A_590] {strides = array<i32>} : memref<128xf32, #tpu.memory_space<vmem>>, vector<16xf32>,
        %gather3A_592 = tpu.vector_load_idx %arg34[%get3A_531] : memref<320xf32, #tpu.memory_space<vmem>>[vector<16xi32>], vector<16xf32>,
        %add3A_593 = arith.addf %get3A_591, %gather3A_592 : vector<16xf32>
        %ge3A_594 = arith.constant 0.000000e+00 : f32
        %ge3A_595 = vector.broadcast %ge3A_594 : f32 to vector<16xf32>
        %ge3A_596 = arith.cmpf oge, %add3A_593, %ge3A_595 : vector<16xf32>
        %mul3A_597 = arith.constant 2.000000e-01 : f32
        %mul3A_598 = vector.broadcast %mul3A_597 : f32 to vector<16xf32>
        %mul3A_599 = arith.mulf %mul3A_598, %add3A_593 : vector<16xf32>
        %select_n3A_600 = arith.select %ge3A_596, %add3A_593, %mul3A_599 : vector<16xi1>, vector<16xf32>
        %exp3A_601 = math.exp %select_n3A_600 : vector<16xf32>
        tpu.vector_store_idx %arg30[%get3A_531], %exp3A_601 masked %lt3A_538 {add = true} : memref<320xf32, #tpu.memory_space<vmem>>[vector<16xi32>], vector<16xf32>, vector<16xi1>
        %jit3A_602 = arith.constant 0.000000e+00 : f32
        %broadcast_in_dim3A_603 = vector.broadcast %jit3A_602 : f32 to vector<16xf32>
        %select_n3A_604 = arith.select %lt3A_538, %exp3A_601, %broadcast_in_dim3A_603 : vector<16xi1>, vector<16xf32>
        %swap3A_605 = arith.constant 32 : index
        %swap3A_606 = tpu.vector_load %arg26[%swap3A_605] {strides = array<i32>} : memref<128xf32, #tpu.memory_space<vmem>>, vector<16xf32>,
        tpu.vector_store %arg26[%swap3A_605], %select_n3A_604 {strides = array<i32>} : memref<128xf32, #tpu.memory_space<vmem>>, vector<16xf32>,
        %get3A_607 = arith.constant 48 : index
        %get3A_608 = tpu.vector_load %arg18[%get3A_607] {strides = array<i32>} : memref<128xi32, #tpu.memory_space<vmem>>, vector<16xi32>,
        %mul3A_609 = arith.constant 128 : i32
        %mul3A_610 = arith.muli %while3A_124, %mul3A_609 : i32
        %add3A_611 = arith.constant 48 : i32
        %add3A_612 = arith.addi %mul3A_610, %add3A_611 : i32
        %broadcast_in_dim3A_613 = vector.broadcast %add3A_612 : i32 to vector<16xi32>
        %add3A_614 = arith.addi %broadcast_in_dim3A_613, %iota3A : vector<16xi32>
        %lt3A_615 = arith.cmpi slt, %add3A_614, %broadcast_in_dim3A_93 : vector<16xi32>
        %get3A_616 = arith.constant 48 : index
        %get3A_617 = tpu.vector_load %arg19[%get3A_616] {strides = array<i32>} : memref<128xf32, #tpu.memory_space<vmem>>, vector<16xf32>,
        %gather3A_618 = tpu.vector_load_idx %arg31[%get3A_608] : memref<320xf32, #tpu.memory_space<vmem>>[vector<16xi32>], vector<16xf32>,
        %add3A_619 = arith.addf %get3A_617, %gather3A_618 : vector<16xf32>
        %ge3A_620 = arith.constant 0.000000e+00 : f32
        %ge3A_621 = vector.broadcast %ge3A_620 : f32 to vector<16xf32>
        %ge3A_622 = arith.cmpf oge, %add3A_619, %ge3A_621 : vector<16xf32>
        %mul3A_623 = arith.constant 2.000000e-01 : f32
        %mul3A_624 = vector.broadcast %mul3A_623 : f32 to vector<16xf32>
        %mul3A_625 = arith.mulf %mul3A_624, %add3A_619 : vector<16xf32>
        %select_n3A_626 = arith.select %ge3A_622, %add3A_619, %mul3A_625 : vector<16xi1>, vector<16xf32>
        %exp3A_627 = math.exp %select_n3A_626 : vector<16xf32>
        tpu.vector_store_idx %arg27[%get3A_608], %exp3A_627 masked %lt3A_615 {add = true} : memref<320xf32, #tpu.memory_space<vmem>>[vector<16xi32>], vector<16xf32>, vector<16xi1>
        %jit3A_628 = arith.constant 0.000000e+00 : f32
        %broadcast_in_dim3A_629 = vector.broadcast %jit3A_628 : f32 to vector<16xf32>
        %select_n3A_630 = arith.select %lt3A_615, %exp3A_627, %broadcast_in_dim3A_629 : vector<16xi1>, vector<16xf32>
        %swap3A_631 = arith.constant 48 : index
        %swap3A_632 = tpu.vector_load %arg23[%swap3A_631] {strides = array<i32>} : memref<128xf32, #tpu.memory_space<vmem>>, vector<16xf32>,
        tpu.vector_store %arg23[%swap3A_631], %select_n3A_630 {strides = array<i32>} : memref<128xf32, #tpu.memory_space<vmem>>, vector<16xf32>,
        %get3A_633 = arith.constant 48 : index
        %get3A_634 = tpu.vector_load %arg20[%get3A_633] {strides = array<i32>} : memref<128xf32, #tpu.memory_space<vmem>>, vector<16xf32>,
        %gather3A_635 = tpu.vector_load_idx %arg32[%get3A_608] : memref<320xf32, #tpu.memory_space<vmem>>[vector<16xi32>], vector<16xf32>,
        %add3A_636 = arith.addf %get3A_634, %gather3A_635 : vector<16xf32>
        %ge3A_637 = arith.constant 0.000000e+00 : f32
        %ge3A_638 = vector.broadcast %ge3A_637 : f32 to vector<16xf32>
        %ge3A_639 = arith.cmpf oge, %add3A_636, %ge3A_638 : vector<16xf32>
        %mul3A_640 = arith.constant 2.000000e-01 : f32
        %mul3A_641 = vector.broadcast %mul3A_640 : f32 to vector<16xf32>
        %mul3A_642 = arith.mulf %mul3A_641, %add3A_636 : vector<16xf32>
        %select_n3A_643 = arith.select %ge3A_639, %add3A_636, %mul3A_642 : vector<16xi1>, vector<16xf32>
        %exp3A_644 = math.exp %select_n3A_643 : vector<16xf32>
        tpu.vector_store_idx %arg28[%get3A_608], %exp3A_644 masked %lt3A_615 {add = true} : memref<320xf32, #tpu.memory_space<vmem>>[vector<16xi32>], vector<16xf32>, vector<16xi1>
        %jit3A_645 = arith.constant 0.000000e+00 : f32
        %broadcast_in_dim3A_646 = vector.broadcast %jit3A_645 : f32 to vector<16xf32>
        %select_n3A_647 = arith.select %lt3A_615, %exp3A_644, %broadcast_in_dim3A_646 : vector<16xi1>, vector<16xf32>
        %swap3A_648 = arith.constant 48 : index
        %swap3A_649 = tpu.vector_load %arg24[%swap3A_648] {strides = array<i32>} : memref<128xf32, #tpu.memory_space<vmem>>, vector<16xf32>,
        tpu.vector_store %arg24[%swap3A_648], %select_n3A_647 {strides = array<i32>} : memref<128xf32, #tpu.memory_space<vmem>>, vector<16xf32>,
        %get3A_650 = arith.constant 48 : index
        %get3A_651 = tpu.vector_load %arg21[%get3A_650] {strides = array<i32>} : memref<128xf32, #tpu.memory_space<vmem>>, vector<16xf32>,
        %gather3A_652 = tpu.vector_load_idx %arg33[%get3A_608] : memref<320xf32, #tpu.memory_space<vmem>>[vector<16xi32>], vector<16xf32>,
        %add3A_653 = arith.addf %get3A_651, %gather3A_652 : vector<16xf32>
        %ge3A_654 = arith.constant 0.000000e+00 : f32
        %ge3A_655 = vector.broadcast %ge3A_654 : f32 to vector<16xf32>
        %ge3A_656 = arith.cmpf oge, %add3A_653, %ge3A_655 : vector<16xf32>
        %mul3A_657 = arith.constant 2.000000e-01 : f32
        %mul3A_658 = vector.broadcast %mul3A_657 : f32 to vector<16xf32>
        %mul3A_659 = arith.mulf %mul3A_658, %add3A_653 : vector<16xf32>
        %select_n3A_660 = arith.select %ge3A_656, %add3A_653, %mul3A_659 : vector<16xi1>, vector<16xf32>
        %exp3A_661 = math.exp %select_n3A_660 : vector<16xf32>
        tpu.vector_store_idx %arg29[%get3A_608], %exp3A_661 masked %lt3A_615 {add = true} : memref<320xf32, #tpu.memory_space<vmem>>[vector<16xi32>], vector<16xf32>, vector<16xi1>
        %jit3A_662 = arith.constant 0.000000e+00 : f32
        %broadcast_in_dim3A_663 = vector.broadcast %jit3A_662 : f32 to vector<16xf32>
        %select_n3A_664 = arith.select %lt3A_615, %exp3A_661, %broadcast_in_dim3A_663 : vector<16xi1>, vector<16xf32>
        %swap3A_665 = arith.constant 48 : index
        %swap3A_666 = tpu.vector_load %arg25[%swap3A_665] {strides = array<i32>} : memref<128xf32, #tpu.memory_space<vmem>>, vector<16xf32>,
        tpu.vector_store %arg25[%swap3A_665], %select_n3A_664 {strides = array<i32>} : memref<128xf32, #tpu.memory_space<vmem>>, vector<16xf32>,
        %get3A_667 = arith.constant 48 : index
        %get3A_668 = tpu.vector_load %arg22[%get3A_667] {strides = array<i32>} : memref<128xf32, #tpu.memory_space<vmem>>, vector<16xf32>,
        %gather3A_669 = tpu.vector_load_idx %arg34[%get3A_608] : memref<320xf32, #tpu.memory_space<vmem>>[vector<16xi32>], vector<16xf32>,
        %add3A_670 = arith.addf %get3A_668, %gather3A_669 : vector<16xf32>
        %ge3A_671 = arith.constant 0.000000e+00 : f32
        %ge3A_672 = vector.broadcast %ge3A_671 : f32 to vector<16xf32>
        %ge3A_673 = arith.cmpf oge, %add3A_670, %ge3A_672 : vector<16xf32>
        %mul3A_674 = arith.constant 2.000000e-01 : f32
        %mul3A_675 = vector.broadcast %mul3A_674 : f32 to vector<16xf32>
        %mul3A_676 = arith.mulf %mul3A_675, %add3A_670 : vector<16xf32>
        %select_n3A_677 = arith.select %ge3A_673, %add3A_670, %mul3A_676 : vector<16xi1>, vector<16xf32>
        %exp3A_678 = math.exp %select_n3A_677 : vector<16xf32>
        tpu.vector_store_idx %arg30[%get3A_608], %exp3A_678 masked %lt3A_615 {add = true} : memref<320xf32, #tpu.memory_space<vmem>>[vector<16xi32>], vector<16xf32>, vector<16xi1>
        %jit3A_679 = arith.constant 0.000000e+00 : f32
        %broadcast_in_dim3A_680 = vector.broadcast %jit3A_679 : f32 to vector<16xf32>
        %select_n3A_681 = arith.select %lt3A_615, %exp3A_678, %broadcast_in_dim3A_680 : vector<16xi1>, vector<16xf32>
        %swap3A_682 = arith.constant 48 : index
        %swap3A_683 = tpu.vector_load %arg26[%swap3A_682] {strides = array<i32>} : memref<128xf32, #tpu.memory_space<vmem>>, vector<16xf32>,
        tpu.vector_store %arg26[%swap3A_682], %select_n3A_681 {strides = array<i32>} : memref<128xf32, #tpu.memory_space<vmem>>, vector<16xf32>,
        %get3A_684 = arith.constant 64 : index
        %get3A_685 = tpu.vector_load %arg18[%get3A_684] {strides = array<i32>} : memref<128xi32, #tpu.memory_space<vmem>>, vector<16xi32>,
        %mul3A_686 = arith.constant 128 : i32
        %mul3A_687 = arith.muli %while3A_124, %mul3A_686 : i32
        %add3A_688 = arith.constant 64 : i32
        %add3A_689 = arith.addi %mul3A_687, %add3A_688 : i32
        %broadcast_in_dim3A_690 = vector.broadcast %add3A_689 : i32 to vector<16xi32>
        %add3A_691 = arith.addi %broadcast_in_dim3A_690, %iota3A : vector<16xi32>
        %lt3A_692 = arith.cmpi slt, %add3A_691, %broadcast_in_dim3A_93 : vector<16xi32>
        %get3A_693 = arith.constant 64 : index
        %get3A_694 = tpu.vector_load %arg19[%get3A_693] {strides = array<i32>} : memref<128xf32, #tpu.memory_space<vmem>>, vector<16xf32>,
        %gather3A_695 = tpu.vector_load_idx %arg31[%get3A_685] : memref<320xf32, #tpu.memory_space<vmem>>[vector<16xi32>], vector<16xf32>,
        %add3A_696 = arith.addf %get3A_694, %gather3A_695 : vector<16xf32>
        %ge3A_697 = arith.constant 0.000000e+00 : f32
        %ge3A_698 = vector.broadcast %ge3A_697 : f32 to vector<16xf32>
        %ge3A_699 = arith.cmpf oge, %add3A_696, %ge3A_698 : vector<16xf32>
        %mul3A_700 = arith.constant 2.000000e-01 : f32
        %mul3A_701 = vector.broadcast %mul3A_700 : f32 to vector<16xf32>
        %mul3A_702 = arith.mulf %mul3A_701, %add3A_696 : vector<16xf32>
        %select_n3A_703 = arith.select %ge3A_699, %add3A_696, %mul3A_702 : vector<16xi1>, vector<16xf32>
        %exp3A_704 = math.exp %select_n3A_703 : vector<16xf32>
        tpu.vector_store_idx %arg27[%get3A_685], %exp3A_704 masked %lt3A_692 {add = true} : memref<320xf32, #tpu.memory_space<vmem>>[vector<16xi32>], vector<16xf32>, vector<16xi1>
        %jit3A_705 = arith.constant 0.000000e+00 : f32
        %broadcast_in_dim3A_706 = vector.broadcast %jit3A_705 : f32 to vector<16xf32>
        %select_n3A_707 = arith.select %lt3A_692, %exp3A_704, %broadcast_in_dim3A_706 : vector<16xi1>, vector<16xf32>
        %swap3A_708 = arith.constant 64 : index
        %swap3A_709 = tpu.vector_load %arg23[%swap3A_708] {strides = array<i32>} : memref<128xf32, #tpu.memory_space<vmem>>, vector<16xf32>,
        tpu.vector_store %arg23[%swap3A_708], %select_n3A_707 {strides = array<i32>} : memref<128xf32, #tpu.memory_space<vmem>>, vector<16xf32>,
        %get3A_710 = arith.constant 64 : index
        %get3A_711 = tpu.vector_load %arg20[%get3A_710] {strides = array<i32>} : memref<128xf32, #tpu.memory_space<vmem>>, vector<16xf32>,
        %gather3A_712 = tpu.vector_load_idx %arg32[%get3A_685] : memref<320xf32, #tpu.memory_space<vmem>>[vector<16xi32>], vector<16xf32>,
        %add3A_713 = arith.addf %get3A_711, %gather3A_712 : vector<16xf32>
        %ge3A_714 = arith.constant 0.000000e+00 : f32
        %ge3A_715 = vector.broadcast %ge3A_714 : f32 to vector<16xf32>
        %ge3A_716 = arith.cmpf oge, %add3A_713, %ge3A_715 : vector<16xf32>
        %mul3A_717 = arith.constant 2.000000e-01 : f32
        %mul3A_718 = vector.broadcast %mul3A_717 : f32 to vector<16xf32>
        %mul3A_719 = arith.mulf %mul3A_718, %add3A_713 : vector<16xf32>
        %select_n3A_720 = arith.select %ge3A_716, %add3A_713, %mul3A_719 : vector<16xi1>, vector<16xf32>
        %exp3A_721 = math.exp %select_n3A_720 : vector<16xf32>
        tpu.vector_store_idx %arg28[%get3A_685], %exp3A_721 masked %lt3A_692 {add = true} : memref<320xf32, #tpu.memory_space<vmem>>[vector<16xi32>], vector<16xf32>, vector<16xi1>
        %jit3A_722 = arith.constant 0.000000e+00 : f32
        %broadcast_in_dim3A_723 = vector.broadcast %jit3A_722 : f32 to vector<16xf32>
        %select_n3A_724 = arith.select %lt3A_692, %exp3A_721, %broadcast_in_dim3A_723 : vector<16xi1>, vector<16xf32>
        %swap3A_725 = arith.constant 64 : index
        %swap3A_726 = tpu.vector_load %arg24[%swap3A_725] {strides = array<i32>} : memref<128xf32, #tpu.memory_space<vmem>>, vector<16xf32>,
        tpu.vector_store %arg24[%swap3A_725], %select_n3A_724 {strides = array<i32>} : memref<128xf32, #tpu.memory_space<vmem>>, vector<16xf32>,
        %get3A_727 = arith.constant 64 : index
        %get3A_728 = tpu.vector_load %arg21[%get3A_727] {strides = array<i32>} : memref<128xf32, #tpu.memory_space<vmem>>, vector<16xf32>,
        %gather3A_729 = tpu.vector_load_idx %arg33[%get3A_685] : memref<320xf32, #tpu.memory_space<vmem>>[vector<16xi32>], vector<16xf32>,
        %add3A_730 = arith.addf %get3A_728, %gather3A_729 : vector<16xf32>
        %ge3A_731 = arith.constant 0.000000e+00 : f32
        %ge3A_732 = vector.broadcast %ge3A_731 : f32 to vector<16xf32>
        %ge3A_733 = arith.cmpf oge, %add3A_730, %ge3A_732 : vector<16xf32>
        %mul3A_734 = arith.constant 2.000000e-01 : f32
        %mul3A_735 = vector.broadcast %mul3A_734 : f32 to vector<16xf32>
        %mul3A_736 = arith.mulf %mul3A_735, %add3A_730 : vector<16xf32>
        %select_n3A_737 = arith.select %ge3A_733, %add3A_730, %mul3A_736 : vector<16xi1>, vector<16xf32>
        %exp3A_738 = math.exp %select_n3A_737 : vector<16xf32>
        tpu.vector_store_idx %arg29[%get3A_685], %exp3A_738 masked %lt3A_692 {add = true} : memref<320xf32, #tpu.memory_space<vmem>>[vector<16xi32>], vector<16xf32>, vector<16xi1>
        %jit3A_739 = arith.constant 0.000000e+00 : f32
        %broadcast_in_dim3A_740 = vector.broadcast %jit3A_739 : f32 to vector<16xf32>
        %select_n3A_741 = arith.select %lt3A_692, %exp3A_738, %broadcast_in_dim3A_740 : vector<16xi1>, vector<16xf32>
        %swap3A_742 = arith.constant 64 : index
        %swap3A_743 = tpu.vector_load %arg25[%swap3A_742] {strides = array<i32>} : memref<128xf32, #tpu.memory_space<vmem>>, vector<16xf32>,
        tpu.vector_store %arg25[%swap3A_742], %select_n3A_741 {strides = array<i32>} : memref<128xf32, #tpu.memory_space<vmem>>, vector<16xf32>,
        %get3A_744 = arith.constant 64 : index
        %get3A_745 = tpu.vector_load %arg22[%get3A_744] {strides = array<i32>} : memref<128xf32, #tpu.memory_space<vmem>>, vector<16xf32>,
        %gather3A_746 = tpu.vector_load_idx %arg34[%get3A_685] : memref<320xf32, #tpu.memory_space<vmem>>[vector<16xi32>], vector<16xf32>,
        %add3A_747 = arith.addf %get3A_745, %gather3A_746 : vector<16xf32>
        %ge3A_748 = arith.constant 0.000000e+00 : f32
        %ge3A_749 = vector.broadcast %ge3A_748 : f32 to vector<16xf32>
        %ge3A_750 = arith.cmpf oge, %add3A_747, %ge3A_749 : vector<16xf32>
        %mul3A_751 = arith.constant 2.000000e-01 : f32
        %mul3A_752 = vector.broadcast %mul3A_751 : f32 to vector<16xf32>
        %mul3A_753 = arith.mulf %mul3A_752, %add3A_747 : vector<16xf32>
        %select_n3A_754 = arith.select %ge3A_750, %add3A_747, %mul3A_753 : vector<16xi1>, vector<16xf32>
        %exp3A_755 = math.exp %select_n3A_754 : vector<16xf32>
        tpu.vector_store_idx %arg30[%get3A_685], %exp3A_755 masked %lt3A_692 {add = true} : memref<320xf32, #tpu.memory_space<vmem>>[vector<16xi32>], vector<16xf32>, vector<16xi1>
        %jit3A_756 = arith.constant 0.000000e+00 : f32
        %broadcast_in_dim3A_757 = vector.broadcast %jit3A_756 : f32 to vector<16xf32>
        %select_n3A_758 = arith.select %lt3A_692, %exp3A_755, %broadcast_in_dim3A_757 : vector<16xi1>, vector<16xf32>
        %swap3A_759 = arith.constant 64 : index
        %swap3A_760 = tpu.vector_load %arg26[%swap3A_759] {strides = array<i32>} : memref<128xf32, #tpu.memory_space<vmem>>, vector<16xf32>,
        tpu.vector_store %arg26[%swap3A_759], %select_n3A_758 {strides = array<i32>} : memref<128xf32, #tpu.memory_space<vmem>>, vector<16xf32>,
        %get3A_761 = arith.constant 80 : index
        %get3A_762 = tpu.vector_load %arg18[%get3A_761] {strides = array<i32>} : memref<128xi32, #tpu.memory_space<vmem>>, vector<16xi32>,
        %mul3A_763 = arith.constant 128 : i32
        %mul3A_764 = arith.muli %while3A_124, %mul3A_763 : i32
        %add3A_765 = arith.constant 80 : i32
        %add3A_766 = arith.addi %mul3A_764, %add3A_765 : i32
        %broadcast_in_dim3A_767 = vector.broadcast %add3A_766 : i32 to vector<16xi32>
        %add3A_768 = arith.addi %broadcast_in_dim3A_767, %iota3A : vector<16xi32>
        %lt3A_769 = arith.cmpi slt, %add3A_768, %broadcast_in_dim3A_93 : vector<16xi32>
        %get3A_770 = arith.constant 80 : index
        %get3A_771 = tpu.vector_load %arg19[%get3A_770] {strides = array<i32>} : memref<128xf32, #tpu.memory_space<vmem>>, vector<16xf32>,
        %gather3A_772 = tpu.vector_load_idx %arg31[%get3A_762] : memref<320xf32, #tpu.memory_space<vmem>>[vector<16xi32>], vector<16xf32>,
        %add3A_773 = arith.addf %get3A_771, %gather3A_772 : vector<16xf32>
        %ge3A_774 = arith.constant 0.000000e+00 : f32
        %ge3A_775 = vector.broadcast %ge3A_774 : f32 to vector<16xf32>
        %ge3A_776 = arith.cmpf oge, %add3A_773, %ge3A_775 : vector<16xf32>
        %mul3A_777 = arith.constant 2.000000e-01 : f32
        %mul3A_778 = vector.broadcast %mul3A_777 : f32 to vector<16xf32>
        %mul3A_779 = arith.mulf %mul3A_778, %add3A_773 : vector<16xf32>
        %select_n3A_780 = arith.select %ge3A_776, %add3A_773, %mul3A_779 : vector<16xi1>, vector<16xf32>
        %exp3A_781 = math.exp %select_n3A_780 : vector<16xf32>
        tpu.vector_store_idx %arg27[%get3A_762], %exp3A_781 masked %lt3A_769 {add = true} : memref<320xf32, #tpu.memory_space<vmem>>[vector<16xi32>], vector<16xf32>, vector<16xi1>
        %jit3A_782 = arith.constant 0.000000e+00 : f32
        %broadcast_in_dim3A_783 = vector.broadcast %jit3A_782 : f32 to vector<16xf32>
        %select_n3A_784 = arith.select %lt3A_769, %exp3A_781, %broadcast_in_dim3A_783 : vector<16xi1>, vector<16xf32>
        %swap3A_785 = arith.constant 80 : index
        %swap3A_786 = tpu.vector_load %arg23[%swap3A_785] {strides = array<i32>} : memref<128xf32, #tpu.memory_space<vmem>>, vector<16xf32>,
        tpu.vector_store %arg23[%swap3A_785], %select_n3A_784 {strides = array<i32>} : memref<128xf32, #tpu.memory_space<vmem>>, vector<16xf32>,
        %get3A_787 = arith.constant 80 : index
        %get3A_788 = tpu.vector_load %arg20[%get3A_787] {strides = array<i32>} : memref<128xf32, #tpu.memory_space<vmem>>, vector<16xf32>,
        %gather3A_789 = tpu.vector_load_idx %arg32[%get3A_762] : memref<320xf32, #tpu.memory_space<vmem>>[vector<16xi32>], vector<16xf32>,
        %add3A_790 = arith.addf %get3A_788, %gather3A_789 : vector<16xf32>
        %ge3A_791 = arith.constant 0.000000e+00 : f32
        %ge3A_792 = vector.broadcast %ge3A_791 : f32 to vector<16xf32>
        %ge3A_793 = arith.cmpf oge, %add3A_790, %ge3A_792 : vector<16xf32>
        %mul3A_794 = arith.constant 2.000000e-01 : f32
        %mul3A_795 = vector.broadcast %mul3A_794 : f32 to vector<16xf32>
        %mul3A_796 = arith.mulf %mul3A_795, %add3A_790 : vector<16xf32>
        %select_n3A_797 = arith.select %ge3A_793, %add3A_790, %mul3A_796 : vector<16xi1>, vector<16xf32>
        %exp3A_798 = math.exp %select_n3A_797 : vector<16xf32>
        tpu.vector_store_idx %arg28[%get3A_762], %exp3A_798 masked %lt3A_769 {add = true} : memref<320xf32, #tpu.memory_space<vmem>>[vector<16xi32>], vector<16xf32>, vector<16xi1>
        %jit3A_799 = arith.constant 0.000000e+00 : f32
        %broadcast_in_dim3A_800 = vector.broadcast %jit3A_799 : f32 to vector<16xf32>
        %select_n3A_801 = arith.select %lt3A_769, %exp3A_798, %broadcast_in_dim3A_800 : vector<16xi1>, vector<16xf32>
        %swap3A_802 = arith.constant 80 : index
        %swap3A_803 = tpu.vector_load %arg24[%swap3A_802] {strides = array<i32>} : memref<128xf32, #tpu.memory_space<vmem>>, vector<16xf32>,
        tpu.vector_store %arg24[%swap3A_802], %select_n3A_801 {strides = array<i32>} : memref<128xf32, #tpu.memory_space<vmem>>, vector<16xf32>,
        %get3A_804 = arith.constant 80 : index
        %get3A_805 = tpu.vector_load %arg21[%get3A_804] {strides = array<i32>} : memref<128xf32, #tpu.memory_space<vmem>>, vector<16xf32>,
        %gather3A_806 = tpu.vector_load_idx %arg33[%get3A_762] : memref<320xf32, #tpu.memory_space<vmem>>[vector<16xi32>], vector<16xf32>,
        %add3A_807 = arith.addf %get3A_805, %gather3A_806 : vector<16xf32>
        %ge3A_808 = arith.constant 0.000000e+00 : f32
        %ge3A_809 = vector.broadcast %ge3A_808 : f32 to vector<16xf32>
        %ge3A_810 = arith.cmpf oge, %add3A_807, %ge3A_809 : vector<16xf32>
        %mul3A_811 = arith.constant 2.000000e-01 : f32
        %mul3A_812 = vector.broadcast %mul3A_811 : f32 to vector<16xf32>
        %mul3A_813 = arith.mulf %mul3A_812, %add3A_807 : vector<16xf32>
        %select_n3A_814 = arith.select %ge3A_810, %add3A_807, %mul3A_813 : vector<16xi1>, vector<16xf32>
        %exp3A_815 = math.exp %select_n3A_814 : vector<16xf32>
        tpu.vector_store_idx %arg29[%get3A_762], %exp3A_815 masked %lt3A_769 {add = true} : memref<320xf32, #tpu.memory_space<vmem>>[vector<16xi32>], vector<16xf32>, vector<16xi1>
        %jit3A_816 = arith.constant 0.000000e+00 : f32
        %broadcast_in_dim3A_817 = vector.broadcast %jit3A_816 : f32 to vector<16xf32>
        %select_n3A_818 = arith.select %lt3A_769, %exp3A_815, %broadcast_in_dim3A_817 : vector<16xi1>, vector<16xf32>
        %swap3A_819 = arith.constant 80 : index
        %swap3A_820 = tpu.vector_load %arg25[%swap3A_819] {strides = array<i32>} : memref<128xf32, #tpu.memory_space<vmem>>, vector<16xf32>,
        tpu.vector_store %arg25[%swap3A_819], %select_n3A_818 {strides = array<i32>} : memref<128xf32, #tpu.memory_space<vmem>>, vector<16xf32>,
        %get3A_821 = arith.constant 80 : index
        %get3A_822 = tpu.vector_load %arg22[%get3A_821] {strides = array<i32>} : memref<128xf32, #tpu.memory_space<vmem>>, vector<16xf32>,
        %gather3A_823 = tpu.vector_load_idx %arg34[%get3A_762] : memref<320xf32, #tpu.memory_space<vmem>>[vector<16xi32>], vector<16xf32>,
        %add3A_824 = arith.addf %get3A_822, %gather3A_823 : vector<16xf32>
        %ge3A_825 = arith.constant 0.000000e+00 : f32
        %ge3A_826 = vector.broadcast %ge3A_825 : f32 to vector<16xf32>
        %ge3A_827 = arith.cmpf oge, %add3A_824, %ge3A_826 : vector<16xf32>
        %mul3A_828 = arith.constant 2.000000e-01 : f32
        %mul3A_829 = vector.broadcast %mul3A_828 : f32 to vector<16xf32>
        %mul3A_830 = arith.mulf %mul3A_829, %add3A_824 : vector<16xf32>
        %select_n3A_831 = arith.select %ge3A_827, %add3A_824, %mul3A_830 : vector<16xi1>, vector<16xf32>
        %exp3A_832 = math.exp %select_n3A_831 : vector<16xf32>
        tpu.vector_store_idx %arg30[%get3A_762], %exp3A_832 masked %lt3A_769 {add = true} : memref<320xf32, #tpu.memory_space<vmem>>[vector<16xi32>], vector<16xf32>, vector<16xi1>
        %jit3A_833 = arith.constant 0.000000e+00 : f32
        %broadcast_in_dim3A_834 = vector.broadcast %jit3A_833 : f32 to vector<16xf32>
        %select_n3A_835 = arith.select %lt3A_769, %exp3A_832, %broadcast_in_dim3A_834 : vector<16xi1>, vector<16xf32>
        %swap3A_836 = arith.constant 80 : index
        %swap3A_837 = tpu.vector_load %arg26[%swap3A_836] {strides = array<i32>} : memref<128xf32, #tpu.memory_space<vmem>>, vector<16xf32>,
        tpu.vector_store %arg26[%swap3A_836], %select_n3A_835 {strides = array<i32>} : memref<128xf32, #tpu.memory_space<vmem>>, vector<16xf32>,
        %get3A_838 = arith.constant 96 : index
        %get3A_839 = tpu.vector_load %arg18[%get3A_838] {strides = array<i32>} : memref<128xi32, #tpu.memory_space<vmem>>, vector<16xi32>,
        %mul3A_840 = arith.constant 128 : i32
        %mul3A_841 = arith.muli %while3A_124, %mul3A_840 : i32
        %add3A_842 = arith.constant 96 : i32
        %add3A_843 = arith.addi %mul3A_841, %add3A_842 : i32
        %broadcast_in_dim3A_844 = vector.broadcast %add3A_843 : i32 to vector<16xi32>
        %add3A_845 = arith.addi %broadcast_in_dim3A_844, %iota3A : vector<16xi32>
        %lt3A_846 = arith.cmpi slt, %add3A_845, %broadcast_in_dim3A_93 : vector<16xi32>
        %get3A_847 = arith.constant 96 : index
        %get3A_848 = tpu.vector_load %arg19[%get3A_847] {strides = array<i32>} : memref<128xf32, #tpu.memory_space<vmem>>, vector<16xf32>,
        %gather3A_849 = tpu.vector_load_idx %arg31[%get3A_839] : memref<320xf32, #tpu.memory_space<vmem>>[vector<16xi32>], vector<16xf32>,
        %add3A_850 = arith.addf %get3A_848, %gather3A_849 : vector<16xf32>
        %ge3A_851 = arith.constant 0.000000e+00 : f32
        %ge3A_852 = vector.broadcast %ge3A_851 : f32 to vector<16xf32>
        %ge3A_853 = arith.cmpf oge, %add3A_850, %ge3A_852 : vector<16xf32>
        %mul3A_854 = arith.constant 2.000000e-01 : f32
        %mul3A_855 = vector.broadcast %mul3A_854 : f32 to vector<16xf32>
        %mul3A_856 = arith.mulf %mul3A_855, %add3A_850 : vector<16xf32>
        %select_n3A_857 = arith.select %ge3A_853, %add3A_850, %mul3A_856 : vector<16xi1>, vector<16xf32>
        %exp3A_858 = math.exp %select_n3A_857 : vector<16xf32>
        tpu.vector_store_idx %arg27[%get3A_839], %exp3A_858 masked %lt3A_846 {add = true} : memref<320xf32, #tpu.memory_space<vmem>>[vector<16xi32>], vector<16xf32>, vector<16xi1>
        %jit3A_859 = arith.constant 0.000000e+00 : f32
        %broadcast_in_dim3A_860 = vector.broadcast %jit3A_859 : f32 to vector<16xf32>
        %select_n3A_861 = arith.select %lt3A_846, %exp3A_858, %broadcast_in_dim3A_860 : vector<16xi1>, vector<16xf32>
        %swap3A_862 = arith.constant 96 : index
        %swap3A_863 = tpu.vector_load %arg23[%swap3A_862] {strides = array<i32>} : memref<128xf32, #tpu.memory_space<vmem>>, vector<16xf32>,
        tpu.vector_store %arg23[%swap3A_862], %select_n3A_861 {strides = array<i32>} : memref<128xf32, #tpu.memory_space<vmem>>, vector<16xf32>,
        %get3A_864 = arith.constant 96 : index
        %get3A_865 = tpu.vector_load %arg20[%get3A_864] {strides = array<i32>} : memref<128xf32, #tpu.memory_space<vmem>>, vector<16xf32>,
        %gather3A_866 = tpu.vector_load_idx %arg32[%get3A_839] : memref<320xf32, #tpu.memory_space<vmem>>[vector<16xi32>], vector<16xf32>,
        %add3A_867 = arith.addf %get3A_865, %gather3A_866 : vector<16xf32>
        %ge3A_868 = arith.constant 0.000000e+00 : f32
        %ge3A_869 = vector.broadcast %ge3A_868 : f32 to vector<16xf32>
        %ge3A_870 = arith.cmpf oge, %add3A_867, %ge3A_869 : vector<16xf32>
        %mul3A_871 = arith.constant 2.000000e-01 : f32
        %mul3A_872 = vector.broadcast %mul3A_871 : f32 to vector<16xf32>
        %mul3A_873 = arith.mulf %mul3A_872, %add3A_867 : vector<16xf32>
        %select_n3A_874 = arith.select %ge3A_870, %add3A_867, %mul3A_873 : vector<16xi1>, vector<16xf32>
        %exp3A_875 = math.exp %select_n3A_874 : vector<16xf32>
        tpu.vector_store_idx %arg28[%get3A_839], %exp3A_875 masked %lt3A_846 {add = true} : memref<320xf32, #tpu.memory_space<vmem>>[vector<16xi32>], vector<16xf32>, vector<16xi1>
        %jit3A_876 = arith.constant 0.000000e+00 : f32
        %broadcast_in_dim3A_877 = vector.broadcast %jit3A_876 : f32 to vector<16xf32>
        %select_n3A_878 = arith.select %lt3A_846, %exp3A_875, %broadcast_in_dim3A_877 : vector<16xi1>, vector<16xf32>
        %swap3A_879 = arith.constant 96 : index
        %swap3A_880 = tpu.vector_load %arg24[%swap3A_879] {strides = array<i32>} : memref<128xf32, #tpu.memory_space<vmem>>, vector<16xf32>,
        tpu.vector_store %arg24[%swap3A_879], %select_n3A_878 {strides = array<i32>} : memref<128xf32, #tpu.memory_space<vmem>>, vector<16xf32>,
        %get3A_881 = arith.constant 96 : index
        %get3A_882 = tpu.vector_load %arg21[%get3A_881] {strides = array<i32>} : memref<128xf32, #tpu.memory_space<vmem>>, vector<16xf32>,
        %gather3A_883 = tpu.vector_load_idx %arg33[%get3A_839] : memref<320xf32, #tpu.memory_space<vmem>>[vector<16xi32>], vector<16xf32>,
        %add3A_884 = arith.addf %get3A_882, %gather3A_883 : vector<16xf32>
        %ge3A_885 = arith.constant 0.000000e+00 : f32
        %ge3A_886 = vector.broadcast %ge3A_885 : f32 to vector<16xf32>
        %ge3A_887 = arith.cmpf oge, %add3A_884, %ge3A_886 : vector<16xf32>
        %mul3A_888 = arith.constant 2.000000e-01 : f32
        %mul3A_889 = vector.broadcast %mul3A_888 : f32 to vector<16xf32>
        %mul3A_890 = arith.mulf %mul3A_889, %add3A_884 : vector<16xf32>
        %select_n3A_891 = arith.select %ge3A_887, %add3A_884, %mul3A_890 : vector<16xi1>, vector<16xf32>
        %exp3A_892 = math.exp %select_n3A_891 : vector<16xf32>
        tpu.vector_store_idx %arg29[%get3A_839], %exp3A_892 masked %lt3A_846 {add = true} : memref<320xf32, #tpu.memory_space<vmem>>[vector<16xi32>], vector<16xf32>, vector<16xi1>
        %jit3A_893 = arith.constant 0.000000e+00 : f32
        %broadcast_in_dim3A_894 = vector.broadcast %jit3A_893 : f32 to vector<16xf32>
        %select_n3A_895 = arith.select %lt3A_846, %exp3A_892, %broadcast_in_dim3A_894 : vector<16xi1>, vector<16xf32>
        %swap3A_896 = arith.constant 96 : index
        %swap3A_897 = tpu.vector_load %arg25[%swap3A_896] {strides = array<i32>} : memref<128xf32, #tpu.memory_space<vmem>>, vector<16xf32>,
        tpu.vector_store %arg25[%swap3A_896], %select_n3A_895 {strides = array<i32>} : memref<128xf32, #tpu.memory_space<vmem>>, vector<16xf32>,
        %get3A_898 = arith.constant 96 : index
        %get3A_899 = tpu.vector_load %arg22[%get3A_898] {strides = array<i32>} : memref<128xf32, #tpu.memory_space<vmem>>, vector<16xf32>,
        %gather3A_900 = tpu.vector_load_idx %arg34[%get3A_839] : memref<320xf32, #tpu.memory_space<vmem>>[vector<16xi32>], vector<16xf32>,
        %add3A_901 = arith.addf %get3A_899, %gather3A_900 : vector<16xf32>
        %ge3A_902 = arith.constant 0.000000e+00 : f32
        %ge3A_903 = vector.broadcast %ge3A_902 : f32 to vector<16xf32>
        %ge3A_904 = arith.cmpf oge, %add3A_901, %ge3A_903 : vector<16xf32>
        %mul3A_905 = arith.constant 2.000000e-01 : f32
        %mul3A_906 = vector.broadcast %mul3A_905 : f32 to vector<16xf32>
        %mul3A_907 = arith.mulf %mul3A_906, %add3A_901 : vector<16xf32>
        %select_n3A_908 = arith.select %ge3A_904, %add3A_901, %mul3A_907 : vector<16xi1>, vector<16xf32>
        %exp3A_909 = math.exp %select_n3A_908 : vector<16xf32>
        tpu.vector_store_idx %arg30[%get3A_839], %exp3A_909 masked %lt3A_846 {add = true} : memref<320xf32, #tpu.memory_space<vmem>>[vector<16xi32>], vector<16xf32>, vector<16xi1>
        %jit3A_910 = arith.constant 0.000000e+00 : f32
        %broadcast_in_dim3A_911 = vector.broadcast %jit3A_910 : f32 to vector<16xf32>
        %select_n3A_912 = arith.select %lt3A_846, %exp3A_909, %broadcast_in_dim3A_911 : vector<16xi1>, vector<16xf32>
        %swap3A_913 = arith.constant 96 : index
        %swap3A_914 = tpu.vector_load %arg26[%swap3A_913] {strides = array<i32>} : memref<128xf32, #tpu.memory_space<vmem>>, vector<16xf32>,
        tpu.vector_store %arg26[%swap3A_913], %select_n3A_912 {strides = array<i32>} : memref<128xf32, #tpu.memory_space<vmem>>, vector<16xf32>,
        %get3A_915 = arith.constant 112 : index
        %get3A_916 = tpu.vector_load %arg18[%get3A_915] {strides = array<i32>} : memref<128xi32, #tpu.memory_space<vmem>>, vector<16xi32>,
        %mul3A_917 = arith.constant 128 : i32
        %mul3A_918 = arith.muli %while3A_124, %mul3A_917 : i32
        %add3A_919 = arith.constant 112 : i32
        %add3A_920 = arith.addi %mul3A_918, %add3A_919 : i32
        %broadcast_in_dim3A_921 = vector.broadcast %add3A_920 : i32 to vector<16xi32>
        %add3A_922 = arith.addi %broadcast_in_dim3A_921, %iota3A : vector<16xi32>
        %lt3A_923 = arith.cmpi slt, %add3A_922, %broadcast_in_dim3A_93 : vector<16xi32>
        %get3A_924 = arith.constant 112 : index
        %get3A_925 = tpu.vector_load %arg19[%get3A_924] {strides = array<i32>} : memref<128xf32, #tpu.memory_space<vmem>>, vector<16xf32>,
        %gather3A_926 = tpu.vector_load_idx %arg31[%get3A_916] : memref<320xf32, #tpu.memory_space<vmem>>[vector<16xi32>], vector<16xf32>,
        %add3A_927 = arith.addf %get3A_925, %gather3A_926 : vector<16xf32>
        %ge3A_928 = arith.constant 0.000000e+00 : f32
        %ge3A_929 = vector.broadcast %ge3A_928 : f32 to vector<16xf32>
        %ge3A_930 = arith.cmpf oge, %add3A_927, %ge3A_929 : vector<16xf32>
        %mul3A_931 = arith.constant 2.000000e-01 : f32
        %mul3A_932 = vector.broadcast %mul3A_931 : f32 to vector<16xf32>
        %mul3A_933 = arith.mulf %mul3A_932, %add3A_927 : vector<16xf32>
        %select_n3A_934 = arith.select %ge3A_930, %add3A_927, %mul3A_933 : vector<16xi1>, vector<16xf32>
        %exp3A_935 = math.exp %select_n3A_934 : vector<16xf32>
        tpu.vector_store_idx %arg27[%get3A_916], %exp3A_935 masked %lt3A_923 {add = true} : memref<320xf32, #tpu.memory_space<vmem>>[vector<16xi32>], vector<16xf32>, vector<16xi1>
        %jit3A_936 = arith.constant 0.000000e+00 : f32
        %broadcast_in_dim3A_937 = vector.broadcast %jit3A_936 : f32 to vector<16xf32>
        %select_n3A_938 = arith.select %lt3A_923, %exp3A_935, %broadcast_in_dim3A_937 : vector<16xi1>, vector<16xf32>
        %swap3A_939 = arith.constant 112 : index
        %swap3A_940 = tpu.vector_load %arg23[%swap3A_939] {strides = array<i32>} : memref<128xf32, #tpu.memory_space<vmem>>, vector<16xf32>,
        tpu.vector_store %arg23[%swap3A_939], %select_n3A_938 {strides = array<i32>} : memref<128xf32, #tpu.memory_space<vmem>>, vector<16xf32>,
        %get3A_941 = arith.constant 112 : index
        %get3A_942 = tpu.vector_load %arg20[%get3A_941] {strides = array<i32>} : memref<128xf32, #tpu.memory_space<vmem>>, vector<16xf32>,
        %gather3A_943 = tpu.vector_load_idx %arg32[%get3A_916] : memref<320xf32, #tpu.memory_space<vmem>>[vector<16xi32>], vector<16xf32>,
        %add3A_944 = arith.addf %get3A_942, %gather3A_943 : vector<16xf32>
        %ge3A_945 = arith.constant 0.000000e+00 : f32
        %ge3A_946 = vector.broadcast %ge3A_945 : f32 to vector<16xf32>
        %ge3A_947 = arith.cmpf oge, %add3A_944, %ge3A_946 : vector<16xf32>
        %mul3A_948 = arith.constant 2.000000e-01 : f32
        %mul3A_949 = vector.broadcast %mul3A_948 : f32 to vector<16xf32>
        %mul3A_950 = arith.mulf %mul3A_949, %add3A_944 : vector<16xf32>
        %select_n3A_951 = arith.select %ge3A_947, %add3A_944, %mul3A_950 : vector<16xi1>, vector<16xf32>
        %exp3A_952 = math.exp %select_n3A_951 : vector<16xf32>
        tpu.vector_store_idx %arg28[%get3A_916], %exp3A_952 masked %lt3A_923 {add = true} : memref<320xf32, #tpu.memory_space<vmem>>[vector<16xi32>], vector<16xf32>, vector<16xi1>
        %jit3A_953 = arith.constant 0.000000e+00 : f32
        %broadcast_in_dim3A_954 = vector.broadcast %jit3A_953 : f32 to vector<16xf32>
        %select_n3A_955 = arith.select %lt3A_923, %exp3A_952, %broadcast_in_dim3A_954 : vector<16xi1>, vector<16xf32>
        %swap3A_956 = arith.constant 112 : index
        %swap3A_957 = tpu.vector_load %arg24[%swap3A_956] {strides = array<i32>} : memref<128xf32, #tpu.memory_space<vmem>>, vector<16xf32>,
        tpu.vector_store %arg24[%swap3A_956], %select_n3A_955 {strides = array<i32>} : memref<128xf32, #tpu.memory_space<vmem>>, vector<16xf32>,
        %get3A_958 = arith.constant 112 : index
        %get3A_959 = tpu.vector_load %arg21[%get3A_958] {strides = array<i32>} : memref<128xf32, #tpu.memory_space<vmem>>, vector<16xf32>,
        %gather3A_960 = tpu.vector_load_idx %arg33[%get3A_916] : memref<320xf32, #tpu.memory_space<vmem>>[vector<16xi32>], vector<16xf32>,
        %add3A_961 = arith.addf %get3A_959, %gather3A_960 : vector<16xf32>
        %ge3A_962 = arith.constant 0.000000e+00 : f32
        %ge3A_963 = vector.broadcast %ge3A_962 : f32 to vector<16xf32>
        %ge3A_964 = arith.cmpf oge, %add3A_961, %ge3A_963 : vector<16xf32>
        %mul3A_965 = arith.constant 2.000000e-01 : f32
        %mul3A_966 = vector.broadcast %mul3A_965 : f32 to vector<16xf32>
        %mul3A_967 = arith.mulf %mul3A_966, %add3A_961 : vector<16xf32>
        %select_n3A_968 = arith.select %ge3A_964, %add3A_961, %mul3A_967 : vector<16xi1>, vector<16xf32>
        %exp3A_969 = math.exp %select_n3A_968 : vector<16xf32>
        tpu.vector_store_idx %arg29[%get3A_916], %exp3A_969 masked %lt3A_923 {add = true} : memref<320xf32, #tpu.memory_space<vmem>>[vector<16xi32>], vector<16xf32>, vector<16xi1>
        %jit3A_970 = arith.constant 0.000000e+00 : f32
        %broadcast_in_dim3A_971 = vector.broadcast %jit3A_970 : f32 to vector<16xf32>
        %select_n3A_972 = arith.select %lt3A_923, %exp3A_969, %broadcast_in_dim3A_971 : vector<16xi1>, vector<16xf32>
        %swap3A_973 = arith.constant 112 : index
        %swap3A_974 = tpu.vector_load %arg25[%swap3A_973] {strides = array<i32>} : memref<128xf32, #tpu.memory_space<vmem>>, vector<16xf32>,
        tpu.vector_store %arg25[%swap3A_973], %select_n3A_972 {strides = array<i32>} : memref<128xf32, #tpu.memory_space<vmem>>, vector<16xf32>,
        %get3A_975 = arith.constant 112 : index
        %get3A_976 = tpu.vector_load %arg22[%get3A_975] {strides = array<i32>} : memref<128xf32, #tpu.memory_space<vmem>>, vector<16xf32>,
        %gather3A_977 = tpu.vector_load_idx %arg34[%get3A_916] : memref<320xf32, #tpu.memory_space<vmem>>[vector<16xi32>], vector<16xf32>,
        %add3A_978 = arith.addf %get3A_976, %gather3A_977 : vector<16xf32>
        %ge3A_979 = arith.constant 0.000000e+00 : f32
        %ge3A_980 = vector.broadcast %ge3A_979 : f32 to vector<16xf32>
        %ge3A_981 = arith.cmpf oge, %add3A_978, %ge3A_980 : vector<16xf32>
        %mul3A_982 = arith.constant 2.000000e-01 : f32
        %mul3A_983 = vector.broadcast %mul3A_982 : f32 to vector<16xf32>
        %mul3A_984 = arith.mulf %mul3A_983, %add3A_978 : vector<16xf32>
        %select_n3A_985 = arith.select %ge3A_981, %add3A_978, %mul3A_984 : vector<16xi1>, vector<16xf32>
        %exp3A_986 = math.exp %select_n3A_985 : vector<16xf32>
        tpu.vector_store_idx %arg30[%get3A_916], %exp3A_986 masked %lt3A_923 {add = true} : memref<320xf32, #tpu.memory_space<vmem>>[vector<16xi32>], vector<16xf32>, vector<16xi1>
        %jit3A_987 = arith.constant 0.000000e+00 : f32
        %broadcast_in_dim3A_988 = vector.broadcast %jit3A_987 : f32 to vector<16xf32>
        %select_n3A_989 = arith.select %lt3A_923, %exp3A_986, %broadcast_in_dim3A_988 : vector<16xi1>, vector<16xf32>
        %swap3A_990 = arith.constant 112 : index
        %swap3A_991 = tpu.vector_load %arg26[%swap3A_990] {strides = array<i32>} : memref<128xf32, #tpu.memory_space<vmem>>, vector<16xf32>,
        tpu.vector_store %arg26[%swap3A_990], %select_n3A_989 {strides = array<i32>} : memref<128xf32, #tpu.memory_space<vmem>>, vector<16xf32>,
        %scan3A_992 = arith.constant 0 : i32
        %scan3A_993 = arith.constant 0 : i32
        %scan3A_994 = arith.constant 128 : i32
        %scan3A_995 = arith.addi %scan3A_993, %scan3A_994 : i32
        %scan3A_996 = arith.constant 1 : i32
        %scan3A_997 = scf.for %scan3A_1000 = %scan3A_993 to %scan3A_995 step %scan3A_996 iter_args(%scan3A_1001 = %scan3A_992) -> (i32)  : i32 {
          %jit3A_1002 = arith.constant 16 : i32
          %div3A_1003 = arith.divsi %scan3A_1000, %jit3A_1002 : i32
          %sign3A_1004 = arith.constant 0 : i32
          %sign3A_1005 = arith.cmpi sgt, %scan3A_1000, %sign3A_1004 : i32
          %sign3A_1006 = arith.extui %sign3A_1005 : i1 to i32
          %sign3A_1007 = arith.constant 0 : i32
          %sign3A_1008 = arith.cmpi slt, %scan3A_1000, %sign3A_1007 : i32
          %sign3A_1009 = arith.extui %sign3A_1008 : i1 to i32
          %sign3A_1010 = arith.subi %sign3A_1006, %sign3A_1009 : i32
          %sign3A_1011 = arith.constant 0 : i32
          %sign3A_1012 = arith.cmpi sgt, %jit3A_1002, %sign3A_1011 : i32
          %sign3A_1013 = arith.extui %sign3A_1012 : i1 to i32
          %sign3A_1014 = arith.constant 0 : i32
          %sign3A_1015 = arith.cmpi slt, %jit3A_1002, %sign3A_1014 : i32
          %sign3A_1016 = arith.extui %sign3A_1015 : i1 to i32
          %sign3A_1017 = arith.subi %sign3A_1013, %sign3A_1016 : i32
          %ne3A_1018 = arith.cmpi ne, %sign3A_1010, %sign3A_1017 : i32
          %rem3A_1019 = arith.remsi %scan3A_1000, %jit3A_1002 : i32
          %ne3A_1020 = arith.constant 0 : i32
          %ne3A_1021 = arith.cmpi ne, %rem3A_1019, %ne3A_1020 : i32
          %and3A_1022 = arith.andi %ne3A_1018, %ne3A_1021 : i1
          %sub3A_1023 = arith.constant 1 : i32
          %sub3A_1024 = arith.subi %div3A_1003, %sub3A_1023 : i32
          %select_n3A_1025 = arith.select %and3A_1022, %sub3A_1024, %div3A_1003 : i32
          %mul3A_1026 = arith.constant 16 : i32
          %mul3A_1027 = arith.muli %select_n3A_1025, %mul3A_1026 : i32
          %sub3A_1028 = arith.subi %scan3A_1000, %mul3A_1027 : i32
          %broadcast_in_dim3A_1029 = vector.broadcast %sub3A_1028 : i32 to vector<16xi32>
          %get3A_1030 = arith.index_cast %mul3A_1027 : i32 to index
          %get3A_1031 = tpu.vector_load %arg18[%get3A_1030] {strides = array<i32>} : memref<128xi32, #tpu.memory_space<vmem>>, vector<16xi32>,
          %lt3A_1032 = arith.constant 0 : i32
          %lt3A_1033 = vector.broadcast %lt3A_1032 : i32 to vector<16xi32>
          %lt3A_1034 = arith.cmpi slt, %broadcast_in_dim3A_1029, %lt3A_1033 : vector<16xi32>
          %add3A_1035 = arith.constant 16 : i32
          %add3A_1036 = vector.broadcast %add3A_1035 : i32 to vector<16xi32>
          %add3A_1037 = arith.addi %broadcast_in_dim3A_1029, %add3A_1036 : vector<16xi32>
          %select_n3A_1038 = arith.select %lt3A_1034, %add3A_1037, %broadcast_in_dim3A_1029 : vector<16xi1>, vector<16xi32>
          %broadcast_in_dim3A_1039 = vector.shape_cast %select_n3A_1038 : vector<16xi32> to vector<16x1xi32>
          %gather3A_1040 = vector.shape_cast %broadcast_in_dim3A_1039 : vector<16x1xi32> to vector<16xi32>
          %gather3A_1041 = tpu.dynamic_gather %get3A_1031[%gather3A_1040] in [0] : vector<16xi32>, vector<16xi32> -> vector<16xi32>
          %get3A_1042 = arith.index_cast %mul3A_1027 : i32 to index
          %get3A_1043 = tpu.vector_load %arg23[%get3A_1042] {strides = array<i32>} : memref<128xf32, #tpu.memory_space<vmem>>, vector<16xf32>,
          %lt3A_1044 = arith.constant 0 : i32
          %lt3A_1045 = vector.broadcast %lt3A_1044 : i32 to vector<16xi32>
          %lt3A_1046 = arith.cmpi slt, %broadcast_in_dim3A_1029, %lt3A_1045 : vector<16xi32>
          %add3A_1047 = arith.constant 16 : i32
          %add3A_1048 = vector.broadcast %add3A_1047 : i32 to vector<16xi32>
          %add3A_1049 = arith.addi %broadcast_in_dim3A_1029, %add3A_1048 : vector<16xi32>
          %select_n3A_1050 = arith.select %lt3A_1046, %add3A_1049, %broadcast_in_dim3A_1029 : vector<16xi1>, vector<16xi32>
          %broadcast_in_dim3A_1051 = vector.shape_cast %select_n3A_1050 : vector<16xi32> to vector<16x1xi32>
          %gather3A_1052 = vector.shape_cast %broadcast_in_dim3A_1051 : vector<16x1xi32> to vector<16xi32>
          %gather3A_1053 = tpu.dynamic_gather %get3A_1043[%gather3A_1052] in [0] : vector<16xf32>, vector<16xi32> -> vector<16xf32>
          %get3A_1054 = arith.index_cast %scan3A_1000 : i32 to index
          %get3A_1055 = arith.constant 0 : index
          %get3A_1056 = tpu.vector_load %arg35[%get3A_1054, %get3A_1055] {strides = array<i32>} : memref<128x256xf32, #tpu.memory_space<vmem>>, vector<16xf32>,
          %broadcast_in_dim3A_1057 = arith.constant 0 : i32
          %broadcast_in_dim3A_1058 = vector.broadcast %broadcast_in_dim3A_1057 : i32 to vector<16xi32>
          %add3A_1059 = arith.addi %broadcast_in_dim3A_1058, %iota3A : vector<16xi32>
          %mul3A_1060 = arith.mulf %get3A_1056, %gather3A_1053 : vector<16xf32>
          tpu.vector_store_idx %arg36[%gather3A_1041, %add3A_1059], %mul3A_1060 {add = true} : memref<320x256xf32, #tpu.memory_space<vmem>>[vector<16xi32>, vector<16xi32>], vector<16xf32>,
          %get3A_1061 = arith.index_cast %scan3A_1000 : i32 to index
          %get3A_1062 = arith.constant 16 : index
          %get3A_1063 = tpu.vector_load %arg35[%get3A_1061, %get3A_1062] {strides = array<i32>} : memref<128x256xf32, #tpu.memory_space<vmem>>, vector<16xf32>,
          %broadcast_in_dim3A_1064 = arith.constant 16 : i32
          %broadcast_in_dim3A_1065 = vector.broadcast %broadcast_in_dim3A_1064 : i32 to vector<16xi32>
          %add3A_1066 = arith.addi %broadcast_in_dim3A_1065, %iota3A : vector<16xi32>
          %mul3A_1067 = arith.mulf %get3A_1063, %gather3A_1053 : vector<16xf32>
          tpu.vector_store_idx %arg36[%gather3A_1041, %add3A_1066], %mul3A_1067 {add = true} : memref<320x256xf32, #tpu.memory_space<vmem>>[vector<16xi32>, vector<16xi32>], vector<16xf32>,
          %get3A_1068 = arith.index_cast %scan3A_1000 : i32 to index
          %get3A_1069 = arith.constant 32 : index
          %get3A_1070 = tpu.vector_load %arg35[%get3A_1068, %get3A_1069] {strides = array<i32>} : memref<128x256xf32, #tpu.memory_space<vmem>>, vector<16xf32>,
          %broadcast_in_dim3A_1071 = arith.constant 32 : i32
          %broadcast_in_dim3A_1072 = vector.broadcast %broadcast_in_dim3A_1071 : i32 to vector<16xi32>
          %add3A_1073 = arith.addi %broadcast_in_dim3A_1072, %iota3A : vector<16xi32>
          %mul3A_1074 = arith.mulf %get3A_1070, %gather3A_1053 : vector<16xf32>
          tpu.vector_store_idx %arg36[%gather3A_1041, %add3A_1073], %mul3A_1074 {add = true} : memref<320x256xf32, #tpu.memory_space<vmem>>[vector<16xi32>, vector<16xi32>], vector<16xf32>,
          %get3A_1075 = arith.index_cast %scan3A_1000 : i32 to index
          %get3A_1076 = arith.constant 48 : index
          %get3A_1077 = tpu.vector_load %arg35[%get3A_1075, %get3A_1076] {strides = array<i32>} : memref<128x256xf32, #tpu.memory_space<vmem>>, vector<16xf32>,
          %broadcast_in_dim3A_1078 = arith.constant 48 : i32
          %broadcast_in_dim3A_1079 = vector.broadcast %broadcast_in_dim3A_1078 : i32 to vector<16xi32>
          %add3A_1080 = arith.addi %broadcast_in_dim3A_1079, %iota3A : vector<16xi32>
          %mul3A_1081 = arith.mulf %get3A_1077, %gather3A_1053 : vector<16xf32>
          tpu.vector_store_idx %arg36[%gather3A_1041, %add3A_1080], %mul3A_1081 {add = true} : memref<320x256xf32, #tpu.memory_space<vmem>>[vector<16xi32>, vector<16xi32>], vector<16xf32>,
          %get3A_1082 = arith.index_cast %mul3A_1027 : i32 to index
          %get3A_1083 = tpu.vector_load %arg24[%get3A_1082] {strides = array<i32>} : memref<128xf32, #tpu.memory_space<vmem>>, vector<16xf32>,
          %lt3A_1084 = arith.constant 0 : i32
          %lt3A_1085 = vector.broadcast %lt3A_1084 : i32 to vector<16xi32>
          %lt3A_1086 = arith.cmpi slt, %broadcast_in_dim3A_1029, %lt3A_1085 : vector<16xi32>
          %add3A_1087 = arith.constant 16 : i32
          %add3A_1088 = vector.broadcast %add3A_1087 : i32 to vector<16xi32>
          %add3A_1089 = arith.addi %broadcast_in_dim3A_1029, %add3A_1088 : vector<16xi32>
          %select_n3A_1090 = arith.select %lt3A_1086, %add3A_1089, %broadcast_in_dim3A_1029 : vector<16xi1>, vector<16xi32>
          %broadcast_in_dim3A_1091 = vector.shape_cast %select_n3A_1090 : vector<16xi32> to vector<16x1xi32>
          %gather3A_1092 = vector.shape_cast %broadcast_in_dim3A_1091 : vector<16x1xi32> to vector<16xi32>
          %gather3A_1093 = tpu.dynamic_gather %get3A_1083[%gather3A_1092] in [0] : vector<16xf32>, vector<16xi32> -> vector<16xf32>
          %get3A_1094 = arith.index_cast %scan3A_1000 : i32 to index
          %get3A_1095 = arith.constant 64 : index
          %get3A_1096 = tpu.vector_load %arg35[%get3A_1094, %get3A_1095] {strides = array<i32>} : memref<128x256xf32, #tpu.memory_space<vmem>>, vector<16xf32>,
          %broadcast_in_dim3A_1097 = arith.constant 64 : i32
          %broadcast_in_dim3A_1098 = vector.broadcast %broadcast_in_dim3A_1097 : i32 to vector<16xi32>
          %add3A_1099 = arith.addi %broadcast_in_dim3A_1098, %iota3A : vector<16xi32>
          %mul3A_1100 = arith.mulf %get3A_1096, %gather3A_1093 : vector<16xf32>
          tpu.vector_store_idx %arg36[%gather3A_1041, %add3A_1099], %mul3A_1100 {add = true} : memref<320x256xf32, #tpu.memory_space<vmem>>[vector<16xi32>, vector<16xi32>], vector<16xf32>,
          %get3A_1101 = arith.index_cast %scan3A_1000 : i32 to index
          %get3A_1102 = arith.constant 80 : index
          %get3A_1103 = tpu.vector_load %arg35[%get3A_1101, %get3A_1102] {strides = array<i32>} : memref<128x256xf32, #tpu.memory_space<vmem>>, vector<16xf32>,
          %broadcast_in_dim3A_1104 = arith.constant 80 : i32
          %broadcast_in_dim3A_1105 = vector.broadcast %broadcast_in_dim3A_1104 : i32 to vector<16xi32>
          %add3A_1106 = arith.addi %broadcast_in_dim3A_1105, %iota3A : vector<16xi32>
          %mul3A_1107 = arith.mulf %get3A_1103, %gather3A_1093 : vector<16xf32>
          tpu.vector_store_idx %arg36[%gather3A_1041, %add3A_1106], %mul3A_1107 {add = true} : memref<320x256xf32, #tpu.memory_space<vmem>>[vector<16xi32>, vector<16xi32>], vector<16xf32>,
          %get3A_1108 = arith.index_cast %scan3A_1000 : i32 to index
          %get3A_1109 = arith.constant 96 : index
          %get3A_1110 = tpu.vector_load %arg35[%get3A_1108, %get3A_1109] {strides = array<i32>} : memref<128x256xf32, #tpu.memory_space<vmem>>, vector<16xf32>,
          %broadcast_in_dim3A_1111 = arith.constant 96 : i32
          %broadcast_in_dim3A_1112 = vector.broadcast %broadcast_in_dim3A_1111 : i32 to vector<16xi32>
          %add3A_1113 = arith.addi %broadcast_in_dim3A_1112, %iota3A : vector<16xi32>
          %mul3A_1114 = arith.mulf %get3A_1110, %gather3A_1093 : vector<16xf32>
          tpu.vector_store_idx %arg36[%gather3A_1041, %add3A_1113], %mul3A_1114 {add = true} : memref<320x256xf32, #tpu.memory_space<vmem>>[vector<16xi32>, vector<16xi32>], vector<16xf32>,
          %get3A_1115 = arith.index_cast %scan3A_1000 : i32 to index
          %get3A_1116 = arith.constant 112 : index
          %get3A_1117 = tpu.vector_load %arg35[%get3A_1115, %get3A_1116] {strides = array<i32>} : memref<128x256xf32, #tpu.memory_space<vmem>>, vector<16xf32>,
          %broadcast_in_dim3A_1118 = arith.constant 112 : i32
          %broadcast_in_dim3A_1119 = vector.broadcast %broadcast_in_dim3A_1118 : i32 to vector<16xi32>
          %add3A_1120 = arith.addi %broadcast_in_dim3A_1119, %iota3A : vector<16xi32>
          %mul3A_1121 = arith.mulf %get3A_1117, %gather3A_1093 : vector<16xf32>
          tpu.vector_store_idx %arg36[%gather3A_1041, %add3A_1120], %mul3A_1121 {add = true} : memref<320x256xf32, #tpu.memory_space<vmem>>[vector<16xi32>, vector<16xi32>], vector<16xf32>,
          %get3A_1122 = arith.index_cast %mul3A_1027 : i32 to index
          %get3A_1123 = tpu.vector_load %arg25[%get3A_1122] {strides = array<i32>} : memref<128xf32, #tpu.memory_space<vmem>>, vector<16xf32>,
          %lt3A_1124 = arith.constant 0 : i32
          %lt3A_1125 = vector.broadcast %lt3A_1124 : i32 to vector<16xi32>
          %lt3A_1126 = arith.cmpi slt, %broadcast_in_dim3A_1029, %lt3A_1125 : vector<16xi32>
          %add3A_1127 = arith.constant 16 : i32
          %add3A_1128 = vector.broadcast %add3A_1127 : i32 to vector<16xi32>
          %add3A_1129 = arith.addi %broadcast_in_dim3A_1029, %add3A_1128 : vector<16xi32>
          %select_n3A_1130 = arith.select %lt3A_1126, %add3A_1129, %broadcast_in_dim3A_1029 : vector<16xi1>, vector<16xi32>
          %broadcast_in_dim3A_1131 = vector.shape_cast %select_n3A_1130 : vector<16xi32> to vector<16x1xi32>
          %gather3A_1132 = vector.shape_cast %broadcast_in_dim3A_1131 : vector<16x1xi32> to vector<16xi32>
          %gather3A_1133 = tpu.dynamic_gather %get3A_1123[%gather3A_1132] in [0] : vector<16xf32>, vector<16xi32> -> vector<16xf32>
          %get3A_1134 = arith.index_cast %scan3A_1000 : i32 to index
          %get3A_1135 = arith.constant 128 : index
          %get3A_1136 = tpu.vector_load %arg35[%get3A_1134, %get3A_1135] {strides = array<i32>} : memref<128x256xf32, #tpu.memory_space<vmem>>, vector<16xf32>,
          %broadcast_in_dim3A_1137 = arith.constant 128 : i32
          %broadcast_in_dim3A_1138 = vector.broadcast %broadcast_in_dim3A_1137 : i32 to vector<16xi32>
          %add3A_1139 = arith.addi %broadcast_in_dim3A_1138, %iota3A : vector<16xi32>
          %mul3A_1140 = arith.mulf %get3A_1136, %gather3A_1133 : vector<16xf32>
          tpu.vector_store_idx %arg36[%gather3A_1041, %add3A_1139], %mul3A_1140 {add = true} : memref<320x256xf32, #tpu.memory_space<vmem>>[vector<16xi32>, vector<16xi32>], vector<16xf32>,
          %get3A_1141 = arith.index_cast %scan3A_1000 : i32 to index
          %get3A_1142 = arith.constant 144 : index
          %get3A_1143 = tpu.vector_load %arg35[%get3A_1141, %get3A_1142] {strides = array<i32>} : memref<128x256xf32, #tpu.memory_space<vmem>>, vector<16xf32>,
          %broadcast_in_dim3A_1144 = arith.constant 144 : i32
          %broadcast_in_dim3A_1145 = vector.broadcast %broadcast_in_dim3A_1144 : i32 to vector<16xi32>
          %add3A_1146 = arith.addi %broadcast_in_dim3A_1145, %iota3A : vector<16xi32>
          %mul3A_1147 = arith.mulf %get3A_1143, %gather3A_1133 : vector<16xf32>
          tpu.vector_store_idx %arg36[%gather3A_1041, %add3A_1146], %mul3A_1147 {add = true} : memref<320x256xf32, #tpu.memory_space<vmem>>[vector<16xi32>, vector<16xi32>], vector<16xf32>,
          %get3A_1148 = arith.index_cast %scan3A_1000 : i32 to index
          %get3A_1149 = arith.constant 160 : index
          %get3A_1150 = tpu.vector_load %arg35[%get3A_1148, %get3A_1149] {strides = array<i32>} : memref<128x256xf32, #tpu.memory_space<vmem>>, vector<16xf32>,
          %broadcast_in_dim3A_1151 = arith.constant 160 : i32
          %broadcast_in_dim3A_1152 = vector.broadcast %broadcast_in_dim3A_1151 : i32 to vector<16xi32>
          %add3A_1153 = arith.addi %broadcast_in_dim3A_1152, %iota3A : vector<16xi32>
          %mul3A_1154 = arith.mulf %get3A_1150, %gather3A_1133 : vector<16xf32>
          tpu.vector_store_idx %arg36[%gather3A_1041, %add3A_1153], %mul3A_1154 {add = true} : memref<320x256xf32, #tpu.memory_space<vmem>>[vector<16xi32>, vector<16xi32>], vector<16xf32>,
          %get3A_1155 = arith.index_cast %scan3A_1000 : i32 to index
          %get3A_1156 = arith.constant 176 : index
          %get3A_1157 = tpu.vector_load %arg35[%get3A_1155, %get3A_1156] {strides = array<i32>} : memref<128x256xf32, #tpu.memory_space<vmem>>, vector<16xf32>,
          %broadcast_in_dim3A_1158 = arith.constant 176 : i32
          %broadcast_in_dim3A_1159 = vector.broadcast %broadcast_in_dim3A_1158 : i32 to vector<16xi32>
          %add3A_1160 = arith.addi %broadcast_in_dim3A_1159, %iota3A : vector<16xi32>
          %mul3A_1161 = arith.mulf %get3A_1157, %gather3A_1133 : vector<16xf32>
          tpu.vector_store_idx %arg36[%gather3A_1041, %add3A_1160], %mul3A_1161 {add = true} : memref<320x256xf32, #tpu.memory_space<vmem>>[vector<16xi32>, vector<16xi32>], vector<16xf32>,
          %get3A_1162 = arith.index_cast %mul3A_1027 : i32 to index
          %get3A_1163 = tpu.vector_load %arg26[%get3A_1162] {strides = array<i32>} : memref<128xf32, #tpu.memory_space<vmem>>, vector<16xf32>,
          %lt3A_1164 = arith.constant 0 : i32
          %lt3A_1165 = vector.broadcast %lt3A_1164 : i32 to vector<16xi32>
          %lt3A_1166 = arith.cmpi slt, %broadcast_in_dim3A_1029, %lt3A_1165 : vector<16xi32>
          %add3A_1167 = arith.constant 16 : i32
          %add3A_1168 = vector.broadcast %add3A_1167 : i32 to vector<16xi32>
          %add3A_1169 = arith.addi %broadcast_in_dim3A_1029, %add3A_1168 : vector<16xi32>
          %select_n3A_1170 = arith.select %lt3A_1166, %add3A_1169, %broadcast_in_dim3A_1029 : vector<16xi1>, vector<16xi32>
          %broadcast_in_dim3A_1171 = vector.shape_cast %select_n3A_1170 : vector<16xi32> to vector<16x1xi32>
          %gather3A_1172 = vector.shape_cast %broadcast_in_dim3A_1171 : vector<16x1xi32> to vector<16xi32>
          %gather3A_1173 = tpu.dynamic_gather %get3A_1163[%gather3A_1172] in [0] : vector<16xf32>, vector<16xi32> -> vector<16xf32>
          %get3A_1174 = arith.index_cast %scan3A_1000 : i32 to index
          %get3A_1175 = arith.constant 192 : index
          %get3A_1176 = tpu.vector_load %arg35[%get3A_1174, %get3A_1175] {strides = array<i32>} : memref<128x256xf32, #tpu.memory_space<vmem>>, vector<16xf32>,
          %broadcast_in_dim3A_1177 = arith.constant 192 : i32
          %broadcast_in_dim3A_1178 = vector.broadcast %broadcast_in_dim3A_1177 : i32 to vector<16xi32>
          %add3A_1179 = arith.addi %broadcast_in_dim3A_1178, %iota3A : vector<16xi32>
          %mul3A_1180 = arith.mulf %get3A_1176, %gather3A_1173 : vector<16xf32>
          tpu.vector_store_idx %arg36[%gather3A_1041, %add3A_1179], %mul3A_1180 {add = true} : memref<320x256xf32, #tpu.memory_space<vmem>>[vector<16xi32>, vector<16xi32>], vector<16xf32>,
          %get3A_1181 = arith.index_cast %scan3A_1000 : i32 to index
          %get3A_1182 = arith.constant 208 : index
          %get3A_1183 = tpu.vector_load %arg35[%get3A_1181, %get3A_1182] {strides = array<i32>} : memref<128x256xf32, #tpu.memory_space<vmem>>, vector<16xf32>,
          %broadcast_in_dim3A_1184 = arith.constant 208 : i32
          %broadcast_in_dim3A_1185 = vector.broadcast %broadcast_in_dim3A_1184 : i32 to vector<16xi32>
          %add3A_1186 = arith.addi %broadcast_in_dim3A_1185, %iota3A : vector<16xi32>
          %mul3A_1187 = arith.mulf %get3A_1183, %gather3A_1173 : vector<16xf32>
          tpu.vector_store_idx %arg36[%gather3A_1041, %add3A_1186], %mul3A_1187 {add = true} : memref<320x256xf32, #tpu.memory_space<vmem>>[vector<16xi32>, vector<16xi32>], vector<16xf32>,
          %get3A_1188 = arith.index_cast %scan3A_1000 : i32 to index
          %get3A_1189 = arith.constant 224 : index
          %get3A_1190 = tpu.vector_load %arg35[%get3A_1188, %get3A_1189] {strides = array<i32>} : memref<128x256xf32, #tpu.memory_space<vmem>>, vector<16xf32>,
          %broadcast_in_dim3A_1191 = arith.constant 224 : i32
          %broadcast_in_dim3A_1192 = vector.broadcast %broadcast_in_dim3A_1191 : i32 to vector<16xi32>
          %add3A_1193 = arith.addi %broadcast_in_dim3A_1192, %iota3A : vector<16xi32>
          %mul3A_1194 = arith.mulf %get3A_1190, %gather3A_1173 : vector<16xf32>
          tpu.vector_store_idx %arg36[%gather3A_1041, %add3A_1193], %mul3A_1194 {add = true} : memref<320x256xf32, #tpu.memory_space<vmem>>[vector<16xi32>, vector<16xi32>], vector<16xf32>,
          %get3A_1195 = arith.index_cast %scan3A_1000 : i32 to index
          %get3A_1196 = arith.constant 240 : index
          %get3A_1197 = tpu.vector_load %arg35[%get3A_1195, %get3A_1196] {strides = array<i32>} : memref<128x256xf32, #tpu.memory_space<vmem>>, vector<16xf32>,
          %broadcast_in_dim3A_1198 = arith.constant 240 : i32
          %broadcast_in_dim3A_1199 = vector.broadcast %broadcast_in_dim3A_1198 : i32 to vector<16xi32>
          %add3A_1200 = arith.addi %broadcast_in_dim3A_1199, %iota3A : vector<16xi32>
          %mul3A_1201 = arith.mulf %get3A_1197, %gather3A_1173 : vector<16xf32>
          tpu.vector_store_idx %arg36[%gather3A_1041, %add3A_1200], %mul3A_1201 {add = true} : memref<320x256xf32, #tpu.memory_space<vmem>>[vector<16xi32>, vector<16xi32>], vector<16xf32>,
          %scan3A_1202 = arith.constant 0 : i32
          scf.yield %scan3A_1202 : i32
        }
        %scan3A_998 = arith.constant 128 : i32
        %while3A_999 = arith.constant 0 : i32
        scf.yield %while3A_999 : i32
      }
      %while3A_121 = arith.constant 1 : i32
      %while3A_122 = scf.for %while3A_124 = %while3A_118 to %while3A_114 step %while3A_121 iter_args(%while3A_125 = %while3A_120) -> (i32)  : i32 {
        %mul3A_126 = arith.constant 128 : i32
        %mul3A_127 = arith.muli %while3A_124, %mul3A_126 : i32
        %add3A_128 = arith.constant 0 : i32
        %add3A_129 = arith.addi %mul3A_127, %add3A_128 : i32
        %broadcast_in_dim3A_130 = vector.broadcast %add3A_129 : i32 to vector<16xi32>
        %add3A_131 = arith.addi %broadcast_in_dim3A_130, %iota3A : vector<16xi32>
        %lt3A = arith.cmpi slt, %add3A_131, %broadcast_in_dim3A_93 : vector<16xi32>
        %mul3A_132 = arith.constant 128 : i32
        %mul3A_133 = arith.muli %while3A_124, %mul3A_132 : i32
        %add3A_134 = arith.constant 0 : i32
        %add3A_135 = arith.addi %mul3A_133, %add3A_134 : i32
        %get3A = arith.index_cast %add3A_135 : i32 to index
        %get3A_136 = tpu.vector_load %arg15[%get3A] {strides = array<i32>} : memref<5248xi32, #tpu.memory_space<vmem>>, vector<16xi32>,
        %sub3A_137 = vector.broadcast %mul3A_84 : i32 to vector<16xi32>
        %sub3A_138 = arith.subi %get3A_136, %sub3A_137 : vector<16xi32>
        %jit3A_139 = arith.constant 0 : i32
        %broadcast_in_dim3A_140 = vector.broadcast %jit3A_139 : i32 to vector<16xi32>
        %select_n3A_141 = arith.select %lt3A, %sub3A_138, %broadcast_in_dim3A_140 : vector<16xi1>, vector<16xi32>
        %add3A_142 = vector.broadcast %mul3A_84 : i32 to vector<16xi32>
        %add3A_143 = arith.addi %select_n3A_141, %add3A_142 : vector<16xi32>
        %swap3A = arith.constant 0 : index
        %swap3A_144 = tpu.vector_load %arg16[%swap3A] {strides = array<i32>} : memref<128xi32, #tpu.memory_space<vmem>>, vector<16xi32>,
        tpu.vector_store %arg16[%swap3A], %add3A_143 {strides = array<i32>} : memref<128xi32, #tpu.memory_space<vmem>>, vector<16xi32>,
        %gather3A = tpu.vector_load_idx %arg14[%select_n3A_141] : memref<5120xi32, #tpu.memory_space<vmem>>[vector<16xi32>], vector<16xi32>,
        %sub3A_145 = arith.subi %gather3A, %broadcast_in_dim3A : vector<16xi32>
        %jit3A_146 = arith.constant 0 : i32
        %broadcast_in_dim3A_147 = vector.broadcast %jit3A_146 : i32 to vector<16xi32>
        %select_n3A_148 = arith.select %lt3A, %sub3A_145, %broadcast_in_dim3A_147 : vector<16xi1>, vector<16xi32>
        %swap3A_149 = arith.constant 0 : index
        %swap3A_150 = tpu.vector_load %arg18[%swap3A_149] {strides = array<i32>} : memref<128xi32, #tpu.memory_space<vmem>>, vector<16xi32>,
        tpu.vector_store %arg18[%swap3A_149], %select_n3A_148 {strides = array<i32>} : memref<128xi32, #tpu.memory_space<vmem>>, vector<16xi32>,
        %mul3A_151 = arith.constant 128 : i32
        %mul3A_152 = arith.muli %while3A_124, %mul3A_151 : i32
        %add3A_153 = arith.constant 16 : i32
        %add3A_154 = arith.addi %mul3A_152, %add3A_153 : i32
        %broadcast_in_dim3A_155 = vector.broadcast %add3A_154 : i32 to vector<16xi32>
        %add3A_156 = arith.addi %broadcast_in_dim3A_155, %iota3A : vector<16xi32>
        %lt3A_157 = arith.cmpi slt, %add3A_156, %broadcast_in_dim3A_93 : vector<16xi32>
        %mul3A_158 = arith.constant 128 : i32
        %mul3A_159 = arith.muli %while3A_124, %mul3A_158 : i32
        %add3A_160 = arith.constant 16 : i32
        %add3A_161 = arith.addi %mul3A_159, %add3A_160 : i32
        %get3A_162 = arith.index_cast %add3A_161 : i32 to index
        %get3A_163 = tpu.vector_load %arg15[%get3A_162] {strides = array<i32>} : memref<5248xi32, #tpu.memory_space<vmem>>, vector<16xi32>,
        %sub3A_164 = vector.broadcast %mul3A_84 : i32 to vector<16xi32>
        %sub3A_165 = arith.subi %get3A_163, %sub3A_164 : vector<16xi32>
        %jit3A_166 = arith.constant 0 : i32
        %broadcast_in_dim3A_167 = vector.broadcast %jit3A_166 : i32 to vector<16xi32>
        %select_n3A_168 = arith.select %lt3A_157, %sub3A_165, %broadcast_in_dim3A_167 : vector<16xi1>, vector<16xi32>
        %add3A_169 = vector.broadcast %mul3A_84 : i32 to vector<16xi32>
        %add3A_170 = arith.addi %select_n3A_168, %add3A_169 : vector<16xi32>
        %swap3A_171 = arith.constant 16 : index
        %swap3A_172 = tpu.vector_load %arg16[%swap3A_171] {strides = array<i32>} : memref<128xi32, #tpu.memory_space<vmem>>, vector<16xi32>,
        tpu.vector_store %arg16[%swap3A_171], %add3A_170 {strides = array<i32>} : memref<128xi32, #tpu.memory_space<vmem>>, vector<16xi32>,
        %gather3A_173 = tpu.vector_load_idx %arg14[%select_n3A_168] : memref<5120xi32, #tpu.memory_space<vmem>>[vector<16xi32>], vector<16xi32>,
        %sub3A_174 = arith.subi %gather3A_173, %broadcast_in_dim3A : vector<16xi32>
        %jit3A_175 = arith.constant 0 : i32
        %broadcast_in_dim3A_176 = vector.broadcast %jit3A_175 : i32 to vector<16xi32>
        %select_n3A_177 = arith.select %lt3A_157, %sub3A_174, %broadcast_in_dim3A_176 : vector<16xi1>, vector<16xi32>
        %swap3A_178 = arith.constant 16 : index
        %swap3A_179 = tpu.vector_load %arg18[%swap3A_178] {strides = array<i32>} : memref<128xi32, #tpu.memory_space<vmem>>, vector<16xi32>,
        tpu.vector_store %arg18[%swap3A_178], %select_n3A_177 {strides = array<i32>} : memref<128xi32, #tpu.memory_space<vmem>>, vector<16xi32>,
        %mul3A_180 = arith.constant 128 : i32
        %mul3A_181 = arith.muli %while3A_124, %mul3A_180 : i32
        %add3A_182 = arith.constant 32 : i32
        %add3A_183 = arith.addi %mul3A_181, %add3A_182 : i32
        %broadcast_in_dim3A_184 = vector.broadcast %add3A_183 : i32 to vector<16xi32>
        %add3A_185 = arith.addi %broadcast_in_dim3A_184, %iota3A : vector<16xi32>
        %lt3A_186 = arith.cmpi slt, %add3A_185, %broadcast_in_dim3A_93 : vector<16xi32>
        %mul3A_187 = arith.constant 128 : i32
        %mul3A_188 = arith.muli %while3A_124, %mul3A_187 : i32
        %add3A_189 = arith.constant 32 : i32
        %add3A_190 = arith.addi %mul3A_188, %add3A_189 : i32
        %get3A_191 = arith.index_cast %add3A_190 : i32 to index
        %get3A_192 = tpu.vector_load %arg15[%get3A_191] {strides = array<i32>} : memref<5248xi32, #tpu.memory_space<vmem>>, vector<16xi32>,
        %sub3A_193 = vector.broadcast %mul3A_84 : i32 to vector<16xi32>
        %sub3A_194 = arith.subi %get3A_192, %sub3A_193 : vector<16xi32>
        %jit3A_195 = arith.constant 0 : i32
        %broadcast_in_dim3A_196 = vector.broadcast %jit3A_195 : i32 to vector<16xi32>
        %select_n3A_197 = arith.select %lt3A_186, %sub3A_194, %broadcast_in_dim3A_196 : vector<16xi1>, vector<16xi32>
        %add3A_198 = vector.broadcast %mul3A_84 : i32 to vector<16xi32>
        %add3A_199 = arith.addi %select_n3A_197, %add3A_198 : vector<16xi32>
        %swap3A_200 = arith.constant 32 : index
        %swap3A_201 = tpu.vector_load %arg16[%swap3A_200] {strides = array<i32>} : memref<128xi32, #tpu.memory_space<vmem>>, vector<16xi32>,
        tpu.vector_store %arg16[%swap3A_200], %add3A_199 {strides = array<i32>} : memref<128xi32, #tpu.memory_space<vmem>>, vector<16xi32>,
        %gather3A_202 = tpu.vector_load_idx %arg14[%select_n3A_197] : memref<5120xi32, #tpu.memory_space<vmem>>[vector<16xi32>], vector<16xi32>,
        %sub3A_203 = arith.subi %gather3A_202, %broadcast_in_dim3A : vector<16xi32>
        %jit3A_204 = arith.constant 0 : i32
        %broadcast_in_dim3A_205 = vector.broadcast %jit3A_204 : i32 to vector<16xi32>
        %select_n3A_206 = arith.select %lt3A_186, %sub3A_203, %broadcast_in_dim3A_205 : vector<16xi1>, vector<16xi32>
        %swap3A_207 = arith.constant 32 : index
        %swap3A_208 = tpu.vector_load %arg18[%swap3A_207] {strides = array<i32>} : memref<128xi32, #tpu.memory_space<vmem>>, vector<16xi32>,
        tpu.vector_store %arg18[%swap3A_207], %select_n3A_206 {strides = array<i32>} : memref<128xi32, #tpu.memory_space<vmem>>, vector<16xi32>,
        %mul3A_209 = arith.constant 128 : i32
        %mul3A_210 = arith.muli %while3A_124, %mul3A_209 : i32
        %add3A_211 = arith.constant 48 : i32
        %add3A_212 = arith.addi %mul3A_210, %add3A_211 : i32
        %broadcast_in_dim3A_213 = vector.broadcast %add3A_212 : i32 to vector<16xi32>
        %add3A_214 = arith.addi %broadcast_in_dim3A_213, %iota3A : vector<16xi32>
        %lt3A_215 = arith.cmpi slt, %add3A_214, %broadcast_in_dim3A_93 : vector<16xi32>
        %mul3A_216 = arith.constant 128 : i32
        %mul3A_217 = arith.muli %while3A_124, %mul3A_216 : i32
        %add3A_218 = arith.constant 48 : i32
        %add3A_219 = arith.addi %mul3A_217, %add3A_218 : i32
        %get3A_220 = arith.index_cast %add3A_219 : i32 to index
        %get3A_221 = tpu.vector_load %arg15[%get3A_220] {strides = array<i32>} : memref<5248xi32, #tpu.memory_space<vmem>>, vector<16xi32>,
        %sub3A_222 = vector.broadcast %mul3A_84 : i32 to vector<16xi32>
        %sub3A_223 = arith.subi %get3A_221, %sub3A_222 : vector<16xi32>
        %jit3A_224 = arith.constant 0 : i32
        %broadcast_in_dim3A_225 = vector.broadcast %jit3A_224 : i32 to vector<16xi32>
        %select_n3A_226 = arith.select %lt3A_215, %sub3A_223, %broadcast_in_dim3A_225 : vector<16xi1>, vector<16xi32>
        %add3A_227 = vector.broadcast %mul3A_84 : i32 to vector<16xi32>
        %add3A_228 = arith.addi %select_n3A_226, %add3A_227 : vector<16xi32>
        %swap3A_229 = arith.constant 48 : index
        %swap3A_230 = tpu.vector_load %arg16[%swap3A_229] {strides = array<i32>} : memref<128xi32, #tpu.memory_space<vmem>>, vector<16xi32>,
        tpu.vector_store %arg16[%swap3A_229], %add3A_228 {strides = array<i32>} : memref<128xi32, #tpu.memory_space<vmem>>, vector<16xi32>,
        %gather3A_231 = tpu.vector_load_idx %arg14[%select_n3A_226] : memref<5120xi32, #tpu.memory_space<vmem>>[vector<16xi32>], vector<16xi32>,
        %sub3A_232 = arith.subi %gather3A_231, %broadcast_in_dim3A : vector<16xi32>
        %jit3A_233 = arith.constant 0 : i32
        %broadcast_in_dim3A_234 = vector.broadcast %jit3A_233 : i32 to vector<16xi32>
        %select_n3A_235 = arith.select %lt3A_215, %sub3A_232, %broadcast_in_dim3A_234 : vector<16xi1>, vector<16xi32>
        %swap3A_236 = arith.constant 48 : index
        %swap3A_237 = tpu.vector_load %arg18[%swap3A_236] {strides = array<i32>} : memref<128xi32, #tpu.memory_space<vmem>>, vector<16xi32>,
        tpu.vector_store %arg18[%swap3A_236], %select_n3A_235 {strides = array<i32>} : memref<128xi32, #tpu.memory_space<vmem>>, vector<16xi32>,
        %mul3A_238 = arith.constant 128 : i32
        %mul3A_239 = arith.muli %while3A_124, %mul3A_238 : i32
        %add3A_240 = arith.constant 64 : i32
        %add3A_241 = arith.addi %mul3A_239, %add3A_240 : i32
        %broadcast_in_dim3A_242 = vector.broadcast %add3A_241 : i32 to vector<16xi32>
        %add3A_243 = arith.addi %broadcast_in_dim3A_242, %iota3A : vector<16xi32>
        %lt3A_244 = arith.cmpi slt, %add3A_243, %broadcast_in_dim3A_93 : vector<16xi32>
        %mul3A_245 = arith.constant 128 : i32
        %mul3A_246 = arith.muli %while3A_124, %mul3A_245 : i32
        %add3A_247 = arith.constant 64 : i32
        %add3A_248 = arith.addi %mul3A_246, %add3A_247 : i32
        %get3A_249 = arith.index_cast %add3A_248 : i32 to index
        %get3A_250 = tpu.vector_load %arg15[%get3A_249] {strides = array<i32>} : memref<5248xi32, #tpu.memory_space<vmem>>, vector<16xi32>,
        %sub3A_251 = vector.broadcast %mul3A_84 : i32 to vector<16xi32>
        %sub3A_252 = arith.subi %get3A_250, %sub3A_251 : vector<16xi32>
        %jit3A_253 = arith.constant 0 : i32
        %broadcast_in_dim3A_254 = vector.broadcast %jit3A_253 : i32 to vector<16xi32>
        %select_n3A_255 = arith.select %lt3A_244, %sub3A_252, %broadcast_in_dim3A_254 : vector<16xi1>, vector<16xi32>
        %add3A_256 = vector.broadcast %mul3A_84 : i32 to vector<16xi32>
        %add3A_257 = arith.addi %select_n3A_255, %add3A_256 : vector<16xi32>
        %swap3A_258 = arith.constant 64 : index
        %swap3A_259 = tpu.vector_load %arg16[%swap3A_258] {strides = array<i32>} : memref<128xi32, #tpu.memory_space<vmem>>, vector<16xi32>,
        tpu.vector_store %arg16[%swap3A_258], %add3A_257 {strides = array<i32>} : memref<128xi32, #tpu.memory_space<vmem>>, vector<16xi32>,
        %gather3A_260 = tpu.vector_load_idx %arg14[%select_n3A_255] : memref<5120xi32, #tpu.memory_space<vmem>>[vector<16xi32>], vector<16xi32>,
        %sub3A_261 = arith.subi %gather3A_260, %broadcast_in_dim3A : vector<16xi32>
        %jit3A_262 = arith.constant 0 : i32
        %broadcast_in_dim3A_263 = vector.broadcast %jit3A_262 : i32 to vector<16xi32>
        %select_n3A_264 = arith.select %lt3A_244, %sub3A_261, %broadcast_in_dim3A_263 : vector<16xi1>, vector<16xi32>
        %swap3A_265 = arith.constant 64 : index
        %swap3A_266 = tpu.vector_load %arg18[%swap3A_265] {strides = array<i32>} : memref<128xi32, #tpu.memory_space<vmem>>, vector<16xi32>,
        tpu.vector_store %arg18[%swap3A_265], %select_n3A_264 {strides = array<i32>} : memref<128xi32, #tpu.memory_space<vmem>>, vector<16xi32>,
        %mul3A_267 = arith.constant 128 : i32
        %mul3A_268 = arith.muli %while3A_124, %mul3A_267 : i32
        %add3A_269 = arith.constant 80 : i32
        %add3A_270 = arith.addi %mul3A_268, %add3A_269 : i32
        %broadcast_in_dim3A_271 = vector.broadcast %add3A_270 : i32 to vector<16xi32>
        %add3A_272 = arith.addi %broadcast_in_dim3A_271, %iota3A : vector<16xi32>
        %lt3A_273 = arith.cmpi slt, %add3A_272, %broadcast_in_dim3A_93 : vector<16xi32>
        %mul3A_274 = arith.constant 128 : i32
        %mul3A_275 = arith.muli %while3A_124, %mul3A_274 : i32
        %add3A_276 = arith.constant 80 : i32
        %add3A_277 = arith.addi %mul3A_275, %add3A_276 : i32
        %get3A_278 = arith.index_cast %add3A_277 : i32 to index
        %get3A_279 = tpu.vector_load %arg15[%get3A_278] {strides = array<i32>} : memref<5248xi32, #tpu.memory_space<vmem>>, vector<16xi32>,
        %sub3A_280 = vector.broadcast %mul3A_84 : i32 to vector<16xi32>
        %sub3A_281 = arith.subi %get3A_279, %sub3A_280 : vector<16xi32>
        %jit3A_282 = arith.constant 0 : i32
        %broadcast_in_dim3A_283 = vector.broadcast %jit3A_282 : i32 to vector<16xi32>
        %select_n3A_284 = arith.select %lt3A_273, %sub3A_281, %broadcast_in_dim3A_283 : vector<16xi1>, vector<16xi32>
        %add3A_285 = vector.broadcast %mul3A_84 : i32 to vector<16xi32>
        %add3A_286 = arith.addi %select_n3A_284, %add3A_285 : vector<16xi32>
        %swap3A_287 = arith.constant 80 : index
        %swap3A_288 = tpu.vector_load %arg16[%swap3A_287] {strides = array<i32>} : memref<128xi32, #tpu.memory_space<vmem>>, vector<16xi32>,
        tpu.vector_store %arg16[%swap3A_287], %add3A_286 {strides = array<i32>} : memref<128xi32, #tpu.memory_space<vmem>>, vector<16xi32>,
        %gather3A_289 = tpu.vector_load_idx %arg14[%select_n3A_284] : memref<5120xi32, #tpu.memory_space<vmem>>[vector<16xi32>], vector<16xi32>,
        %sub3A_290 = arith.subi %gather3A_289, %broadcast_in_dim3A : vector<16xi32>
        %jit3A_291 = arith.constant 0 : i32
        %broadcast_in_dim3A_292 = vector.broadcast %jit3A_291 : i32 to vector<16xi32>
        %select_n3A_293 = arith.select %lt3A_273, %sub3A_290, %broadcast_in_dim3A_292 : vector<16xi1>, vector<16xi32>
        %swap3A_294 = arith.constant 80 : index
        %swap3A_295 = tpu.vector_load %arg18[%swap3A_294] {strides = array<i32>} : memref<128xi32, #tpu.memory_space<vmem>>, vector<16xi32>,
        tpu.vector_store %arg18[%swap3A_294], %select_n3A_293 {strides = array<i32>} : memref<128xi32, #tpu.memory_space<vmem>>, vector<16xi32>,
        %mul3A_296 = arith.constant 128 : i32
        %mul3A_297 = arith.muli %while3A_124, %mul3A_296 : i32
        %add3A_298 = arith.constant 96 : i32
        %add3A_299 = arith.addi %mul3A_297, %add3A_298 : i32
        %broadcast_in_dim3A_300 = vector.broadcast %add3A_299 : i32 to vector<16xi32>
        %add3A_301 = arith.addi %broadcast_in_dim3A_300, %iota3A : vector<16xi32>
        %lt3A_302 = arith.cmpi slt, %add3A_301, %broadcast_in_dim3A_93 : vector<16xi32>
        %mul3A_303 = arith.constant 128 : i32
        %mul3A_304 = arith.muli %while3A_124, %mul3A_303 : i32
        %add3A_305 = arith.constant 96 : i32
        %add3A_306 = arith.addi %mul3A_304, %add3A_305 : i32
        %get3A_307 = arith.index_cast %add3A_306 : i32 to index
        %get3A_308 = tpu.vector_load %arg15[%get3A_307] {strides = array<i32>} : memref<5248xi32, #tpu.memory_space<vmem>>, vector<16xi32>,
        %sub3A_309 = vector.broadcast %mul3A_84 : i32 to vector<16xi32>
        %sub3A_310 = arith.subi %get3A_308, %sub3A_309 : vector<16xi32>
        %jit3A_311 = arith.constant 0 : i32
        %broadcast_in_dim3A_312 = vector.broadcast %jit3A_311 : i32 to vector<16xi32>
        %select_n3A_313 = arith.select %lt3A_302, %sub3A_310, %broadcast_in_dim3A_312 : vector<16xi1>, vector<16xi32>
        %add3A_314 = vector.broadcast %mul3A_84 : i32 to vector<16xi32>
        %add3A_315 = arith.addi %select_n3A_313, %add3A_314 : vector<16xi32>
        %swap3A_316 = arith.constant 96 : index
        %swap3A_317 = tpu.vector_load %arg16[%swap3A_316] {strides = array<i32>} : memref<128xi32, #tpu.memory_space<vmem>>, vector<16xi32>,
        tpu.vector_store %arg16[%swap3A_316], %add3A_315 {strides = array<i32>} : memref<128xi32, #tpu.memory_space<vmem>>, vector<16xi32>,
        %gather3A_318 = tpu.vector_load_idx %arg14[%select_n3A_313] : memref<5120xi32, #tpu.memory_space<vmem>>[vector<16xi32>], vector<16xi32>,
        %sub3A_319 = arith.subi %gather3A_318, %broadcast_in_dim3A : vector<16xi32>
        %jit3A_320 = arith.constant 0 : i32
        %broadcast_in_dim3A_321 = vector.broadcast %jit3A_320 : i32 to vector<16xi32>
        %select_n3A_322 = arith.select %lt3A_302, %sub3A_319, %broadcast_in_dim3A_321 : vector<16xi1>, vector<16xi32>
        %swap3A_323 = arith.constant 96 : index
        %swap3A_324 = tpu.vector_load %arg18[%swap3A_323] {strides = array<i32>} : memref<128xi32, #tpu.memory_space<vmem>>, vector<16xi32>,
        tpu.vector_store %arg18[%swap3A_323], %select_n3A_322 {strides = array<i32>} : memref<128xi32, #tpu.memory_space<vmem>>, vector<16xi32>,
        %mul3A_325 = arith.constant 128 : i32
        %mul3A_326 = arith.muli %while3A_124, %mul3A_325 : i32
        %add3A_327 = arith.constant 112 : i32
        %add3A_328 = arith.addi %mul3A_326, %add3A_327 : i32
        %broadcast_in_dim3A_329 = vector.broadcast %add3A_328 : i32 to vector<16xi32>
        %add3A_330 = arith.addi %broadcast_in_dim3A_329, %iota3A : vector<16xi32>
        %lt3A_331 = arith.cmpi slt, %add3A_330, %broadcast_in_dim3A_93 : vector<16xi32>
        %mul3A_332 = arith.constant 128 : i32
        %mul3A_333 = arith.muli %while3A_124, %mul3A_332 : i32
        %add3A_334 = arith.constant 112 : i32
        %add3A_335 = arith.addi %mul3A_333, %add3A_334 : i32
        %get3A_336 = arith.index_cast %add3A_335 : i32 to index
        %get3A_337 = tpu.vector_load %arg15[%get3A_336] {strides = array<i32>} : memref<5248xi32, #tpu.memory_space<vmem>>, vector<16xi32>,
        %sub3A_338 = vector.broadcast %mul3A_84 : i32 to vector<16xi32>
        %sub3A_339 = arith.subi %get3A_337, %sub3A_338 : vector<16xi32>
        %jit3A_340 = arith.constant 0 : i32
        %broadcast_in_dim3A_341 = vector.broadcast %jit3A_340 : i32 to vector<16xi32>
        %select_n3A_342 = arith.select %lt3A_331, %sub3A_339, %broadcast_in_dim3A_341 : vector<16xi1>, vector<16xi32>
        %add3A_343 = vector.broadcast %mul3A_84 : i32 to vector<16xi32>
        %add3A_344 = arith.addi %select_n3A_342, %add3A_343 : vector<16xi32>
        %swap3A_345 = arith.constant 112 : index
        %swap3A_346 = tpu.vector_load %arg16[%swap3A_345] {strides = array<i32>} : memref<128xi32, #tpu.memory_space<vmem>>, vector<16xi32>,
        tpu.vector_store %arg16[%swap3A_345], %add3A_344 {strides = array<i32>} : memref<128xi32, #tpu.memory_space<vmem>>, vector<16xi32>,
        %gather3A_347 = tpu.vector_load_idx %arg14[%select_n3A_342] : memref<5120xi32, #tpu.memory_space<vmem>>[vector<16xi32>], vector<16xi32>,
        %sub3A_348 = arith.subi %gather3A_347, %broadcast_in_dim3A : vector<16xi32>
        %jit3A_349 = arith.constant 0 : i32
        %broadcast_in_dim3A_350 = vector.broadcast %jit3A_349 : i32 to vector<16xi32>
        %select_n3A_351 = arith.select %lt3A_331, %sub3A_348, %broadcast_in_dim3A_350 : vector<16xi1>, vector<16xi32>
        %swap3A_352 = arith.constant 112 : index
        %swap3A_353 = tpu.vector_load %arg18[%swap3A_352] {strides = array<i32>} : memref<128xi32, #tpu.memory_space<vmem>>, vector<16xi32>,
        tpu.vector_store %arg18[%swap3A_352], %select_n3A_351 {strides = array<i32>} : memref<128xi32, #tpu.memory_space<vmem>>, vector<16xi32>,
        %dma_start3A = arith.constant 0 : i32
        %dma_start3A_354 = tpu.memref_slice %arg2[%dma_start3A] : memref<163840xi32, #tpu.memory_space<hbm>> -> memref<163840xi32, #tpu.memory_space<hbm>>
        tpu.enqueue_indirect_dma source(%dma_start3A_354 : memref<163840xi32, #tpu.memory_space<hbm>>) target(%arg17 : memref<128xi32, #tpu.memory_space<vmem>>) offsets(%arg16 : memref<128xi32, #tpu.memory_space<vmem>>) semaphore(%arg37 : memref<!tpu.dma_semaphore, #tpu.memory_space<semaphore_mem>>)
        %dma_wait3A = arith.constant 0 : i32
        %dma_wait3A_355 = tpu.memref_slice %arg2[%dma_wait3A] : memref<163840xi32, #tpu.memory_space<hbm>> -> memref<163840xi32, #tpu.memory_space<hbm>>
        tpu.wait_indirect_dma semaphore(%arg37 : memref<!tpu.dma_semaphore, #tpu.memory_space<semaphore_mem>>) src(%dma_wait3A_355 : memref<163840xi32, #tpu.memory_space<hbm>>) dst(%arg17 : memref<128xi32, #tpu.memory_space<vmem>>)
        %dma_start3A_356 = arith.constant 0 : i32
        %dma_start3A_357 = tpu.memref_slice %arg4[%dma_start3A_356] : memref<10240xf32, #tpu.memory_space<hbm>> -> memref<10240xf32, #tpu.memory_space<hbm>>
        tpu.enqueue_indirect_dma source(%dma_start3A_357 : memref<10240xf32, #tpu.memory_space<hbm>>) target(%arg19 : memref<128xf32, #tpu.memory_space<vmem>>) offsets(%arg17 : memref<128xi32, #tpu.memory_space<vmem>>) semaphore(%arg37 : memref<!tpu.dma_semaphore, #tpu.memory_space<semaphore_mem>>)
        %dma_start3A_358 = arith.constant 0 : i32
        %dma_start3A_359 = tpu.memref_slice %arg5[%dma_start3A_358] : memref<10240xf32, #tpu.memory_space<hbm>> -> memref<10240xf32, #tpu.memory_space<hbm>>
        tpu.enqueue_indirect_dma source(%dma_start3A_359 : memref<10240xf32, #tpu.memory_space<hbm>>) target(%arg20 : memref<128xf32, #tpu.memory_space<vmem>>) offsets(%arg17 : memref<128xi32, #tpu.memory_space<vmem>>) semaphore(%arg37 : memref<!tpu.dma_semaphore, #tpu.memory_space<semaphore_mem>>)
        %dma_start3A_360 = arith.constant 0 : i32
        %dma_start3A_361 = tpu.memref_slice %arg6[%dma_start3A_360] : memref<10240xf32, #tpu.memory_space<hbm>> -> memref<10240xf32, #tpu.memory_space<hbm>>
        tpu.enqueue_indirect_dma source(%dma_start3A_361 : memref<10240xf32, #tpu.memory_space<hbm>>) target(%arg21 : memref<128xf32, #tpu.memory_space<vmem>>) offsets(%arg17 : memref<128xi32, #tpu.memory_space<vmem>>) semaphore(%arg37 : memref<!tpu.dma_semaphore, #tpu.memory_space<semaphore_mem>>)
        %dma_start3A_362 = arith.constant 0 : i32
        %dma_start3A_363 = tpu.memref_slice %arg7[%dma_start3A_362] : memref<10240xf32, #tpu.memory_space<hbm>> -> memref<10240xf32, #tpu.memory_space<hbm>>
        tpu.enqueue_indirect_dma source(%dma_start3A_363 : memref<10240xf32, #tpu.memory_space<hbm>>) target(%arg22 : memref<128xf32, #tpu.memory_space<vmem>>) offsets(%arg17 : memref<128xi32, #tpu.memory_space<vmem>>) semaphore(%arg37 : memref<!tpu.dma_semaphore, #tpu.memory_space<semaphore_mem>>)
        %dma_start3A_364 = arith.constant 0 : i32
        %dma_start3A_365 = arith.constant 0 : i32
        %dma_start3A_366 = tpu.memref_slice %arg12[%dma_start3A_364, %dma_start3A_365] : memref<10240x256xf32, #tpu.memory_space<hbm>> -> memref<10240x256xf32, #tpu.memory_space<hbm>>
        tpu.enqueue_indirect_dma source(%dma_start3A_366 : memref<10240x256xf32, #tpu.memory_space<hbm>>) target(%arg35 : memref<128x256xf32, #tpu.memory_space<vmem>>) offsets(%arg17 : memref<128xi32, #tpu.memory_space<vmem>>) semaphore(%arg37 : memref<!tpu.dma_semaphore, #tpu.memory_space<semaphore_mem>>)
        %dma_wait3A_367 = arith.constant 0 : i32
        %dma_wait3A_368 = tpu.memref_slice %arg4[%dma_wait3A_367] : memref<10240xf32, #tpu.memory_space<hbm>> -> memref<10240xf32, #tpu.memory_space<hbm>>
        tpu.wait_indirect_dma semaphore(%arg37 : memref<!tpu.dma_semaphore, #tpu.memory_space<semaphore_mem>>) src(%dma_wait3A_368 : memref<10240xf32, #tpu.memory_space<hbm>>) dst(%arg19 : memref<128xf32, #tpu.memory_space<vmem>>)
        %dma_wait3A_369 = arith.constant 0 : i32
        %dma_wait3A_370 = tpu.memref_slice %arg5[%dma_wait3A_369] : memref<10240xf32, #tpu.memory_space<hbm>> -> memref<10240xf32, #tpu.memory_space<hbm>>
        tpu.wait_indirect_dma semaphore(%arg37 : memref<!tpu.dma_semaphore, #tpu.memory_space<semaphore_mem>>) src(%dma_wait3A_370 : memref<10240xf32, #tpu.memory_space<hbm>>) dst(%arg20 : memref<128xf32, #tpu.memory_space<vmem>>)
        %dma_wait3A_371 = arith.constant 0 : i32
        %dma_wait3A_372 = tpu.memref_slice %arg6[%dma_wait3A_371] : memref<10240xf32, #tpu.memory_space<hbm>> -> memref<10240xf32, #tpu.memory_space<hbm>>
        tpu.wait_indirect_dma semaphore(%arg37 : memref<!tpu.dma_semaphore, #tpu.memory_space<semaphore_mem>>) src(%dma_wait3A_372 : memref<10240xf32, #tpu.memory_space<hbm>>) dst(%arg21 : memref<128xf32, #tpu.memory_space<vmem>>)
        %dma_wait3A_373 = arith.constant 0 : i32
        %dma_wait3A_374 = tpu.memref_slice %arg7[%dma_wait3A_373] : memref<10240xf32, #tpu.memory_space<hbm>> -> memref<10240xf32, #tpu.memory_space<hbm>>
        tpu.wait_indirect_dma semaphore(%arg37 : memref<!tpu.dma_semaphore, #tpu.memory_space<semaphore_mem>>) src(%dma_wait3A_374 : memref<10240xf32, #tpu.memory_space<hbm>>) dst(%arg22 : memref<128xf32, #tpu.memory_space<vmem>>)
        %dma_wait3A_375 = arith.constant 0 : i32
        %dma_wait3A_376 = arith.constant 0 : i32
        %dma_wait3A_377 = tpu.memref_slice %arg12[%dma_wait3A_375, %dma_wait3A_376] : memref<10240x256xf32, #tpu.memory_space<hbm>> -> memref<10240x256xf32, #tpu.memory_space<hbm>>
        tpu.wait_indirect_dma semaphore(%arg37 : memref<!tpu.dma_semaphore, #tpu.memory_space<semaphore_mem>>) src(%dma_wait3A_377 : memref<10240x256xf32, #tpu.memory_space<hbm>>) dst(%arg35 : memref<128x256xf32, #tpu.memory_space<vmem>>)
        %get3A_378 = arith.constant 0 : index
        %get3A_379 = tpu.vector_load %arg18[%get3A_378] {strides = array<i32>} : memref<128xi32, #tpu.memory_space<vmem>>, vector<16xi32>,
        %mul3A_380 = arith.constant 128 : i32
        %mul3A_381 = arith.muli %while3A_124, %mul3A_380 : i32
        %add3A_382 = arith.constant 0 : i32
        %add3A_383 = arith.addi %mul3A_381, %add3A_382 : i32
        %broadcast_in_dim3A_384 = vector.broadcast %add3A_383 : i32 to vector<16xi32>
        %add3A_385 = arith.addi %broadcast_in_dim3A_384, %iota3A : vector<16xi32>
        %lt3A_386 = arith.cmpi slt, %add3A_385, %broadcast_in_dim3A_93 : vector<16xi32>
        %get3A_387 = arith.constant 0 : index
        %get3A_388 = tpu.vector_load %arg19[%get3A_387] {strides = array<i32>} : memref<128xf32, #tpu.memory_space<vmem>>, vector<16xf32>,
        %gather3A_389 = tpu.vector_load_idx %arg31[%get3A_379] : memref<320xf32, #tpu.memory_space<vmem>>[vector<16xi32>], vector<16xf32>,
        %add3A_390 = arith.addf %get3A_388, %gather3A_389 : vector<16xf32>
        %ge3A = arith.constant 0.000000e+00 : f32
        %ge3A_391 = vector.broadcast %ge3A : f32 to vector<16xf32>
        %ge3A_392 = arith.cmpf oge, %add3A_390, %ge3A_391 : vector<16xf32>
        %mul3A_393 = arith.constant 2.000000e-01 : f32
        %mul3A_394 = vector.broadcast %mul3A_393 : f32 to vector<16xf32>
        %mul3A_395 = arith.mulf %mul3A_394, %add3A_390 : vector<16xf32>
        %select_n3A_396 = arith.select %ge3A_392, %add3A_390, %mul3A_395 : vector<16xi1>, vector<16xf32>
        %exp3A = math.exp %select_n3A_396 : vector<16xf32>
        tpu.vector_store_idx %arg27[%get3A_379], %exp3A masked %lt3A_386 {add = true} : memref<320xf32, #tpu.memory_space<vmem>>[vector<16xi32>], vector<16xf32>, vector<16xi1>
        %jit3A_397 = arith.constant 0.000000e+00 : f32
        %broadcast_in_dim3A_398 = vector.broadcast %jit3A_397 : f32 to vector<16xf32>
        %select_n3A_399 = arith.select %lt3A_386, %exp3A, %broadcast_in_dim3A_398 : vector<16xi1>, vector<16xf32>
        %swap3A_400 = arith.constant 0 : index
        %swap3A_401 = tpu.vector_load %arg23[%swap3A_400] {strides = array<i32>} : memref<128xf32, #tpu.memory_space<vmem>>, vector<16xf32>,
        tpu.vector_store %arg23[%swap3A_400], %select_n3A_399 {strides = array<i32>} : memref<128xf32, #tpu.memory_space<vmem>>, vector<16xf32>,
        %get3A_402 = arith.constant 0 : index
        %get3A_403 = tpu.vector_load %arg20[%get3A_402] {strides = array<i32>} : memref<128xf32, #tpu.memory_space<vmem>>, vector<16xf32>,
        %gather3A_404 = tpu.vector_load_idx %arg32[%get3A_379] : memref<320xf32, #tpu.memory_space<vmem>>[vector<16xi32>], vector<16xf32>,
        %add3A_405 = arith.addf %get3A_403, %gather3A_404 : vector<16xf32>
        %ge3A_406 = arith.constant 0.000000e+00 : f32
        %ge3A_407 = vector.broadcast %ge3A_406 : f32 to vector<16xf32>
        %ge3A_408 = arith.cmpf oge, %add3A_405, %ge3A_407 : vector<16xf32>
        %mul3A_409 = arith.constant 2.000000e-01 : f32
        %mul3A_410 = vector.broadcast %mul3A_409 : f32 to vector<16xf32>
        %mul3A_411 = arith.mulf %mul3A_410, %add3A_405 : vector<16xf32>
        %select_n3A_412 = arith.select %ge3A_408, %add3A_405, %mul3A_411 : vector<16xi1>, vector<16xf32>
        %exp3A_413 = math.exp %select_n3A_412 : vector<16xf32>
        tpu.vector_store_idx %arg28[%get3A_379], %exp3A_413 masked %lt3A_386 {add = true} : memref<320xf32, #tpu.memory_space<vmem>>[vector<16xi32>], vector<16xf32>, vector<16xi1>
        %jit3A_414 = arith.constant 0.000000e+00 : f32
        %broadcast_in_dim3A_415 = vector.broadcast %jit3A_414 : f32 to vector<16xf32>
        %select_n3A_416 = arith.select %lt3A_386, %exp3A_413, %broadcast_in_dim3A_415 : vector<16xi1>, vector<16xf32>
        %swap3A_417 = arith.constant 0 : index
        %swap3A_418 = tpu.vector_load %arg24[%swap3A_417] {strides = array<i32>} : memref<128xf32, #tpu.memory_space<vmem>>, vector<16xf32>,
        tpu.vector_store %arg24[%swap3A_417], %select_n3A_416 {strides = array<i32>} : memref<128xf32, #tpu.memory_space<vmem>>, vector<16xf32>,
        %get3A_419 = arith.constant 0 : index
        %get3A_420 = tpu.vector_load %arg21[%get3A_419] {strides = array<i32>} : memref<128xf32, #tpu.memory_space<vmem>>, vector<16xf32>,
        %gather3A_421 = tpu.vector_load_idx %arg33[%get3A_379] : memref<320xf32, #tpu.memory_space<vmem>>[vector<16xi32>], vector<16xf32>,
        %add3A_422 = arith.addf %get3A_420, %gather3A_421 : vector<16xf32>
        %ge3A_423 = arith.constant 0.000000e+00 : f32
        %ge3A_424 = vector.broadcast %ge3A_423 : f32 to vector<16xf32>
        %ge3A_425 = arith.cmpf oge, %add3A_422, %ge3A_424 : vector<16xf32>
        %mul3A_426 = arith.constant 2.000000e-01 : f32
        %mul3A_427 = vector.broadcast %mul3A_426 : f32 to vector<16xf32>
        %mul3A_428 = arith.mulf %mul3A_427, %add3A_422 : vector<16xf32>
        %select_n3A_429 = arith.select %ge3A_425, %add3A_422, %mul3A_428 : vector<16xi1>, vector<16xf32>
        %exp3A_430 = math.exp %select_n3A_429 : vector<16xf32>
        tpu.vector_store_idx %arg29[%get3A_379], %exp3A_430 masked %lt3A_386 {add = true} : memref<320xf32, #tpu.memory_space<vmem>>[vector<16xi32>], vector<16xf32>, vector<16xi1>
        %jit3A_431 = arith.constant 0.000000e+00 : f32
        %broadcast_in_dim3A_432 = vector.broadcast %jit3A_431 : f32 to vector<16xf32>
        %select_n3A_433 = arith.select %lt3A_386, %exp3A_430, %broadcast_in_dim3A_432 : vector<16xi1>, vector<16xf32>
        %swap3A_434 = arith.constant 0 : index
        %swap3A_435 = tpu.vector_load %arg25[%swap3A_434] {strides = array<i32>} : memref<128xf32, #tpu.memory_space<vmem>>, vector<16xf32>,
        tpu.vector_store %arg25[%swap3A_434], %select_n3A_433 {strides = array<i32>} : memref<128xf32, #tpu.memory_space<vmem>>, vector<16xf32>,
        %get3A_436 = arith.constant 0 : index
        %get3A_437 = tpu.vector_load %arg22[%get3A_436] {strides = array<i32>} : memref<128xf32, #tpu.memory_space<vmem>>, vector<16xf32>,
        %gather3A_438 = tpu.vector_load_idx %arg34[%get3A_379] : memref<320xf32, #tpu.memory_space<vmem>>[vector<16xi32>], vector<16xf32>,
        %add3A_439 = arith.addf %get3A_437, %gather3A_438 : vector<16xf32>
        %ge3A_440 = arith.constant 0.000000e+00 : f32
        %ge3A_441 = vector.broadcast %ge3A_440 : f32 to vector<16xf32>
        %ge3A_442 = arith.cmpf oge, %add3A_439, %ge3A_441 : vector<16xf32>
        %mul3A_443 = arith.constant 2.000000e-01 : f32
        %mul3A_444 = vector.broadcast %mul3A_443 : f32 to vector<16xf32>
        %mul3A_445 = arith.mulf %mul3A_444, %add3A_439 : vector<16xf32>
        %select_n3A_446 = arith.select %ge3A_442, %add3A_439, %mul3A_445 : vector<16xi1>, vector<16xf32>
        %exp3A_447 = math.exp %select_n3A_446 : vector<16xf32>
        tpu.vector_store_idx %arg30[%get3A_379], %exp3A_447 masked %lt3A_386 {add = true} : memref<320xf32, #tpu.memory_space<vmem>>[vector<16xi32>], vector<16xf32>, vector<16xi1>
        %jit3A_448 = arith.constant 0.000000e+00 : f32
        %broadcast_in_dim3A_449 = vector.broadcast %jit3A_448 : f32 to vector<16xf32>
        %select_n3A_450 = arith.select %lt3A_386, %exp3A_447, %broadcast_in_dim3A_449 : vector<16xi1>, vector<16xf32>
        %swap3A_451 = arith.constant 0 : index
        %swap3A_452 = tpu.vector_load %arg26[%swap3A_451] {strides = array<i32>} : memref<128xf32, #tpu.memory_space<vmem>>, vector<16xf32>,
        tpu.vector_store %arg26[%swap3A_451], %select_n3A_450 {strides = array<i32>} : memref<128xf32, #tpu.memory_space<vmem>>, vector<16xf32>,
        %get3A_453 = arith.constant 16 : index
        %get3A_454 = tpu.vector_load %arg18[%get3A_453] {strides = array<i32>} : memref<128xi32, #tpu.memory_space<vmem>>, vector<16xi32>,
        %mul3A_455 = arith.constant 128 : i32
        %mul3A_456 = arith.muli %while3A_124, %mul3A_455 : i32
        %add3A_457 = arith.constant 16 : i32
        %add3A_458 = arith.addi %mul3A_456, %add3A_457 : i32
        %broadcast_in_dim3A_459 = vector.broadcast %add3A_458 : i32 to vector<16xi32>
        %add3A_460 = arith.addi %broadcast_in_dim3A_459, %iota3A : vector<16xi32>
        %lt3A_461 = arith.cmpi slt, %add3A_460, %broadcast_in_dim3A_93 : vector<16xi32>
        %get3A_462 = arith.constant 16 : index
        %get3A_463 = tpu.vector_load %arg19[%get3A_462] {strides = array<i32>} : memref<128xf32, #tpu.memory_space<vmem>>, vector<16xf32>,
        %gather3A_464 = tpu.vector_load_idx %arg31[%get3A_454] : memref<320xf32, #tpu.memory_space<vmem>>[vector<16xi32>], vector<16xf32>,
        %add3A_465 = arith.addf %get3A_463, %gather3A_464 : vector<16xf32>
        %ge3A_466 = arith.constant 0.000000e+00 : f32
        %ge3A_467 = vector.broadcast %ge3A_466 : f32 to vector<16xf32>
        %ge3A_468 = arith.cmpf oge, %add3A_465, %ge3A_467 : vector<16xf32>
        %mul3A_469 = arith.constant 2.000000e-01 : f32
        %mul3A_470 = vector.broadcast %mul3A_469 : f32 to vector<16xf32>
        %mul3A_471 = arith.mulf %mul3A_470, %add3A_465 : vector<16xf32>
        %select_n3A_472 = arith.select %ge3A_468, %add3A_465, %mul3A_471 : vector<16xi1>, vector<16xf32>
        %exp3A_473 = math.exp %select_n3A_472 : vector<16xf32>
        tpu.vector_store_idx %arg27[%get3A_454], %exp3A_473 masked %lt3A_461 {add = true} : memref<320xf32, #tpu.memory_space<vmem>>[vector<16xi32>], vector<16xf32>, vector<16xi1>
        %jit3A_474 = arith.constant 0.000000e+00 : f32
        %broadcast_in_dim3A_475 = vector.broadcast %jit3A_474 : f32 to vector<16xf32>
        %select_n3A_476 = arith.select %lt3A_461, %exp3A_473, %broadcast_in_dim3A_475 : vector<16xi1>, vector<16xf32>
        %swap3A_477 = arith.constant 16 : index
        %swap3A_478 = tpu.vector_load %arg23[%swap3A_477] {strides = array<i32>} : memref<128xf32, #tpu.memory_space<vmem>>, vector<16xf32>,
        tpu.vector_store %arg23[%swap3A_477], %select_n3A_476 {strides = array<i32>} : memref<128xf32, #tpu.memory_space<vmem>>, vector<16xf32>,
        %get3A_479 = arith.constant 16 : index
        %get3A_480 = tpu.vector_load %arg20[%get3A_479] {strides = array<i32>} : memref<128xf32, #tpu.memory_space<vmem>>, vector<16xf32>,
        %gather3A_481 = tpu.vector_load_idx %arg32[%get3A_454] : memref<320xf32, #tpu.memory_space<vmem>>[vector<16xi32>], vector<16xf32>,
        %add3A_482 = arith.addf %get3A_480, %gather3A_481 : vector<16xf32>
        %ge3A_483 = arith.constant 0.000000e+00 : f32
        %ge3A_484 = vector.broadcast %ge3A_483 : f32 to vector<16xf32>
        %ge3A_485 = arith.cmpf oge, %add3A_482, %ge3A_484 : vector<16xf32>
        %mul3A_486 = arith.constant 2.000000e-01 : f32
        %mul3A_487 = vector.broadcast %mul3A_486 : f32 to vector<16xf32>
        %mul3A_488 = arith.mulf %mul3A_487, %add3A_482 : vector<16xf32>
        %select_n3A_489 = arith.select %ge3A_485, %add3A_482, %mul3A_488 : vector<16xi1>, vector<16xf32>
        %exp3A_490 = math.exp %select_n3A_489 : vector<16xf32>
        tpu.vector_store_idx %arg28[%get3A_454], %exp3A_490 masked %lt3A_461 {add = true} : memref<320xf32, #tpu.memory_space<vmem>>[vector<16xi32>], vector<16xf32>, vector<16xi1>
        %jit3A_491 = arith.constant 0.000000e+00 : f32
        %broadcast_in_dim3A_492 = vector.broadcast %jit3A_491 : f32 to vector<16xf32>
        %select_n3A_493 = arith.select %lt3A_461, %exp3A_490, %broadcast_in_dim3A_492 : vector<16xi1>, vector<16xf32>
        %swap3A_494 = arith.constant 16 : index
        %swap3A_495 = tpu.vector_load %arg24[%swap3A_494] {strides = array<i32>} : memref<128xf32, #tpu.memory_space<vmem>>, vector<16xf32>,
        tpu.vector_store %arg24[%swap3A_494], %select_n3A_493 {strides = array<i32>} : memref<128xf32, #tpu.memory_space<vmem>>, vector<16xf32>,
        %get3A_496 = arith.constant 16 : index
        %get3A_497 = tpu.vector_load %arg21[%get3A_496] {strides = array<i32>} : memref<128xf32, #tpu.memory_space<vmem>>, vector<16xf32>,
        %gather3A_498 = tpu.vector_load_idx %arg33[%get3A_454] : memref<320xf32, #tpu.memory_space<vmem>>[vector<16xi32>], vector<16xf32>,
        %add3A_499 = arith.addf %get3A_497, %gather3A_498 : vector<16xf32>
        %ge3A_500 = arith.constant 0.000000e+00 : f32
        %ge3A_501 = vector.broadcast %ge3A_500 : f32 to vector<16xf32>
        %ge3A_502 = arith.cmpf oge, %add3A_499, %ge3A_501 : vector<16xf32>
        %mul3A_503 = arith.constant 2.000000e-01 : f32
        %mul3A_504 = vector.broadcast %mul3A_503 : f32 to vector<16xf32>
        %mul3A_505 = arith.mulf %mul3A_504, %add3A_499 : vector<16xf32>
        %select_n3A_506 = arith.select %ge3A_502, %add3A_499, %mul3A_505 : vector<16xi1>, vector<16xf32>
        %exp3A_507 = math.exp %select_n3A_506 : vector<16xf32>
        tpu.vector_store_idx %arg29[%get3A_454], %exp3A_507 masked %lt3A_461 {add = true} : memref<320xf32, #tpu.memory_space<vmem>>[vector<16xi32>], vector<16xf32>, vector<16xi1>
        %jit3A_508 = arith.constant 0.000000e+00 : f32
        %broadcast_in_dim3A_509 = vector.broadcast %jit3A_508 : f32 to vector<16xf32>
        %select_n3A_510 = arith.select %lt3A_461, %exp3A_507, %broadcast_in_dim3A_509 : vector<16xi1>, vector<16xf32>
        %swap3A_511 = arith.constant 16 : index
        %swap3A_512 = tpu.vector_load %arg25[%swap3A_511] {strides = array<i32>} : memref<128xf32, #tpu.memory_space<vmem>>, vector<16xf32>,
        tpu.vector_store %arg25[%swap3A_511], %select_n3A_510 {strides = array<i32>} : memref<128xf32, #tpu.memory_space<vmem>>, vector<16xf32>,
        %get3A_513 = arith.constant 16 : index
        %get3A_514 = tpu.vector_load %arg22[%get3A_513] {strides = array<i32>} : memref<128xf32, #tpu.memory_space<vmem>>, vector<16xf32>,
        %gather3A_515 = tpu.vector_load_idx %arg34[%get3A_454] : memref<320xf32, #tpu.memory_space<vmem>>[vector<16xi32>], vector<16xf32>,
        %add3A_516 = arith.addf %get3A_514, %gather3A_515 : vector<16xf32>
        %ge3A_517 = arith.constant 0.000000e+00 : f32
        %ge3A_518 = vector.broadcast %ge3A_517 : f32 to vector<16xf32>
        %ge3A_519 = arith.cmpf oge, %add3A_516, %ge3A_518 : vector<16xf32>
        %mul3A_520 = arith.constant 2.000000e-01 : f32
        %mul3A_521 = vector.broadcast %mul3A_520 : f32 to vector<16xf32>
        %mul3A_522 = arith.mulf %mul3A_521, %add3A_516 : vector<16xf32>
        %select_n3A_523 = arith.select %ge3A_519, %add3A_516, %mul3A_522 : vector<16xi1>, vector<16xf32>
        %exp3A_524 = math.exp %select_n3A_523 : vector<16xf32>
        tpu.vector_store_idx %arg30[%get3A_454], %exp3A_524 masked %lt3A_461 {add = true} : memref<320xf32, #tpu.memory_space<vmem>>[vector<16xi32>], vector<16xf32>, vector<16xi1>
        %jit3A_525 = arith.constant 0.000000e+00 : f32
        %broadcast_in_dim3A_526 = vector.broadcast %jit3A_525 : f32 to vector<16xf32>
        %select_n3A_527 = arith.select %lt3A_461, %exp3A_524, %broadcast_in_dim3A_526 : vector<16xi1>, vector<16xf32>
        %swap3A_528 = arith.constant 16 : index
        %swap3A_529 = tpu.vector_load %arg26[%swap3A_528] {strides = array<i32>} : memref<128xf32, #tpu.memory_space<vmem>>, vector<16xf32>,
        tpu.vector_store %arg26[%swap3A_528], %select_n3A_527 {strides = array<i32>} : memref<128xf32, #tpu.memory_space<vmem>>, vector<16xf32>,
        %get3A_530 = arith.constant 32 : index
        %get3A_531 = tpu.vector_load %arg18[%get3A_530] {strides = array<i32>} : memref<128xi32, #tpu.memory_space<vmem>>, vector<16xi32>,
        %mul3A_532 = arith.constant 128 : i32
        %mul3A_533 = arith.muli %while3A_124, %mul3A_532 : i32
        %add3A_534 = arith.constant 32 : i32
        %add3A_535 = arith.addi %mul3A_533, %add3A_534 : i32
        %broadcast_in_dim3A_536 = vector.broadcast %add3A_535 : i32 to vector<16xi32>
        %add3A_537 = arith.addi %broadcast_in_dim3A_536, %iota3A : vector<16xi32>
        %lt3A_538 = arith.cmpi slt, %add3A_537, %broadcast_in_dim3A_93 : vector<16xi32>
        %get3A_539 = arith.constant 32 : index
        %get3A_540 = tpu.vector_load %arg19[%get3A_539] {strides = array<i32>} : memref<128xf32, #tpu.memory_space<vmem>>, vector<16xf32>,
        %gather3A_541 = tpu.vector_load_idx %arg31[%get3A_531] : memref<320xf32, #tpu.memory_space<vmem>>[vector<16xi32>], vector<16xf32>,
        %add3A_542 = arith.addf %get3A_540, %gather3A_541 : vector<16xf32>
        %ge3A_543 = arith.constant 0.000000e+00 : f32
        %ge3A_544 = vector.broadcast %ge3A_543 : f32 to vector<16xf32>
        %ge3A_545 = arith.cmpf oge, %add3A_542, %ge3A_544 : vector<16xf32>
        %mul3A_546 = arith.constant 2.000000e-01 : f32
        %mul3A_547 = vector.broadcast %mul3A_546 : f32 to vector<16xf32>
        %mul3A_548 = arith.mulf %mul3A_547, %add3A_542 : vector<16xf32>
        %select_n3A_549 = arith.select %ge3A_545, %add3A_542, %mul3A_548 : vector<16xi1>, vector<16xf32>
        %exp3A_550 = math.exp %select_n3A_549 : vector<16xf32>
        tpu.vector_store_idx %arg27[%get3A_531], %exp3A_550 masked %lt3A_538 {add = true} : memref<320xf32, #tpu.memory_space<vmem>>[vector<16xi32>], vector<16xf32>, vector<16xi1>
        %jit3A_551 = arith.constant 0.000000e+00 : f32
        %broadcast_in_dim3A_552 = vector.broadcast %jit3A_551 : f32 to vector<16xf32>
        %select_n3A_553 = arith.select %lt3A_538, %exp3A_550, %broadcast_in_dim3A_552 : vector<16xi1>, vector<16xf32>
        %swap3A_554 = arith.constant 32 : index
        %swap3A_555 = tpu.vector_load %arg23[%swap3A_554] {strides = array<i32>} : memref<128xf32, #tpu.memory_space<vmem>>, vector<16xf32>,
        tpu.vector_store %arg23[%swap3A_554], %select_n3A_553 {strides = array<i32>} : memref<128xf32, #tpu.memory_space<vmem>>, vector<16xf32>,
        %get3A_556 = arith.constant 32 : index
        %get3A_557 = tpu.vector_load %arg20[%get3A_556] {strides = array<i32>} : memref<128xf32, #tpu.memory_space<vmem>>, vector<16xf32>,
        %gather3A_558 = tpu.vector_load_idx %arg32[%get3A_531] : memref<320xf32, #tpu.memory_space<vmem>>[vector<16xi32>], vector<16xf32>,
        %add3A_559 = arith.addf %get3A_557, %gather3A_558 : vector<16xf32>
        %ge3A_560 = arith.constant 0.000000e+00 : f32
        %ge3A_561 = vector.broadcast %ge3A_560 : f32 to vector<16xf32>
        %ge3A_562 = arith.cmpf oge, %add3A_559, %ge3A_561 : vector<16xf32>
        %mul3A_563 = arith.constant 2.000000e-01 : f32
        %mul3A_564 = vector.broadcast %mul3A_563 : f32 to vector<16xf32>
        %mul3A_565 = arith.mulf %mul3A_564, %add3A_559 : vector<16xf32>
        %select_n3A_566 = arith.select %ge3A_562, %add3A_559, %mul3A_565 : vector<16xi1>, vector<16xf32>
        %exp3A_567 = math.exp %select_n3A_566 : vector<16xf32>
        tpu.vector_store_idx %arg28[%get3A_531], %exp3A_567 masked %lt3A_538 {add = true} : memref<320xf32, #tpu.memory_space<vmem>>[vector<16xi32>], vector<16xf32>, vector<16xi1>
        %jit3A_568 = arith.constant 0.000000e+00 : f32
        %broadcast_in_dim3A_569 = vector.broadcast %jit3A_568 : f32 to vector<16xf32>
        %select_n3A_570 = arith.select %lt3A_538, %exp3A_567, %broadcast_in_dim3A_569 : vector<16xi1>, vector<16xf32>
        %swap3A_571 = arith.constant 32 : index
        %swap3A_572 = tpu.vector_load %arg24[%swap3A_571] {strides = array<i32>} : memref<128xf32, #tpu.memory_space<vmem>>, vector<16xf32>,
        tpu.vector_store %arg24[%swap3A_571], %select_n3A_570 {strides = array<i32>} : memref<128xf32, #tpu.memory_space<vmem>>, vector<16xf32>,
        %get3A_573 = arith.constant 32 : index
        %get3A_574 = tpu.vector_load %arg21[%get3A_573] {strides = array<i32>} : memref<128xf32, #tpu.memory_space<vmem>>, vector<16xf32>,
        %gather3A_575 = tpu.vector_load_idx %arg33[%get3A_531] : memref<320xf32, #tpu.memory_space<vmem>>[vector<16xi32>], vector<16xf32>,
        %add3A_576 = arith.addf %get3A_574, %gather3A_575 : vector<16xf32>
        %ge3A_577 = arith.constant 0.000000e+00 : f32
        %ge3A_578 = vector.broadcast %ge3A_577 : f32 to vector<16xf32>
        %ge3A_579 = arith.cmpf oge, %add3A_576, %ge3A_578 : vector<16xf32>
        %mul3A_580 = arith.constant 2.000000e-01 : f32
        %mul3A_581 = vector.broadcast %mul3A_580 : f32 to vector<16xf32>
        %mul3A_582 = arith.mulf %mul3A_581, %add3A_576 : vector<16xf32>
        %select_n3A_583 = arith.select %ge3A_579, %add3A_576, %mul3A_582 : vector<16xi1>, vector<16xf32>
        %exp3A_584 = math.exp %select_n3A_583 : vector<16xf32>
        tpu.vector_store_idx %arg29[%get3A_531], %exp3A_584 masked %lt3A_538 {add = true} : memref<320xf32, #tpu.memory_space<vmem>>[vector<16xi32>], vector<16xf32>, vector<16xi1>
        %jit3A_585 = arith.constant 0.000000e+00 : f32
        %broadcast_in_dim3A_586 = vector.broadcast %jit3A_585 : f32 to vector<16xf32>
        %select_n3A_587 = arith.select %lt3A_538, %exp3A_584, %broadcast_in_dim3A_586 : vector<16xi1>, vector<16xf32>
        %swap3A_588 = arith.constant 32 : index
        %swap3A_589 = tpu.vector_load %arg25[%swap3A_588] {strides = array<i32>} : memref<128xf32, #tpu.memory_space<vmem>>, vector<16xf32>,
        tpu.vector_store %arg25[%swap3A_588], %select_n3A_587 {strides = array<i32>} : memref<128xf32, #tpu.memory_space<vmem>>, vector<16xf32>,
        %get3A_590 = arith.constant 32 : index
        %get3A_591 = tpu.vector_load %arg22[%get3A_590] {strides = array<i32>} : memref<128xf32, #tpu.memory_space<vmem>>, vector<16xf32>,
        %gather3A_592 = tpu.vector_load_idx %arg34[%get3A_531] : memref<320xf32, #tpu.memory_space<vmem>>[vector<16xi32>], vector<16xf32>,
        %add3A_593 = arith.addf %get3A_591, %gather3A_592 : vector<16xf32>
        %ge3A_594 = arith.constant 0.000000e+00 : f32
        %ge3A_595 = vector.broadcast %ge3A_594 : f32 to vector<16xf32>
        %ge3A_596 = arith.cmpf oge, %add3A_593, %ge3A_595 : vector<16xf32>
        %mul3A_597 = arith.constant 2.000000e-01 : f32
        %mul3A_598 = vector.broadcast %mul3A_597 : f32 to vector<16xf32>
        %mul3A_599 = arith.mulf %mul3A_598, %add3A_593 : vector<16xf32>
        %select_n3A_600 = arith.select %ge3A_596, %add3A_593, %mul3A_599 : vector<16xi1>, vector<16xf32>
        %exp3A_601 = math.exp %select_n3A_600 : vector<16xf32>
        tpu.vector_store_idx %arg30[%get3A_531], %exp3A_601 masked %lt3A_538 {add = true} : memref<320xf32, #tpu.memory_space<vmem>>[vector<16xi32>], vector<16xf32>, vector<16xi1>
        %jit3A_602 = arith.constant 0.000000e+00 : f32
        %broadcast_in_dim3A_603 = vector.broadcast %jit3A_602 : f32 to vector<16xf32>
        %select_n3A_604 = arith.select %lt3A_538, %exp3A_601, %broadcast_in_dim3A_603 : vector<16xi1>, vector<16xf32>
        %swap3A_605 = arith.constant 32 : index
        %swap3A_606 = tpu.vector_load %arg26[%swap3A_605] {strides = array<i32>} : memref<128xf32, #tpu.memory_space<vmem>>, vector<16xf32>,
        tpu.vector_store %arg26[%swap3A_605], %select_n3A_604 {strides = array<i32>} : memref<128xf32, #tpu.memory_space<vmem>>, vector<16xf32>,
        %get3A_607 = arith.constant 48 : index
        %get3A_608 = tpu.vector_load %arg18[%get3A_607] {strides = array<i32>} : memref<128xi32, #tpu.memory_space<vmem>>, vector<16xi32>,
        %mul3A_609 = arith.constant 128 : i32
        %mul3A_610 = arith.muli %while3A_124, %mul3A_609 : i32
        %add3A_611 = arith.constant 48 : i32
        %add3A_612 = arith.addi %mul3A_610, %add3A_611 : i32
        %broadcast_in_dim3A_613 = vector.broadcast %add3A_612 : i32 to vector<16xi32>
        %add3A_614 = arith.addi %broadcast_in_dim3A_613, %iota3A : vector<16xi32>
        %lt3A_615 = arith.cmpi slt, %add3A_614, %broadcast_in_dim3A_93 : vector<16xi32>
        %get3A_616 = arith.constant 48 : index
        %get3A_617 = tpu.vector_load %arg19[%get3A_616] {strides = array<i32>} : memref<128xf32, #tpu.memory_space<vmem>>, vector<16xf32>,
        %gather3A_618 = tpu.vector_load_idx %arg31[%get3A_608] : memref<320xf32, #tpu.memory_space<vmem>>[vector<16xi32>], vector<16xf32>,
        %add3A_619 = arith.addf %get3A_617, %gather3A_618 : vector<16xf32>
        %ge3A_620 = arith.constant 0.000000e+00 : f32
        %ge3A_621 = vector.broadcast %ge3A_620 : f32 to vector<16xf32>
        %ge3A_622 = arith.cmpf oge, %add3A_619, %ge3A_621 : vector<16xf32>
        %mul3A_623 = arith.constant 2.000000e-01 : f32
        %mul3A_624 = vector.broadcast %mul3A_623 : f32 to vector<16xf32>
        %mul3A_625 = arith.mulf %mul3A_624, %add3A_619 : vector<16xf32>
        %select_n3A_626 = arith.select %ge3A_622, %add3A_619, %mul3A_625 : vector<16xi1>, vector<16xf32>
        %exp3A_627 = math.exp %select_n3A_626 : vector<16xf32>
        tpu.vector_store_idx %arg27[%get3A_608], %exp3A_627 masked %lt3A_615 {add = true} : memref<320xf32, #tpu.memory_space<vmem>>[vector<16xi32>], vector<16xf32>, vector<16xi1>
        %jit3A_628 = arith.constant 0.000000e+00 : f32
        %broadcast_in_dim3A_629 = vector.broadcast %jit3A_628 : f32 to vector<16xf32>
        %select_n3A_630 = arith.select %lt3A_615, %exp3A_627, %broadcast_in_dim3A_629 : vector<16xi1>, vector<16xf32>
        %swap3A_631 = arith.constant 48 : index
        %swap3A_632 = tpu.vector_load %arg23[%swap3A_631] {strides = array<i32>} : memref<128xf32, #tpu.memory_space<vmem>>, vector<16xf32>,
        tpu.vector_store %arg23[%swap3A_631], %select_n3A_630 {strides = array<i32>} : memref<128xf32, #tpu.memory_space<vmem>>, vector<16xf32>,
        %get3A_633 = arith.constant 48 : index
        %get3A_634 = tpu.vector_load %arg20[%get3A_633] {strides = array<i32>} : memref<128xf32, #tpu.memory_space<vmem>>, vector<16xf32>,
        %gather3A_635 = tpu.vector_load_idx %arg32[%get3A_608] : memref<320xf32, #tpu.memory_space<vmem>>[vector<16xi32>], vector<16xf32>,
        %add3A_636 = arith.addf %get3A_634, %gather3A_635 : vector<16xf32>
        %ge3A_637 = arith.constant 0.000000e+00 : f32
        %ge3A_638 = vector.broadcast %ge3A_637 : f32 to vector<16xf32>
        %ge3A_639 = arith.cmpf oge, %add3A_636, %ge3A_638 : vector<16xf32>
        %mul3A_640 = arith.constant 2.000000e-01 : f32
        %mul3A_641 = vector.broadcast %mul3A_640 : f32 to vector<16xf32>
        %mul3A_642 = arith.mulf %mul3A_641, %add3A_636 : vector<16xf32>
        %select_n3A_643 = arith.select %ge3A_639, %add3A_636, %mul3A_642 : vector<16xi1>, vector<16xf32>
        %exp3A_644 = math.exp %select_n3A_643 : vector<16xf32>
        tpu.vector_store_idx %arg28[%get3A_608], %exp3A_644 masked %lt3A_615 {add = true} : memref<320xf32, #tpu.memory_space<vmem>>[vector<16xi32>], vector<16xf32>, vector<16xi1>
        %jit3A_645 = arith.constant 0.000000e+00 : f32
        %broadcast_in_dim3A_646 = vector.broadcast %jit3A_645 : f32 to vector<16xf32>
        %select_n3A_647 = arith.select %lt3A_615, %exp3A_644, %broadcast_in_dim3A_646 : vector<16xi1>, vector<16xf32>
        %swap3A_648 = arith.constant 48 : index
        %swap3A_649 = tpu.vector_load %arg24[%swap3A_648] {strides = array<i32>} : memref<128xf32, #tpu.memory_space<vmem>>, vector<16xf32>,
        tpu.vector_store %arg24[%swap3A_648], %select_n3A_647 {strides = array<i32>} : memref<128xf32, #tpu.memory_space<vmem>>, vector<16xf32>,
        %get3A_650 = arith.constant 48 : index
        %get3A_651 = tpu.vector_load %arg21[%get3A_650] {strides = array<i32>} : memref<128xf32, #tpu.memory_space<vmem>>, vector<16xf32>,
        %gather3A_652 = tpu.vector_load_idx %arg33[%get3A_608] : memref<320xf32, #tpu.memory_space<vmem>>[vector<16xi32>], vector<16xf32>,
        %add3A_653 = arith.addf %get3A_651, %gather3A_652 : vector<16xf32>
        %ge3A_654 = arith.constant 0.000000e+00 : f32
        %ge3A_655 = vector.broadcast %ge3A_654 : f32 to vector<16xf32>
        %ge3A_656 = arith.cmpf oge, %add3A_653, %ge3A_655 : vector<16xf32>
        %mul3A_657 = arith.constant 2.000000e-01 : f32
        %mul3A_658 = vector.broadcast %mul3A_657 : f32 to vector<16xf32>
        %mul3A_659 = arith.mulf %mul3A_658, %add3A_653 : vector<16xf32>
        %select_n3A_660 = arith.select %ge3A_656, %add3A_653, %mul3A_659 : vector<16xi1>, vector<16xf32>
        %exp3A_661 = math.exp %select_n3A_660 : vector<16xf32>
        tpu.vector_store_idx %arg29[%get3A_608], %exp3A_661 masked %lt3A_615 {add = true} : memref<320xf32, #tpu.memory_space<vmem>>[vector<16xi32>], vector<16xf32>, vector<16xi1>
        %jit3A_662 = arith.constant 0.000000e+00 : f32
        %broadcast_in_dim3A_663 = vector.broadcast %jit3A_662 : f32 to vector<16xf32>
        %select_n3A_664 = arith.select %lt3A_615, %exp3A_661, %broadcast_in_dim3A_663 : vector<16xi1>, vector<16xf32>
        %swap3A_665 = arith.constant 48 : index
        %swap3A_666 = tpu.vector_load %arg25[%swap3A_665] {strides = array<i32>} : memref<128xf32, #tpu.memory_space<vmem>>, vector<16xf32>,
        tpu.vector_store %arg25[%swap3A_665], %select_n3A_664 {strides = array<i32>} : memref<128xf32, #tpu.memory_space<vmem>>, vector<16xf32>,
        %get3A_667 = arith.constant 48 : index
        %get3A_668 = tpu.vector_load %arg22[%get3A_667] {strides = array<i32>} : memref<128xf32, #tpu.memory_space<vmem>>, vector<16xf32>,
        %gather3A_669 = tpu.vector_load_idx %arg34[%get3A_608] : memref<320xf32, #tpu.memory_space<vmem>>[vector<16xi32>], vector<16xf32>,
        %add3A_670 = arith.addf %get3A_668, %gather3A_669 : vector<16xf32>
        %ge3A_671 = arith.constant 0.000000e+00 : f32
        %ge3A_672 = vector.broadcast %ge3A_671 : f32 to vector<16xf32>
        %ge3A_673 = arith.cmpf oge, %add3A_670, %ge3A_672 : vector<16xf32>
        %mul3A_674 = arith.constant 2.000000e-01 : f32
        %mul3A_675 = vector.broadcast %mul3A_674 : f32 to vector<16xf32>
        %mul3A_676 = arith.mulf %mul3A_675, %add3A_670 : vector<16xf32>
        %select_n3A_677 = arith.select %ge3A_673, %add3A_670, %mul3A_676 : vector<16xi1>, vector<16xf32>
        %exp3A_678 = math.exp %select_n3A_677 : vector<16xf32>
        tpu.vector_store_idx %arg30[%get3A_608], %exp3A_678 masked %lt3A_615 {add = true} : memref<320xf32, #tpu.memory_space<vmem>>[vector<16xi32>], vector<16xf32>, vector<16xi1>
        %jit3A_679 = arith.constant 0.000000e+00 : f32
        %broadcast_in_dim3A_680 = vector.broadcast %jit3A_679 : f32 to vector<16xf32>
        %select_n3A_681 = arith.select %lt3A_615, %exp3A_678, %broadcast_in_dim3A_680 : vector<16xi1>, vector<16xf32>
        %swap3A_682 = arith.constant 48 : index
        %swap3A_683 = tpu.vector_load %arg26[%swap3A_682] {strides = array<i32>} : memref<128xf32, #tpu.memory_space<vmem>>, vector<16xf32>,
        tpu.vector_store %arg26[%swap3A_682], %select_n3A_681 {strides = array<i32>} : memref<128xf32, #tpu.memory_space<vmem>>, vector<16xf32>,
        %get3A_684 = arith.constant 64 : index
        %get3A_685 = tpu.vector_load %arg18[%get3A_684] {strides = array<i32>} : memref<128xi32, #tpu.memory_space<vmem>>, vector<16xi32>,
        %mul3A_686 = arith.constant 128 : i32
        %mul3A_687 = arith.muli %while3A_124, %mul3A_686 : i32
        %add3A_688 = arith.constant 64 : i32
        %add3A_689 = arith.addi %mul3A_687, %add3A_688 : i32
        %broadcast_in_dim3A_690 = vector.broadcast %add3A_689 : i32 to vector<16xi32>
        %add3A_691 = arith.addi %broadcast_in_dim3A_690, %iota3A : vector<16xi32>
        %lt3A_692 = arith.cmpi slt, %add3A_691, %broadcast_in_dim3A_93 : vector<16xi32>
        %get3A_693 = arith.constant 64 : index
        %get3A_694 = tpu.vector_load %arg19[%get3A_693] {strides = array<i32>} : memref<128xf32, #tpu.memory_space<vmem>>, vector<16xf32>,
        %gather3A_695 = tpu.vector_load_idx %arg31[%get3A_685] : memref<320xf32, #tpu.memory_space<vmem>>[vector<16xi32>], vector<16xf32>,
        %add3A_696 = arith.addf %get3A_694, %gather3A_695 : vector<16xf32>
        %ge3A_697 = arith.constant 0.000000e+00 : f32
        %ge3A_698 = vector.broadcast %ge3A_697 : f32 to vector<16xf32>
        %ge3A_699 = arith.cmpf oge, %add3A_696, %ge3A_698 : vector<16xf32>
        %mul3A_700 = arith.constant 2.000000e-01 : f32
        %mul3A_701 = vector.broadcast %mul3A_700 : f32 to vector<16xf32>
        %mul3A_702 = arith.mulf %mul3A_701, %add3A_696 : vector<16xf32>
        %select_n3A_703 = arith.select %ge3A_699, %add3A_696, %mul3A_702 : vector<16xi1>, vector<16xf32>
        %exp3A_704 = math.exp %select_n3A_703 : vector<16xf32>
        tpu.vector_store_idx %arg27[%get3A_685], %exp3A_704 masked %lt3A_692 {add = true} : memref<320xf32, #tpu.memory_space<vmem>>[vector<16xi32>], vector<16xf32>, vector<16xi1>
        %jit3A_705 = arith.constant 0.000000e+00 : f32
        %broadcast_in_dim3A_706 = vector.broadcast %jit3A_705 : f32 to vector<16xf32>
        %select_n3A_707 = arith.select %lt3A_692, %exp3A_704, %broadcast_in_dim3A_706 : vector<16xi1>, vector<16xf32>
        %swap3A_708 = arith.constant 64 : index
        %swap3A_709 = tpu.vector_load %arg23[%swap3A_708] {strides = array<i32>} : memref<128xf32, #tpu.memory_space<vmem>>, vector<16xf32>,
        tpu.vector_store %arg23[%swap3A_708], %select_n3A_707 {strides = array<i32>} : memref<128xf32, #tpu.memory_space<vmem>>, vector<16xf32>,
        %get3A_710 = arith.constant 64 : index
        %get3A_711 = tpu.vector_load %arg20[%get3A_710] {strides = array<i32>} : memref<128xf32, #tpu.memory_space<vmem>>, vector<16xf32>,
        %gather3A_712 = tpu.vector_load_idx %arg32[%get3A_685] : memref<320xf32, #tpu.memory_space<vmem>>[vector<16xi32>], vector<16xf32>,
        %add3A_713 = arith.addf %get3A_711, %gather3A_712 : vector<16xf32>
        %ge3A_714 = arith.constant 0.000000e+00 : f32
        %ge3A_715 = vector.broadcast %ge3A_714 : f32 to vector<16xf32>
        %ge3A_716 = arith.cmpf oge, %add3A_713, %ge3A_715 : vector<16xf32>
        %mul3A_717 = arith.constant 2.000000e-01 : f32
        %mul3A_718 = vector.broadcast %mul3A_717 : f32 to vector<16xf32>
        %mul3A_719 = arith.mulf %mul3A_718, %add3A_713 : vector<16xf32>
        %select_n3A_720 = arith.select %ge3A_716, %add3A_713, %mul3A_719 : vector<16xi1>, vector<16xf32>
        %exp3A_721 = math.exp %select_n3A_720 : vector<16xf32>
        tpu.vector_store_idx %arg28[%get3A_685], %exp3A_721 masked %lt3A_692 {add = true} : memref<320xf32, #tpu.memory_space<vmem>>[vector<16xi32>], vector<16xf32>, vector<16xi1>
        %jit3A_722 = arith.constant 0.000000e+00 : f32
        %broadcast_in_dim3A_723 = vector.broadcast %jit3A_722 : f32 to vector<16xf32>
        %select_n3A_724 = arith.select %lt3A_692, %exp3A_721, %broadcast_in_dim3A_723 : vector<16xi1>, vector<16xf32>
        %swap3A_725 = arith.constant 64 : index
        %swap3A_726 = tpu.vector_load %arg24[%swap3A_725] {strides = array<i32>} : memref<128xf32, #tpu.memory_space<vmem>>, vector<16xf32>,
        tpu.vector_store %arg24[%swap3A_725], %select_n3A_724 {strides = array<i32>} : memref<128xf32, #tpu.memory_space<vmem>>, vector<16xf32>,
        %get3A_727 = arith.constant 64 : index
        %get3A_728 = tpu.vector_load %arg21[%get3A_727] {strides = array<i32>} : memref<128xf32, #tpu.memory_space<vmem>>, vector<16xf32>,
        %gather3A_729 = tpu.vector_load_idx %arg33[%get3A_685] : memref<320xf32, #tpu.memory_space<vmem>>[vector<16xi32>], vector<16xf32>,
        %add3A_730 = arith.addf %get3A_728, %gather3A_729 : vector<16xf32>
        %ge3A_731 = arith.constant 0.000000e+00 : f32
        %ge3A_732 = vector.broadcast %ge3A_731 : f32 to vector<16xf32>
        %ge3A_733 = arith.cmpf oge, %add3A_730, %ge3A_732 : vector<16xf32>
        %mul3A_734 = arith.constant 2.000000e-01 : f32
        %mul3A_735 = vector.broadcast %mul3A_734 : f32 to vector<16xf32>
        %mul3A_736 = arith.mulf %mul3A_735, %add3A_730 : vector<16xf32>
        %select_n3A_737 = arith.select %ge3A_733, %add3A_730, %mul3A_736 : vector<16xi1>, vector<16xf32>
        %exp3A_738 = math.exp %select_n3A_737 : vector<16xf32>
        tpu.vector_store_idx %arg29[%get3A_685], %exp3A_738 masked %lt3A_692 {add = true} : memref<320xf32, #tpu.memory_space<vmem>>[vector<16xi32>], vector<16xf32>, vector<16xi1>
        %jit3A_739 = arith.constant 0.000000e+00 : f32
        %broadcast_in_dim3A_740 = vector.broadcast %jit3A_739 : f32 to vector<16xf32>
        %select_n3A_741 = arith.select %lt3A_692, %exp3A_738, %broadcast_in_dim3A_740 : vector<16xi1>, vector<16xf32>
        %swap3A_742 = arith.constant 64 : index
        %swap3A_743 = tpu.vector_load %arg25[%swap3A_742] {strides = array<i32>} : memref<128xf32, #tpu.memory_space<vmem>>, vector<16xf32>,
        tpu.vector_store %arg25[%swap3A_742], %select_n3A_741 {strides = array<i32>} : memref<128xf32, #tpu.memory_space<vmem>>, vector<16xf32>,
        %get3A_744 = arith.constant 64 : index
        %get3A_745 = tpu.vector_load %arg22[%get3A_744] {strides = array<i32>} : memref<128xf32, #tpu.memory_space<vmem>>, vector<16xf32>,
        %gather3A_746 = tpu.vector_load_idx %arg34[%get3A_685] : memref<320xf32, #tpu.memory_space<vmem>>[vector<16xi32>], vector<16xf32>,
        %add3A_747 = arith.addf %get3A_745, %gather3A_746 : vector<16xf32>
        %ge3A_748 = arith.constant 0.000000e+00 : f32
        %ge3A_749 = vector.broadcast %ge3A_748 : f32 to vector<16xf32>
        %ge3A_750 = arith.cmpf oge, %add3A_747, %ge3A_749 : vector<16xf32>
        %mul3A_751 = arith.constant 2.000000e-01 : f32
        %mul3A_752 = vector.broadcast %mul3A_751 : f32 to vector<16xf32>
        %mul3A_753 = arith.mulf %mul3A_752, %add3A_747 : vector<16xf32>
        %select_n3A_754 = arith.select %ge3A_750, %add3A_747, %mul3A_753 : vector<16xi1>, vector<16xf32>
        %exp3A_755 = math.exp %select_n3A_754 : vector<16xf32>
        tpu.vector_store_idx %arg30[%get3A_685], %exp3A_755 masked %lt3A_692 {add = true} : memref<320xf32, #tpu.memory_space<vmem>>[vector<16xi32>], vector<16xf32>, vector<16xi1>
        %jit3A_756 = arith.constant 0.000000e+00 : f32
        %broadcast_in_dim3A_757 = vector.broadcast %jit3A_756 : f32 to vector<16xf32>
        %select_n3A_758 = arith.select %lt3A_692, %exp3A_755, %broadcast_in_dim3A_757 : vector<16xi1>, vector<16xf32>
        %swap3A_759 = arith.constant 64 : index
        %swap3A_760 = tpu.vector_load %arg26[%swap3A_759] {strides = array<i32>} : memref<128xf32, #tpu.memory_space<vmem>>, vector<16xf32>,
        tpu.vector_store %arg26[%swap3A_759], %select_n3A_758 {strides = array<i32>} : memref<128xf32, #tpu.memory_space<vmem>>, vector<16xf32>,
        %get3A_761 = arith.constant 80 : index
        %get3A_762 = tpu.vector_load %arg18[%get3A_761] {strides = array<i32>} : memref<128xi32, #tpu.memory_space<vmem>>, vector<16xi32>,
        %mul3A_763 = arith.constant 128 : i32
        %mul3A_764 = arith.muli %while3A_124, %mul3A_763 : i32
        %add3A_765 = arith.constant 80 : i32
        %add3A_766 = arith.addi %mul3A_764, %add3A_765 : i32
        %broadcast_in_dim3A_767 = vector.broadcast %add3A_766 : i32 to vector<16xi32>
        %add3A_768 = arith.addi %broadcast_in_dim3A_767, %iota3A : vector<16xi32>
        %lt3A_769 = arith.cmpi slt, %add3A_768, %broadcast_in_dim3A_93 : vector<16xi32>
        %get3A_770 = arith.constant 80 : index
        %get3A_771 = tpu.vector_load %arg19[%get3A_770] {strides = array<i32>} : memref<128xf32, #tpu.memory_space<vmem>>, vector<16xf32>,
        %gather3A_772 = tpu.vector_load_idx %arg31[%get3A_762] : memref<320xf32, #tpu.memory_space<vmem>>[vector<16xi32>], vector<16xf32>,
        %add3A_773 = arith.addf %get3A_771, %gather3A_772 : vector<16xf32>
        %ge3A_774 = arith.constant 0.000000e+00 : f32
        %ge3A_775 = vector.broadcast %ge3A_774 : f32 to vector<16xf32>
        %ge3A_776 = arith.cmpf oge, %add3A_773, %ge3A_775 : vector<16xf32>
        %mul3A_777 = arith.constant 2.000000e-01 : f32
        %mul3A_778 = vector.broadcast %mul3A_777 : f32 to vector<16xf32>
        %mul3A_779 = arith.mulf %mul3A_778, %add3A_773 : vector<16xf32>
        %select_n3A_780 = arith.select %ge3A_776, %add3A_773, %mul3A_779 : vector<16xi1>, vector<16xf32>
        %exp3A_781 = math.exp %select_n3A_780 : vector<16xf32>
        tpu.vector_store_idx %arg27[%get3A_762], %exp3A_781 masked %lt3A_769 {add = true} : memref<320xf32, #tpu.memory_space<vmem>>[vector<16xi32>], vector<16xf32>, vector<16xi1>
        %jit3A_782 = arith.constant 0.000000e+00 : f32
        %broadcast_in_dim3A_783 = vector.broadcast %jit3A_782 : f32 to vector<16xf32>
        %select_n3A_784 = arith.select %lt3A_769, %exp3A_781, %broadcast_in_dim3A_783 : vector<16xi1>, vector<16xf32>
        %swap3A_785 = arith.constant 80 : index
        %swap3A_786 = tpu.vector_load %arg23[%swap3A_785] {strides = array<i32>} : memref<128xf32, #tpu.memory_space<vmem>>, vector<16xf32>,
        tpu.vector_store %arg23[%swap3A_785], %select_n3A_784 {strides = array<i32>} : memref<128xf32, #tpu.memory_space<vmem>>, vector<16xf32>,
        %get3A_787 = arith.constant 80 : index
        %get3A_788 = tpu.vector_load %arg20[%get3A_787] {strides = array<i32>} : memref<128xf32, #tpu.memory_space<vmem>>, vector<16xf32>,
        %gather3A_789 = tpu.vector_load_idx %arg32[%get3A_762] : memref<320xf32, #tpu.memory_space<vmem>>[vector<16xi32>], vector<16xf32>,
        %add3A_790 = arith.addf %get3A_788, %gather3A_789 : vector<16xf32>
        %ge3A_791 = arith.constant 0.000000e+00 : f32
        %ge3A_792 = vector.broadcast %ge3A_791 : f32 to vector<16xf32>
        %ge3A_793 = arith.cmpf oge, %add3A_790, %ge3A_792 : vector<16xf32>
        %mul3A_794 = arith.constant 2.000000e-01 : f32
        %mul3A_795 = vector.broadcast %mul3A_794 : f32 to vector<16xf32>
        %mul3A_796 = arith.mulf %mul3A_795, %add3A_790 : vector<16xf32>
        %select_n3A_797 = arith.select %ge3A_793, %add3A_790, %mul3A_796 : vector<16xi1>, vector<16xf32>
        %exp3A_798 = math.exp %select_n3A_797 : vector<16xf32>
        tpu.vector_store_idx %arg28[%get3A_762], %exp3A_798 masked %lt3A_769 {add = true} : memref<320xf32, #tpu.memory_space<vmem>>[vector<16xi32>], vector<16xf32>, vector<16xi1>
        %jit3A_799 = arith.constant 0.000000e+00 : f32
        %broadcast_in_dim3A_800 = vector.broadcast %jit3A_799 : f32 to vector<16xf32>
        %select_n3A_801 = arith.select %lt3A_769, %exp3A_798, %broadcast_in_dim3A_800 : vector<16xi1>, vector<16xf32>
        %swap3A_802 = arith.constant 80 : index
        %swap3A_803 = tpu.vector_load %arg24[%swap3A_802] {strides = array<i32>} : memref<128xf32, #tpu.memory_space<vmem>>, vector<16xf32>,
        tpu.vector_store %arg24[%swap3A_802], %select_n3A_801 {strides = array<i32>} : memref<128xf32, #tpu.memory_space<vmem>>, vector<16xf32>,
        %get3A_804 = arith.constant 80 : index
        %get3A_805 = tpu.vector_load %arg21[%get3A_804] {strides = array<i32>} : memref<128xf32, #tpu.memory_space<vmem>>, vector<16xf32>,
        %gather3A_806 = tpu.vector_load_idx %arg33[%get3A_762] : memref<320xf32, #tpu.memory_space<vmem>>[vector<16xi32>], vector<16xf32>,
        %add3A_807 = arith.addf %get3A_805, %gather3A_806 : vector<16xf32>
        %ge3A_808 = arith.constant 0.000000e+00 : f32
        %ge3A_809 = vector.broadcast %ge3A_808 : f32 to vector<16xf32>
        %ge3A_810 = arith.cmpf oge, %add3A_807, %ge3A_809 : vector<16xf32>
        %mul3A_811 = arith.constant 2.000000e-01 : f32
        %mul3A_812 = vector.broadcast %mul3A_811 : f32 to vector<16xf32>
        %mul3A_813 = arith.mulf %mul3A_812, %add3A_807 : vector<16xf32>
        %select_n3A_814 = arith.select %ge3A_810, %add3A_807, %mul3A_813 : vector<16xi1>, vector<16xf32>
        %exp3A_815 = math.exp %select_n3A_814 : vector<16xf32>
        tpu.vector_store_idx %arg29[%get3A_762], %exp3A_815 masked %lt3A_769 {add = true} : memref<320xf32, #tpu.memory_space<vmem>>[vector<16xi32>], vector<16xf32>, vector<16xi1>
        %jit3A_816 = arith.constant 0.000000e+00 : f32
        %broadcast_in_dim3A_817 = vector.broadcast %jit3A_816 : f32 to vector<16xf32>
        %select_n3A_818 = arith.select %lt3A_769, %exp3A_815, %broadcast_in_dim3A_817 : vector<16xi1>, vector<16xf32>
        %swap3A_819 = arith.constant 80 : index
        %swap3A_820 = tpu.vector_load %arg25[%swap3A_819] {strides = array<i32>} : memref<128xf32, #tpu.memory_space<vmem>>, vector<16xf32>,
        tpu.vector_store %arg25[%swap3A_819], %select_n3A_818 {strides = array<i32>} : memref<128xf32, #tpu.memory_space<vmem>>, vector<16xf32>,
        %get3A_821 = arith.constant 80 : index
        %get3A_822 = tpu.vector_load %arg22[%get3A_821] {strides = array<i32>} : memref<128xf32, #tpu.memory_space<vmem>>, vector<16xf32>,
        %gather3A_823 = tpu.vector_load_idx %arg34[%get3A_762] : memref<320xf32, #tpu.memory_space<vmem>>[vector<16xi32>], vector<16xf32>,
        %add3A_824 = arith.addf %get3A_822, %gather3A_823 : vector<16xf32>
        %ge3A_825 = arith.constant 0.000000e+00 : f32
        %ge3A_826 = vector.broadcast %ge3A_825 : f32 to vector<16xf32>
        %ge3A_827 = arith.cmpf oge, %add3A_824, %ge3A_826 : vector<16xf32>
        %mul3A_828 = arith.constant 2.000000e-01 : f32
        %mul3A_829 = vector.broadcast %mul3A_828 : f32 to vector<16xf32>
        %mul3A_830 = arith.mulf %mul3A_829, %add3A_824 : vector<16xf32>
        %select_n3A_831 = arith.select %ge3A_827, %add3A_824, %mul3A_830 : vector<16xi1>, vector<16xf32>
        %exp3A_832 = math.exp %select_n3A_831 : vector<16xf32>
        tpu.vector_store_idx %arg30[%get3A_762], %exp3A_832 masked %lt3A_769 {add = true} : memref<320xf32, #tpu.memory_space<vmem>>[vector<16xi32>], vector<16xf32>, vector<16xi1>
        %jit3A_833 = arith.constant 0.000000e+00 : f32
        %broadcast_in_dim3A_834 = vector.broadcast %jit3A_833 : f32 to vector<16xf32>
        %select_n3A_835 = arith.select %lt3A_769, %exp3A_832, %broadcast_in_dim3A_834 : vector<16xi1>, vector<16xf32>
        %swap3A_836 = arith.constant 80 : index
        %swap3A_837 = tpu.vector_load %arg26[%swap3A_836] {strides = array<i32>} : memref<128xf32, #tpu.memory_space<vmem>>, vector<16xf32>,
        tpu.vector_store %arg26[%swap3A_836], %select_n3A_835 {strides = array<i32>} : memref<128xf32, #tpu.memory_space<vmem>>, vector<16xf32>,
        %get3A_838 = arith.constant 96 : index
        %get3A_839 = tpu.vector_load %arg18[%get3A_838] {strides = array<i32>} : memref<128xi32, #tpu.memory_space<vmem>>, vector<16xi32>,
        %mul3A_840 = arith.constant 128 : i32
        %mul3A_841 = arith.muli %while3A_124, %mul3A_840 : i32
        %add3A_842 = arith.constant 96 : i32
        %add3A_843 = arith.addi %mul3A_841, %add3A_842 : i32
        %broadcast_in_dim3A_844 = vector.broadcast %add3A_843 : i32 to vector<16xi32>
        %add3A_845 = arith.addi %broadcast_in_dim3A_844, %iota3A : vector<16xi32>
        %lt3A_846 = arith.cmpi slt, %add3A_845, %broadcast_in_dim3A_93 : vector<16xi32>
        %get3A_847 = arith.constant 96 : index
        %get3A_848 = tpu.vector_load %arg19[%get3A_847] {strides = array<i32>} : memref<128xf32, #tpu.memory_space<vmem>>, vector<16xf32>,
        %gather3A_849 = tpu.vector_load_idx %arg31[%get3A_839] : memref<320xf32, #tpu.memory_space<vmem>>[vector<16xi32>], vector<16xf32>,
        %add3A_850 = arith.addf %get3A_848, %gather3A_849 : vector<16xf32>
        %ge3A_851 = arith.constant 0.000000e+00 : f32
        %ge3A_852 = vector.broadcast %ge3A_851 : f32 to vector<16xf32>
        %ge3A_853 = arith.cmpf oge, %add3A_850, %ge3A_852 : vector<16xf32>
        %mul3A_854 = arith.constant 2.000000e-01 : f32
        %mul3A_855 = vector.broadcast %mul3A_854 : f32 to vector<16xf32>
        %mul3A_856 = arith.mulf %mul3A_855, %add3A_850 : vector<16xf32>
        %select_n3A_857 = arith.select %ge3A_853, %add3A_850, %mul3A_856 : vector<16xi1>, vector<16xf32>
        %exp3A_858 = math.exp %select_n3A_857 : vector<16xf32>
        tpu.vector_store_idx %arg27[%get3A_839], %exp3A_858 masked %lt3A_846 {add = true} : memref<320xf32, #tpu.memory_space<vmem>>[vector<16xi32>], vector<16xf32>, vector<16xi1>
        %jit3A_859 = arith.constant 0.000000e+00 : f32
        %broadcast_in_dim3A_860 = vector.broadcast %jit3A_859 : f32 to vector<16xf32>
        %select_n3A_861 = arith.select %lt3A_846, %exp3A_858, %broadcast_in_dim3A_860 : vector<16xi1>, vector<16xf32>
        %swap3A_862 = arith.constant 96 : index
        %swap3A_863 = tpu.vector_load %arg23[%swap3A_862] {strides = array<i32>} : memref<128xf32, #tpu.memory_space<vmem>>, vector<16xf32>,
        tpu.vector_store %arg23[%swap3A_862], %select_n3A_861 {strides = array<i32>} : memref<128xf32, #tpu.memory_space<vmem>>, vector<16xf32>,
        %get3A_864 = arith.constant 96 : index
        %get3A_865 = tpu.vector_load %arg20[%get3A_864] {strides = array<i32>} : memref<128xf32, #tpu.memory_space<vmem>>, vector<16xf32>,
        %gather3A_866 = tpu.vector_load_idx %arg32[%get3A_839] : memref<320xf32, #tpu.memory_space<vmem>>[vector<16xi32>], vector<16xf32>,
        %add3A_867 = arith.addf %get3A_865, %gather3A_866 : vector<16xf32>
        %ge3A_868 = arith.constant 0.000000e+00 : f32
        %ge3A_869 = vector.broadcast %ge3A_868 : f32 to vector<16xf32>
        %ge3A_870 = arith.cmpf oge, %add3A_867, %ge3A_869 : vector<16xf32>
        %mul3A_871 = arith.constant 2.000000e-01 : f32
        %mul3A_872 = vector.broadcast %mul3A_871 : f32 to vector<16xf32>
        %mul3A_873 = arith.mulf %mul3A_872, %add3A_867 : vector<16xf32>
        %select_n3A_874 = arith.select %ge3A_870, %add3A_867, %mul3A_873 : vector<16xi1>, vector<16xf32>
        %exp3A_875 = math.exp %select_n3A_874 : vector<16xf32>
        tpu.vector_store_idx %arg28[%get3A_839], %exp3A_875 masked %lt3A_846 {add = true} : memref<320xf32, #tpu.memory_space<vmem>>[vector<16xi32>], vector<16xf32>, vector<16xi1>
        %jit3A_876 = arith.constant 0.000000e+00 : f32
        %broadcast_in_dim3A_877 = vector.broadcast %jit3A_876 : f32 to vector<16xf32>
        %select_n3A_878 = arith.select %lt3A_846, %exp3A_875, %broadcast_in_dim3A_877 : vector<16xi1>, vector<16xf32>
        %swap3A_879 = arith.constant 96 : index
        %swap3A_880 = tpu.vector_load %arg24[%swap3A_879] {strides = array<i32>} : memref<128xf32, #tpu.memory_space<vmem>>, vector<16xf32>,
        tpu.vector_store %arg24[%swap3A_879], %select_n3A_878 {strides = array<i32>} : memref<128xf32, #tpu.memory_space<vmem>>, vector<16xf32>,
        %get3A_881 = arith.constant 96 : index
        %get3A_882 = tpu.vector_load %arg21[%get3A_881] {strides = array<i32>} : memref<128xf32, #tpu.memory_space<vmem>>, vector<16xf32>,
        %gather3A_883 = tpu.vector_load_idx %arg33[%get3A_839] : memref<320xf32, #tpu.memory_space<vmem>>[vector<16xi32>], vector<16xf32>,
        %add3A_884 = arith.addf %get3A_882, %gather3A_883 : vector<16xf32>
        %ge3A_885 = arith.constant 0.000000e+00 : f32
        %ge3A_886 = vector.broadcast %ge3A_885 : f32 to vector<16xf32>
        %ge3A_887 = arith.cmpf oge, %add3A_884, %ge3A_886 : vector<16xf32>
        %mul3A_888 = arith.constant 2.000000e-01 : f32
        %mul3A_889 = vector.broadcast %mul3A_888 : f32 to vector<16xf32>
        %mul3A_890 = arith.mulf %mul3A_889, %add3A_884 : vector<16xf32>
        %select_n3A_891 = arith.select %ge3A_887, %add3A_884, %mul3A_890 : vector<16xi1>, vector<16xf32>
        %exp3A_892 = math.exp %select_n3A_891 : vector<16xf32>
        tpu.vector_store_idx %arg29[%get3A_839], %exp3A_892 masked %lt3A_846 {add = true} : memref<320xf32, #tpu.memory_space<vmem>>[vector<16xi32>], vector<16xf32>, vector<16xi1>
        %jit3A_893 = arith.constant 0.000000e+00 : f32
        %broadcast_in_dim3A_894 = vector.broadcast %jit3A_893 : f32 to vector<16xf32>
        %select_n3A_895 = arith.select %lt3A_846, %exp3A_892, %broadcast_in_dim3A_894 : vector<16xi1>, vector<16xf32>
        %swap3A_896 = arith.constant 96 : index
        %swap3A_897 = tpu.vector_load %arg25[%swap3A_896] {strides = array<i32>} : memref<128xf32, #tpu.memory_space<vmem>>, vector<16xf32>,
        tpu.vector_store %arg25[%swap3A_896], %select_n3A_895 {strides = array<i32>} : memref<128xf32, #tpu.memory_space<vmem>>, vector<16xf32>,
        %get3A_898 = arith.constant 96 : index
        %get3A_899 = tpu.vector_load %arg22[%get3A_898] {strides = array<i32>} : memref<128xf32, #tpu.memory_space<vmem>>, vector<16xf32>,
        %gather3A_900 = tpu.vector_load_idx %arg34[%get3A_839] : memref<320xf32, #tpu.memory_space<vmem>>[vector<16xi32>], vector<16xf32>,
        %add3A_901 = arith.addf %get3A_899, %gather3A_900 : vector<16xf32>
        %ge3A_902 = arith.constant 0.000000e+00 : f32
        %ge3A_903 = vector.broadcast %ge3A_902 : f32 to vector<16xf32>
        %ge3A_904 = arith.cmpf oge, %add3A_901, %ge3A_903 : vector<16xf32>
        %mul3A_905 = arith.constant 2.000000e-01 : f32
        %mul3A_906 = vector.broadcast %mul3A_905 : f32 to vector<16xf32>
        %mul3A_907 = arith.mulf %mul3A_906, %add3A_901 : vector<16xf32>
        %select_n3A_908 = arith.select %ge3A_904, %add3A_901, %mul3A_907 : vector<16xi1>, vector<16xf32>
        %exp3A_909 = math.exp %select_n3A_908 : vector<16xf32>
        tpu.vector_store_idx %arg30[%get3A_839], %exp3A_909 masked %lt3A_846 {add = true} : memref<320xf32, #tpu.memory_space<vmem>>[vector<16xi32>], vector<16xf32>, vector<16xi1>
        %jit3A_910 = arith.constant 0.000000e+00 : f32
        %broadcast_in_dim3A_911 = vector.broadcast %jit3A_910 : f32 to vector<16xf32>
        %select_n3A_912 = arith.select %lt3A_846, %exp3A_909, %broadcast_in_dim3A_911 : vector<16xi1>, vector<16xf32>
        %swap3A_913 = arith.constant 96 : index
        %swap3A_914 = tpu.vector_load %arg26[%swap3A_913] {strides = array<i32>} : memref<128xf32, #tpu.memory_space<vmem>>, vector<16xf32>,
        tpu.vector_store %arg26[%swap3A_913], %select_n3A_912 {strides = array<i32>} : memref<128xf32, #tpu.memory_space<vmem>>, vector<16xf32>,
        %get3A_915 = arith.constant 112 : index
        %get3A_916 = tpu.vector_load %arg18[%get3A_915] {strides = array<i32>} : memref<128xi32, #tpu.memory_space<vmem>>, vector<16xi32>,
        %mul3A_917 = arith.constant 128 : i32
        %mul3A_918 = arith.muli %while3A_124, %mul3A_917 : i32
        %add3A_919 = arith.constant 112 : i32
        %add3A_920 = arith.addi %mul3A_918, %add3A_919 : i32
        %broadcast_in_dim3A_921 = vector.broadcast %add3A_920 : i32 to vector<16xi32>
        %add3A_922 = arith.addi %broadcast_in_dim3A_921, %iota3A : vector<16xi32>
        %lt3A_923 = arith.cmpi slt, %add3A_922, %broadcast_in_dim3A_93 : vector<16xi32>
        %get3A_924 = arith.constant 112 : index
        %get3A_925 = tpu.vector_load %arg19[%get3A_924] {strides = array<i32>} : memref<128xf32, #tpu.memory_space<vmem>>, vector<16xf32>,
        %gather3A_926 = tpu.vector_load_idx %arg31[%get3A_916] : memref<320xf32, #tpu.memory_space<vmem>>[vector<16xi32>], vector<16xf32>,
        %add3A_927 = arith.addf %get3A_925, %gather3A_926 : vector<16xf32>
        %ge3A_928 = arith.constant 0.000000e+00 : f32
        %ge3A_929 = vector.broadcast %ge3A_928 : f32 to vector<16xf32>
        %ge3A_930 = arith.cmpf oge, %add3A_927, %ge3A_929 : vector<16xf32>
        %mul3A_931 = arith.constant 2.000000e-01 : f32
        %mul3A_932 = vector.broadcast %mul3A_931 : f32 to vector<16xf32>
        %mul3A_933 = arith.mulf %mul3A_932, %add3A_927 : vector<16xf32>
        %select_n3A_934 = arith.select %ge3A_930, %add3A_927, %mul3A_933 : vector<16xi1>, vector<16xf32>
        %exp3A_935 = math.exp %select_n3A_934 : vector<16xf32>
        tpu.vector_store_idx %arg27[%get3A_916], %exp3A_935 masked %lt3A_923 {add = true} : memref<320xf32, #tpu.memory_space<vmem>>[vector<16xi32>], vector<16xf32>, vector<16xi1>
        %jit3A_936 = arith.constant 0.000000e+00 : f32
        %broadcast_in_dim3A_937 = vector.broadcast %jit3A_936 : f32 to vector<16xf32>
        %select_n3A_938 = arith.select %lt3A_923, %exp3A_935, %broadcast_in_dim3A_937 : vector<16xi1>, vector<16xf32>
        %swap3A_939 = arith.constant 112 : index
        %swap3A_940 = tpu.vector_load %arg23[%swap3A_939] {strides = array<i32>} : memref<128xf32, #tpu.memory_space<vmem>>, vector<16xf32>,
        tpu.vector_store %arg23[%swap3A_939], %select_n3A_938 {strides = array<i32>} : memref<128xf32, #tpu.memory_space<vmem>>, vector<16xf32>,
        %get3A_941 = arith.constant 112 : index
        %get3A_942 = tpu.vector_load %arg20[%get3A_941] {strides = array<i32>} : memref<128xf32, #tpu.memory_space<vmem>>, vector<16xf32>,
        %gather3A_943 = tpu.vector_load_idx %arg32[%get3A_916] : memref<320xf32, #tpu.memory_space<vmem>>[vector<16xi32>], vector<16xf32>,
        %add3A_944 = arith.addf %get3A_942, %gather3A_943 : vector<16xf32>
        %ge3A_945 = arith.constant 0.000000e+00 : f32
        %ge3A_946 = vector.broadcast %ge3A_945 : f32 to vector<16xf32>
        %ge3A_947 = arith.cmpf oge, %add3A_944, %ge3A_946 : vector<16xf32>
        %mul3A_948 = arith.constant 2.000000e-01 : f32
        %mul3A_949 = vector.broadcast %mul3A_948 : f32 to vector<16xf32>
        %mul3A_950 = arith.mulf %mul3A_949, %add3A_944 : vector<16xf32>
        %select_n3A_951 = arith.select %ge3A_947, %add3A_944, %mul3A_950 : vector<16xi1>, vector<16xf32>
        %exp3A_952 = math.exp %select_n3A_951 : vector<16xf32>
        tpu.vector_store_idx %arg28[%get3A_916], %exp3A_952 masked %lt3A_923 {add = true} : memref<320xf32, #tpu.memory_space<vmem>>[vector<16xi32>], vector<16xf32>, vector<16xi1>
        %jit3A_953 = arith.constant 0.000000e+00 : f32
        %broadcast_in_dim3A_954 = vector.broadcast %jit3A_953 : f32 to vector<16xf32>
        %select_n3A_955 = arith.select %lt3A_923, %exp3A_952, %broadcast_in_dim3A_954 : vector<16xi1>, vector<16xf32>
        %swap3A_956 = arith.constant 112 : index
        %swap3A_957 = tpu.vector_load %arg24[%swap3A_956] {strides = array<i32>} : memref<128xf32, #tpu.memory_space<vmem>>, vector<16xf32>,
        tpu.vector_store %arg24[%swap3A_956], %select_n3A_955 {strides = array<i32>} : memref<128xf32, #tpu.memory_space<vmem>>, vector<16xf32>,
        %get3A_958 = arith.constant 112 : index
        %get3A_959 = tpu.vector_load %arg21[%get3A_958] {strides = array<i32>} : memref<128xf32, #tpu.memory_space<vmem>>, vector<16xf32>,
        %gather3A_960 = tpu.vector_load_idx %arg33[%get3A_916] : memref<320xf32, #tpu.memory_space<vmem>>[vector<16xi32>], vector<16xf32>,
        %add3A_961 = arith.addf %get3A_959, %gather3A_960 : vector<16xf32>
        %ge3A_962 = arith.constant 0.000000e+00 : f32
        %ge3A_963 = vector.broadcast %ge3A_962 : f32 to vector<16xf32>
        %ge3A_964 = arith.cmpf oge, %add3A_961, %ge3A_963 : vector<16xf32>
        %mul3A_965 = arith.constant 2.000000e-01 : f32
        %mul3A_966 = vector.broadcast %mul3A_965 : f32 to vector<16xf32>
        %mul3A_967 = arith.mulf %mul3A_966, %add3A_961 : vector<16xf32>
        %select_n3A_968 = arith.select %ge3A_964, %add3A_961, %mul3A_967 : vector<16xi1>, vector<16xf32>
        %exp3A_969 = math.exp %select_n3A_968 : vector<16xf32>
        tpu.vector_store_idx %arg29[%get3A_916], %exp3A_969 masked %lt3A_923 {add = true} : memref<320xf32, #tpu.memory_space<vmem>>[vector<16xi32>], vector<16xf32>, vector<16xi1>
        %jit3A_970 = arith.constant 0.000000e+00 : f32
        %broadcast_in_dim3A_971 = vector.broadcast %jit3A_970 : f32 to vector<16xf32>
        %select_n3A_972 = arith.select %lt3A_923, %exp3A_969, %broadcast_in_dim3A_971 : vector<16xi1>, vector<16xf32>
        %swap3A_973 = arith.constant 112 : index
        %swap3A_974 = tpu.vector_load %arg25[%swap3A_973] {strides = array<i32>} : memref<128xf32, #tpu.memory_space<vmem>>, vector<16xf32>,
        tpu.vector_store %arg25[%swap3A_973], %select_n3A_972 {strides = array<i32>} : memref<128xf32, #tpu.memory_space<vmem>>, vector<16xf32>,
        %get3A_975 = arith.constant 112 : index
        %get3A_976 = tpu.vector_load %arg22[%get3A_975] {strides = array<i32>} : memref<128xf32, #tpu.memory_space<vmem>>, vector<16xf32>,
        %gather3A_977 = tpu.vector_load_idx %arg34[%get3A_916] : memref<320xf32, #tpu.memory_space<vmem>>[vector<16xi32>], vector<16xf32>,
        %add3A_978 = arith.addf %get3A_976, %gather3A_977 : vector<16xf32>
        %ge3A_979 = arith.constant 0.000000e+00 : f32
        %ge3A_980 = vector.broadcast %ge3A_979 : f32 to vector<16xf32>
        %ge3A_981 = arith.cmpf oge, %add3A_978, %ge3A_980 : vector<16xf32>
        %mul3A_982 = arith.constant 2.000000e-01 : f32
        %mul3A_983 = vector.broadcast %mul3A_982 : f32 to vector<16xf32>
        %mul3A_984 = arith.mulf %mul3A_983, %add3A_978 : vector<16xf32>
        %select_n3A_985 = arith.select %ge3A_981, %add3A_978, %mul3A_984 : vector<16xi1>, vector<16xf32>
        %exp3A_986 = math.exp %select_n3A_985 : vector<16xf32>
        tpu.vector_store_idx %arg30[%get3A_916], %exp3A_986 masked %lt3A_923 {add = true} : memref<320xf32, #tpu.memory_space<vmem>>[vector<16xi32>], vector<16xf32>, vector<16xi1>
        %jit3A_987 = arith.constant 0.000000e+00 : f32
        %broadcast_in_dim3A_988 = vector.broadcast %jit3A_987 : f32 to vector<16xf32>
        %select_n3A_989 = arith.select %lt3A_923, %exp3A_986, %broadcast_in_dim3A_988 : vector<16xi1>, vector<16xf32>
        %swap3A_990 = arith.constant 112 : index
        %swap3A_991 = tpu.vector_load %arg26[%swap3A_990] {strides = array<i32>} : memref<128xf32, #tpu.memory_space<vmem>>, vector<16xf32>,
        tpu.vector_store %arg26[%swap3A_990], %select_n3A_989 {strides = array<i32>} : memref<128xf32, #tpu.memory_space<vmem>>, vector<16xf32>,
        %scan3A_992 = arith.constant 0 : i32
        %scan3A_993 = arith.constant 0 : i32
        %scan3A_994 = arith.constant 128 : i32
        %scan3A_995 = arith.addi %scan3A_993, %scan3A_994 : i32
        %scan3A_996 = arith.constant 1 : i32
        %scan3A_997 = scf.for %scan3A_1000 = %scan3A_993 to %scan3A_995 step %scan3A_996 iter_args(%scan3A_1001 = %scan3A_992) -> (i32)  : i32 {
          %jit3A_1002 = arith.constant 16 : i32
          %div3A_1003 = arith.divsi %scan3A_1000, %jit3A_1002 : i32
          %sign3A_1004 = arith.constant 0 : i32
          %sign3A_1005 = arith.cmpi sgt, %scan3A_1000, %sign3A_1004 : i32
          %sign3A_1006 = arith.extui %sign3A_1005 : i1 to i32
          %sign3A_1007 = arith.constant 0 : i32
          %sign3A_1008 = arith.cmpi slt, %scan3A_1000, %sign3A_1007 : i32
          %sign3A_1009 = arith.extui %sign3A_1008 : i1 to i32
          %sign3A_1010 = arith.subi %sign3A_1006, %sign3A_1009 : i32
          %sign3A_1011 = arith.constant 0 : i32
          %sign3A_1012 = arith.cmpi sgt, %jit3A_1002, %sign3A_1011 : i32
          %sign3A_1013 = arith.extui %sign3A_1012 : i1 to i32
          %sign3A_1014 = arith.constant 0 : i32
          %sign3A_1015 = arith.cmpi slt, %jit3A_1002, %sign3A_1014 : i32
          %sign3A_1016 = arith.extui %sign3A_1015 : i1 to i32
          %sign3A_1017 = arith.subi %sign3A_1013, %sign3A_1016 : i32
          %ne3A_1018 = arith.cmpi ne, %sign3A_1010, %sign3A_1017 : i32
          %rem3A_1019 = arith.remsi %scan3A_1000, %jit3A_1002 : i32
          %ne3A_1020 = arith.constant 0 : i32
          %ne3A_1021 = arith.cmpi ne, %rem3A_1019, %ne3A_1020 : i32
          %and3A_1022 = arith.andi %ne3A_1018, %ne3A_1021 : i1
          %sub3A_1023 = arith.constant 1 : i32
          %sub3A_1024 = arith.subi %div3A_1003, %sub3A_1023 : i32
          %select_n3A_1025 = arith.select %and3A_1022, %sub3A_1024, %div3A_1003 : i32
          %mul3A_1026 = arith.constant 16 : i32
          %mul3A_1027 = arith.muli %select_n3A_1025, %mul3A_1026 : i32
          %sub3A_1028 = arith.subi %scan3A_1000, %mul3A_1027 : i32
          %broadcast_in_dim3A_1029 = vector.broadcast %sub3A_1028 : i32 to vector<16xi32>
          %get3A_1030 = arith.index_cast %mul3A_1027 : i32 to index
          %get3A_1031 = tpu.vector_load %arg18[%get3A_1030] {strides = array<i32>} : memref<128xi32, #tpu.memory_space<vmem>>, vector<16xi32>,
          %lt3A_1032 = arith.constant 0 : i32
          %lt3A_1033 = vector.broadcast %lt3A_1032 : i32 to vector<16xi32>
          %lt3A_1034 = arith.cmpi slt, %broadcast_in_dim3A_1029, %lt3A_1033 : vector<16xi32>
          %add3A_1035 = arith.constant 16 : i32
          %add3A_1036 = vector.broadcast %add3A_1035 : i32 to vector<16xi32>
          %add3A_1037 = arith.addi %broadcast_in_dim3A_1029, %add3A_1036 : vector<16xi32>
          %select_n3A_1038 = arith.select %lt3A_1034, %add3A_1037, %broadcast_in_dim3A_1029 : vector<16xi1>, vector<16xi32>
          %broadcast_in_dim3A_1039 = vector.shape_cast %select_n3A_1038 : vector<16xi32> to vector<16x1xi32>
          %gather3A_1040 = vector.shape_cast %broadcast_in_dim3A_1039 : vector<16x1xi32> to vector<16xi32>
          %gather3A_1041 = tpu.dynamic_gather %get3A_1031[%gather3A_1040] in [0] : vector<16xi32>, vector<16xi32> -> vector<16xi32>
          %get3A_1042 = arith.index_cast %mul3A_1027 : i32 to index
          %get3A_1043 = tpu.vector_load %arg23[%get3A_1042] {strides = array<i32>} : memref<128xf32, #tpu.memory_space<vmem>>, vector<16xf32>,
          %lt3A_1044 = arith.constant 0 : i32
          %lt3A_1045 = vector.broadcast %lt3A_1044 : i32 to vector<16xi32>
          %lt3A_1046 = arith.cmpi slt, %broadcast_in_dim3A_1029, %lt3A_1045 : vector<16xi32>
          %add3A_1047 = arith.constant 16 : i32
          %add3A_1048 = vector.broadcast %add3A_1047 : i32 to vector<16xi32>
          %add3A_1049 = arith.addi %broadcast_in_dim3A_1029, %add3A_1048 : vector<16xi32>
          %select_n3A_1050 = arith.select %lt3A_1046, %add3A_1049, %broadcast_in_dim3A_1029 : vector<16xi1>, vector<16xi32>
          %broadcast_in_dim3A_1051 = vector.shape_cast %select_n3A_1050 : vector<16xi32> to vector<16x1xi32>
          %gather3A_1052 = vector.shape_cast %broadcast_in_dim3A_1051 : vector<16x1xi32> to vector<16xi32>
          %gather3A_1053 = tpu.dynamic_gather %get3A_1043[%gather3A_1052] in [0] : vector<16xf32>, vector<16xi32> -> vector<16xf32>
          %get3A_1054 = arith.index_cast %scan3A_1000 : i32 to index
          %get3A_1055 = arith.constant 0 : index
          %get3A_1056 = tpu.vector_load %arg35[%get3A_1054, %get3A_1055] {strides = array<i32>} : memref<128x256xf32, #tpu.memory_space<vmem>>, vector<16xf32>,
          %broadcast_in_dim3A_1057 = arith.constant 0 : i32
          %broadcast_in_dim3A_1058 = vector.broadcast %broadcast_in_dim3A_1057 : i32 to vector<16xi32>
          %add3A_1059 = arith.addi %broadcast_in_dim3A_1058, %iota3A : vector<16xi32>
          %mul3A_1060 = arith.mulf %get3A_1056, %gather3A_1053 : vector<16xf32>
          tpu.vector_store_idx %arg36[%gather3A_1041, %add3A_1059], %mul3A_1060 {add = true} : memref<320x256xf32, #tpu.memory_space<vmem>>[vector<16xi32>, vector<16xi32>], vector<16xf32>,
          %get3A_1061 = arith.index_cast %scan3A_1000 : i32 to index
          %get3A_1062 = arith.constant 16 : index
          %get3A_1063 = tpu.vector_load %arg35[%get3A_1061, %get3A_1062] {strides = array<i32>} : memref<128x256xf32, #tpu.memory_space<vmem>>, vector<16xf32>,
          %broadcast_in_dim3A_1064 = arith.constant 16 : i32
          %broadcast_in_dim3A_1065 = vector.broadcast %broadcast_in_dim3A_1064 : i32 to vector<16xi32>
          %add3A_1066 = arith.addi %broadcast_in_dim3A_1065, %iota3A : vector<16xi32>
          %mul3A_1067 = arith.mulf %get3A_1063, %gather3A_1053 : vector<16xf32>
          tpu.vector_store_idx %arg36[%gather3A_1041, %add3A_1066], %mul3A_1067 {add = true} : memref<320x256xf32, #tpu.memory_space<vmem>>[vector<16xi32>, vector<16xi32>], vector<16xf32>,
          %get3A_1068 = arith.index_cast %scan3A_1000 : i32 to index
          %get3A_1069 = arith.constant 32 : index
          %get3A_1070 = tpu.vector_load %arg35[%get3A_1068, %get3A_1069] {strides = array<i32>} : memref<128x256xf32, #tpu.memory_space<vmem>>, vector<16xf32>,
          %broadcast_in_dim3A_1071 = arith.constant 32 : i32
          %broadcast_in_dim3A_1072 = vector.broadcast %broadcast_in_dim3A_1071 : i32 to vector<16xi32>
          %add3A_1073 = arith.addi %broadcast_in_dim3A_1072, %iota3A : vector<16xi32>
          %mul3A_1074 = arith.mulf %get3A_1070, %gather3A_1053 : vector<16xf32>
          tpu.vector_store_idx %arg36[%gather3A_1041, %add3A_1073], %mul3A_1074 {add = true} : memref<320x256xf32, #tpu.memory_space<vmem>>[vector<16xi32>, vector<16xi32>], vector<16xf32>,
          %get3A_1075 = arith.index_cast %scan3A_1000 : i32 to index
          %get3A_1076 = arith.constant 48 : index
          %get3A_1077 = tpu.vector_load %arg35[%get3A_1075, %get3A_1076] {strides = array<i32>} : memref<128x256xf32, #tpu.memory_space<vmem>>, vector<16xf32>,
          %broadcast_in_dim3A_1078 = arith.constant 48 : i32
          %broadcast_in_dim3A_1079 = vector.broadcast %broadcast_in_dim3A_1078 : i32 to vector<16xi32>
          %add3A_1080 = arith.addi %broadcast_in_dim3A_1079, %iota3A : vector<16xi32>
          %mul3A_1081 = arith.mulf %get3A_1077, %gather3A_1053 : vector<16xf32>
          tpu.vector_store_idx %arg36[%gather3A_1041, %add3A_1080], %mul3A_1081 {add = true} : memref<320x256xf32, #tpu.memory_space<vmem>>[vector<16xi32>, vector<16xi32>], vector<16xf32>,
          %get3A_1082 = arith.index_cast %mul3A_1027 : i32 to index
          %get3A_1083 = tpu.vector_load %arg24[%get3A_1082] {strides = array<i32>} : memref<128xf32, #tpu.memory_space<vmem>>, vector<16xf32>,
          %lt3A_1084 = arith.constant 0 : i32
          %lt3A_1085 = vector.broadcast %lt3A_1084 : i32 to vector<16xi32>
          %lt3A_1086 = arith.cmpi slt, %broadcast_in_dim3A_1029, %lt3A_1085 : vector<16xi32>
          %add3A_1087 = arith.constant 16 : i32
          %add3A_1088 = vector.broadcast %add3A_1087 : i32 to vector<16xi32>
          %add3A_1089 = arith.addi %broadcast_in_dim3A_1029, %add3A_1088 : vector<16xi32>
          %select_n3A_1090 = arith.select %lt3A_1086, %add3A_1089, %broadcast_in_dim3A_1029 : vector<16xi1>, vector<16xi32>
          %broadcast_in_dim3A_1091 = vector.shape_cast %select_n3A_1090 : vector<16xi32> to vector<16x1xi32>
          %gather3A_1092 = vector.shape_cast %broadcast_in_dim3A_1091 : vector<16x1xi32> to vector<16xi32>
          %gather3A_1093 = tpu.dynamic_gather %get3A_1083[%gather3A_1092] in [0] : vector<16xf32>, vector<16xi32> -> vector<16xf32>
          %get3A_1094 = arith.index_cast %scan3A_1000 : i32 to index
          %get3A_1095 = arith.constant 64 : index
          %get3A_1096 = tpu.vector_load %arg35[%get3A_1094, %get3A_1095] {strides = array<i32>} : memref<128x256xf32, #tpu.memory_space<vmem>>, vector<16xf32>,
          %broadcast_in_dim3A_1097 = arith.constant 64 : i32
          %broadcast_in_dim3A_1098 = vector.broadcast %broadcast_in_dim3A_1097 : i32 to vector<16xi32>
          %add3A_1099 = arith.addi %broadcast_in_dim3A_1098, %iota3A : vector<16xi32>
          %mul3A_1100 = arith.mulf %get3A_1096, %gather3A_1093 : vector<16xf32>
          tpu.vector_store_idx %arg36[%gather3A_1041, %add3A_1099], %mul3A_1100 {add = true} : memref<320x256xf32, #tpu.memory_space<vmem>>[vector<16xi32>, vector<16xi32>], vector<16xf32>,
          %get3A_1101 = arith.index_cast %scan3A_1000 : i32 to index
          %get3A_1102 = arith.constant 80 : index
          %get3A_1103 = tpu.vector_load %arg35[%get3A_1101, %get3A_1102] {strides = array<i32>} : memref<128x256xf32, #tpu.memory_space<vmem>>, vector<16xf32>,
          %broadcast_in_dim3A_1104 = arith.constant 80 : i32
          %broadcast_in_dim3A_1105 = vector.broadcast %broadcast_in_dim3A_1104 : i32 to vector<16xi32>
          %add3A_1106 = arith.addi %broadcast_in_dim3A_1105, %iota3A : vector<16xi32>
          %mul3A_1107 = arith.mulf %get3A_1103, %gather3A_1093 : vector<16xf32>
          tpu.vector_store_idx %arg36[%gather3A_1041, %add3A_1106], %mul3A_1107 {add = true} : memref<320x256xf32, #tpu.memory_space<vmem>>[vector<16xi32>, vector<16xi32>], vector<16xf32>,
          %get3A_1108 = arith.index_cast %scan3A_1000 : i32 to index
          %get3A_1109 = arith.constant 96 : index
          %get3A_1110 = tpu.vector_load %arg35[%get3A_1108, %get3A_1109] {strides = array<i32>} : memref<128x256xf32, #tpu.memory_space<vmem>>, vector<16xf32>,
          %broadcast_in_dim3A_1111 = arith.constant 96 : i32
          %broadcast_in_dim3A_1112 = vector.broadcast %broadcast_in_dim3A_1111 : i32 to vector<16xi32>
          %add3A_1113 = arith.addi %broadcast_in_dim3A_1112, %iota3A : vector<16xi32>
          %mul3A_1114 = arith.mulf %get3A_1110, %gather3A_1093 : vector<16xf32>
          tpu.vector_store_idx %arg36[%gather3A_1041, %add3A_1113], %mul3A_1114 {add = true} : memref<320x256xf32, #tpu.memory_space<vmem>>[vector<16xi32>, vector<16xi32>], vector<16xf32>,
          %get3A_1115 = arith.index_cast %scan3A_1000 : i32 to index
          %get3A_1116 = arith.constant 112 : index
          %get3A_1117 = tpu.vector_load %arg35[%get3A_1115, %get3A_1116] {strides = array<i32>} : memref<128x256xf32, #tpu.memory_space<vmem>>, vector<16xf32>,
          %broadcast_in_dim3A_1118 = arith.constant 112 : i32
          %broadcast_in_dim3A_1119 = vector.broadcast %broadcast_in_dim3A_1118 : i32 to vector<16xi32>
          %add3A_1120 = arith.addi %broadcast_in_dim3A_1119, %iota3A : vector<16xi32>
          %mul3A_1121 = arith.mulf %get3A_1117, %gather3A_1093 : vector<16xf32>
          tpu.vector_store_idx %arg36[%gather3A_1041, %add3A_1120], %mul3A_1121 {add = true} : memref<320x256xf32, #tpu.memory_space<vmem>>[vector<16xi32>, vector<16xi32>], vector<16xf32>,
          %get3A_1122 = arith.index_cast %mul3A_1027 : i32 to index
          %get3A_1123 = tpu.vector_load %arg25[%get3A_1122] {strides = array<i32>} : memref<128xf32, #tpu.memory_space<vmem>>, vector<16xf32>,
          %lt3A_1124 = arith.constant 0 : i32
          %lt3A_1125 = vector.broadcast %lt3A_1124 : i32 to vector<16xi32>
          %lt3A_1126 = arith.cmpi slt, %broadcast_in_dim3A_1029, %lt3A_1125 : vector<16xi32>
          %add3A_1127 = arith.constant 16 : i32
          %add3A_1128 = vector.broadcast %add3A_1127 : i32 to vector<16xi32>
          %add3A_1129 = arith.addi %broadcast_in_dim3A_1029, %add3A_1128 : vector<16xi32>
          %select_n3A_1130 = arith.select %lt3A_1126, %add3A_1129, %broadcast_in_dim3A_1029 : vector<16xi1>, vector<16xi32>
          %broadcast_in_dim3A_1131 = vector.shape_cast %select_n3A_1130 : vector<16xi32> to vector<16x1xi32>
          %gather3A_1132 = vector.shape_cast %broadcast_in_dim3A_1131 : vector<16x1xi32> to vector<16xi32>
          %gather3A_1133 = tpu.dynamic_gather %get3A_1123[%gather3A_1132] in [0] : vector<16xf32>, vector<16xi32> -> vector<16xf32>
          %get3A_1134 = arith.index_cast %scan3A_1000 : i32 to index
          %get3A_1135 = arith.constant 128 : index
          %get3A_1136 = tpu.vector_load %arg35[%get3A_1134, %get3A_1135] {strides = array<i32>} : memref<128x256xf32, #tpu.memory_space<vmem>>, vector<16xf32>,
          %broadcast_in_dim3A_1137 = arith.constant 128 : i32
          %broadcast_in_dim3A_1138 = vector.broadcast %broadcast_in_dim3A_1137 : i32 to vector<16xi32>
          %add3A_1139 = arith.addi %broadcast_in_dim3A_1138, %iota3A : vector<16xi32>
          %mul3A_1140 = arith.mulf %get3A_1136, %gather3A_1133 : vector<16xf32>
          tpu.vector_store_idx %arg36[%gather3A_1041, %add3A_1139], %mul3A_1140 {add = true} : memref<320x256xf32, #tpu.memory_space<vmem>>[vector<16xi32>, vector<16xi32>], vector<16xf32>,
          %get3A_1141 = arith.index_cast %scan3A_1000 : i32 to index
          %get3A_1142 = arith.constant 144 : index
          %get3A_1143 = tpu.vector_load %arg35[%get3A_1141, %get3A_1142] {strides = array<i32>} : memref<128x256xf32, #tpu.memory_space<vmem>>, vector<16xf32>,
          %broadcast_in_dim3A_1144 = arith.constant 144 : i32
          %broadcast_in_dim3A_1145 = vector.broadcast %broadcast_in_dim3A_1144 : i32 to vector<16xi32>
          %add3A_1146 = arith.addi %broadcast_in_dim3A_1145, %iota3A : vector<16xi32>
          %mul3A_1147 = arith.mulf %get3A_1143, %gather3A_1133 : vector<16xf32>
          tpu.vector_store_idx %arg36[%gather3A_1041, %add3A_1146], %mul3A_1147 {add = true} : memref<320x256xf32, #tpu.memory_space<vmem>>[vector<16xi32>, vector<16xi32>], vector<16xf32>,
          %get3A_1148 = arith.index_cast %scan3A_1000 : i32 to index
          %get3A_1149 = arith.constant 160 : index
          %get3A_1150 = tpu.vector_load %arg35[%get3A_1148, %get3A_1149] {strides = array<i32>} : memref<128x256xf32, #tpu.memory_space<vmem>>, vector<16xf32>,
          %broadcast_in_dim3A_1151 = arith.constant 160 : i32
          %broadcast_in_dim3A_1152 = vector.broadcast %broadcast_in_dim3A_1151 : i32 to vector<16xi32>
          %add3A_1153 = arith.addi %broadcast_in_dim3A_1152, %iota3A : vector<16xi32>
          %mul3A_1154 = arith.mulf %get3A_1150, %gather3A_1133 : vector<16xf32>
          tpu.vector_store_idx %arg36[%gather3A_1041, %add3A_1153], %mul3A_1154 {add = true} : memref<320x256xf32, #tpu.memory_space<vmem>>[vector<16xi32>, vector<16xi32>], vector<16xf32>,
          %get3A_1155 = arith.index_cast %scan3A_1000 : i32 to index
          %get3A_1156 = arith.constant 176 : index
          %get3A_1157 = tpu.vector_load %arg35[%get3A_1155, %get3A_1156] {strides = array<i32>} : memref<128x256xf32, #tpu.memory_space<vmem>>, vector<16xf32>,
          %broadcast_in_dim3A_1158 = arith.constant 176 : i32
          %broadcast_in_dim3A_1159 = vector.broadcast %broadcast_in_dim3A_1158 : i32 to vector<16xi32>
          %add3A_1160 = arith.addi %broadcast_in_dim3A_1159, %iota3A : vector<16xi32>
          %mul3A_1161 = arith.mulf %get3A_1157, %gather3A_1133 : vector<16xf32>
          tpu.vector_store_idx %arg36[%gather3A_1041, %add3A_1160], %mul3A_1161 {add = true} : memref<320x256xf32, #tpu.memory_space<vmem>>[vector<16xi32>, vector<16xi32>], vector<16xf32>,
          %get3A_1162 = arith.index_cast %mul3A_1027 : i32 to index
          %get3A_1163 = tpu.vector_load %arg26[%get3A_1162] {strides = array<i32>} : memref<128xf32, #tpu.memory_space<vmem>>, vector<16xf32>,
          %lt3A_1164 = arith.constant 0 : i32
          %lt3A_1165 = vector.broadcast %lt3A_1164 : i32 to vector<16xi32>
          %lt3A_1166 = arith.cmpi slt, %broadcast_in_dim3A_1029, %lt3A_1165 : vector<16xi32>
          %add3A_1167 = arith.constant 16 : i32
          %add3A_1168 = vector.broadcast %add3A_1167 : i32 to vector<16xi32>
          %add3A_1169 = arith.addi %broadcast_in_dim3A_1029, %add3A_1168 : vector<16xi32>
          %select_n3A_1170 = arith.select %lt3A_1166, %add3A_1169, %broadcast_in_dim3A_1029 : vector<16xi1>, vector<16xi32>
          %broadcast_in_dim3A_1171 = vector.shape_cast %select_n3A_1170 : vector<16xi32> to vector<16x1xi32>
          %gather3A_1172 = vector.shape_cast %broadcast_in_dim3A_1171 : vector<16x1xi32> to vector<16xi32>
          %gather3A_1173 = tpu.dynamic_gather %get3A_1163[%gather3A_1172] in [0] : vector<16xf32>, vector<16xi32> -> vector<16xf32>
          %get3A_1174 = arith.index_cast %scan3A_1000 : i32 to index
          %get3A_1175 = arith.constant 192 : index
          %get3A_1176 = tpu.vector_load %arg35[%get3A_1174, %get3A_1175] {strides = array<i32>} : memref<128x256xf32, #tpu.memory_space<vmem>>, vector<16xf32>,
          %broadcast_in_dim3A_1177 = arith.constant 192 : i32
          %broadcast_in_dim3A_1178 = vector.broadcast %broadcast_in_dim3A_1177 : i32 to vector<16xi32>
          %add3A_1179 = arith.addi %broadcast_in_dim3A_1178, %iota3A : vector<16xi32>
          %mul3A_1180 = arith.mulf %get3A_1176, %gather3A_1173 : vector<16xf32>
          tpu.vector_store_idx %arg36[%gather3A_1041, %add3A_1179], %mul3A_1180 {add = true} : memref<320x256xf32, #tpu.memory_space<vmem>>[vector<16xi32>, vector<16xi32>], vector<16xf32>,
          %get3A_1181 = arith.index_cast %scan3A_1000 : i32 to index
          %get3A_1182 = arith.constant 208 : index
          %get3A_1183 = tpu.vector_load %arg35[%get3A_1181, %get3A_1182] {strides = array<i32>} : memref<128x256xf32, #tpu.memory_space<vmem>>, vector<16xf32>,
          %broadcast_in_dim3A_1184 = arith.constant 208 : i32
          %broadcast_in_dim3A_1185 = vector.broadcast %broadcast_in_dim3A_1184 : i32 to vector<16xi32>
          %add3A_1186 = arith.addi %broadcast_in_dim3A_1185, %iota3A : vector<16xi32>
          %mul3A_1187 = arith.mulf %get3A_1183, %gather3A_1173 : vector<16xf32>
          tpu.vector_store_idx %arg36[%gather3A_1041, %add3A_1186], %mul3A_1187 {add = true} : memref<320x256xf32, #tpu.memory_space<vmem>>[vector<16xi32>, vector<16xi32>], vector<16xf32>,
          %get3A_1188 = arith.index_cast %scan3A_1000 : i32 to index
          %get3A_1189 = arith.constant 224 : index
          %get3A_1190 = tpu.vector_load %arg35[%get3A_1188, %get3A_1189] {strides = array<i32>} : memref<128x256xf32, #tpu.memory_space<vmem>>, vector<16xf32>,
          %broadcast_in_dim3A_1191 = arith.constant 224 : i32
          %broadcast_in_dim3A_1192 = vector.broadcast %broadcast_in_dim3A_1191 : i32 to vector<16xi32>
          %add3A_1193 = arith.addi %broadcast_in_dim3A_1192, %iota3A : vector<16xi32>
          %mul3A_1194 = arith.mulf %get3A_1190, %gather3A_1173 : vector<16xf32>
          tpu.vector_store_idx %arg36[%gather3A_1041, %add3A_1193], %mul3A_1194 {add = true} : memref<320x256xf32, #tpu.memory_space<vmem>>[vector<16xi32>, vector<16xi32>], vector<16xf32>,
          %get3A_1195 = arith.index_cast %scan3A_1000 : i32 to index
          %get3A_1196 = arith.constant 240 : index
          %get3A_1197 = tpu.vector_load %arg35[%get3A_1195, %get3A_1196] {strides = array<i32>} : memref<128x256xf32, #tpu.memory_space<vmem>>, vector<16xf32>,
          %broadcast_in_dim3A_1198 = arith.constant 240 : i32
          %broadcast_in_dim3A_1199 = vector.broadcast %broadcast_in_dim3A_1198 : i32 to vector<16xi32>
          %add3A_1200 = arith.addi %broadcast_in_dim3A_1199, %iota3A : vector<16xi32>
          %mul3A_1201 = arith.mulf %get3A_1197, %gather3A_1173 : vector<16xf32>
          tpu.vector_store_idx %arg36[%gather3A_1041, %add3A_1200], %mul3A_1201 {add = true} : memref<320x256xf32, #tpu.memory_space<vmem>>[vector<16xi32>, vector<16xi32>], vector<16xf32>,
          %scan3A_1202 = arith.constant 0 : i32
          scf.yield %scan3A_1202 : i32
        }
        %scan3A_998 = arith.constant 128 : i32
        %while3A_999 = arith.constant 0 : i32
        scf.yield %while3A_999 : i32
      }
      %scan3A_123 = arith.constant 0 : i32
      scf.yield %scan3A_123 : i32
    }
    %scan3A_43 = arith.constant 32 : i32
    %scan3A_44 = arith.constant 0 : i32
    %scan3A_45 = arith.constant 0 : i32
    %scan3A_46 = arith.constant 20 : i32
    %scan3A_47 = arith.addi %scan3A_45, %scan3A_46 : i32
    %scan3A_48 = arith.constant 1 : i32
    %scan3A_49 = scf.for %scan3A_79 = %scan3A_45 to %scan3A_47 step %scan3A_48 iter_args(%scan3A_80 = %scan3A_44) -> (i32)  : i32 {
      %mul3A_81 = arith.constant 16 : i32
      %mul3A_82 = arith.muli %scan3A_79, %mul3A_81 : i32
      %get3A = arith.index_cast %mul3A_82 : i32 to index
      %get3A_83 = tpu.vector_load %arg27[%get3A] {strides = array<i32>} : memref<320xf32, #tpu.memory_space<vmem>>, vector<16xf32>,
      %add3A_84 = arith.constant 1.000000e-16 : f32
      %add3A_85 = vector.broadcast %add3A_84 : f32 to vector<16xf32>
      %add3A_86 = arith.addf %get3A_83, %add3A_85 : vector<16xf32>
      %div3A = arith.constant 1.000000e+00 : f32
      %div3A_87 = vector.broadcast %div3A : f32 to vector<16xf32>
      %div3A_88 = arith.divf %div3A_87, %add3A_86 : vector<16xf32>
      %swap3A = arith.index_cast %mul3A_82 : i32 to index
      %swap3A_89 = tpu.vector_load %arg27[%swap3A] {strides = array<i32>} : memref<320xf32, #tpu.memory_space<vmem>>, vector<16xf32>,
      tpu.vector_store %arg27[%swap3A], %div3A_88 {strides = array<i32>} : memref<320xf32, #tpu.memory_space<vmem>>, vector<16xf32>,
      %scan3A_90 = arith.constant 0 : i32
      scf.yield %scan3A_90 : i32
    }
    %scan3A_50 = arith.constant 20 : i32
    %scan3A_51 = arith.constant 0 : i32
    %scan3A_52 = arith.constant 0 : i32
    %scan3A_53 = arith.constant 20 : i32
    %scan3A_54 = arith.addi %scan3A_52, %scan3A_53 : i32
    %scan3A_55 = arith.constant 1 : i32
    %scan3A_56 = scf.for %scan3A_79 = %scan3A_52 to %scan3A_54 step %scan3A_55 iter_args(%scan3A_80 = %scan3A_51) -> (i32)  : i32 {
      %mul3A_81 = arith.constant 16 : i32
      %mul3A_82 = arith.muli %scan3A_79, %mul3A_81 : i32
      %get3A = arith.index_cast %mul3A_82 : i32 to index
      %get3A_83 = tpu.vector_load %arg28[%get3A] {strides = array<i32>} : memref<320xf32, #tpu.memory_space<vmem>>, vector<16xf32>,
      %add3A_84 = arith.constant 1.000000e-16 : f32
      %add3A_85 = vector.broadcast %add3A_84 : f32 to vector<16xf32>
      %add3A_86 = arith.addf %get3A_83, %add3A_85 : vector<16xf32>
      %div3A = arith.constant 1.000000e+00 : f32
      %div3A_87 = vector.broadcast %div3A : f32 to vector<16xf32>
      %div3A_88 = arith.divf %div3A_87, %add3A_86 : vector<16xf32>
      %swap3A = arith.index_cast %mul3A_82 : i32 to index
      %swap3A_89 = tpu.vector_load %arg28[%swap3A] {strides = array<i32>} : memref<320xf32, #tpu.memory_space<vmem>>, vector<16xf32>,
      tpu.vector_store %arg28[%swap3A], %div3A_88 {strides = array<i32>} : memref<320xf32, #tpu.memory_space<vmem>>, vector<16xf32>,
      %scan3A_90 = arith.constant 0 : i32
      scf.yield %scan3A_90 : i32
    }
    %scan3A_57 = arith.constant 20 : i32
    %scan3A_58 = arith.constant 0 : i32
    %scan3A_59 = arith.constant 0 : i32
    %scan3A_60 = arith.constant 20 : i32
    %scan3A_61 = arith.addi %scan3A_59, %scan3A_60 : i32
    %scan3A_62 = arith.constant 1 : i32
    %scan3A_63 = scf.for %scan3A_79 = %scan3A_59 to %scan3A_61 step %scan3A_62 iter_args(%scan3A_80 = %scan3A_58) -> (i32)  : i32 {
      %mul3A_81 = arith.constant 16 : i32
      %mul3A_82 = arith.muli %scan3A_79, %mul3A_81 : i32
      %get3A = arith.index_cast %mul3A_82 : i32 to index
      %get3A_83 = tpu.vector_load %arg29[%get3A] {strides = array<i32>} : memref<320xf32, #tpu.memory_space<vmem>>, vector<16xf32>,
      %add3A_84 = arith.constant 1.000000e-16 : f32
      %add3A_85 = vector.broadcast %add3A_84 : f32 to vector<16xf32>
      %add3A_86 = arith.addf %get3A_83, %add3A_85 : vector<16xf32>
      %div3A = arith.constant 1.000000e+00 : f32
      %div3A_87 = vector.broadcast %div3A : f32 to vector<16xf32>
      %div3A_88 = arith.divf %div3A_87, %add3A_86 : vector<16xf32>
      %swap3A = arith.index_cast %mul3A_82 : i32 to index
      %swap3A_89 = tpu.vector_load %arg29[%swap3A] {strides = array<i32>} : memref<320xf32, #tpu.memory_space<vmem>>, vector<16xf32>,
      tpu.vector_store %arg29[%swap3A], %div3A_88 {strides = array<i32>} : memref<320xf32, #tpu.memory_space<vmem>>, vector<16xf32>,
      %scan3A_90 = arith.constant 0 : i32
      scf.yield %scan3A_90 : i32
    }
    %scan3A_64 = arith.constant 20 : i32
    %scan3A_65 = arith.constant 0 : i32
    %scan3A_66 = arith.constant 0 : i32
    %scan3A_67 = arith.constant 20 : i32
    %scan3A_68 = arith.addi %scan3A_66, %scan3A_67 : i32
    %scan3A_69 = arith.constant 1 : i32
    %scan3A_70 = scf.for %scan3A_79 = %scan3A_66 to %scan3A_68 step %scan3A_69 iter_args(%scan3A_80 = %scan3A_65) -> (i32)  : i32 {
      %mul3A_81 = arith.constant 16 : i32
      %mul3A_82 = arith.muli %scan3A_79, %mul3A_81 : i32
      %get3A = arith.index_cast %mul3A_82 : i32 to index
      %get3A_83 = tpu.vector_load %arg30[%get3A] {strides = array<i32>} : memref<320xf32, #tpu.memory_space<vmem>>, vector<16xf32>,
      %add3A_84 = arith.constant 1.000000e-16 : f32
      %add3A_85 = vector.broadcast %add3A_84 : f32 to vector<16xf32>
      %add3A_86 = arith.addf %get3A_83, %add3A_85 : vector<16xf32>
      %div3A = arith.constant 1.000000e+00 : f32
      %div3A_87 = vector.broadcast %div3A : f32 to vector<16xf32>
      %div3A_88 = arith.divf %div3A_87, %add3A_86 : vector<16xf32>
      %swap3A = arith.index_cast %mul3A_82 : i32 to index
      %swap3A_89 = tpu.vector_load %arg30[%swap3A] {strides = array<i32>} : memref<320xf32, #tpu.memory_space<vmem>>, vector<16xf32>,
      tpu.vector_store %arg30[%swap3A], %div3A_88 {strides = array<i32>} : memref<320xf32, #tpu.memory_space<vmem>>, vector<16xf32>,
      %scan3A_90 = arith.constant 0 : i32
      scf.yield %scan3A_90 : i32
    }
    %scan3A_71 = arith.constant 20 : i32
    %scan3A_72 = arith.constant 0 : i32
    %scan3A_73 = arith.constant 0 : i32
    %scan3A_74 = arith.constant 320 : i32
    %scan3A_75 = arith.addi %scan3A_73, %scan3A_74 : i32
    %scan3A_76 = arith.constant 1 : i32
    %scan3A_77 = scf.for %scan3A_79 = %scan3A_73 to %scan3A_75 step %scan3A_76 iter_args(%scan3A_80 = %scan3A_72) -> (i32)  : i32 {
      %jit3A = arith.constant 16 : i32
      %div3A = arith.divsi %scan3A_79, %jit3A : i32
      %sign3A = arith.constant 0 : i32
      %sign3A_81 = arith.cmpi sgt, %scan3A_79, %sign3A : i32
      %sign3A_82 = arith.extui %sign3A_81 : i1 to i32
      %sign3A_83 = arith.constant 0 : i32
      %sign3A_84 = arith.cmpi slt, %scan3A_79, %sign3A_83 : i32
      %sign3A_85 = arith.extui %sign3A_84 : i1 to i32
      %sign3A_86 = arith.subi %sign3A_82, %sign3A_85 : i32
      %sign3A_87 = arith.constant 0 : i32
      %sign3A_88 = arith.cmpi sgt, %jit3A, %sign3A_87 : i32
      %sign3A_89 = arith.extui %sign3A_88 : i1 to i32
      %sign3A_90 = arith.constant 0 : i32
      %sign3A_91 = arith.cmpi slt, %jit3A, %sign3A_90 : i32
      %sign3A_92 = arith.extui %sign3A_91 : i1 to i32
      %sign3A_93 = arith.subi %sign3A_89, %sign3A_92 : i32
      %ne3A = arith.cmpi ne, %sign3A_86, %sign3A_93 : i32
      %rem3A = arith.remsi %scan3A_79, %jit3A : i32
      %ne3A_94 = arith.constant 0 : i32
      %ne3A_95 = arith.cmpi ne, %rem3A, %ne3A_94 : i32
      %and3A = arith.andi %ne3A, %ne3A_95 : i1
      %sub3A = arith.constant 1 : i32
      %sub3A_96 = arith.subi %div3A, %sub3A : i32
      %select_n3A = arith.select %and3A, %sub3A_96, %div3A : i32
      %mul3A_97 = arith.constant 16 : i32
      %mul3A_98 = arith.muli %select_n3A, %mul3A_97 : i32
      %sub3A_99 = arith.subi %scan3A_79, %mul3A_98 : i32
      %broadcast_in_dim3A_100 = vector.broadcast %sub3A_99 : i32 to vector<16xi32>
      %get3A = arith.index_cast %mul3A_98 : i32 to index
      %get3A_101 = tpu.vector_load %arg27[%get3A] {strides = array<i32>} : memref<320xf32, #tpu.memory_space<vmem>>, vector<16xf32>,
      %lt3A = arith.constant 0 : i32
      %lt3A_102 = vector.broadcast %lt3A : i32 to vector<16xi32>
      %lt3A_103 = arith.cmpi slt, %broadcast_in_dim3A_100, %lt3A_102 : vector<16xi32>
      %add3A_104 = arith.constant 16 : i32
      %add3A_105 = vector.broadcast %add3A_104 : i32 to vector<16xi32>
      %add3A_106 = arith.addi %broadcast_in_dim3A_100, %add3A_105 : vector<16xi32>
      %select_n3A_107 = arith.select %lt3A_103, %add3A_106, %broadcast_in_dim3A_100 : vector<16xi1>, vector<16xi32>
      %broadcast_in_dim3A_108 = vector.shape_cast %select_n3A_107 : vector<16xi32> to vector<16x1xi32>
      %gather3A = vector.shape_cast %broadcast_in_dim3A_108 : vector<16x1xi32> to vector<16xi32>
      %gather3A_109 = tpu.dynamic_gather %get3A_101[%gather3A] in [0] : vector<16xf32>, vector<16xi32> -> vector<16xf32>
      %get3A_110 = arith.index_cast %scan3A_79 : i32 to index
      %get3A_111 = arith.constant 0 : index
      %get3A_112 = tpu.vector_load %arg36[%get3A_110, %get3A_111] {strides = array<i32>} : memref<320x256xf32, #tpu.memory_space<vmem>>, vector<16xf32>,
      %mul3A_113 = arith.mulf %get3A_112, %gather3A_109 : vector<16xf32>
      %swap3A = arith.index_cast %scan3A_79 : i32 to index
      %swap3A_114 = arith.constant 0 : index
      %swap3A_115 = tpu.vector_load %arg36[%swap3A, %swap3A_114] {strides = array<i32>} : memref<320x256xf32, #tpu.memory_space<vmem>>, vector<16xf32>,
      tpu.vector_store %arg36[%swap3A, %swap3A_114], %mul3A_113 {strides = array<i32>} : memref<320x256xf32, #tpu.memory_space<vmem>>, vector<16xf32>,
      %get3A_116 = arith.index_cast %scan3A_79 : i32 to index
      %get3A_117 = arith.constant 16 : index
      %get3A_118 = tpu.vector_load %arg36[%get3A_116, %get3A_117] {strides = array<i32>} : memref<320x256xf32, #tpu.memory_space<vmem>>, vector<16xf32>,
      %mul3A_119 = arith.mulf %get3A_118, %gather3A_109 : vector<16xf32>
      %swap3A_120 = arith.index_cast %scan3A_79 : i32 to index
      %swap3A_121 = arith.constant 16 : index
      %swap3A_122 = tpu.vector_load %arg36[%swap3A_120, %swap3A_121] {strides = array<i32>} : memref<320x256xf32, #tpu.memory_space<vmem>>, vector<16xf32>,
      tpu.vector_store %arg36[%swap3A_120, %swap3A_121], %mul3A_119 {strides = array<i32>} : memref<320x256xf32, #tpu.memory_space<vmem>>, vector<16xf32>,
      %get3A_123 = arith.index_cast %scan3A_79 : i32 to index
      %get3A_124 = arith.constant 32 : index
      %get3A_125 = tpu.vector_load %arg36[%get3A_123, %get3A_124] {strides = array<i32>} : memref<320x256xf32, #tpu.memory_space<vmem>>, vector<16xf32>,
      %mul3A_126 = arith.mulf %get3A_125, %gather3A_109 : vector<16xf32>
      %swap3A_127 = arith.index_cast %scan3A_79 : i32 to index
      %swap3A_128 = arith.constant 32 : index
      %swap3A_129 = tpu.vector_load %arg36[%swap3A_127, %swap3A_128] {strides = array<i32>} : memref<320x256xf32, #tpu.memory_space<vmem>>, vector<16xf32>,
      tpu.vector_store %arg36[%swap3A_127, %swap3A_128], %mul3A_126 {strides = array<i32>} : memref<320x256xf32, #tpu.memory_space<vmem>>, vector<16xf32>,
      %get3A_130 = arith.index_cast %scan3A_79 : i32 to index
      %get3A_131 = arith.constant 48 : index
      %get3A_132 = tpu.vector_load %arg36[%get3A_130, %get3A_131] {strides = array<i32>} : memref<320x256xf32, #tpu.memory_space<vmem>>, vector<16xf32>,
      %mul3A_133 = arith.mulf %get3A_132, %gather3A_109 : vector<16xf32>
      %swap3A_134 = arith.index_cast %scan3A_79 : i32 to index
      %swap3A_135 = arith.constant 48 : index
      %swap3A_136 = tpu.vector_load %arg36[%swap3A_134, %swap3A_135] {strides = array<i32>} : memref<320x256xf32, #tpu.memory_space<vmem>>, vector<16xf32>,
      tpu.vector_store %arg36[%swap3A_134, %swap3A_135], %mul3A_133 {strides = array<i32>} : memref<320x256xf32, #tpu.memory_space<vmem>>, vector<16xf32>,
      %get3A_137 = arith.index_cast %mul3A_98 : i32 to index
      %get3A_138 = tpu.vector_load %arg28[%get3A_137] {strides = array<i32>} : memref<320xf32, #tpu.memory_space<vmem>>, vector<16xf32>,
      %lt3A_139 = arith.constant 0 : i32
      %lt3A_140 = vector.broadcast %lt3A_139 : i32 to vector<16xi32>
      %lt3A_141 = arith.cmpi slt, %broadcast_in_dim3A_100, %lt3A_140 : vector<16xi32>
      %add3A_142 = arith.constant 16 : i32
      %add3A_143 = vector.broadcast %add3A_142 : i32 to vector<16xi32>
      %add3A_144 = arith.addi %broadcast_in_dim3A_100, %add3A_143 : vector<16xi32>
      %select_n3A_145 = arith.select %lt3A_141, %add3A_144, %broadcast_in_dim3A_100 : vector<16xi1>, vector<16xi32>
      %broadcast_in_dim3A_146 = vector.shape_cast %select_n3A_145 : vector<16xi32> to vector<16x1xi32>
      %gather3A_147 = vector.shape_cast %broadcast_in_dim3A_146 : vector<16x1xi32> to vector<16xi32>
      %gather3A_148 = tpu.dynamic_gather %get3A_138[%gather3A_147] in [0] : vector<16xf32>, vector<16xi32> -> vector<16xf32>
      %get3A_149 = arith.index_cast %scan3A_79 : i32 to index
      %get3A_150 = arith.constant 64 : index
      %get3A_151 = tpu.vector_load %arg36[%get3A_149, %get3A_150] {strides = array<i32>} : memref<320x256xf32, #tpu.memory_space<vmem>>, vector<16xf32>,
      %mul3A_152 = arith.mulf %get3A_151, %gather3A_148 : vector<16xf32>
      %swap3A_153 = arith.index_cast %scan3A_79 : i32 to index
      %swap3A_154 = arith.constant 64 : index
      %swap3A_155 = tpu.vector_load %arg36[%swap3A_153, %swap3A_154] {strides = array<i32>} : memref<320x256xf32, #tpu.memory_space<vmem>>, vector<16xf32>,
      tpu.vector_store %arg36[%swap3A_153, %swap3A_154], %mul3A_152 {strides = array<i32>} : memref<320x256xf32, #tpu.memory_space<vmem>>, vector<16xf32>,
      %get3A_156 = arith.index_cast %scan3A_79 : i32 to index
      %get3A_157 = arith.constant 80 : index
      %get3A_158 = tpu.vector_load %arg36[%get3A_156, %get3A_157] {strides = array<i32>} : memref<320x256xf32, #tpu.memory_space<vmem>>, vector<16xf32>,
      %mul3A_159 = arith.mulf %get3A_158, %gather3A_148 : vector<16xf32>
      %swap3A_160 = arith.index_cast %scan3A_79 : i32 to index
      %swap3A_161 = arith.constant 80 : index
      %swap3A_162 = tpu.vector_load %arg36[%swap3A_160, %swap3A_161] {strides = array<i32>} : memref<320x256xf32, #tpu.memory_space<vmem>>, vector<16xf32>,
      tpu.vector_store %arg36[%swap3A_160, %swap3A_161], %mul3A_159 {strides = array<i32>} : memref<320x256xf32, #tpu.memory_space<vmem>>, vector<16xf32>,
      %get3A_163 = arith.index_cast %scan3A_79 : i32 to index
      %get3A_164 = arith.constant 96 : index
      %get3A_165 = tpu.vector_load %arg36[%get3A_163, %get3A_164] {strides = array<i32>} : memref<320x256xf32, #tpu.memory_space<vmem>>, vector<16xf32>,
      %mul3A_166 = arith.mulf %get3A_165, %gather3A_148 : vector<16xf32>
      %swap3A_167 = arith.index_cast %scan3A_79 : i32 to index
      %swap3A_168 = arith.constant 96 : index
      %swap3A_169 = tpu.vector_load %arg36[%swap3A_167, %swap3A_168] {strides = array<i32>} : memref<320x256xf32, #tpu.memory_space<vmem>>, vector<16xf32>,
      tpu.vector_store %arg36[%swap3A_167, %swap3A_168], %mul3A_166 {strides = array<i32>} : memref<320x256xf32, #tpu.memory_space<vmem>>, vector<16xf32>,
      %get3A_170 = arith.index_cast %scan3A_79 : i32 to index
      %get3A_171 = arith.constant 112 : index
      %get3A_172 = tpu.vector_load %arg36[%get3A_170, %get3A_171] {strides = array<i32>} : memref<320x256xf32, #tpu.memory_space<vmem>>, vector<16xf32>,
      %mul3A_173 = arith.mulf %get3A_172, %gather3A_148 : vector<16xf32>
      %swap3A_174 = arith.index_cast %scan3A_79 : i32 to index
      %swap3A_175 = arith.constant 112 : index
      %swap3A_176 = tpu.vector_load %arg36[%swap3A_174, %swap3A_175] {strides = array<i32>} : memref<320x256xf32, #tpu.memory_space<vmem>>, vector<16xf32>,
      tpu.vector_store %arg36[%swap3A_174, %swap3A_175], %mul3A_173 {strides = array<i32>} : memref<320x256xf32, #tpu.memory_space<vmem>>, vector<16xf32>,
      %get3A_177 = arith.index_cast %mul3A_98 : i32 to index
      %get3A_178 = tpu.vector_load %arg29[%get3A_177] {strides = array<i32>} : memref<320xf32, #tpu.memory_space<vmem>>, vector<16xf32>,
      %lt3A_179 = arith.constant 0 : i32
      %lt3A_180 = vector.broadcast %lt3A_179 : i32 to vector<16xi32>
      %lt3A_181 = arith.cmpi slt, %broadcast_in_dim3A_100, %lt3A_180 : vector<16xi32>
      %add3A_182 = arith.constant 16 : i32
      %add3A_183 = vector.broadcast %add3A_182 : i32 to vector<16xi32>
      %add3A_184 = arith.addi %broadcast_in_dim3A_100, %add3A_183 : vector<16xi32>
      %select_n3A_185 = arith.select %lt3A_181, %add3A_184, %broadcast_in_dim3A_100 : vector<16xi1>, vector<16xi32>
      %broadcast_in_dim3A_186 = vector.shape_cast %select_n3A_185 : vector<16xi32> to vector<16x1xi32>
      %gather3A_187 = vector.shape_cast %broadcast_in_dim3A_186 : vector<16x1xi32> to vector<16xi32>
      %gather3A_188 = tpu.dynamic_gather %get3A_178[%gather3A_187] in [0] : vector<16xf32>, vector<16xi32> -> vector<16xf32>
      %get3A_189 = arith.index_cast %scan3A_79 : i32 to index
      %get3A_190 = arith.constant 128 : index
      %get3A_191 = tpu.vector_load %arg36[%get3A_189, %get3A_190] {strides = array<i32>} : memref<320x256xf32, #tpu.memory_space<vmem>>, vector<16xf32>,
      %mul3A_192 = arith.mulf %get3A_191, %gather3A_188 : vector<16xf32>
      %swap3A_193 = arith.index_cast %scan3A_79 : i32 to index
      %swap3A_194 = arith.constant 128 : index
      %swap3A_195 = tpu.vector_load %arg36[%swap3A_193, %swap3A_194] {strides = array<i32>} : memref<320x256xf32, #tpu.memory_space<vmem>>, vector<16xf32>,
      tpu.vector_store %arg36[%swap3A_193, %swap3A_194], %mul3A_192 {strides = array<i32>} : memref<320x256xf32, #tpu.memory_space<vmem>>, vector<16xf32>,
      %get3A_196 = arith.index_cast %scan3A_79 : i32 to index
      %get3A_197 = arith.constant 144 : index
      %get3A_198 = tpu.vector_load %arg36[%get3A_196, %get3A_197] {strides = array<i32>} : memref<320x256xf32, #tpu.memory_space<vmem>>, vector<16xf32>,
      %mul3A_199 = arith.mulf %get3A_198, %gather3A_188 : vector<16xf32>
      %swap3A_200 = arith.index_cast %scan3A_79 : i32 to index
      %swap3A_201 = arith.constant 144 : index
      %swap3A_202 = tpu.vector_load %arg36[%swap3A_200, %swap3A_201] {strides = array<i32>} : memref<320x256xf32, #tpu.memory_space<vmem>>, vector<16xf32>,
      tpu.vector_store %arg36[%swap3A_200, %swap3A_201], %mul3A_199 {strides = array<i32>} : memref<320x256xf32, #tpu.memory_space<vmem>>, vector<16xf32>,
      %get3A_203 = arith.index_cast %scan3A_79 : i32 to index
      %get3A_204 = arith.constant 160 : index
      %get3A_205 = tpu.vector_load %arg36[%get3A_203, %get3A_204] {strides = array<i32>} : memref<320x256xf32, #tpu.memory_space<vmem>>, vector<16xf32>,
      %mul3A_206 = arith.mulf %get3A_205, %gather3A_188 : vector<16xf32>
      %swap3A_207 = arith.index_cast %scan3A_79 : i32 to index
      %swap3A_208 = arith.constant 160 : index
      %swap3A_209 = tpu.vector_load %arg36[%swap3A_207, %swap3A_208] {strides = array<i32>} : memref<320x256xf32, #tpu.memory_space<vmem>>, vector<16xf32>,
      tpu.vector_store %arg36[%swap3A_207, %swap3A_208], %mul3A_206 {strides = array<i32>} : memref<320x256xf32, #tpu.memory_space<vmem>>, vector<16xf32>,
      %get3A_210 = arith.index_cast %scan3A_79 : i32 to index
      %get3A_211 = arith.constant 176 : index
      %get3A_212 = tpu.vector_load %arg36[%get3A_210, %get3A_211] {strides = array<i32>} : memref<320x256xf32, #tpu.memory_space<vmem>>, vector<16xf32>,
      %mul3A_213 = arith.mulf %get3A_212, %gather3A_188 : vector<16xf32>
      %swap3A_214 = arith.index_cast %scan3A_79 : i32 to index
      %swap3A_215 = arith.constant 176 : index
      %swap3A_216 = tpu.vector_load %arg36[%swap3A_214, %swap3A_215] {strides = array<i32>} : memref<320x256xf32, #tpu.memory_space<vmem>>, vector<16xf32>,
      tpu.vector_store %arg36[%swap3A_214, %swap3A_215], %mul3A_213 {strides = array<i32>} : memref<320x256xf32, #tpu.memory_space<vmem>>, vector<16xf32>,
      %get3A_217 = arith.index_cast %mul3A_98 : i32 to index
      %get3A_218 = tpu.vector_load %arg30[%get3A_217] {strides = array<i32>} : memref<320xf32, #tpu.memory_space<vmem>>, vector<16xf32>,
      %lt3A_219 = arith.constant 0 : i32
      %lt3A_220 = vector.broadcast %lt3A_219 : i32 to vector<16xi32>
      %lt3A_221 = arith.cmpi slt, %broadcast_in_dim3A_100, %lt3A_220 : vector<16xi32>
      %add3A_222 = arith.constant 16 : i32
      %add3A_223 = vector.broadcast %add3A_222 : i32 to vector<16xi32>
      %add3A_224 = arith.addi %broadcast_in_dim3A_100, %add3A_223 : vector<16xi32>
      %select_n3A_225 = arith.select %lt3A_221, %add3A_224, %broadcast_in_dim3A_100 : vector<16xi1>, vector<16xi32>
      %broadcast_in_dim3A_226 = vector.shape_cast %select_n3A_225 : vector<16xi32> to vector<16x1xi32>
      %gather3A_227 = vector.shape_cast %broadcast_in_dim3A_226 : vector<16x1xi32> to vector<16xi32>
      %gather3A_228 = tpu.dynamic_gather %get3A_218[%gather3A_227] in [0] : vector<16xf32>, vector<16xi32> -> vector<16xf32>
      %get3A_229 = arith.index_cast %scan3A_79 : i32 to index
      %get3A_230 = arith.constant 192 : index
      %get3A_231 = tpu.vector_load %arg36[%get3A_229, %get3A_230] {strides = array<i32>} : memref<320x256xf32, #tpu.memory_space<vmem>>, vector<16xf32>,
      %mul3A_232 = arith.mulf %get3A_231, %gather3A_228 : vector<16xf32>
      %swap3A_233 = arith.index_cast %scan3A_79 : i32 to index
      %swap3A_234 = arith.constant 192 : index
      %swap3A_235 = tpu.vector_load %arg36[%swap3A_233, %swap3A_234] {strides = array<i32>} : memref<320x256xf32, #tpu.memory_space<vmem>>, vector<16xf32>,
      tpu.vector_store %arg36[%swap3A_233, %swap3A_234], %mul3A_232 {strides = array<i32>} : memref<320x256xf32, #tpu.memory_space<vmem>>, vector<16xf32>,
      %get3A_236 = arith.index_cast %scan3A_79 : i32 to index
      %get3A_237 = arith.constant 208 : index
      %get3A_238 = tpu.vector_load %arg36[%get3A_236, %get3A_237] {strides = array<i32>} : memref<320x256xf32, #tpu.memory_space<vmem>>, vector<16xf32>,
      %mul3A_239 = arith.mulf %get3A_238, %gather3A_228 : vector<16xf32>
      %swap3A_240 = arith.index_cast %scan3A_79 : i32 to index
      %swap3A_241 = arith.constant 208 : index
      %swap3A_242 = tpu.vector_load %arg36[%swap3A_240, %swap3A_241] {strides = array<i32>} : memref<320x256xf32, #tpu.memory_space<vmem>>, vector<16xf32>,
      tpu.vector_store %arg36[%swap3A_240, %swap3A_241], %mul3A_239 {strides = array<i32>} : memref<320x256xf32, #tpu.memory_space<vmem>>, vector<16xf32>,
      %get3A_243 = arith.index_cast %scan3A_79 : i32 to index
      %get3A_244 = arith.constant 224 : index
      %get3A_245 = tpu.vector_load %arg36[%get3A_243, %get3A_244] {strides = array<i32>} : memref<320x256xf32, #tpu.memory_space<vmem>>, vector<16xf32>,
      %mul3A_246 = arith.mulf %get3A_245, %gather3A_228 : vector<16xf32>
      %swap3A_247 = arith.index_cast %scan3A_79 : i32 to index
      %swap3A_248 = arith.constant 224 : index
      %swap3A_249 = tpu.vector_load %arg36[%swap3A_247, %swap3A_248] {strides = array<i32>} : memref<320x256xf32, #tpu.memory_space<vmem>>, vector<16xf32>,
      tpu.vector_store %arg36[%swap3A_247, %swap3A_248], %mul3A_246 {strides = array<i32>} : memref<320x256xf32, #tpu.memory_space<vmem>>, vector<16xf32>,
      %get3A_250 = arith.index_cast %scan3A_79 : i32 to index
      %get3A_251 = arith.constant 240 : index
      %get3A_252 = tpu.vector_load %arg36[%get3A_250, %get3A_251] {strides = array<i32>} : memref<320x256xf32, #tpu.memory_space<vmem>>, vector<16xf32>,
      %mul3A_253 = arith.mulf %get3A_252, %gather3A_228 : vector<16xf32>
      %swap3A_254 = arith.index_cast %scan3A_79 : i32 to index
      %swap3A_255 = arith.constant 240 : index
      %swap3A_256 = tpu.vector_load %arg36[%swap3A_254, %swap3A_255] {strides = array<i32>} : memref<320x256xf32, #tpu.memory_space<vmem>>, vector<16xf32>,
      tpu.vector_store %arg36[%swap3A_254, %swap3A_255], %mul3A_253 {strides = array<i32>} : memref<320x256xf32, #tpu.memory_space<vmem>>, vector<16xf32>,
      %scan3A_257 = arith.constant 0 : i32
      scf.yield %scan3A_257 : i32
    }
    %scan3A_78 = arith.constant 320 : i32
    "tpu.region"() ({
      %run_scoped3A = tpu.sem_alloc : memref<!tpu.dma_semaphore, #tpu.memory_space<semaphore_mem>>
      %dma_start3A = arith.constant 0 : i32
      %dma_start3A_79 = tpu.memref_slice %arg13[%mul3A_2, %dma_start3A] : memref<10240x256xf32, #tpu.memory_space<hbm>> -> memref<320x256xf32, #tpu.memory_space<hbm>>
      %dma_start3A_80 = arith.constant 0 : i32
      %dma_start3A_81 = tpu.memref_slice %arg13[%mul3A_2, %dma_start3A_80] : memref<10240x256xf32, #tpu.memory_space<hbm>> -> memref<320x256xf32, #tpu.memory_space<hbm>>
      tpu.enqueue_dma source(%arg36 : memref<320x256xf32, #tpu.memory_space<vmem>>) target(%dma_start3A_81 : memref<320x256xf32, #tpu.memory_space<hbm>>) target_semaphore(%run_scoped3A : memref<!tpu.dma_semaphore, #tpu.memory_space<semaphore_mem>>)
      %dma_wait3A = arith.constant 0 : i32
      %dma_wait3A_82 = tpu.memref_slice %arg13[%mul3A_2, %dma_wait3A] : memref<10240x256xf32, #tpu.memory_space<hbm>> -> memref<320x256xf32, #tpu.memory_space<hbm>>
      %dma_wait3A_83 = arith.constant 0 : i32
      %dma_wait3A_84 = tpu.memref_slice %arg13[%mul3A_2, %dma_wait3A_83] : memref<10240x256xf32, #tpu.memory_space<hbm>> -> memref<320x256xf32, #tpu.memory_space<hbm>>
      tpu.wait_dma2 semaphore(%run_scoped3A : memref<!tpu.dma_semaphore, #tpu.memory_space<semaphore_mem>>) src(%arg36 : memref<320x256xf32, #tpu.memory_space<vmem>>) dst(%dma_wait3A_84 : memref<320x256xf32, #tpu.memory_space<hbm>>)
      tpu.yield
    }) : () -> ()
    return
  }
}

module attributes {stable_mosaic.version = 14 : i64} {
  func.func @_proj_body(%arg0: i32, %arg1: memref<1024x256xf32, #tpu.memory_space<vmem>>, %arg2: memref<256x256xf32, #tpu.memory_space<vmem>>, %arg3: memref<256x8xf32, #tpu.memory_space<vmem>>, %arg4: memref<1024x256xf32, #tpu.memory_space<vmem>>, %arg5: memref<8x1024xf32, #tpu.memory_space<vmem>>) attributes {dimension_semantics = [#tpu.dimension_semantics<arbitrary>], iteration_bounds = array<i64: 10>, scalar_prefetch = 0 : i64, scratch_operands = 0 : i64, tpu.core_type = #tpu.core_type<tc>, window_params = [{transform_indices = @transform_0, window_bounds = array<i64: 1024, 256>}, {pipeline_mode = #tpu.pipeline_mode<synchronous>, transform_indices = @transform_1, window_bounds = array<i64: 256, 256>}, {pipeline_mode = #tpu.pipeline_mode<synchronous>, transform_indices = @transform_2, window_bounds = array<i64: 256, 8>}, {transform_indices = @transform_3, window_bounds = array<i64: 1024, 256>}, {transform_indices = @transform_4, window_bounds = array<i64: 8, 1024>}]} {
    %get3A = arith.constant 0 : index
    %get3A_0 = arith.constant 0 : index
    %get3A_1 = vector.load %arg1[%get3A, %get3A_0] : memref<1024x256xf32, #tpu.memory_space<vmem>>, vector<1024x256xf32>
    %get3A_2 = arith.constant 0 : index
    %get3A_3 = arith.constant 0 : index
    %get3A_4 = vector.load %arg2[%get3A_2, %get3A_3] : memref<256x256xf32, #tpu.memory_space<vmem>>, vector<256x256xf32>
    %dot_general3A = arith.constant dense<0.000000e+00> : vector<1024x256xf32>
    %dot_general3A_5 = tpu.matmul %get3A_1, %get3A_4, %dot_general3A {dimension_numbers = #tpu.dot_dimension_numbers<[1], [0], [0], [1], [0, 0, 1, 1], [], []>, transpose_lhs_hint = false} : vector<1024x256xf32>, vector<256x256xf32>, vector<1024x256xf32> -> vector<1024x256xf32>
    %swap3A = arith.constant 0 : index
    %swap3A_6 = arith.constant 0 : index
    %swap3A_7 = vector.load %arg4[%swap3A, %swap3A_6] : memref<1024x256xf32, #tpu.memory_space<vmem>>, vector<1024x256xf32>
    tpu.vector_store %arg4[%swap3A, %swap3A_6], %dot_general3A_5 {strides = array<i32>} : memref<1024x256xf32, #tpu.memory_space<vmem>>, vector<1024x256xf32>,
    %get3A_8 = arith.constant 0 : index
    %get3A_9 = arith.constant 0 : index
    %get3A_10 = vector.load %arg3[%get3A_8, %get3A_9] : memref<256x8xf32, #tpu.memory_space<vmem>>, vector<256x8xf32>
    %dot_general3A_11 = arith.constant dense<0.000000e+00> : vector<8x1024xf32>
    %dot_general3A_12 = tpu.matmul %get3A_10, %dot_general3A_5, %dot_general3A_11 {dimension_numbers = #tpu.dot_dimension_numbers<[0], [1], [1], [0], [0, 1, 1, 0], [], []>, transpose_lhs_hint = false} : vector<256x8xf32>, vector<1024x256xf32>, vector<8x1024xf32> -> vector<8x1024xf32>
    %swap3A_13 = arith.constant 0 : index
    %swap3A_14 = arith.constant 0 : index
    %swap3A_15 = vector.load %arg5[%swap3A_13, %swap3A_14] : memref<8x1024xf32, #tpu.memory_space<vmem>>, vector<8x1024xf32>
    tpu.vector_store %arg5[%swap3A_13, %swap3A_14], %dot_general3A_12 {strides = array<i32>} : memref<8x1024xf32, #tpu.memory_space<vmem>>, vector<8x1024xf32>,
    return
  }
  func.func @transform_0(%arg0: i32) -> (i32, i32) {
    %c0_i32 = arith.constant 0 : i32
    %c0_i32_0 = arith.constant 0 : i32
    return %arg0, %c0_i32 : i32, i32
  }
  func.func @transform_1(%arg0: i32) -> (i32, i32) {
    %c0_i32 = arith.constant 0 : i32
    %c0_i32_0 = arith.constant 0 : i32
    %c0_i32_1 = arith.constant 0 : i32
    return %c0_i32, %c0_i32_0 : i32, i32
  }
  func.func @transform_2(%arg0: i32) -> (i32, i32) {
    %c0_i32 = arith.constant 0 : i32
    %c0_i32_0 = arith.constant 0 : i32
    %c0_i32_1 = arith.constant 0 : i32
    return %c0_i32, %c0_i32_0 : i32, i32
  }
  func.func @transform_3(%arg0: i32) -> (i32, i32) {
    %c0_i32 = arith.constant 0 : i32
    %c0_i32_0 = arith.constant 0 : i32
    return %arg0, %c0_i32 : i32, i32
  }
  func.func @transform_4(%arg0: i32) -> (i32, i32) {
    %c0_i32 = arith.constant 0 : i32
    %c0_i32_0 = arith.constant 0 : i32
    return %c0_i32, %arg0 : i32, i32
  }
}

module attributes {stable_mosaic.version = 14 : i64} {
  func.func @_epi_body(%arg0: i32, %arg1: memref<1024x256xf32, #tpu.memory_space<vmem>>, %arg2: memref<1x256xf32, #tpu.memory_space<vmem>>, %arg3: memref<1024x256xf32, #tpu.memory_space<vmem>>) attributes {dimension_semantics = [#tpu.dimension_semantics<arbitrary>], iteration_bounds = array<i64: 10>, scalar_prefetch = 0 : i64, scratch_operands = 0 : i64, tpu.core_type = #tpu.core_type<tc>, window_params = [{transform_indices = @transform_0, window_bounds = array<i64: 1024, 256>}, {pipeline_mode = #tpu.pipeline_mode<synchronous>, transform_indices = @transform_1, window_bounds = array<i64: 1, 256>}, {transform_indices = @transform_2, window_bounds = array<i64: 1024, 256>}]} {
    %get3A = arith.constant 0 : index
    %get3A_0 = arith.constant 0 : index
    %get3A_1 = vector.load %arg1[%get3A, %get3A_0] : memref<1024x256xf32, #tpu.memory_space<vmem>>, vector<1024x256xf32>
    %get3A_2 = arith.constant 0 : index
    %get3A_3 = arith.constant 0 : index
    %get3A_4 = vector.load %arg2[%get3A_2, %get3A_3] : memref<1x256xf32, #tpu.memory_space<vmem>>, vector<1x256xf32>
    %add3A = vector.broadcast %get3A_4 : vector<1x256xf32> to vector<1024x256xf32>
    %add3A_5 = arith.addf %get3A_1, %add3A : vector<1024x256xf32>
    %max3A = arith.constant 0.000000e+00 : f32
    %max3A_6 = vector.broadcast %max3A : f32 to vector<1024x256xf32>
    %max3A_7 = arith.maximumf %add3A_5, %max3A_6 : vector<1024x256xf32>
    %swap3A = arith.constant 0 : index
    %swap3A_8 = arith.constant 0 : index
    %swap3A_9 = vector.load %arg3[%swap3A, %swap3A_8] : memref<1024x256xf32, #tpu.memory_space<vmem>>, vector<1024x256xf32>
    tpu.vector_store %arg3[%swap3A, %swap3A_8], %max3A_7 {strides = array<i32>} : memref<1024x256xf32, #tpu.memory_space<vmem>>, vector<1024x256xf32>,
    return
  }
  func.func @transform_0(%arg0: i32) -> (i32, i32) {
    %c0_i32 = arith.constant 0 : i32
    %c0_i32_0 = arith.constant 0 : i32
    return %arg0, %c0_i32 : i32, i32
  }
  func.func @transform_1(%arg0: i32) -> (i32, i32) {
    %c0_i32 = arith.constant 0 : i32
    %c0_i32_0 = arith.constant 0 : i32
    %c0_i32_1 = arith.constant 0 : i32
    return %c0_i32, %c0_i32_0 : i32, i32
  }
  func.func @transform_2(%arg0: i32) -> (i32, i32) {
    %c0_i32 = arith.constant 0 : i32
    %c0_i32_0 = arith.constant 0 : i32
    return %arg0, %c0_i32 : i32, i32
  }
}

</mosaic_0001>

<sc_bundles>
// kernel: kernel.5.cloned.1.call-start
scs
__scs_entry_jumppad:
0x0: {  	(pc) =	sbr.rel $0x88, $3  }
0x1: {  	(tag) =	ssettag $0x0;
	lr =	simm.s32 $0x1  }
0x2: {  	[smem:$0x3F9B] =	sst lr;
	_ =	strace $0xD0000000  }
0x3: {  	_ = 	snop  }
0x4: {  	_ = 	snop  }
0x5: {  	_ = 	snop  }
0x6: {  	_ = 	snop  }
0x7: {  	_ = 	snop  }
__scs_overlays_trampoline_lowered:
0x8: {  	[smem:$0x3FAA] =	sst s0  }
0x9: {  	[smem:$0x3FAB] =	sst s1  }
0xa: {  	[smem:$0x3FAC] =	sst s2  }
0xb: {  	[smem:$0x3FAD] =	sst s3  }
0xc: {  	[smem:$0x3FAE] =	sst s4  }
0xd: {  	[smem:$0x3FAF] =	sst s5  }
0xe: {  	[smem:$0x3FB0] =	sst s6  }
0xf: {  	[smem:$0x3FB1] =	sst s7  }
0x10: {  	[smem:$0x3FB2] =	sst s8  }
0x11: {  	[smem:$0x3FB3] =	sst s9;
	s0 =	simm.s32 @!p0 $0x0  }
0x12: {  	s1 =	sld [smem:$0x3F99];
	s0 =	simm.s32 @p0 $0x1  }
0x13: {  	[smem:$0x3FB4] =	sst s0;
	s0 =	simm.s32 @!p1 $0x0  }
0x14: {  	s2 =	sld [smem:$0x3F98];
	s0 =	simm.s32 @p1 $0x1  }
0x15: {  	[smem:$0x3FB5] =	sst s0;
	s0 =	simm.s32 @!p2 $0x0  }
0x16: {  	s3 =	sld [smem:$0x3FDB];
	s0 =	simm.s32 @p2 $0x1  }
0x17: {  	s4 =	simm.s32 $0x1BF5;
	[smem:$0x3FB7] =	sst s0  }
0x18: {  	s0 =	sld [smem:$0x3F9A];
	_ =	swait.ge [sflag:s4], $0x0  }
0x19: {  	s7 =	sld [smem:$0x3F9B]  }
0x1a: {  	s8 =	sadd.s32 $0xFFFFE003, lr  }
0x1b: {  	s9 =	sadd.s32 $0xFFFFFEF7, lr;
	s5 =	simm.s32 $0xFFFFFFFF;
	p2 =	slt.u32 s8, $0xFFFFF086  }
0x1c: {  	p1 =	slt.u32 s9, $0xF7A;
	s5 =	simm.s32 @!p2 $0x0  }
0x1d: {  	s5 =	simm.s32 @p1 $0x1;
	p0 =	seq.s32 s7, s2  }
0x1e: {  	s7 =	smul.u32 @!p0 $0xF7A, s2;
	p2 =	seq.s32 @!p0 s5, $0x0  }
0x1f: {  	s9 =	smul.u32 $0xF7A, s1;
	s8 =	simm.s32 @!p0 $0x1BF5;
	p2 =	por !p2, p0  }
0x20: {  	[sflag:s8] =	ssyncset.s32 @!p0 $0xFFFFF086;
	s6 =	sadd.s32 @!p0 s3, s7;
	s7 =	simm.s32 @!p0 $0x108  }
0x21: {  	s3 =	sadd.s32 s3, s9;
	s6 =	sadd.s32 @!p0 $0x88, s6;
	s7 =	simm.s32 @p2 $0x1082  }
0x22: {  	[simem:s7], [sflag:s8] =	dma.local @!p0 [hbm:s6], $0xF7A  }
0x23: {  	s9 =	sor.u32 $0xD0000000, s2;
	s6 =	simm.s32 $0x108;
	_ =	swait.ge @!p0 [sflag:s8], $0x0  }
0x24: {  	s3 =	sadd.s32 $0x88, s3;
	s6 =	simm.s32 @!p1 $0x1082;
	[sflag:s4] =	ssyncset.s32 $0xFFFFF086  }
0x25: {  	[simem:s6], [sflag:s4] =	dma.local [hbm:s3], $0xF7A  }
0x26: {  	[smem:$0x3F9B] =	sst s1;
	(tag) =	ssettag s2;
	_ =	strace s9  }
0x27: {  	s1 =	sld [smem:$0x3FAB]  }
0x28: {  	s2 =	sld [smem:$0x3FAC]  }
0x29: {  	s4 =	sld [smem:$0x3FAE]  }
0x2a: {  	p0 =	seq.s32 s5, $0x0;
	s5 =	sld [smem:$0x3FAF]  }
0x2b: {  	s6 =	sld [smem:$0x3FB0]  }
0x2c: {  	s7 =	sld [smem:$0x3FB1]  }
0x2d: {  	s3 =	simm.s32 $0x108;
	s8 =	sld [smem:$0x3FB2]  }
0x2e: {  	s3 =	simm.s32 @!p0 $0x1082;
	s9 =	sld [smem:$0x3FB3]  }
0x2f: {  	lr =	sadd.s32 s0, s3;
	s0 =	sld [smem:$0x3FAA]  }
0x30: {  	s3 =	sld [smem:$0x3FAD]  }
0x31: {  	[smem:$0x3FB6] =	sst s10  }
0x32: {  	s10 =	sld [smem:$0x3FB4];
	_ =	sdelay $0x3  }
0x33: {  	p0 =	seq.s32 s10, $0x1;
	s10 =	sld [smem:$0x3FB6];
	_ =	sdelay $0x3  }
0x34: {  	[smem:$0x3FB6] =	sst s10  }
0x35: {  	s10 =	sld [smem:$0x3FB5];
	_ =	sdelay $0x3  }
0x36: {  	p1 =	seq.s32 s10, $0x1;
	s10 =	sld [smem:$0x3FB6];
	_ =	sdelay $0x3  }
0x37: {  	[smem:$0x3FB6] =	sst s10  }
0x38: {  	s10 =	sld [smem:$0x3FB7]  }
0x39: {  	_ = 	snop;
	(pc) =	sbr.ind lr, $3  }
0x3a: {  	_ = 	snop  }
0x3b: {  	_ = 	snop  }
0x3c: {  	p2 =	seq.s32 s10, $0x1;
	s10 =	sld [smem:$0x3FB6]  }
0x3d: {  	_ =	shalt  }
0x3e: {  	_ =	shalt  }
0x3f: {  	_ =	shalt  }
0x40: {  	_ =	shalt  }
0x41: {  	_ =	shalt  }
0x42: {  	_ =	shalt  }
0x43: {  	_ =	shalt  }
0x44: {  	_ =	shalt  }
0x45: {  	_ =	shalt  }
0x46: {  	_ =	shalt  }
0x47: {  	_ =	shalt  }
0x48: {  	_ =	shalt  }
0x49: {  	_ =	shalt  }
0x4a: {  	_ =	shalt  }
0x4b: {  	_ =	shalt  }
0x4c: {  	_ =	shalt  }
0x4d: {  	_ =	shalt  }
0x4e: {  	_ =	shalt  }
0x4f: {  	_ =	shalt  }
0x50: {  	_ =	shalt  }
0x51: {  	_ =	shalt  }
0x52: {  	_ =	shalt  }
0x53: {  	_ =	shalt  }
0x54: {  	_ =	shalt  }
0x55: {  	_ =	shalt  }
0x56: {  	_ =	shalt  }
0x57: {  	_ =	shalt  }
0x58: {  	_ =	shalt  }
0x59: {  	_ =	shalt  }
0x5a: {  	_ =	shalt  }
0x5b: {  	_ =	shalt  }
0x5c: {  	_ =	shalt  }
0x5d: {  	_ =	shalt  }
0x5e: {  	_ =	shalt  }
0x5f: {  	_ =	shalt  }
0x60: {  	_ =	shalt  }
0x61: {  	_ =	shalt  }
0x62: {  	_ =	shalt  }
0x63: {  	_ =	shalt  }
0x64: {  	_ =	shalt  }
0x65: {  	_ =	shalt  }
0x66: {  	_ =	shalt  }
0x67: {  	_ =	shalt  }
0x68: {  	_ =	shalt  }
0x69: {  	_ =	shalt  }
0x6a: {  	_ =	shalt  }
0x6b: {  	_ =	shalt  }
0x6c: {  	_ =	shalt  }
0x6d: {  	_ =	shalt  }
0x6e: {  	_ =	shalt  }
0x6f: {  	_ =	shalt  }
0x70: {  	_ =	shalt  }
0x71: {  	_ =	shalt  }
0x72: {  	_ =	shalt  }
0x73: {  	_ =	shalt  }
0x74: {  	_ =	shalt  }
0x75: {  	_ =	shalt  }
0x76: {  	_ =	shalt  }
0x77: {  	_ =	shalt  }
0x78: {  	_ =	shalt  }
0x79: {  	_ =	shalt  }
0x7a: {  	_ =	shalt  }
0x7b: {  	_ =	shalt  }
0x7c: {  	_ =	shalt  }
0x7d: {  	_ =	shalt  }
0x7e: {  	_ =	shalt  }
0x7f: {  	_ =	shalt  }
0x80: {  	_ =	shalt  }
0x81: {  	_ =	shalt  }
0x82: {  	_ =	shalt  }
0x83: {  	_ =	shalt  }
0x84: {  	_ =	shalt  }
0x85: {  	_ =	shalt  }
0x86: {  	_ =	shalt  }
0x87: {  	_ =	shalt  }
.Lfunc_end0:
.L_simem_size_0:
called_computation_lowered:
.L_overlay_start_0:
0x88: {  	s2 =	sld [smem:$0x3FD9]  }
0x89: {  	s3 =	sld [smem:$0x3FFE];
	_ =	sdelay $0x1  }
0x8a: {  	s1 =	srdreg.scid  }
0x8b: {  	s0 =	sand.u32 $0x1, s1  }
0x8c: {  	s17 =	sshll.u32 s0, $0xA;
	s2 =	sadd.s32 s3, s2  }
0x8d: {  	s2 =	sadd.s32 s2, s17  }
0x8e: {  	[smem:$0x3FC2] =	sst s2  }
0x8f: {  	_ = 	snop  }
0x90: {  	s2 =	sld [smem:$0x3FD0];
	(tm) =	ssettm $0x1  }
0x91: {  	s18 =	sld [smem:$0x3FFB];
	_ =	sdelay $0x3  }
0x92: {  	_ =	strace s18  }
0x93: {  	s3 =	sld [smem:$0x3FFC];
	_ =	sdelay $0x3  }
0x94: {  	_ =	strace s3  }
0x95: {  	s3 =	sld [smem:$0x3FFD];
	_ =	sdelay $0x3  }
0x96: {  	_ =	strace s3  }
0x97: {  	_ =	strace $0x8FFFFFFF  }
0x98: {  	s19 =	sld [smem:$0x3FDB];
	_ =	sdelay $0x1  }
0x99: {  	s4 =	simm.s32 $_scs_section_size  }
0x9a: {  	s5 =	simm.s32 $_size__tile_overlayer_lowered;
	s6 =	simm.s32 $_tile_overlayer_lowered  }
0x9b: {  	s22 =	simm.s32 $0x1BFF;
	s21 =	sshll.u32 s6, $0x1;
	s3 =	sadd.s32 s4, s19  }
0x9c: {  	s7 =	simm.s32 $0x0;
	s20 =	sshll.u32 s5, $0x1;
	s5 =	sadd.s32 s21, s3  }
0x9d: {  	[timem:s7], [sflag:s22] =	dma.local [hbm:s5], s20  }
0x9e: {  	_ =	swait.ge [sflag:s22], s20  }
0x9f: {  	s4 =	ssub.s32 $0x0, s20;
	[sflag:s22] =	ssyncset.done $0x0  }
0xa0: {  	[sflag:s22] =	ssyncadd.s32 s4;
	_ =	sdelay $0x1  }
0xa1: {  	s23 =	simm.s32 $0x1B8B  }
0xa2: {  	_ =	swait.ge [sflag:s23], $0x1  }
0xa3: {  	[sflag:s23] =	ssyncset.done $0x0  }
0xa4: {  	s25 =	simm.s32 $0x1B8E;
	s24 =	sld [smem:$0x3FFE];
	[sflag:s23] =	ssyncadd.s32 $0xFFFFFFFF  }
0xa5: {  	s26 =	simm.s32 $execute0_lowered;
	[smem:$0x3FD2] =	sst s25  }
0xa6: {  	s5 =	sshll.u32 s26, $0x1;
	_ =	strace $0x80000046;
	[dreg:$0x1] =	wrdreg $0xFFFFFFFF  }
0xa7: {  	s28 =	simm.s32 $_size_execute0_lowered;
	s3 =	sadd.s32 s3, s5;
	[dreg:$0x0] =	wrdreg $0x0  }
0xa8: {  	s5 =	sshll.u32 s28, $0x1;
	[dreg:$0x2] =	wrdreg s3  }
0xa9: {  	[dreg:$0x3] =	wrdreg s5  }
0xaa: {  	[dreg:$0x4] =	wrdreg $0xC0  }
0xab: {  	_ =	task [dreg:s7], $0x5FFFF  }
0xac: {  	[dreg:$0x1] =	wrdreg $0xFFFFFFFF  }
0xad: {  	[dreg:$0x0] =	wrdreg $0x60  }
0xae: {  	[dreg:$0x2] =	wrdreg s24  }
0xaf: {  	[dreg:$0x3] =	wrdreg s2  }
0xb0: {  	[dreg:$0x4] =	wrdreg $0x9  }
0xb1: {  	_ =	task.clear_ibuf [dreg:s7], $0x5FFFF;
	_ =	strace $0x90000046  }
0xb2: {  	s29 =	simm.s32 $0x9;
	_ =	strace $0x80000048  }
0xb3: {  	_ =	swait.ge [sflag:s29], $0x1  }
0xb4: {  	[sflag:s29] =	ssyncadd.s32 $0xFFFFFFFF  }
0xb5: {  	_ =	strace $0x90000048  }
0xb6: {  	_ =	sfence  }
0xb7: {  	s30 =	sld [smem:$0x0];
	_ =	sdelay $0x2  }
0xb8: {  	s31 =	sshll.u32 s1, $0xD;
	s1 =	sshrl.u32 s1, $0x2  }
0xb9: {  	s3 =	sand.u32 $0x4000, s31;
	s1 =	sadd.s32 s1, s30  }
0xba: {  	s0 =	sor.u32 s3, s0;
	s1 =	sshll.u32 s1, $0x11  }
0xbb: {  	s0 =	sor.u32 s1, s0  }
0xbc: {  	s0 =	sadd.s32 $0x8F2B, s0  }
0xbd: {  	[sflag:s0] =	ssyncadd.remote.s32 $0x1  }
0xbe: {  	_ =	sfence.sel $0xFFFF  }
0xbf: {  	[dreg:$0x0] =	wrdreg $0xFFFFFFFF;
	(pc) =	sbr.abs _section_cstart, $3  }
0xc0: {  	[dreg:$0x1] =	wrdreg $0xFFFFFFFF  }
0xc1: {  	_ =	task.clear_ibuf [dreg:s7], $0x2FFFF;
	_ =	strace $0x9FFFFFFF  }
0xc2: {  	(tm) =	ssettm $0x7FFFFFFF  }
0xc3: {  	_ =	shalt  }
tec
execute0_lowered:
.L_overlay_start_1:
0x0: {  	(tag) =	ssettag $0x1  }
0x1: {  	s0 =	rddreg [dreg:$0x0];
	s12 =	simm.s32 $0x0;
	s1 =	srdreg.scid  }
0x2: {  	s2 =	stileid.u32;
	s16 =	simm.s32 $0x3400;
	s18 =	simm.s32 $0x3580  }
0x3: {  	s19 =	simm.s32 $0x3700;
	s20 =	simm.s32 $0x3880;
	s21 =	simm.s32 $0x1400  }
0x4: {  	s22 =	simm.s32 $0x1;
	s30 =	simm.s32 $0x2E00;
	s31 =	simm.s32 $0x2F80  }
0x5: {  	[smem:$0x7FF] =	sst s12;
	s1 =	sand.u32 $0x1, s1;
	s2 =	sshll.u32 s2, $0x1  }
0x6: {  	s4 =	sadd.s32 $0x54600, s0;
	s5 =	sadd.s32 $0x54000, s0;
	s2 =	sor.u32 s1, s2  }
0x7: {  	s6 =	sadd.s32 $0x53A00, s0;
	s1 =	ssub.s32 $0x2, s1;
	s3 =	smul.u32 $0x140, s2  }
0x8: {  	s7 =	sadd.s32 $0x53400, s0;
	s8 =	sadd.s32 $0x52E00, s0;
	s11 =	sshrl.u32 s1, $0x1  }
0x9: {  	_ =	strace $0x80000047;
	s1 =	ssub.s32 s1, s11;
	s9 =	sshrl.u32 s3, $0x3  }
0xa: {  	s2 =	smul.u32 $0x2800, s2;
	s29 =	smax.u32 s1, $0x1;
	s10 =	sadd.s32 s9, s0  }
0xb: {  	s28 =	sadd.s32 $0x140, s3;
	[dreg:$0x8] =	wrdreg s29;
	s23 =	sadd.s32 $0x52800, s10  }
0xc: {  	s1 =	simm.s32 $0x3280;
	s24 =	sadd.s32 $0x52200, s10;
	[dreg:$0x3] =	wrdreg s23  }
0xd: {  	s9 =	sadd.s32 $0x1600, s0;
	s25 =	sadd.s32 $0x51C00, s10;
	[dreg:$0x4] =	wrdreg s24  }
0xe: {  	v2 =	vimm.f32 $0.0e+00;
	s0 =	sadd.s32 s2, s0;
	s26 =	sadd.s32 $0x51600, s10;
	[dreg:$0x5] =	wrdreg s25  }
0xf: {  	v3 =	vlaneseq.u32;
	v4 =	vimm.s32 $0x0;
	v0 =	vmov s3;
	s3 =	simm.s32 $0x0;
	s0 =	sadd.s32 $0x59600, s0;
	[dreg:$0x6] =	wrdreg s26  }
0x10: {  	vm0 =	vmmov $0xffff;
	v6 =	vshrl.u32 v3, $0x3;
	v5 =	vand.u32 $0x7, v3;
	s10 =	simm.s32 $0xBA00;
	[dreg:$0x7] =	wrdreg s0;
	s26 =	simm.s32 $0x2  }
0x11: {  	v7 =	vor.u32 $0x8, v3;
	v6 =	vmul.u32 $0x8, v6;
	v1 =	vmov s28;
	s23 =	simm.s32 $0x80;
	s25 =	simm.s32 $0x2900;
	s0 =	simm.s32 $0x3100  }
.LBB2_1:
0x12: {  	[tilespmem:$0x2E00] =	vst v2  }
0x13: {  	[tilespmem:$0x2E10] =	vst v2  }
0x14: {  	[tilespmem:$0x2E20] =	vst v2  }
0x15: {  	[tilespmem:$0x2E30] =	vst v2  }
0x16: {  	[tilespmem:$0x2E40] =	vst v2  }
0x17: {  	[tilespmem:$0x2E50] =	vst v2  }
0x18: {  	[tilespmem:$0x2E60] =	vst v2  }
0x19: {  	[tilespmem:$0x2E70] =	vst v2  }
0x1a: {  	[tilespmem:$0x2E80] =	vst v2  }
0x1b: {  	[tilespmem:$0x2E90] =	vst v2  }
0x1c: {  	[tilespmem:$0x2EA0] =	vst v2  }
0x1d: {  	[tilespmem:$0x2EB0] =	vst v2  }
0x1e: {  	[tilespmem:$0x2EC0] =	vst v2  }
0x1f: {  	[tilespmem:$0x2ED0] =	vst v2  }
0x20: {  	[tilespmem:$0x2EE0] =	vst v2  }
0x21: {  	[tilespmem:$0x2EF0] =	vst v2  }
0x22: {  	[tilespmem:$0x2F00] =	vst v2  }
0x23: {  	[tilespmem:$0x2F10] =	vst v2  }
0x24: {  	[dreg:$0x9] =	wrdreg s3;
	[tilespmem:$0x2F20] =	vst v2  }
0x25: {  	[tilespmem:$0x2F30] =	vst v2;
	s2 =	rddreg [dreg:$0x3]  }
0x26: {  	[tilespmem:s16], [sflag:$0x2] =	stream.linear.gather [hbm4b:s2+s12], $0x140, $0x38;
	[tilespmem:$0x1FA00] =	vst v63  }
0x27: {  	_ =	swait.ge [sflag:s26], $0x140  }
0x28: {  	[sflag:s26] =	ssyncset.done $0x0  }
0x29: {  	[sflag:s26] =	ssyncadd.s32 $0xFFFFFEC0  }
0x2a: {  	[tilespmem:$0x2F80] =	vst v2  }
0x2b: {  	[tilespmem:$0x2F90] =	vst v2  }
0x2c: {  	[tilespmem:$0x2FA0] =	vst v2  }
0x2d: {  	[tilespmem:$0x2FB0] =	vst v2  }
0x2e: {  	[tilespmem:$0x2FC0] =	vst v2  }
0x2f: {  	[tilespmem:$0x2FD0] =	vst v2  }
0x30: {  	[tilespmem:$0x2FE0] =	vst v2  }
0x31: {  	[tilespmem:$0x2FF0] =	vst v2  }
0x32: {  	[tilespmem:$0x3000] =	vst v2  }
0x33: {  	[tilespmem:$0x3010] =	vst v2  }
0x34: {  	[tilespmem:$0x3020] =	vst v2  }
0x35: {  	[tilespmem:$0x3030] =	vst v2  }
0x36: {  	[tilespmem:$0x3040] =	vst v2  }
0x37: {  	[tilespmem:$0x3050] =	vst v2  }
0x38: {  	[tilespmem:$0x3060] =	vst v2  }
0x39: {  	[tilespmem:$0x3070] =	vst v2  }
0x3a: {  	[tilespmem:$0x3080] =	vst v2  }
0x3b: {  	[tilespmem:$0x3090] =	vst v2  }
0x3c: {  	[tilespmem:$0x30A0] =	vst v2  }
0x3d: {  	s15 =	rddreg [dreg:$0x4];
	[tilespmem:$0x30B0] =	vst v2  }
0x3e: {  	[tilespmem:s18], [sflag:$0x2] =	stream.linear.gather [hbm4b:s15+s12], $0x140, $0x38;
	[tilespmem:$0x1FA00] =	vst v63  }
0x3f: {  	_ =	swait.ge [sflag:s26], $0x140  }
0x40: {  	[sflag:s26] =	ssyncset.done $0x0  }
0x41: {  	[sflag:s26] =	ssyncadd.s32 $0xFFFFFEC0  }
0x42: {  	[tilespmem:$0x3100] =	vst v2  }
0x43: {  	[tilespmem:$0x3110] =	vst v2  }
0x44: {  	[tilespmem:$0x3120] =	vst v2  }
0x45: {  	[tilespmem:$0x3130] =	vst v2  }
0x46: {  	[tilespmem:$0x3140] =	vst v2  }
0x47: {  	[tilespmem:$0x3150] =	vst v2  }
0x48: {  	[tilespmem:$0x3160] =	vst v2  }
0x49: {  	[tilespmem:$0x3170] =	vst v2  }
0x4a: {  	[tilespmem:$0x3180] =	vst v2  }
0x4b: {  	[tilespmem:$0x3190] =	vst v2  }
0x4c: {  	[tilespmem:$0x31A0] =	vst v2  }
0x4d: {  	[tilespmem:$0x31B0] =	vst v2  }
0x4e: {  	[tilespmem:$0x31C0] =	vst v2  }
0x4f: {  	[tilespmem:$0x31D0] =	vst v2  }
0x50: {  	[tilespmem:$0x31E0] =	vst v2  }
0x51: {  	[tilespmem:$0x31F0] =	vst v2  }
0x52: {  	[tilespmem:$0x3200] =	vst v2  }
0x53: {  	[tilespmem:$0x3210] =	vst v2  }
0x54: {  	[tilespmem:$0x3220] =	vst v2  }
0x55: {  	s17 =	rddreg [dreg:$0x5];
	[tilespmem:$0x3230] =	vst v2  }
0x56: {  	[tilespmem:s19], [sflag:$0x2] =	stream.linear.gather [hbm4b:s17+s12], $0x140, $0x38;
	[tilespmem:$0x1FA00] =	vst v63  }
0x57: {  	_ =	swait.ge [sflag:s26], $0x140  }
0x58: {  	[sflag:s26] =	ssyncset.done $0x0  }
0x59: {  	[sflag:s26] =	ssyncadd.s32 $0xFFFFFEC0  }
0x5a: {  	[tilespmem:$0x3280] =	vst v2  }
0x5b: {  	[tilespmem:$0x3290] =	vst v2  }
0x5c: {  	[tilespmem:$0x32A0] =	vst v2  }
0x5d: {  	[tilespmem:$0x32B0] =	vst v2  }
0x5e: {  	[tilespmem:$0x32C0] =	vst v2  }
0x5f: {  	[tilespmem:$0x32D0] =	vst v2  }
0x60: {  	[tilespmem:$0x32E0] =	vst v2  }
0x61: {  	[tilespmem:$0x32F0] =	vst v2  }
0x62: {  	[tilespmem:$0x3300] =	vst v2  }
0x63: {  	[tilespmem:$0x3310] =	vst v2  }
0x64: {  	[tilespmem:$0x3320] =	vst v2  }
0x65: {  	[tilespmem:$0x3330] =	vst v2  }
0x66: {  	[tilespmem:$0x3340] =	vst v2  }
0x67: {  	[tilespmem:$0x3350] =	vst v2  }
0x68: {  	[tilespmem:$0x3360] =	vst v2  }
0x69: {  	[tilespmem:$0x3370] =	vst v2  }
0x6a: {  	[tilespmem:$0x3380] =	vst v2  }
0x6b: {  	[tilespmem:$0x3390] =	vst v2  }
0x6c: {  	[tilespmem:$0x33A0] =	vst v2  }
0x6d: {  	s24 =	rddreg [dreg:$0x6];
	[tilespmem:$0x33B0] =	vst v2  }
0x6e: {  	[tilespmem:s20], [sflag:$0x2] =	stream.linear.gather [hbm4b:s24+s12], $0x140, $0x38;
	[tilespmem:$0x1FA00] =	vst v63  }
0x6f: {  	_ =	swait.ge [sflag:s26], $0x140  }
0x70: {  	s28 =	sand.u32 $0x1F800, s12;
	s29 =	sand.u32 $0x380, s12;
	[sflag:s26] =	ssyncset.done $0x0  }
0x71: {  	s2 =	sor.u32 s29, s28;
	[sflag:s26] =	ssyncadd.s32 $0xFFFFFEC0  }
0x72: {  	[tilespmem:s2+$0xBE70] =	vst v2  }
0x73: {  	[tilespmem:s2+$0xBA00] =	vst v2  }
0x74: {  	[tilespmem:s2+$0xBA10] =	vst v2  }
0x75: {  	[tilespmem:s2+$0xBA20] =	vst v2  }
0x76: {  	[tilespmem:s2+$0xBA30] =	vst v2  }
0x77: {  	[tilespmem:s2+$0xBA40] =	vst v2  }
0x78: {  	[tilespmem:s2+$0xBA50] =	vst v2  }
0x79: {  	[tilespmem:s2+$0xBA60] =	vst v2  }
0x7a: {  	[tilespmem:s2+$0xBA70] =	vst v2  }
0x7b: {  	[tilespmem:s2+$0xBE00] =	vst v2  }
0x7c: {  	[tilespmem:s2+$0xBE10] =	vst v2  }
0x7d: {  	[tilespmem:s2+$0xBE20] =	vst v2  }
0x7e: {  	[tilespmem:s2+$0xBE30] =	vst v2  }
0x7f: {  	s11 =	simm.s32 $0x100;
	s3 =	simm.s32 $0x80;
	[tilespmem:s2+$0xBE40] =	vst v2  }
0x80: {  	s13 =	sand.u32 $0x380, s3;
	s12 =	sand.u32 $0x1F800, s11;
	s11 =	simm.s32 $0x200;
	[tilespmem:s2+$0xBE50] =	vst v2  }
.LBB2_2:
0x81: {  	p0 =	sne.s32 s11, $0x13F00;
	[tilespmem:s2+$0xBE60] =	vst v2;
	s2 =	sor.u32 s13, s12  }
0x82: {  	[tilespmem:s2+$0xBE70] =	vst v2  }
0x83: {  	[tilespmem:s2+$0xBA00] =	vst v2  }
0x84: {  	[tilespmem:s2+$0xBA10] =	vst v2  }
0x85: {  	[tilespmem:s2+$0xBA20] =	vst v2  }
0x86: {  	[tilespmem:s2+$0xBA30] =	vst v2  }
0x87: {  	[tilespmem:s2+$0xBA40] =	vst v2  }
0x88: {  	[tilespmem:s2+$0xBA50] =	vst v2  }
0x89: {  	[tilespmem:s2+$0xBA60] =	vst v2  }
0x8a: {  	[tilespmem:s2+$0xBA70] =	vst v2  }
0x8b: {  	[tilespmem:s2+$0xBE00] =	vst v2  }
.Ltmp0:
0x8c: {  	[tilespmem:s2+$0xBE10] =	vst v2;
	(pc) =	sbr.rel @p0 .LBB2_2-.Ltmp0, $4  }
0x8d: {  	[tilespmem:s2+$0xBE20] =	vst v2  }
0x8e: {  	[tilespmem:s2+$0xBE30] =	vst v2  }
0x8f: {  	s3 =	sadd.s32 $0x80, s3;
	[tilespmem:s2+$0xBE40] =	vst v2  }
0x90: {  	s12 =	sand.u32 $0x1F800, s11;
	s11 =	sadd.s32 $0x100, s11;
	s13 =	sand.u32 $0x380, s3;
	[tilespmem:s2+$0xBE50] =	vst v2  }
0x91: {  	s3 =	sor.u32 s13, s12;
	[tilespmem:s2+$0xBE60] =	vst v2  }
0x92: {  	[tilespmem:s3+$0xBE70] =	vst v2  }
0x93: {  	[tilespmem:s3+$0xBA00] =	vst v2  }
0x94: {  	[tilespmem:s3+$0xBA10] =	vst v2  }
0x95: {  	[tilespmem:s3+$0xBA20] =	vst v2  }
0x96: {  	[tilespmem:s3+$0xBA30] =	vst v2  }
0x97: {  	[tilespmem:s3+$0xBA40] =	vst v2  }
0x98: {  	[tilespmem:s3+$0xBA50] =	vst v2  }
0x99: {  	[tilespmem:s3+$0xBA60] =	vst v2  }
0x9a: {  	[tilespmem:s3+$0xBA70] =	vst v2  }
0x9b: {  	[tilespmem:s3+$0xBE00] =	vst v2  }
0x9c: {  	[tilespmem:s3+$0xBE10] =	vst v2  }
.Ltmp1:
0x9d: {  	[tilespmem:s3+$0xBE20] =	vst v2;
	(pc) =	sbr.rel .LBB2_4-.Ltmp1, $4  }
0x9e: {  	[tilespmem:s3+$0xBE30] =	vst v2  }
0x9f: {  	[tilespmem:s3+$0xBE40] =	vst v2  }
0xa0: {  	[tilespmem:s3+$0xBE50] =	vst v2  }
0xa1: {  	s11 =	simm.s32 $0x0;
	s12 =	simm.s32 $0x0;
	[tilespmem:s3+$0xBE60] =	vst v2  }
.LBB2_11:
0xa2: {  	s12 =	sadd.s32 $0x1, s12  }
0xa3: {  	p0 =	sne.s32 s12, $0x20  }
.Ltmp2:
0xa4: {  	_ = 	snop;
	(pc) =	sbr.rel @!p0 .LBB2_12-.Ltmp2, $2  }
0xa5: {  	_ =	sdelay $0x2  }
0xa6: {  	s11 =	sadd.s32 $0x1400, s11;
	s26 =	simm.s32 $0x2  }
.LBB2_4:
0xa7: {  	s2 =	smul.u32 $0x1400, s12;
	_ =	sdelay $0x1  }
0xa8: {  	s13 =	rddreg [dreg:$0x1];
	s3 =	sshrl.u32 s2, $0x3  }
0xa9: {  	s29 =	simm.s32 $0x0;
	s3 =	sadd.s32 s13, s3  }
0xaa: {  	[tilespmem:s29], [sflag:$0x2] =	stream.linear.gather [hbm4b:s3+s29], $0x1400, $0x38;
	[tilespmem:$0x1FA00] =	vst v63  }
0xab: {  	_ =	swait.ge [sflag:s26], $0x1400  }
0xac: {  	[sflag:s26] =	ssyncset.done $0x0  }
0xad: {  	v8 =	vimm.s32 $0x0;
	s13 =	simm.s32 $0x0;
	s3 =	simm.s32 $0x40;
	[sflag:s26] =	ssyncadd.s32 $0xFFFFEC00  }
.LBB2_5:
0xae: {  	v9 =	vld [tilespmem:s3+$0xFFFFFFC0];
	_ =	sdelay $0x4  }
0xaf: {  	vm1 =	vge.s32 v9, v0;
	vm2 =	vlt.s32 v9, v1  }
0xb0: {  	vm1 =	vmand vm1, vm2  }
0xb1: {  	v9 =	vsel vm1, $0x1, v4  }
0xb2: {  	(xrf0) =	vadd.scan.msk.s32 $0xffff, v9;
	_ =	sdelay $0x5  }
0xb3: {  	v9, _, _ =	vpop (xrf0)  }
0xb4: {  	v10 =	vadd.s32 v9, v8  }
0xb5: {  	v10 =	vadd.s32 $0xFFFFFFFF, v10;
	_ =	sdelay $0x2  }
0xb6: {  	s14 =	sadd.s32 s13, s11  }
0xb7: {  	v11 =	vor.u32 s14, v3  }
0xb8: {  	[tilespmem:v10+s21+$0x0] =	vst.idx.msk vm1, v11  }
0xb9: {  	v10 =	vld [tilespmem:s3+$0xFFFFFFD0];
	_ =	sdelay $0x4  }
0xba: {  	vm1 =	vge.s32 v10, v0;
	vm2 =	vlt.s32 v10, v1  }
0xbb: {  	vm1 =	vmand vm1, vm2  }
0xbc: {  	v10 =	vsel vm1, $0x1, v4  }
0xbd: {  	(xrf0) =	vadd.scan.msk.s32 $0xffff, v10;
	_ =	sdelay $0x1  }
0xbe: {  	v9 =	vbroadcast v9, $0xF;
	_ =	sdelay $0x3  }
0xbf: {  	v8 =	vadd.s32 v8, v9;
	v9, _, _ =	vpop (xrf0)  }
0xc0: {  	v10 =	vadd.s32 v8, v9  }
0xc1: {  	v10 =	vadd.s32 $0xFFFFFFFF, v10;
	_ =	sdelay $0x2  }
0xc2: {  	s15 =	sadd.s32 $0x10, s14  }
0xc3: {  	v11 =	vor.u32 s15, v3  }
0xc4: {  	[tilespmem:v10+s21+$0x0] =	vst.idx.msk vm1, v11  }
0xc5: {  	v10 =	vld [tilespmem:s3+$0xFFFFFFE0];
	_ =	sdelay $0x4  }
0xc6: {  	vm1 =	vge.s32 v10, v0;
	vm2 =	vlt.s32 v10, v1  }
0xc7: {  	vm1 =	vmand vm1, vm2  }
0xc8: {  	v10 =	vsel vm1, $0x1, v4  }
0xc9: {  	(xrf0) =	vadd.scan.msk.s32 $0xffff, v10;
	_ =	sdelay $0x1  }
0xca: {  	v9 =	vbroadcast v9, $0xF;
	_ =	sdelay $0x3  }
0xcb: {  	v8 =	vadd.s32 v8, v9;
	v9, _, _ =	vpop (xrf0)  }
0xcc: {  	v10 =	vadd.s32 v8, v9  }
0xcd: {  	v10 =	vadd.s32 $0xFFFFFFFF, v10;
	_ =	sdelay $0x2  }
0xce: {  	s17 =	sadd.s32 $0x20, s14  }
0xcf: {  	v11 =	vor.u32 s17, v3  }
0xd0: {  	[tilespmem:v10+s21+$0x0] =	vst.idx.msk vm1, v11  }
0xd1: {  	v10 =	vld [tilespmem:s3+$0xFFFFFFF0];
	_ =	sdelay $0x4  }
0xd2: {  	vm1 =	vge.s32 v10, v0;
	vm2 =	vlt.s32 v10, v1  }
0xd3: {  	vm1 =	vmand vm1, vm2  }
0xd4: {  	v10 =	vsel vm1, $0x1, v4  }
0xd5: {  	(xrf0) =	vadd.scan.msk.s32 $0xffff, v10;
	_ =	sdelay $0x1  }
0xd6: {  	v9 =	vbroadcast v9, $0xF;
	_ =	sdelay $0x3  }
0xd7: {  	v8 =	vadd.s32 v8, v9;
	v9, _, _ =	vpop (xrf0)  }
0xd8: {  	v10 =	vadd.s32 v8, v9  }
0xd9: {  	v10 =	vadd.s32 $0xFFFFFFFF, v10;
	_ =	sdelay $0x2  }
0xda: {  	s24 =	sadd.s32 $0x30, s14  }
0xdb: {  	v11 =	vor.u32 s24, v3  }
0xdc: {  	[tilespmem:v10+s21+$0x0] =	vst.idx.msk vm1, v11  }
0xdd: {  	v10 =	vld [tilespmem:s3+$0x0];
	_ =	sdelay $0x4  }
0xde: {  	vm1 =	vge.s32 v10, v0;
	vm2 =	vlt.s32 v10, v1  }
0xdf: {  	vm1 =	vmand vm1, vm2  }
0xe0: {  	v10 =	vsel vm1, $0x1, v4  }
0xe1: {  	(xrf0) =	vadd.scan.msk.s32 $0xffff, v10;
	_ =	sdelay $0x1  }
0xe2: {  	v9 =	vbroadcast v9, $0xF;
	_ =	sdelay $0x3  }
0xe3: {  	v8 =	vadd.s32 v8, v9;
	v9, _, _ =	vpop (xrf0)  }
0xe4: {  	v10 =	vadd.s32 v8, v9  }
0xe5: {  	v10 =	vadd.s32 $0xFFFFFFFF, v10;
	_ =	sdelay $0x2  }
0xe6: {  	s26 =	sadd.s32 $0x40, s14  }
0xe7: {  	v11 =	vor.u32 s26, v3  }
0xe8: {  	[tilespmem:v10+s21+$0x0] =	vst.idx.msk vm1, v11  }
0xe9: {  	v10 =	vld [tilespmem:s3+$0x10];
	_ =	sdelay $0x4  }
0xea: {  	vm1 =	vge.s32 v10, v0;
	vm2 =	vlt.s32 v10, v1  }
0xeb: {  	vm1 =	vmand vm1, vm2  }
0xec: {  	v10 =	vsel vm1, $0x1, v4  }
0xed: {  	(xrf0) =	vadd.scan.msk.s32 $0xffff, v10;
	_ =	sdelay $0x1  }
0xee: {  	v9 =	vbroadcast v9, $0xF;
	_ =	sdelay $0x3  }
0xef: {  	v8 =	vadd.s32 v8, v9;
	v9, _, _ =	vpop (xrf0)  }
0xf0: {  	v10 =	vadd.s32 v8, v9  }
0xf1: {  	v10 =	vadd.s32 $0xFFFFFFFF, v10;
	_ =	sdelay $0x2  }
0xf2: {  	s28 =	sadd.s32 $0x50, s14  }
0xf3: {  	v11 =	vor.u32 s28, v3  }
0xf4: {  	[tilespmem:v10+s21+$0x0] =	vst.idx.msk vm1, v11  }
0xf5: {  	v10 =	vld [tilespmem:s3+$0x20];
	_ =	sdelay $0x4  }
0xf6: {  	vm1 =	vge.s32 v10, v0;
	vm2 =	vlt.s32 v10, v1  }
0xf7: {  	vm1 =	vmand vm1, vm2  }
0xf8: {  	v10 =	vsel vm1, $0x1, v4  }
0xf9: {  	(xrf0) =	vadd.scan.msk.s32 $0xffff, v10;
	_ =	sdelay $0x1  }
0xfa: {  	v9 =	vbroadcast v9, $0xF;
	_ =	sdelay $0x3  }
0xfb: {  	v8 =	vadd.s32 v8, v9;
	v9, _, _ =	vpop (xrf0)  }
0xfc: {  	v10 =	vadd.s32 v8, v9  }
0xfd: {  	v10 =	vadd.s32 $0xFFFFFFFF, v10;
	_ =	sdelay $0x2  }
0xfe: {  	s29 =	sadd.s32 $0x60, s14  }
0xff: {  	v11 =	vor.u32 s29, v3  }
0x100: {  	[tilespmem:v10+s21+$0x0] =	vst.idx.msk vm1, v11  }
0x101: {  	v10 =	vld [tilespmem:s3+$0x30];
	_ =	sdelay $0x4  }
0x102: {  	vm1 =	vge.s32 v10, v0;
	vm2 =	vlt.s32 v10, v1  }
0x103: {  	vm1 =	vmand vm1, vm2  }
0x104: {  	v10 =	vsel vm1, $0x1, v4  }
0x105: {  	(xrf0) =	vadd.scan.msk.s32 $0xffff, v10;
	_ =	sdelay $0x1  }
0x106: {  	v9 =	vbroadcast v9, $0xF;
	_ =	sdelay $0x3  }
0x107: {  	v8 =	vadd.s32 v8, v9;
	v9, _, _ =	vpop (xrf0)  }
0x108: {  	v10 =	vadd.s32 v8, v9  }
0x109: {  	p0 =	sne.s32 s13, $0x1380;
	v10 =	vadd.s32 $0xFFFFFFFF, v10  }
.Ltmp3:
0x10a: {  	_ = 	snop;
	(pc) =	sbr.rel @p0 .LBB2_5-.Ltmp3, $4  }
0x10b: {  	_ = 	snop  }
0x10c: {  	s14 =	sadd.s32 $0x70, s14;
	v9 =	vbroadcast v9, $0xF  }
0x10d: {  	v11 =	vor.u32 s14, v3  }
0x10e: {  	s13 =	sadd.s32 $0x80, s13;
	s3 =	sadd.s32 $0x80, s3;
	v8 =	vadd.s32 v8, v9;
	[tilespmem:v10+s21+$0x0] =	vst.idx.msk vm1, v11  }
0x10f: {  	(v2sf) =	vpush v8, $0x0;
	_ =	sdelay $0xe  }
0x110: {  	s3 =	spop (v2sf)  }
0x111: {  	s3 =	sadd.s32 $0x7F, s3  }
0x112: {  	s13 =	sand.u32 $0x7F, s3  }
0x113: {  	s29 =	sshra.s32 s3, $0x1F;
	p1 =	slt.s32 s3, $0x1;
	p0 =	sne.s32 s13, $0x0  }
0x114: {  	s13 =	sshrl.u32 s29, $0x19;
	p0 =	por !p1, !p0  }
0x115: {  	s3 =	sadd.s32 s13, s3;
	s13 =	simm.s32 $0x1;
	p0 =	por !p0, !p0  }
0x116: {  	s3 =	sshra.s32 s3, $0x7;
	s13 =	simm.s32 @!p0 $0x0  }
0x117: {  	s13 =	ssub.s32 s3, s13  }
0x118: {  	p0 =	slt.s32 s13, $0x1  }
.Ltmp4:
0x119: {  	_ = 	snop;
	(pc) =	sbr.rel @p0 .LBB2_11-.Ltmp4, $1  }
0x11a: {  	_ =	sdelay $0x3  }
0x11b: {  	v8 =	vbroadcast v8, $0x0;
	v9 =	vmov s2;
	s14 =	simm.s32 $0x0;
	s15 =	simm.s32 $0x0  }
.LBB2_8:
0x11c: {  	s2 =	sshll.u32 s15, $0x9  }
0x11d: {  	s2 =	sshra.s32 s2, $0x2  }
0x11e: {  	v10 =	vld [tilespmem:s2+$0x1400];
	_ =	sdelay $0x2  }
0x11f: {  	s3 =	sshll.u32 s15, $0x7  }
0x120: {  	v11 =	vor.u32 s3, v3  }
0x121: {  	vm8 =	vlt.s32 v11, v8;
	v10 =	vsub.s32 v10, v9  }
0x122: {  	v10 =	vnsel vm8, $0x0, v10;
	_ =	sdelay $0x2  }
0x123: {  	v11 =	vadd.s32 v9, v10  }
0x124: {  	[tilespmem:$0x2880] =	vst v11  }
0x125: {  	v10 =	vld.idx.msk [tilespmem:v10+s14+$0x0], $0xffff;
	_ =	sdelay $0x4  }
0x126: {  	v10 =	vsub.s32 v10, v0  }
0x127: {  	v10 =	vnsel vm8, $0x0, v10  }
0x128: {  	[tilespmem:$0x2980] =	vst v10  }
0x129: {  	v10 =	vld [tilespmem:s2+$0x1410];
	_ =	sdelay $0x2  }
0x12a: {  	s17 =	sor.u32 $0x10, s3  }
0x12b: {  	v11 =	vor.u32 s17, v3  }
0x12c: {  	vm7 =	vlt.s32 v11, v8;
	v10 =	vsub.s32 v10, v9  }
0x12d: {  	v10 =	vnsel vm7, $0x0, v10;
	_ =	sdelay $0x2  }
0x12e: {  	v11 =	vadd.s32 v9, v10  }
0x12f: {  	[tilespmem:$0x2890] =	vst v11  }
0x130: {  	v10 =	vld.idx.msk [tilespmem:v10+s14+$0x0], $0xffff;
	_ =	sdelay $0x4  }
0x131: {  	v10 =	vsub.s32 v10, v0  }
0x132: {  	v10 =	vnsel vm7, $0x0, v10  }
0x133: {  	[tilespmem:$0x2990] =	vst v10  }
0x134: {  	v10 =	vld [tilespmem:s2+$0x1420];
	_ =	sdelay $0x2  }
0x135: {  	s26 =	sor.u32 $0x20, s3  }
0x136: {  	v11 =	vor.u32 s26, v3  }
0x137: {  	vm6 =	vlt.s32 v11, v8;
	v10 =	vsub.s32 v10, v9  }
0x138: {  	v10 =	vnsel vm6, $0x0, v10;
	_ =	sdelay $0x2  }
0x139: {  	v11 =	vadd.s32 v9, v10  }
0x13a: {  	[tilespmem:$0x28A0] =	vst v11  }
0x13b: {  	v10 =	vld.idx.msk [tilespmem:v10+s14+$0x0], $0xffff;
	_ =	sdelay $0x4  }
0x13c: {  	v10 =	vsub.s32 v10, v0  }
0x13d: {  	v10 =	vnsel vm6, $0x0, v10  }
0x13e: {  	[tilespmem:$0x29A0] =	vst v10  }
0x13f: {  	v10 =	vld [tilespmem:s2+$0x1430];
	_ =	sdelay $0x2  }
0x140: {  	s28 =	sor.u32 $0x30, s3  }
0x141: {  	v11 =	vor.u32 s28, v3  }
0x142: {  	vm5 =	vlt.s32 v11, v8;
	v10 =	vsub.s32 v10, v9  }
0x143: {  	v10 =	vnsel vm5, $0x0, v10;
	_ =	sdelay $0x2  }
0x144: {  	v11 =	vadd.s32 v9, v10  }
0x145: {  	[tilespmem:$0x28B0] =	vst v11  }
0x146: {  	v10 =	vld.idx.msk [tilespmem:v10+s14+$0x0], $0xffff;
	_ =	sdelay $0x4  }
0x147: {  	v10 =	vsub.s32 v10, v0  }
0x148: {  	v10 =	vnsel vm5, $0x0, v10  }
0x149: {  	[tilespmem:$0x29B0] =	vst v10  }
0x14a: {  	v10 =	vld [tilespmem:s2+$0x1440];
	_ =	sdelay $0x2  }
0x14b: {  	s29 =	sor.u32 $0x40, s3  }
0x14c: {  	v11 =	vor.u32 s29, v3  }
0x14d: {  	vm4 =	vlt.s32 v11, v8;
	v10 =	vsub.s32 v10, v9  }
0x14e: {  	v10 =	vnsel vm4, $0x0, v10;
	_ =	sdelay $0x2  }
0x14f: {  	v11 =	vadd.s32 v9, v10  }
0x150: {  	[tilespmem:$0x28C0] =	vst v11  }
0x151: {  	v10 =	vld.idx.msk [tilespmem:v10+s14+$0x0], $0xffff;
	_ =	sdelay $0x4  }
0x152: {  	v10 =	vsub.s32 v10, v0  }
0x153: {  	v10 =	vnsel vm4, $0x0, v10  }
0x154: {  	[tilespmem:$0x29C0] =	vst v10  }
0x155: {  	v10 =	vld [tilespmem:s2+$0x1450];
	_ =	sdelay $0x2  }
0x156: {  	s24 =	sor.u32 $0x50, s3  }
0x157: {  	v11 =	vor.u32 s24, v3  }
0x158: {  	vm3 =	vlt.s32 v11, v8;
	v10 =	vsub.s32 v10, v9  }
0x159: {  	v10 =	vnsel vm3, $0x0, v10;
	_ =	sdelay $0x2  }
0x15a: {  	v11 =	vadd.s32 v9, v10  }
0x15b: {  	[tilespmem:$0x28D0] =	vst v11  }
0x15c: {  	v10 =	vld.idx.msk [tilespmem:v10+s14+$0x0], $0xffff;
	_ =	sdelay $0x4  }
0x15d: {  	v10 =	vsub.s32 v10, v0  }
0x15e: {  	v10 =	vnsel vm3, $0x0, v10  }
0x15f: {  	[tilespmem:$0x29D0] =	vst v10  }
0x160: {  	v10 =	vld [tilespmem:s2+$0x1460];
	_ =	sdelay $0x2  }
0x161: {  	s26 =	sor.u32 $0x60, s3  }
0x162: {  	v11 =	vor.u32 s26, v3  }
0x163: {  	vm2 =	vlt.s32 v11, v8;
	v10 =	vsub.s32 v10, v9  }
0x164: {  	v10 =	vnsel vm2, $0x0, v10;
	_ =	sdelay $0x2  }
0x165: {  	v11 =	vadd.s32 v9, v10  }
0x166: {  	[tilespmem:$0x28E0] =	vst v11  }
0x167: {  	v10 =	vld.idx.msk [tilespmem:v10+s14+$0x0], $0xffff;
	_ =	sdelay $0x4  }
0x168: {  	v10 =	vsub.s32 v10, v0  }
0x169: {  	v10 =	vnsel vm2, $0x0, v10  }
0x16a: {  	[tilespmem:$0x29E0] =	vst v10  }
0x16b: {  	v10 =	vld [tilespmem:s2+$0x1470];
	_ =	sdelay $0x2  }
0x16c: {  	s28 =	sor.u32 $0x70, s3  }
0x16d: {  	v11 =	vor.u32 s28, v3  }
0x16e: {  	vm1 =	vlt.s32 v11, v8;
	v10 =	vsub.s32 v10, v9  }
0x16f: {  	v10 =	vnsel vm1, $0x0, v10;
	_ =	sdelay $0x2  }
0x170: {  	v11 =	vadd.s32 v9, v10  }
0x171: {  	[tilespmem:$0x28F0] =	vst v11  }
0x172: {  	v10 =	vld.idx.msk [tilespmem:v10+s14+$0x0], $0xffff;
	_ =	sdelay $0x4  }
0x173: {  	v10 =	vsub.s32 v10, v0  }
0x174: {  	v10 =	vnsel vm1, $0x0, v10  }
0x175: {  	s29 =	simm.s32 $0x2880;
	[tilespmem:$0x29F0] =	vst v10  }
0x176: {  	[tilespmem:s25], [sflag:$0x1] =	stream.indirect.gather [hbm4b:s4+s23], $0x1, s29, s23, $0xb8;
	[tilespmem:$0x1FA00] =	vst v63  }
0x177: {  	_ =	swait.ge [sflag:s22], $0x80  }
0x178: {  	[sflag:s22] =	ssyncset.done $0x0  }
0x179: {  	s3 =	simm.s32 $0x2A00;
	[sflag:s22] =	ssyncadd.s32 $0xFFFFFF80  }
0x17a: {  	[tilespmem:s3], [sflag:$0x1] =	stream.indirect.gather [hbm4b:s5+s23], $0x1, s25, s23, $0xb8;
	[tilespmem:$0x1FA00] =	vst v63  }
0x17b: {  	s17 =	simm.s32 $0x2A80  }
0x17c: {  	[tilespmem:s17], [sflag:$0x1] =	stream.indirect.gather [hbm4b:s6+s23], $0x1, s25, s23, $0xb8;
	[tilespmem:$0x1FA00] =	vst v63  }
0x17d: {  	s24 =	simm.s32 $0x2B00  }
0x17e: {  	[tilespmem:s24], [sflag:$0x1] =	stream.indirect.gather [hbm4b:s7+s23], $0x1, s25, s23, $0xb8;
	[tilespmem:$0x1FA00] =	vst v63  }
0x17f: {  	s26 =	simm.s32 $0x2B80  }
0x180: {  	[tilespmem:s26], [sflag:$0x1] =	stream.indirect.gather [hbm4b:s8+s23], $0x1, s25, s23, $0xb8;
	[tilespmem:$0x1FA00] =	vst v63  }
0x181: {  	v10 =	vld [tilespmem:$0x2900];
	_ =	sdelay $0x4  }
0x182: {  	v11 =	vshll.u32 v10, $0x1  }
0x183: {  	v10 =	vand.u32 $0x7, v10;
	v11 =	vand.u32 $0xFFFFFFF0, v11  }
0x184: {  	v10 =	vor.u32 v10, v11  }
0x185: {  	v11 =	vperm.xlane v10, v5;
	_ =	sdelay $0x1  }
0x186: {  	v10 =	vperm.xlane v10, v7;
	v11 =	vadd.s32 v6, v11;
	_ =	sdelay $0x1  }
0x187: {  	v10 =	vadd.s32 v6, v10;
	_ =	sdelay $0x1  }
0x188: {  	s28 =	simm.s32 $0x3A00  }
0x189: {  	[tilespmem:s28], [sflag:$0x1] =	stream.indirect_vreg.gather [hbm4b:s9+s14], $0x80, v11, vm0, $0xb8;
	[tilespmem:$0x1FA00] =	vst v63  }
0x18a: {  	s29 =	simm.s32 $0x4200  }
0x18b: {  	[tilespmem:s29], [sflag:$0x1] =	stream.indirect_vreg.gather [hbm4b:s9+s14], $0x80, v10, vm0, $0xb8;
	[tilespmem:$0x1FA00] =	vst v63  }
0x18c: {  	v10 =	vld [tilespmem:$0x2910];
	_ =	sdelay $0x4  }
0x18d: {  	v11 =	vshll.u32 v10, $0x1  }
0x18e: {  	v10 =	vand.u32 $0x7, v10;
	v11 =	vand.u32 $0xFFFFFFF0, v11  }
0x18f: {  	v10 =	vor.u32 v10, v11  }
0x190: {  	v11 =	vperm.xlane v10, v5;
	_ =	sdelay $0x1  }
0x191: {  	v10 =	vperm.xlane v10, v7;
	v11 =	vadd.s32 v6, v11;
	_ =	sdelay $0x1  }
0x192: {  	v10 =	vadd.s32 v6, v10;
	_ =	sdelay $0x1  }
0x193: {  	s3 =	simm.s32 $0x4A00  }
0x194: {  	[tilespmem:s3], [sflag:$0x1] =	stream.indirect_vreg.gather [hbm4b:s9+s14], $0x80, v11, vm0, $0xb8;
	[tilespmem:$0x1FA00] =	vst v63  }
0x195: {  	s17 =	simm.s32 $0x5200  }
0x196: {  	[tilespmem:s17], [sflag:$0x1] =	stream.indirect_vreg.gather [hbm4b:s9+s14], $0x80, v10, vm0, $0xb8;
	[tilespmem:$0x1FA00] =	vst v63  }
0x197: {  	v10 =	vld [tilespmem:$0x2920];
	_ =	sdelay $0x4  }
0x198: {  	v11 =	vshll.u32 v10, $0x1  }
0x199: {  	v10 =	vand.u32 $0x7, v10;
	v11 =	vand.u32 $0xFFFFFFF0, v11  }
0x19a: {  	v10 =	vor.u32 v10, v11  }
0x19b: {  	v11 =	vperm.xlane v10, v5;
	_ =	sdelay $0x1  }
0x19c: {  	v10 =	vperm.xlane v10, v7;
	v11 =	vadd.s32 v6, v11;
	_ =	sdelay $0x1  }
0x19d: {  	v10 =	vadd.s32 v6, v10;
	_ =	sdelay $0x1  }
0x19e: {  	s24 =	simm.s32 $0x5A00  }
0x19f: {  	[tilespmem:s24], [sflag:$0x1] =	stream.indirect_vreg.gather [hbm4b:s9+s14], $0x80, v11, vm0, $0xb8;
	[tilespmem:$0x1FA00] =	vst v63  }
0x1a0: {  	s26 =	simm.s32 $0x6200  }
0x1a1: {  	[tilespmem:s26], [sflag:$0x1] =	stream.indirect_vreg.gather [hbm4b:s9+s14], $0x80, v10, vm0, $0xb8;
	[tilespmem:$0x1FA00] =	vst v63  }
0x1a2: {  	v10 =	vld [tilespmem:$0x2930];
	_ =	sdelay $0x4  }
0x1a3: {  	v11 =	vshll.u32 v10, $0x1  }
0x1a4: {  	v10 =	vand.u32 $0x7, v10;
	v11 =	vand.u32 $0xFFFFFFF0, v11  }
0x1a5: {  	v10 =	vor.u32 v10, v11  }
0x1a6: {  	v11 =	vperm.xlane v10, v5;
	_ =	sdelay $0x1  }
0x1a7: {  	v10 =	vperm.xlane v10, v7;
	v11 =	vadd.s32 v6, v11;
	_ =	sdelay $0x1  }
0x1a8: {  	v10 =	vadd.s32 v6, v10;
	_ =	sdelay $0x1  }
0x1a9: {  	s28 =	simm.s32 $0x6A00  }
0x1aa: {  	[tilespmem:s28], [sflag:$0x1] =	stream.indirect_vreg.gather [hbm4b:s9+s14], $0x80, v11, vm0, $0xb8;
	[tilespmem:$0x1FA00] =	vst v63  }
0x1ab: {  	s29 =	simm.s32 $0x7200  }
0x1ac: {  	[tilespmem:s29], [sflag:$0x1] =	stream.indirect_vreg.gather [hbm4b:s9+s14], $0x80, v10, vm0, $0xb8;
	[tilespmem:$0x1FA00] =	vst v63  }
0x1ad: {  	v10 =	vld [tilespmem:$0x2940];
	_ =	sdelay $0x4  }
0x1ae: {  	v11 =	vshll.u32 v10, $0x1  }
0x1af: {  	v10 =	vand.u32 $0x7, v10;
	v11 =	vand.u32 $0xFFFFFFF0, v11  }
0x1b0: {  	v10 =	vor.u32 v10, v11  }
0x1b1: {  	v11 =	vperm.xlane v10, v5;
	_ =	sdelay $0x1  }
0x1b2: {  	v10 =	vperm.xlane v10, v7;
	v11 =	vadd.s32 v6, v11;
	_ =	sdelay $0x1  }
0x1b3: {  	v10 =	vadd.s32 v6, v10;
	_ =	sdelay $0x1  }
0x1b4: {  	s3 =	simm.s32 $0x7A00  }
0x1b5: {  	[tilespmem:s3], [sflag:$0x1] =	stream.indirect_vreg.gather [hbm4b:s9+s14], $0x80, v11, vm0, $0xb8;
	[tilespmem:$0x1FA00] =	vst v63  }
0x1b6: {  	s17 =	simm.s32 $0x8200  }
0x1b7: {  	[tilespmem:s17], [sflag:$0x1] =	stream.indirect_vreg.gather [hbm4b:s9+s14], $0x80, v10, vm0, $0xb8;
	[tilespmem:$0x1FA00] =	vst v63  }
0x1b8: {  	v10 =	vld [tilespmem:$0x2950];
	_ =	sdelay $0x4  }
0x1b9: {  	v11 =	vshll.u32 v10, $0x1  }
0x1ba: {  	v10 =	vand.u32 $0x7, v10;
	v11 =	vand.u32 $0xFFFFFFF0, v11  }
0x1bb: {  	v10 =	vor.u32 v10, v11  }
0x1bc: {  	v11 =	vperm.xlane v10, v5;
	_ =	sdelay $0x1  }
0x1bd: {  	v10 =	vperm.xlane v10, v7;
	v11 =	vadd.s32 v6, v11;
	_ =	sdelay $0x1  }
0x1be: {  	v10 =	vadd.s32 v6, v10;
	_ =	sdelay $0x1  }
0x1bf: {  	s24 =	simm.s32 $0x8A00  }
0x1c0: {  	[tilespmem:s24], [sflag:$0x1] =	stream.indirect_vreg.gather [hbm4b:s9+s14], $0x80, v11, vm0, $0xb8;
	[tilespmem:$0x1FA00] =	vst v63  }
0x1c1: {  	s26 =	simm.s32 $0x9200  }
0x1c2: {  	[tilespmem:s26], [sflag:$0x1] =	stream.indirect_vreg.gather [hbm4b:s9+s14], $0x80, v10, vm0, $0xb8;
	[tilespmem:$0x1FA00] =	vst v63  }
0x1c3: {  	v10 =	vld [tilespmem:$0x2960];
	_ =	sdelay $0x4  }
0x1c4: {  	v11 =	vshll.u32 v10, $0x1  }
0x1c5: {  	v10 =	vand.u32 $0x7, v10;
	v11 =	vand.u32 $0xFFFFFFF0, v11  }
0x1c6: {  	v10 =	vor.u32 v10, v11  }
0x1c7: {  	v11 =	vperm.xlane v10, v5;
	_ =	sdelay $0x1  }
0x1c8: {  	v10 =	vperm.xlane v10, v7;
	v11 =	vadd.s32 v6, v11;
	_ =	sdelay $0x1  }
0x1c9: {  	v10 =	vadd.s32 v6, v10;
	_ =	sdelay $0x1  }
0x1ca: {  	s28 =	simm.s32 $0x9A00  }
0x1cb: {  	[tilespmem:s28], [sflag:$0x1] =	stream.indirect_vreg.gather [hbm4b:s9+s14], $0x80, v11, vm0, $0xb8;
	[tilespmem:$0x1FA00] =	vst v63  }
0x1cc: {  	s29 =	simm.s32 $0xA200  }
0x1cd: {  	[tilespmem:s29], [sflag:$0x1] =	stream.indirect_vreg.gather [hbm4b:s9+s14], $0x80, v10, vm0, $0xb8;
	[tilespmem:$0x1FA00] =	vst v63  }
0x1ce: {  	v10 =	vld [tilespmem:$0x2970];
	_ =	sdelay $0x4  }
0x1cf: {  	v11 =	vshll.u32 v10, $0x1  }
0x1d0: {  	v10 =	vand.u32 $0x7, v10;
	v11 =	vand.u32 $0xFFFFFFF0, v11  }
0x1d1: {  	v10 =	vor.u32 v10, v11  }
0x1d2: {  	v11 =	vperm.xlane v10, v5;
	_ =	sdelay $0x1  }
0x1d3: {  	v10 =	vperm.xlane v10, v7;
	v11 =	vadd.s32 v6, v11;
	_ =	sdelay $0x1  }
0x1d4: {  	v10 =	vadd.s32 v6, v10;
	_ =	sdelay $0x1  }
0x1d5: {  	s3 =	simm.s32 $0xAA00  }
0x1d6: {  	[tilespmem:s3], [sflag:$0x1] =	stream.indirect_vreg.gather [hbm4b:s9+s14], $0x80, v11, vm0, $0xb8;
	[tilespmem:$0x1FA00] =	vst v63  }
0x1d7: {  	s17 =	simm.s32 $0xB200  }
0x1d8: {  	[tilespmem:s17], [sflag:$0x1] =	stream.indirect_vreg.gather [hbm4b:s9+s14], $0x80, v10, vm0, $0xb8;
	[tilespmem:$0x1FA00] =	vst v63  }
0x1d9: {  	_ =	swait.ge [sflag:s22], $0x80  }
0x1da: {  	[sflag:s22] =	ssyncset.done $0x0  }
0x1db: {  	[sflag:s22] =	ssyncadd.s32 $0xFFFFFF80  }
0x1dc: {  	_ =	swait.ge [sflag:s22], $0x80  }
0x1dd: {  	[sflag:s22] =	ssyncset.done $0x0  }
0x1de: {  	[sflag:s22] =	ssyncadd.s32 $0xFFFFFF80  }
0x1df: {  	_ =	swait.ge [sflag:s22], $0x80  }
0x1e0: {  	[sflag:s22] =	ssyncset.done $0x0  }
0x1e1: {  	[sflag:s22] =	ssyncadd.s32 $0xFFFFFF80  }
0x1e2: {  	_ =	swait.ge [sflag:s22], $0x80  }
0x1e3: {  	[sflag:s22] =	ssyncset.done $0x0  }
0x1e4: {  	[sflag:s22] =	ssyncadd.s32 $0xFFFFFF80  }
0x1e5: {  	_ =	swait.ge [sflag:s22], $0x8000  }
0x1e6: {  	[sflag:s22] =	ssyncset.done $0x0  }
0x1e7: {  	[sflag:s22] =	ssyncadd.s32 $0xFFFF8000  }
0x1e8: {  	v10 =	vld [tilespmem:$0x2980];
	_ =	sdelay $0x6  }
0x1e9: {  	v11 =	vld [tilespmem:$0x2A00]  }
0x1ea: {  	v12 =	vld.idx.msk [tilespmem:v10+s16+$0x0], $0xffff;
	_ =	sdelay $0x4  }
0x1eb: {  	v11 =	vadd.f32 v12, v11;
	_ =	sdelay $0x1  }
0x1ec: {  	v12 =	vmul.f32 $2.000000030e-01, v11  }
0x1ed: {  	vm9 =	vge.f32 v11, $0.0e+00  }
0x1ee: {  	v11 =	vsel vm9, v11, v12  }
0x1ef: {  	v11 =	vmul.f32 $1.442695020e+00, v11;
	_ =	sdelay $0x1  }
0x1f0: {  	(erf) = vpow2.f32 v11;
	_ =	sdelay $0x8  }
0x1f1: {  	v11 =	vpop (erf)  }
0x1f2: {  	[tilespmem:v10+s30+$0x0] =	vst.idx.add.f32.msk vm8, v11;
	v11 =	vnsel vm8, $0x0, v11  }
0x1f3: {  	[tilespmem:$0x2C00] =	vst v11;
	v11 =	vld [tilespmem:$0x2A80]  }
0x1f4: {  	v12 =	vld.idx.msk [tilespmem:v10+s18+$0x0], $0xffff;
	_ =	sdelay $0x4  }
0x1f5: {  	v11 =	vadd.f32 v12, v11;
	_ =	sdelay $0x1  }
0x1f6: {  	v12 =	vmul.f32 $2.000000030e-01, v11  }
0x1f7: {  	vm12 =	vge.f32 v11, $0.0e+00  }
0x1f8: {  	v11 =	vsel vm12, v11, v12  }
0x1f9: {  	v11 =	vmul.f32 $1.442695020e+00, v11;
	_ =	sdelay $0x1  }
0x1fa: {  	(erf) = vpow2.f32 v11;
	_ =	sdelay $0x8  }
0x1fb: {  	v11 =	vpop (erf)  }
0x1fc: {  	[tilespmem:v10+s31+$0x0] =	vst.idx.add.f32.msk vm8, v11;
	v11 =	vnsel vm8, $0x0, v11  }
0x1fd: {  	[tilespmem:$0x2C80] =	vst v11;
	v11 =	vld [tilespmem:$0x2B00]  }
0x1fe: {  	v12 =	vld.idx.msk [tilespmem:v10+s19+$0x0], $0xffff;
	_ =	sdelay $0x4  }
0x1ff: {  	v11 =	vadd.f32 v12, v11;
	_ =	sdelay $0x1  }
0x200: {  	v12 =	vmul.f32 $2.000000030e-01, v11  }
0x201: {  	vm13 =	vge.f32 v11, $0.0e+00  }
0x202: {  	v11 =	vsel vm13, v11, v12  }
0x203: {  	v11 =	vmul.f32 $1.442695020e+00, v11;
	_ =	sdelay $0x1  }
0x204: {  	(erf) = vpow2.f32 v11;
	_ =	sdelay $0x8  }
0x205: {  	v11 =	vpop (erf)  }
0x206: {  	[tilespmem:v10+s0+$0x0] =	vst.idx.add.f32.msk vm8, v11;
	v11 =	vnsel vm8, $0x0, v11  }
0x207: {  	[tilespmem:$0x2D00] =	vst v11;
	v11 =	vld [tilespmem:$0x2B80]  }
0x208: {  	v12 =	vld.idx.msk [tilespmem:v10+s20+$0x0], $0xffff;
	_ =	sdelay $0x4  }
0x209: {  	v11 =	vadd.f32 v12, v11;
	_ =	sdelay $0x1  }
0x20a: {  	v12 =	vmul.f32 $2.000000030e-01, v11  }
0x20b: {  	vm14 =	vge.f32 v11, $0.0e+00  }
0x20c: {  	v11 =	vsel vm14, v11, v12  }
0x20d: {  	v11 =	vmul.f32 $1.442695020e+00, v11;
	_ =	sdelay $0x1  }
0x20e: {  	(erf) = vpow2.f32 v11;
	_ =	sdelay $0x8  }
0x20f: {  	v11 =	vpop (erf)  }
0x210: {  	[tilespmem:v10+s1+$0x0] =	vst.idx.add.f32.msk vm8, v11  }
0x211: {  	v10 =	vld [tilespmem:$0x2990];
	_ =	sdelay $0x5  }
0x212: {  	v11 =	vnsel vm8, $0x0, v11  }
0x213: {  	[tilespmem:$0x2D80] =	vst v11;
	v11 =	vld [tilespmem:$0x2A10]  }
0x214: {  	v12 =	vld.idx.msk [tilespmem:v10+s16+$0x0], $0xffff;
	_ =	sdelay $0x4  }
0x215: {  	v11 =	vadd.f32 v12, v11;
	_ =	sdelay $0x1  }
0x216: {  	v12 =	vmul.f32 $2.000000030e-01, v11  }
0x217: {  	vm15 =	vge.f32 v11, $0.0e+00  }
0x218: {  	v11 =	vsel vm15, v11, v12  }
0x219: {  	v11 =	vmul.f32 $1.442695020e+00, v11;
	_ =	sdelay $0x1  }
0x21a: {  	(erf) = vpow2.f32 v11;
	_ =	sdelay $0x8  }
0x21b: {  	v11 =	vpop (erf)  }
0x21c: {  	[tilespmem:v10+s30+$0x0] =	vst.idx.add.f32.msk vm7, v11;
	v11 =	vnsel vm7, $0x0, v11  }
0x21d: {  	[tilespmem:$0x2C10] =	vst v11;
	v11 =	vld [tilespmem:$0x2A90]  }
0x21e: {  	v12 =	vld.idx.msk [tilespmem:v10+s18+$0x0], $0xffff;
	_ =	sdelay $0x4  }
0x21f: {  	v11 =	vadd.f32 v12, v11;
	_ =	sdelay $0x1  }
0x220: {  	v12 =	vmul.f32 $2.000000030e-01, v11  }
0x221: {  	vm12 =	vge.f32 v11, $0.0e+00  }
0x222: {  	v11 =	vsel vm12, v11, v12  }
0x223: {  	v11 =	vmul.f32 $1.442695020e+00, v11;
	_ =	sdelay $0x1  }
0x224: {  	(erf) = vpow2.f32 v11;
	_ =	sdelay $0x8  }
0x225: {  	v11 =	vpop (erf)  }
0x226: {  	[tilespmem:v10+s31+$0x0] =	vst.idx.add.f32.msk vm7, v11;
	v11 =	vnsel vm7, $0x0, v11  }
0x227: {  	[tilespmem:$0x2C90] =	vst v11;
	v11 =	vld [tilespmem:$0x2B10]  }
0x228: {  	v12 =	vld.idx.msk [tilespmem:v10+s19+$0x0], $0xffff;
	_ =	sdelay $0x4  }
0x229: {  	v11 =	vadd.f32 v12, v11;
	_ =	sdelay $0x1  }
0x22a: {  	v12 =	vmul.f32 $2.000000030e-01, v11  }
0x22b: {  	vm13 =	vge.f32 v11, $0.0e+00  }
0x22c: {  	v11 =	vsel vm13, v11, v12  }
0x22d: {  	v11 =	vmul.f32 $1.442695020e+00, v11;
	_ =	sdelay $0x1  }
0x22e: {  	(erf) = vpow2.f32 v11;
	_ =	sdelay $0x8  }
0x22f: {  	v11 =	vpop (erf)  }
0x230: {  	[tilespmem:v10+s0+$0x0] =	vst.idx.add.f32.msk vm7, v11;
	v11 =	vnsel vm7, $0x0, v11  }
0x231: {  	[tilespmem:$0x2D10] =	vst v11;
	v11 =	vld [tilespmem:$0x2B90]  }
0x232: {  	v12 =	vld.idx.msk [tilespmem:v10+s20+$0x0], $0xffff;
	_ =	sdelay $0x4  }
0x233: {  	v11 =	vadd.f32 v12, v11;
	_ =	sdelay $0x1  }
0x234: {  	v12 =	vmul.f32 $2.000000030e-01, v11  }
0x235: {  	vm14 =	vge.f32 v11, $0.0e+00  }
0x236: {  	v11 =	vsel vm14, v11, v12  }
0x237: {  	v11 =	vmul.f32 $1.442695020e+00, v11;
	_ =	sdelay $0x1  }
0x238: {  	(erf) = vpow2.f32 v11;
	_ =	sdelay $0x8  }
0x239: {  	v11 =	vpop (erf)  }
0x23a: {  	[tilespmem:v10+s1+$0x0] =	vst.idx.add.f32.msk vm7, v11  }
0x23b: {  	v10 =	vld [tilespmem:$0x29A0];
	_ =	sdelay $0x5  }
0x23c: {  	v11 =	vnsel vm7, $0x0, v11  }
0x23d: {  	[tilespmem:$0x2D90] =	vst v11;
	v11 =	vld [tilespmem:$0x2A20]  }
0x23e: {  	v12 =	vld.idx.msk [tilespmem:v10+s16+$0x0], $0xffff;
	_ =	sdelay $0x4  }
0x23f: {  	v11 =	vadd.f32 v12, v11;
	_ =	sdelay $0x1  }
0x240: {  	v12 =	vmul.f32 $2.000000030e-01, v11  }
0x241: {  	vm15 =	vge.f32 v11, $0.0e+00  }
0x242: {  	v11 =	vsel vm15, v11, v12  }
0x243: {  	v11 =	vmul.f32 $1.442695020e+00, v11;
	_ =	sdelay $0x1  }
0x244: {  	(erf) = vpow2.f32 v11;
	_ =	sdelay $0x8  }
0x245: {  	v11 =	vpop (erf)  }
0x246: {  	[tilespmem:v10+s30+$0x0] =	vst.idx.add.f32.msk vm6, v11;
	v11 =	vnsel vm6, $0x0, v11  }
0x247: {  	[tilespmem:$0x2C20] =	vst v11;
	v11 =	vld [tilespmem:$0x2AA0]  }
0x248: {  	v12 =	vld.idx.msk [tilespmem:v10+s18+$0x0], $0xffff;
	_ =	sdelay $0x4  }
0x249: {  	v11 =	vadd.f32 v12, v11;
	_ =	sdelay $0x1  }
0x24a: {  	v12 =	vmul.f32 $2.000000030e-01, v11  }
0x24b: {  	vm9 =	vge.f32 v11, $0.0e+00  }
0x24c: {  	v11 =	vsel vm9, v11, v12  }
0x24d: {  	v11 =	vmul.f32 $1.442695020e+00, v11;
	_ =	sdelay $0x1  }
0x24e: {  	(erf) = vpow2.f32 v11;
	_ =	sdelay $0x8  }
0x24f: {  	v11 =	vpop (erf)  }
0x250: {  	[tilespmem:v10+s31+$0x0] =	vst.idx.add.f32.msk vm6, v11;
	v11 =	vnsel vm6, $0x0, v11  }
0x251: {  	[tilespmem:$0x2CA0] =	vst v11;
	v11 =	vld [tilespmem:$0x2B20]  }
0x252: {  	v12 =	vld.idx.msk [tilespmem:v10+s19+$0x0], $0xffff;
	_ =	sdelay $0x4  }
0x253: {  	v11 =	vadd.f32 v12, v11;
	_ =	sdelay $0x1  }
0x254: {  	v12 =	vmul.f32 $2.000000030e-01, v11  }
0x255: {  	vm10 =	vge.f32 v11, $0.0e+00  }
0x256: {  	v11 =	vsel vm10, v11, v12  }
0x257: {  	v11 =	vmul.f32 $1.442695020e+00, v11;
	_ =	sdelay $0x1  }
0x258: {  	(erf) = vpow2.f32 v11;
	_ =	sdelay $0x8  }
0x259: {  	v11 =	vpop (erf)  }
0x25a: {  	[tilespmem:v10+s0+$0x0] =	vst.idx.add.f32.msk vm6, v11;
	v11 =	vnsel vm6, $0x0, v11  }
0x25b: {  	[tilespmem:$0x2D20] =	vst v11;
	v11 =	vld [tilespmem:$0x2BA0]  }
0x25c: {  	v12 =	vld.idx.msk [tilespmem:v10+s20+$0x0], $0xffff;
	_ =	sdelay $0x4  }
0x25d: {  	v11 =	vadd.f32 v12, v11;
	_ =	sdelay $0x1  }
0x25e: {  	v12 =	vmul.f32 $2.000000030e-01, v11  }
0x25f: {  	vm11 =	vge.f32 v11, $0.0e+00  }
0x260: {  	v11 =	vsel vm11, v11, v12  }
0x261: {  	v11 =	vmul.f32 $1.442695020e+00, v11;
	_ =	sdelay $0x1  }
0x262: {  	(erf) = vpow2.f32 v11;
	_ =	sdelay $0x8  }
0x263: {  	v11 =	vpop (erf)  }
0x264: {  	[tilespmem:v10+s1+$0x0] =	vst.idx.add.f32.msk vm6, v11  }
0x265: {  	v10 =	vld [tilespmem:$0x29B0];
	_ =	sdelay $0x5  }
0x266: {  	v11 =	vnsel vm6, $0x0, v11  }
0x267: {  	[tilespmem:$0x2DA0] =	vst v11;
	v11 =	vld [tilespmem:$0x2A30]  }
0x268: {  	v12 =	vld.idx.msk [tilespmem:v10+s16+$0x0], $0xffff;
	_ =	sdelay $0x4  }
0x269: {  	v11 =	vadd.f32 v12, v11;
	_ =	sdelay $0x1  }
0x26a: {  	v12 =	vmul.f32 $2.000000030e-01, v11  }
0x26b: {  	vm12 =	vge.f32 v11, $0.0e+00  }
0x26c: {  	v11 =	vsel vm12, v11, v12  }
0x26d: {  	v11 =	vmul.f32 $1.442695020e+00, v11;
	_ =	sdelay $0x1  }
0x26e: {  	(erf) = vpow2.f32 v11;
	_ =	sdelay $0x8  }
0x26f: {  	v11 =	vpop (erf)  }
0x270: {  	[tilespmem:v10+s30+$0x0] =	vst.idx.add.f32.msk vm5, v11;
	v11 =	vnsel vm5, $0x0, v11  }
0x271: {  	[tilespmem:$0x2C30] =	vst v11;
	v11 =	vld [tilespmem:$0x2AB0]  }
0x272: {  	v12 =	vld.idx.msk [tilespmem:v10+s18+$0x0], $0xffff;
	_ =	sdelay $0x4  }
0x273: {  	v11 =	vadd.f32 v12, v11;
	_ =	sdelay $0x1  }
0x274: {  	v12 =	vmul.f32 $2.000000030e-01, v11  }
0x275: {  	vm13 =	vge.f32 v11, $0.0e+00  }
0x276: {  	v11 =	vsel vm13, v11, v12  }
0x277: {  	v11 =	vmul.f32 $1.442695020e+00, v11;
	_ =	sdelay $0x1  }
0x278: {  	(erf) = vpow2.f32 v11;
	_ =	sdelay $0x8  }
0x279: {  	v11 =	vpop (erf)  }
0x27a: {  	[tilespmem:v10+s31+$0x0] =	vst.idx.add.f32.msk vm5, v11;
	v11 =	vnsel vm5, $0x0, v11  }
0x27b: {  	[tilespmem:$0x2CB0] =	vst v11;
	v11 =	vld [tilespmem:$0x2B30]  }
0x27c: {  	v12 =	vld.idx.msk [tilespmem:v10+s19+$0x0], $0xffff;
	_ =	sdelay $0x4  }
0x27d: {  	v11 =	vadd.f32 v12, v11;
	_ =	sdelay $0x1  }
0x27e: {  	v12 =	vmul.f32 $2.000000030e-01, v11  }
0x27f: {  	vm14 =	vge.f32 v11, $0.0e+00  }
0x280: {  	v11 =	vsel vm14, v11, v12  }
0x281: {  	v11 =	vmul.f32 $1.442695020e+00, v11;
	_ =	sdelay $0x1  }
0x282: {  	(erf) = vpow2.f32 v11;
	_ =	sdelay $0x8  }
0x283: {  	v11 =	vpop (erf)  }
0x284: {  	[tilespmem:v10+s0+$0x0] =	vst.idx.add.f32.msk vm5, v11;
	v11 =	vnsel vm5, $0x0, v11  }
0x285: {  	[tilespmem:$0x2D30] =	vst v11;
	v11 =	vld [tilespmem:$0x2BB0]  }
0x286: {  	v12 =	vld.idx.msk [tilespmem:v10+s20+$0x0], $0xffff;
	_ =	sdelay $0x4  }
0x287: {  	v11 =	vadd.f32 v12, v11;
	_ =	sdelay $0x1  }
0x288: {  	v12 =	vmul.f32 $2.000000030e-01, v11  }
0x289: {  	vm15 =	vge.f32 v11, $0.0e+00  }
0x28a: {  	v11 =	vsel vm15, v11, v12  }
0x28b: {  	v11 =	vmul.f32 $1.442695020e+00, v11;
	_ =	sdelay $0x1  }
0x28c: {  	(erf) = vpow2.f32 v11;
	_ =	sdelay $0x8  }
0x28d: {  	v11 =	vpop (erf)  }
0x28e: {  	[tilespmem:v10+s1+$0x0] =	vst.idx.add.f32.msk vm5, v11  }
0x28f: {  	v10 =	vld [tilespmem:$0x29C0];
	_ =	sdelay $0x5  }
0x290: {  	v11 =	vnsel vm5, $0x0, v11  }
0x291: {  	[tilespmem:$0x2DB0] =	vst v11;
	v11 =	vld [tilespmem:$0x2A40]  }
0x292: {  	v12 =	vld.idx.msk [tilespmem:v10+s16+$0x0], $0xffff;
	_ =	sdelay $0x4  }
0x293: {  	v11 =	vadd.f32 v12, v11;
	_ =	sdelay $0x1  }
0x294: {  	v12 =	vmul.f32 $2.000000030e-01, v11  }
0x295: {  	vm8 =	vge.f32 v11, $0.0e+00  }
0x296: {  	v11 =	vsel vm8, v11, v12  }
0x297: {  	v11 =	vmul.f32 $1.442695020e+00, v11;
	_ =	sdelay $0x1  }
0x298: {  	(erf) = vpow2.f32 v11;
	_ =	sdelay $0x8  }
0x299: {  	v11 =	vpop (erf)  }
0x29a: {  	[tilespmem:v10+s30+$0x0] =	vst.idx.add.f32.msk vm4, v11;
	v11 =	vnsel vm4, $0x0, v11  }
0x29b: {  	[tilespmem:$0x2C40] =	vst v11;
	v11 =	vld [tilespmem:$0x2AC0]  }
0x29c: {  	v12 =	vld.idx.msk [tilespmem:v10+s18+$0x0], $0xffff;
	_ =	sdelay $0x4  }
0x29d: {  	v11 =	vadd.f32 v12, v11;
	_ =	sdelay $0x1  }
0x29e: {  	v12 =	vmul.f32 $2.000000030e-01, v11  }
0x29f: {  	vm9 =	vge.f32 v11, $0.0e+00  }
0x2a0: {  	v11 =	vsel vm9, v11, v12  }
0x2a1: {  	v11 =	vmul.f32 $1.442695020e+00, v11;
	_ =	sdelay $0x1  }
0x2a2: {  	(erf) = vpow2.f32 v11;
	_ =	sdelay $0x8  }
0x2a3: {  	v11 =	vpop (erf)  }
0x2a4: {  	[tilespmem:v10+s31+$0x0] =	vst.idx.add.f32.msk vm4, v11;
	v11 =	vnsel vm4, $0x0, v11  }
0x2a5: {  	[tilespmem:$0x2CC0] =	vst v11;
	v11 =	vld [tilespmem:$0x2B40]  }
0x2a6: {  	v12 =	vld.idx.msk [tilespmem:v10+s19+$0x0], $0xffff;
	_ =	sdelay $0x4  }
0x2a7: {  	v11 =	vadd.f32 v12, v11;
	_ =	sdelay $0x1  }
0x2a8: {  	v12 =	vmul.f32 $2.000000030e-01, v11  }
0x2a9: {  	vm10 =	vge.f32 v11, $0.0e+00  }
0x2aa: {  	v11 =	vsel vm10, v11, v12  }
0x2ab: {  	v11 =	vmul.f32 $1.442695020e+00, v11;
	_ =	sdelay $0x1  }
0x2ac: {  	(erf) = vpow2.f32 v11;
	_ =	sdelay $0x8  }
0x2ad: {  	v11 =	vpop (erf)  }
0x2ae: {  	[tilespmem:v10+s0+$0x0] =	vst.idx.add.f32.msk vm4, v11;
	v11 =	vnsel vm4, $0x0, v11  }
0x2af: {  	[tilespmem:$0x2D40] =	vst v11;
	v11 =	vld [tilespmem:$0x2BC0]  }
0x2b0: {  	v12 =	vld.idx.msk [tilespmem:v10+s20+$0x0], $0xffff;
	_ =	sdelay $0x4  }
0x2b1: {  	v11 =	vadd.f32 v12, v11;
	_ =	sdelay $0x1  }
0x2b2: {  	v12 =	vmul.f32 $2.000000030e-01, v11  }
0x2b3: {  	vm11 =	vge.f32 v11, $0.0e+00  }
0x2b4: {  	v11 =	vsel vm11, v11, v12  }
0x2b5: {  	v11 =	vmul.f32 $1.442695020e+00, v11;
	_ =	sdelay $0x1  }
0x2b6: {  	(erf) = vpow2.f32 v11;
	_ =	sdelay $0x8  }
0x2b7: {  	v11 =	vpop (erf)  }
0x2b8: {  	[tilespmem:v10+s1+$0x0] =	vst.idx.add.f32.msk vm4, v11  }
0x2b9: {  	v10 =	vld [tilespmem:$0x29D0];
	_ =	sdelay $0x5  }
0x2ba: {  	v11 =	vnsel vm4, $0x0, v11  }
0x2bb: {  	[tilespmem:$0x2DC0] =	vst v11;
	v11 =	vld [tilespmem:$0x2A50]  }
0x2bc: {  	v12 =	vld.idx.msk [tilespmem:v10+s16+$0x0], $0xffff;
	_ =	sdelay $0x4  }
0x2bd: {  	v11 =	vadd.f32 v12, v11;
	_ =	sdelay $0x1  }
0x2be: {  	v12 =	vmul.f32 $2.000000030e-01, v11  }
0x2bf: {  	vm12 =	vge.f32 v11, $0.0e+00  }
0x2c0: {  	v11 =	vsel vm12, v11, v12  }
0x2c1: {  	v11 =	vmul.f32 $1.442695020e+00, v11;
	_ =	sdelay $0x1  }
0x2c2: {  	(erf) = vpow2.f32 v11;
	_ =	sdelay $0x8  }
0x2c3: {  	v11 =	vpop (erf)  }
0x2c4: {  	[tilespmem:v10+s30+$0x0] =	vst.idx.add.f32.msk vm3, v11;
	v11 =	vnsel vm3, $0x0, v11  }
0x2c5: {  	[tilespmem:$0x2C50] =	vst v11;
	v11 =	vld [tilespmem:$0x2AD0]  }
0x2c6: {  	v12 =	vld.idx.msk [tilespmem:v10+s18+$0x0], $0xffff;
	_ =	sdelay $0x4  }
0x2c7: {  	v11 =	vadd.f32 v12, v11;
	_ =	sdelay $0x1  }
0x2c8: {  	v12 =	vmul.f32 $2.000000030e-01, v11  }
0x2c9: {  	vm13 =	vge.f32 v11, $0.0e+00  }
0x2ca: {  	v11 =	vsel vm13, v11, v12  }
0x2cb: {  	v11 =	vmul.f32 $1.442695020e+00, v11;
	_ =	sdelay $0x1  }
0x2cc: {  	(erf) = vpow2.f32 v11;
	_ =	sdelay $0x8  }
0x2cd: {  	v11 =	vpop (erf)  }
0x2ce: {  	[tilespmem:v10+s31+$0x0] =	vst.idx.add.f32.msk vm3, v11;
	v11 =	vnsel vm3, $0x0, v11  }
0x2cf: {  	[tilespmem:$0x2CD0] =	vst v11;
	v11 =	vld [tilespmem:$0x2B50]  }
0x2d0: {  	v12 =	vld.idx.msk [tilespmem:v10+s19+$0x0], $0xffff;
	_ =	sdelay $0x4  }
0x2d1: {  	v11 =	vadd.f32 v12, v11;
	_ =	sdelay $0x1  }
0x2d2: {  	v12 =	vmul.f32 $2.000000030e-01, v11  }
0x2d3: {  	vm14 =	vge.f32 v11, $0.0e+00  }
0x2d4: {  	v11 =	vsel vm14, v11, v12  }
0x2d5: {  	v11 =	vmul.f32 $1.442695020e+00, v11;
	_ =	sdelay $0x1  }
0x2d6: {  	(erf) = vpow2.f32 v11;
	_ =	sdelay $0x8  }
0x2d7: {  	v11 =	vpop (erf)  }
0x2d8: {  	[tilespmem:v10+s0+$0x0] =	vst.idx.add.f32.msk vm3, v11;
	v11 =	vnsel vm3, $0x0, v11  }
0x2d9: {  	[tilespmem:$0x2D50] =	vst v11;
	v11 =	vld [tilespmem:$0x2BD0]  }
0x2da: {  	v12 =	vld.idx.msk [tilespmem:v10+s20+$0x0], $0xffff;
	_ =	sdelay $0x4  }
0x2db: {  	v11 =	vadd.f32 v12, v11;
	_ =	sdelay $0x1  }
0x2dc: {  	v12 =	vmul.f32 $2.000000030e-01, v11  }
0x2dd: {  	vm15 =	vge.f32 v11, $0.0e+00  }
0x2de: {  	v11 =	vsel vm15, v11, v12  }
0x2df: {  	v11 =	vmul.f32 $1.442695020e+00, v11;
	_ =	sdelay $0x1  }
0x2e0: {  	(erf) = vpow2.f32 v11;
	_ =	sdelay $0x8  }
0x2e1: {  	v11 =	vpop (erf)  }
0x2e2: {  	[tilespmem:v10+s1+$0x0] =	vst.idx.add.f32.msk vm3, v11  }
0x2e3: {  	v10 =	vld [tilespmem:$0x29E0];
	_ =	sdelay $0x5  }
0x2e4: {  	v11 =	vnsel vm3, $0x0, v11  }
0x2e5: {  	[tilespmem:$0x2DD0] =	vst v11;
	v11 =	vld [tilespmem:$0x2A60]  }
0x2e6: {  	v12 =	vld.idx.msk [tilespmem:v10+s16+$0x0], $0xffff;
	_ =	sdelay $0x4  }
0x2e7: {  	v11 =	vadd.f32 v12, v11;
	_ =	sdelay $0x1  }
0x2e8: {  	v12 =	vmul.f32 $2.000000030e-01, v11  }
0x2e9: {  	vm3 =	vge.f32 v11, $0.0e+00  }
0x2ea: {  	v11 =	vsel vm3, v11, v12  }
0x2eb: {  	v11 =	vmul.f32 $1.442695020e+00, v11;
	_ =	sdelay $0x1  }
0x2ec: {  	(erf) = vpow2.f32 v11;
	_ =	sdelay $0x8  }
0x2ed: {  	v11 =	vpop (erf)  }
0x2ee: {  	[tilespmem:v10+s30+$0x0] =	vst.idx.add.f32.msk vm2, v11;
	v11 =	vnsel vm2, $0x0, v11  }
0x2ef: {  	[tilespmem:$0x2C60] =	vst v11;
	v11 =	vld [tilespmem:$0x2AE0]  }
0x2f0: {  	v12 =	vld.idx.msk [tilespmem:v10+s18+$0x0], $0xffff;
	_ =	sdelay $0x4  }
0x2f1: {  	v11 =	vadd.f32 v12, v11;
	_ =	sdelay $0x1  }
0x2f2: {  	v12 =	vmul.f32 $2.000000030e-01, v11  }
0x2f3: {  	vm3 =	vge.f32 v11, $0.0e+00  }
0x2f4: {  	v11 =	vsel vm3, v11, v12  }
0x2f5: {  	v11 =	vmul.f32 $1.442695020e+00, v11;
	_ =	sdelay $0x1  }
0x2f6: {  	(erf) = vpow2.f32 v11;
	_ =	sdelay $0x8  }
0x2f7: {  	v11 =	vpop (erf)  }
0x2f8: {  	[tilespmem:v10+s31+$0x0] =	vst.idx.add.f32.msk vm2, v11;
	v11 =	vnsel vm2, $0x0, v11  }
0x2f9: {  	[tilespmem:$0x2CE0] =	vst v11;
	v11 =	vld [tilespmem:$0x2B60]  }
0x2fa: {  	v12 =	vld.idx.msk [tilespmem:v10+s19+$0x0], $0xffff;
	_ =	sdelay $0x4  }
0x2fb: {  	v11 =	vadd.f32 v12, v11;
	_ =	sdelay $0x1  }
0x2fc: {  	v12 =	vmul.f32 $2.000000030e-01, v11  }
0x2fd: {  	vm3 =	vge.f32 v11, $0.0e+00  }
0x2fe: {  	v11 =	vsel vm3, v11, v12  }
0x2ff: {  	v11 =	vmul.f32 $1.442695020e+00, v11;
	_ =	sdelay $0x1  }
0x300: {  	(erf) = vpow2.f32 v11;
	_ =	sdelay $0x8  }
0x301: {  	v11 =	vpop (erf)  }
0x302: {  	[tilespmem:v10+s0+$0x0] =	vst.idx.add.f32.msk vm2, v11;
	v11 =	vnsel vm2, $0x0, v11  }
0x303: {  	[tilespmem:$0x2D60] =	vst v11;
	v11 =	vld [tilespmem:$0x2BE0]  }
0x304: {  	v12 =	vld.idx.msk [tilespmem:v10+s20+$0x0], $0xffff;
	_ =	sdelay $0x4  }
0x305: {  	v11 =	vadd.f32 v12, v11;
	_ =	sdelay $0x1  }
0x306: {  	v12 =	vmul.f32 $2.000000030e-01, v11  }
0x307: {  	vm3 =	vge.f32 v11, $0.0e+00  }
0x308: {  	v11 =	vsel vm3, v11, v12  }
0x309: {  	v11 =	vmul.f32 $1.442695020e+00, v11;
	_ =	sdelay $0x1  }
0x30a: {  	(erf) = vpow2.f32 v11;
	_ =	sdelay $0x8  }
0x30b: {  	v11 =	vpop (erf)  }
0x30c: {  	[tilespmem:v10+s1+$0x0] =	vst.idx.add.f32.msk vm2, v11  }
0x30d: {  	v10 =	vld [tilespmem:$0x29F0];
	_ =	sdelay $0x5  }
0x30e: {  	v11 =	vnsel vm2, $0x0, v11  }
0x30f: {  	[tilespmem:$0x2DE0] =	vst v11;
	v11 =	vld [tilespmem:$0x2A70]  }
0x310: {  	v12 =	vld.idx.msk [tilespmem:v10+s16+$0x0], $0xffff;
	_ =	sdelay $0x4  }
0x311: {  	v11 =	vadd.f32 v12, v11;
	_ =	sdelay $0x1  }
0x312: {  	v12 =	vmul.f32 $2.000000030e-01, v11  }
0x313: {  	vm2 =	vge.f32 v11, $0.0e+00  }
0x314: {  	v11 =	vsel vm2, v11, v12  }
0x315: {  	v11 =	vmul.f32 $1.442695020e+00, v11;
	_ =	sdelay $0x1  }
0x316: {  	(erf) = vpow2.f32 v11;
	_ =	sdelay $0x8  }
0x317: {  	v11 =	vpop (erf)  }
0x318: {  	[tilespmem:v10+s30+$0x0] =	vst.idx.add.f32.msk vm1, v11;
	v11 =	vnsel vm1, $0x0, v11  }
0x319: {  	[tilespmem:$0x2C70] =	vst v11;
	v11 =	vld [tilespmem:$0x2AF0]  }
0x31a: {  	v12 =	vld.idx.msk [tilespmem:v10+s18+$0x0], $0xffff;
	_ =	sdelay $0x4  }
0x31b: {  	v11 =	vadd.f32 v12, v11;
	_ =	sdelay $0x1  }
0x31c: {  	v12 =	vmul.f32 $2.000000030e-01, v11  }
0x31d: {  	vm2 =	vge.f32 v11, $0.0e+00  }
0x31e: {  	v11 =	vsel vm2, v11, v12  }
0x31f: {  	v11 =	vmul.f32 $1.442695020e+00, v11;
	_ =	sdelay $0x1  }
0x320: {  	(erf) = vpow2.f32 v11;
	_ =	sdelay $0x8  }
0x321: {  	v11 =	vpop (erf)  }
0x322: {  	[tilespmem:v10+s31+$0x0] =	vst.idx.add.f32.msk vm1, v11;
	v11 =	vnsel vm1, $0x0, v11  }
0x323: {  	[tilespmem:$0x2CF0] =	vst v11;
	v11 =	vld [tilespmem:$0x2B70]  }
0x324: {  	v12 =	vld.idx.msk [tilespmem:v10+s19+$0x0], $0xffff;
	_ =	sdelay $0x4  }
0x325: {  	v11 =	vadd.f32 v12, v11;
	_ =	sdelay $0x1  }
0x326: {  	v12 =	vmul.f32 $2.000000030e-01, v11  }
0x327: {  	vm2 =	vge.f32 v11, $0.0e+00  }
0x328: {  	v11 =	vsel vm2, v11, v12  }
0x329: {  	v11 =	vmul.f32 $1.442695020e+00, v11;
	_ =	sdelay $0x1  }
0x32a: {  	(erf) = vpow2.f32 v11;
	_ =	sdelay $0x8  }
0x32b: {  	v11 =	vpop (erf)  }
0x32c: {  	[tilespmem:v10+s0+$0x0] =	vst.idx.add.f32.msk vm1, v11;
	v11 =	vnsel vm1, $0x0, v11  }
0x32d: {  	[tilespmem:$0x2D70] =	vst v11;
	v11 =	vld [tilespmem:$0x2BF0]  }
0x32e: {  	v12 =	vld.idx.msk [tilespmem:v10+s20+$0x0], $0xffff;
	_ =	sdelay $0x4  }
0x32f: {  	v11 =	vadd.f32 v12, v11;
	_ =	sdelay $0x1  }
0x330: {  	v12 =	vmul.f32 $2.000000030e-01, v11  }
0x331: {  	vm2 =	vge.f32 v11, $0.0e+00  }
0x332: {  	v11 =	vsel vm2, v11, v12  }
0x333: {  	v11 =	vmul.f32 $1.442695020e+00, v11;
	_ =	sdelay $0x1  }
0x334: {  	(erf) = vpow2.f32 v11;
	_ =	sdelay $0x8  }
0x335: {  	v11 =	vpop (erf)  }
0x336: {  	[tilespmem:v10+s1+$0x0] =	vst.idx.add.f32.msk vm1, v11;
	v10 =	vnsel vm1, $0x0, v11  }
0x337: {  	s24 =	sand.u32 $0x70, s14;
	[tilespmem:$0x2DF0] =	vst v10  }
0x338: {  	v10 =	vld [tilespmem:s24+$0x2980];
	_ =	sdelay $0x2  }
0x339: {  	s26 =	sand.u32 $0xF, s14  }
0x33a: {  	v22 =	vmov s26  }
0x33b: {  	v10 =	vperm.xlane v10, v22  }
0x33c: {  	s28 =	sand.u32 $0x7800, s14;
	s29 =	sand.u32 $0x380, s14;
	v11 =	vld [tilespmem:s24+$0x2C00]  }
0x33d: {  	s2 =	sor.u32 s29, s28;
	v12 =	vshll.u32 v10, $0x8;
	v10 =	vshll.u32 v10, $0x7  }
0x33e: {  	v13 =	vld [tilespmem:s2+$0x3A00];
	v12 =	vand.u32 $0xFFFFF800, v12;
	v10 =	vand.u32 $0x380, v10  }
0x33f: {  	v25 =	vor.u32 v10, v12  }
0x340: {  	v10 =	vor.u32 v3, v25  }
0x341: {  	v14 =	vperm.xlane v11, v22;
	_ =	sdelay $0x1  }
0x342: {  	v11 =	vmul.f32 v13, v14;
	_ =	sdelay $0x1  }
0x343: {  	[tilespmem:v10+s10+$0x0] =	vst.idx.add.f32.msk $0xffff, v11  }
0x344: {  	v11 =	vld [tilespmem:s2+$0x3A10]  }
0x345: {  	v10 =	vor.u32 $0x10, v3  }
0x346: {  	v12 =	vor.u32 v10, v25;
	_ =	sdelay $0x2  }
0x347: {  	v11 =	vmul.f32 v11, v14;
	_ =	sdelay $0x1  }
0x348: {  	[tilespmem:v12+s10+$0x0] =	vst.idx.add.f32.msk $0xffff, v11  }
0x349: {  	v12 =	vld [tilespmem:s2+$0x3A20]  }
0x34a: {  	v11 =	vor.u32 $0x20, v3  }
0x34b: {  	v13 =	vor.u32 v11, v25;
	_ =	sdelay $0x2  }
0x34c: {  	v12 =	vmul.f32 v12, v14;
	_ =	sdelay $0x1  }
0x34d: {  	[tilespmem:v13+s10+$0x0] =	vst.idx.add.f32.msk $0xffff, v12  }
0x34e: {  	v13 =	vld [tilespmem:s2+$0x3A30]  }
0x34f: {  	v12 =	vor.u32 $0x30, v3  }
0x350: {  	v15 =	vor.u32 v12, v25;
	_ =	sdelay $0x2  }
0x351: {  	v13 =	vmul.f32 v13, v14;
	_ =	sdelay $0x1  }
0x352: {  	[tilespmem:v15+s10+$0x0] =	vst.idx.add.f32.msk $0xffff, v13  }
0x353: {  	v14 =	vld [tilespmem:s24+$0x2C80];
	_ =	sdelay $0x1  }
0x354: {  	v15 =	vld [tilespmem:s2+$0x3A40]  }
0x355: {  	v13 =	vor.u32 $0x40, v3  }
0x356: {  	v16 =	vor.u32 v13, v25  }
0x357: {  	v17 =	vperm.xlane v14, v22;
	_ =	sdelay $0x1  }
0x358: {  	v14 =	vmul.f32 v15, v17;
	_ =	sdelay $0x1  }
0x359: {  	[tilespmem:v16+s10+$0x0] =	vst.idx.add.f32.msk $0xffff, v14  }
0x35a: {  	v15 =	vld [tilespmem:s2+$0x3A50]  }
0x35b: {  	v14 =	vor.u32 $0x50, v3  }
0x35c: {  	v16 =	vor.u32 v14, v25;
	_ =	sdelay $0x2  }
0x35d: {  	v15 =	vmul.f32 v15, v17;
	_ =	sdelay $0x1  }
0x35e: {  	[tilespmem:v16+s10+$0x0] =	vst.idx.add.f32.msk $0xffff, v15  }
0x35f: {  	v16 =	vld [tilespmem:s2+$0x3A60]  }
0x360: {  	v15 =	vor.u32 $0x60, v3  }
0x361: {  	v18 =	vor.u32 v15, v25;
	_ =	sdelay $0x2  }
0x362: {  	v16 =	vmul.f32 v16, v17;
	_ =	sdelay $0x1  }
0x363: {  	[tilespmem:v18+s10+$0x0] =	vst.idx.add.f32.msk $0xffff, v16  }
0x364: {  	v18 =	vld [tilespmem:s2+$0x3A70]  }
0x365: {  	v16 =	vor.u32 $0x70, v3  }
0x366: {  	v19 =	vor.u32 v16, v25;
	_ =	sdelay $0x2  }
0x367: {  	v17 =	vmul.f32 v18, v17;
	_ =	sdelay $0x1  }
0x368: {  	[tilespmem:v19+s10+$0x0] =	vst.idx.add.f32.msk $0xffff, v17  }
0x369: {  	v18 =	vld [tilespmem:s24+$0x2D00];
	_ =	sdelay $0x1  }
0x36a: {  	v19 =	vld [tilespmem:s2+$0x3E00]  }
0x36b: {  	v17 =	vor.u32 $0x400, v3  }
0x36c: {  	v20 =	vor.u32 v17, v25  }
0x36d: {  	v21 =	vperm.xlane v18, v22;
	_ =	sdelay $0x1  }
0x36e: {  	v18 =	vmul.f32 v19, v21;
	_ =	sdelay $0x1  }
0x36f: {  	[tilespmem:v20+s10+$0x0] =	vst.idx.add.f32.msk $0xffff, v18  }
0x370: {  	v19 =	vld [tilespmem:s2+$0x3E10]  }
0x371: {  	v18 =	vor.u32 $0x410, v3  }
0x372: {  	v20 =	vor.u32 v18, v25;
	_ =	sdelay $0x2  }
0x373: {  	v19 =	vmul.f32 v19, v21;
	_ =	sdelay $0x1  }
0x374: {  	[tilespmem:v20+s10+$0x0] =	vst.idx.add.f32.msk $0xffff, v19  }
0x375: {  	v20 =	vld [tilespmem:s2+$0x3E20]  }
0x376: {  	v19 =	vor.u32 $0x420, v3  }
0x377: {  	v23 =	vor.u32 v19, v25;
	_ =	sdelay $0x2  }
0x378: {  	v20 =	vmul.f32 v20, v21;
	_ =	sdelay $0x1  }
0x379: {  	[tilespmem:v23+s10+$0x0] =	vst.idx.add.f32.msk $0xffff, v20  }
0x37a: {  	v23 =	vld [tilespmem:s2+$0x3E30]  }
0x37b: {  	v20 =	vor.u32 $0x430, v3  }
0x37c: {  	v24 =	vor.u32 v20, v25;
	_ =	sdelay $0x2  }
0x37d: {  	v21 =	vmul.f32 v23, v21;
	_ =	sdelay $0x1  }
0x37e: {  	[tilespmem:v24+s10+$0x0] =	vst.idx.add.f32.msk $0xffff, v21  }
0x37f: {  	v23 =	vld [tilespmem:s24+$0x2D80];
	_ =	sdelay $0x1  }
0x380: {  	v24 =	vld [tilespmem:s2+$0x3E40]  }
0x381: {  	v21 =	vor.u32 $0x440, v3  }
0x382: {  	v26 =	vor.u32 v21, v25  }
0x383: {  	v27 =	vperm.xlane v23, v22;
	_ =	sdelay $0x1  }
0x384: {  	v22 =	vmul.f32 v24, v27;
	_ =	sdelay $0x1  }
0x385: {  	[tilespmem:v26+s10+$0x0] =	vst.idx.add.f32.msk $0xffff, v22  }
0x386: {  	v23 =	vld [tilespmem:s2+$0x3E50]  }
0x387: {  	v22 =	vor.u32 $0x450, v3  }
0x388: {  	v24 =	vor.u32 v22, v25;
	_ =	sdelay $0x2  }
0x389: {  	v23 =	vmul.f32 v23, v27;
	_ =	sdelay $0x1  }
0x38a: {  	[tilespmem:v24+s10+$0x0] =	vst.idx.add.f32.msk $0xffff, v23  }
0x38b: {  	v24 =	vld [tilespmem:s2+$0x3E60]  }
0x38c: {  	v23 =	vor.u32 $0x460, v3  }
0x38d: {  	v26 =	vor.u32 v23, v25;
	_ =	sdelay $0x2  }
0x38e: {  	v24 =	vmul.f32 v24, v27;
	_ =	sdelay $0x1  }
0x38f: {  	[tilespmem:v26+s10+$0x0] =	vst.idx.add.f32.msk $0xffff, v24  }
0x390: {  	v26 =	vld [tilespmem:s2+$0x3E70]  }
0x391: {  	v24 =	vor.u32 $0x470, v3  }
0x392: {  	v25 =	vor.u32 v24, v25;
	_ =	sdelay $0x1  }
0x393: {  	s26 =	simm.s32 $0x2  }
0x394: {  	s3 =	simm.s32 $0x100;
	s17 =	simm.s32 $0x0;
	s2 =	simm.s32 $0x1;
	v26 =	vmul.f32 v26, v27  }
.LBB2_9:
0x395: {  	s28 =	sand.u32 $0x70, s2  }
0x396: {  	[tilespmem:v25+s10+$0x0] =	vst.idx.add.f32.msk $0xffff, v26;
	s17 =	sadd.s32 $0x80, s17;
	s29 =	smov.u32 s26;
	s24 =	sadd.s32 $0x1, s26  }
0x397: {  	p0 =	sne.s32 s26, $0x7F;
	v25 =	vld [tilespmem:s28+$0x2980];
	_ =	sdelay $0x2  }
0x398: {  	s26 =	sand.u32 $0xF, s2;
	s2 =	smov.u32 s29  }
0x399: {  	v26 =	vmov s26  }
0x39a: {  	v25 =	vperm.xlane v25, v26  }
0x39b: {  	s26 =	sand.u32 $0x7800, s3;
	s29 =	sand.u32 $0x380, s17;
	v27 =	vld [tilespmem:s28+$0x2C00]  }
0x39c: {  	s26 =	sor.u32 s29, s26;
	v28 =	vshll.u32 v25, $0x8;
	v25 =	vshll.u32 v25, $0x7  }
0x39d: {  	v29 =	vld [tilespmem:s26+$0x3A00];
	v28 =	vand.u32 $0xFFFFF800, v28;
	v25 =	vand.u32 $0x380, v25  }
0x39e: {  	v25 =	vor.u32 v25, v28  }
0x39f: {  	v28 =	vor.u32 v3, v25  }
0x3a0: {  	v27 =	vperm.xlane v27, v26;
	_ =	sdelay $0x1  }
0x3a1: {  	v29 =	vmul.f32 v29, v27;
	_ =	sdelay $0x1  }
0x3a2: {  	[tilespmem:v28+s10+$0x0] =	vst.idx.add.f32.msk $0xffff, v29  }
0x3a3: {  	v28 =	vld [tilespmem:s26+$0x3A10];
	_ =	sdelay $0x1  }
0x3a4: {  	v29 =	vor.u32 v10, v25;
	_ =	sdelay $0x2  }
0x3a5: {  	v28 =	vmul.f32 v28, v27;
	_ =	sdelay $0x1  }
0x3a6: {  	[tilespmem:v29+s10+$0x0] =	vst.idx.add.f32.msk $0xffff, v28  }
0x3a7: {  	v28 =	vld [tilespmem:s26+$0x3A20];
	_ =	sdelay $0x1  }
0x3a8: {  	v29 =	vor.u32 v11, v25;
	_ =	sdelay $0x2  }
0x3a9: {  	v28 =	vmul.f32 v28, v27;
	_ =	sdelay $0x1  }
0x3aa: {  	[tilespmem:v29+s10+$0x0] =	vst.idx.add.f32.msk $0xffff, v28  }
0x3ab: {  	v28 =	vld [tilespmem:s26+$0x3A30];
	_ =	sdelay $0x1  }
0x3ac: {  	v29 =	vor.u32 v12, v25;
	_ =	sdelay $0x2  }
0x3ad: {  	v27 =	vmul.f32 v28, v27;
	_ =	sdelay $0x1  }
0x3ae: {  	[tilespmem:v29+s10+$0x0] =	vst.idx.add.f32.msk $0xffff, v27  }
0x3af: {  	v27 =	vld [tilespmem:s28+$0x2C80];
	_ =	sdelay $0x1  }
0x3b0: {  	v28 =	vld [tilespmem:s26+$0x3A40];
	_ =	sdelay $0x1  }
0x3b1: {  	v29 =	vor.u32 v13, v25  }
0x3b2: {  	v27 =	vperm.xlane v27, v26;
	_ =	sdelay $0x1  }
0x3b3: {  	v28 =	vmul.f32 v28, v27;
	_ =	sdelay $0x1  }
0x3b4: {  	[tilespmem:v29+s10+$0x0] =	vst.idx.add.f32.msk $0xffff, v28  }
0x3b5: {  	v28 =	vld [tilespmem:s26+$0x3A50];
	_ =	sdelay $0x1  }
0x3b6: {  	v29 =	vor.u32 v14, v25;
	_ =	sdelay $0x2  }
0x3b7: {  	v28 =	vmul.f32 v28, v27;
	_ =	sdelay $0x1  }
0x3b8: {  	[tilespmem:v29+s10+$0x0] =	vst.idx.add.f32.msk $0xffff, v28  }
0x3b9: {  	v28 =	vld [tilespmem:s26+$0x3A60];
	_ =	sdelay $0x1  }
0x3ba: {  	v29 =	vor.u32 v15, v25;
	_ =	sdelay $0x2  }
0x3bb: {  	v28 =	vmul.f32 v28, v27;
	_ =	sdelay $0x1  }
0x3bc: {  	[tilespmem:v29+s10+$0x0] =	vst.idx.add.f32.msk $0xffff, v28  }
0x3bd: {  	v28 =	vld [tilespmem:s26+$0x3A70];
	_ =	sdelay $0x1  }
0x3be: {  	v29 =	vor.u32 v16, v25;
	_ =	sdelay $0x2  }
0x3bf: {  	v27 =	vmul.f32 v28, v27;
	_ =	sdelay $0x1  }
0x3c0: {  	[tilespmem:v29+s10+$0x0] =	vst.idx.add.f32.msk $0xffff, v27  }
0x3c1: {  	v27 =	vld [tilespmem:s28+$0x2D00];
	_ =	sdelay $0x1  }
0x3c2: {  	v28 =	vld [tilespmem:s26+$0x3E00];
	_ =	sdelay $0x1  }
0x3c3: {  	v29 =	vor.u32 v17, v25  }
0x3c4: {  	v27 =	vperm.xlane v27, v26;
	_ =	sdelay $0x1  }
0x3c5: {  	v28 =	vmul.f32 v28, v27;
	_ =	sdelay $0x1  }
0x3c6: {  	[tilespmem:v29+s10+$0x0] =	vst.idx.add.f32.msk $0xffff, v28  }
0x3c7: {  	v28 =	vld [tilespmem:s26+$0x3E10];
	_ =	sdelay $0x1  }
0x3c8: {  	v29 =	vor.u32 v18, v25;
	_ =	sdelay $0x2  }
0x3c9: {  	v28 =	vmul.f32 v28, v27;
	_ =	sdelay $0x1  }
0x3ca: {  	[tilespmem:v29+s10+$0x0] =	vst.idx.add.f32.msk $0xffff, v28  }
0x3cb: {  	v28 =	vld [tilespmem:s26+$0x3E20];
	_ =	sdelay $0x1  }
0x3cc: {  	v29 =	vor.u32 v19, v25;
	_ =	sdelay $0x2  }
0x3cd: {  	v28 =	vmul.f32 v28, v27;
	_ =	sdelay $0x1  }
0x3ce: {  	[tilespmem:v29+s10+$0x0] =	vst.idx.add.f32.msk $0xffff, v28  }
0x3cf: {  	v28 =	vld [tilespmem:s26+$0x3E30];
	_ =	sdelay $0x1  }
0x3d0: {  	v29 =	vor.u32 v20, v25;
	_ =	sdelay $0x2  }
0x3d1: {  	v27 =	vmul.f32 v28, v27;
	_ =	sdelay $0x1  }
0x3d2: {  	[tilespmem:v29+s10+$0x0] =	vst.idx.add.f32.msk $0xffff, v27  }
0x3d3: {  	v27 =	vld [tilespmem:s28+$0x2D80]  }
0x3d4: {  	v28 =	vld [tilespmem:s26+$0x3E40];
	_ =	sdelay $0x2  }
0x3d5: {  	v29 =	vor.u32 v21, v25  }
0x3d6: {  	v26 =	vperm.xlane v27, v26;
	_ =	sdelay $0x1  }
0x3d7: {  	v27 =	vmul.f32 v28, v26;
	_ =	sdelay $0x1  }
0x3d8: {  	[tilespmem:v29+s10+$0x0] =	vst.idx.add.f32.msk $0xffff, v27  }
0x3d9: {  	v27 =	vld [tilespmem:s26+$0x3E50];
	_ =	sdelay $0x1  }
0x3da: {  	v28 =	vor.u32 v22, v25;
	_ =	sdelay $0x2  }
0x3db: {  	v27 =	vmul.f32 v27, v26;
	_ =	sdelay $0x1  }
0x3dc: {  	[tilespmem:v28+s10+$0x0] =	vst.idx.add.f32.msk $0xffff, v27  }
0x3dd: {  	v27 =	vld [tilespmem:s26+$0x3E60];
	_ =	sdelay $0x1  }
0x3de: {  	v28 =	vor.u32 v23, v25;
	_ =	sdelay $0x2  }
0x3df: {  	v27 =	vmul.f32 v27, v26;
	_ =	sdelay $0x1  }
0x3e0: {  	[tilespmem:v28+s10+$0x0] =	vst.idx.add.f32.msk $0xffff, v27  }
0x3e1: {  	v27 =	vld [tilespmem:s26+$0x3E70];
	_ =	sdelay $0x1  }
.Ltmp5:
0x3e2: {  	v25 =	vor.u32 v24, v25;
	(pc) =	sbr.rel @p0 .LBB2_9-.Ltmp5, $3  }
0x3e3: {  	_ =	sdelay $0x1  }
0x3e4: {  	v26 =	vmul.f32 v27, v26  }
0x3e5: {  	s3 =	sadd.s32 $0x100, s3;
	s26 =	smov.u32 s24  }
0x3e6: {  	_ =	sdelay $0x3  }
0x3e7: {  	s24 =	sand.u32 $0x70, s2;
	[tilespmem:v25+s10+$0x0] =	vst.idx.add.f32.msk $0xffff, v26  }
0x3e8: {  	v25 =	vld [tilespmem:s24+$0x2980];
	_ =	sdelay $0x2  }
0x3e9: {  	s28 =	sand.u32 $0xF, s2  }
0x3ea: {  	v51 =	vmov s28  }
0x3eb: {  	s29 =	sadd.s32 $0x80, s17;
	v25 =	vperm.xlane v25, v51  }
0x3ec: {  	s3 =	sand.u32 $0x7800, s3;
	v27 =	vld [tilespmem:s24+$0x2C00];
	s2 =	sand.u32 $0x380, s29  }
0x3ed: {  	s2 =	sor.u32 s2, s3;
	v28 =	vshll.u32 v25, $0x8;
	v25 =	vshll.u32 v25, $0x7  }
0x3ee: {  	v29 =	vld [tilespmem:s2+$0x3A00];
	v28 =	vand.u32 $0xFFFFF800, v28;
	v25 =	vand.u32 $0x380, v25  }
0x3ef: {  	v25 =	vor.u32 v25, v28  }
0x3f0: {  	v28 =	vor.u32 v3, v25  }
0x3f1: {  	v27 =	vperm.xlane v27, v51;
	_ =	sdelay $0x1  }
0x3f2: {  	v29 =	vmul.f32 v29, v27;
	_ =	sdelay $0x1  }
0x3f3: {  	[tilespmem:v28+s10+$0x0] =	vst.idx.add.f32.msk $0xffff, v29  }
0x3f4: {  	v28 =	vld [tilespmem:s2+$0x3A10];
	_ =	sdelay $0x1  }
0x3f5: {  	v10 =	vor.u32 v10, v25;
	_ =	sdelay $0x2  }
0x3f6: {  	v28 =	vmul.f32 v28, v27;
	_ =	sdelay $0x1  }
0x3f7: {  	[tilespmem:v10+s10+$0x0] =	vst.idx.add.f32.msk $0xffff, v28  }
0x3f8: {  	v10 =	vld [tilespmem:s2+$0x3A20];
	_ =	sdelay $0x1  }
0x3f9: {  	v11 =	vor.u32 v11, v25;
	_ =	sdelay $0x2  }
0x3fa: {  	v10 =	vmul.f32 v10, v27;
	_ =	sdelay $0x1  }
0x3fb: {  	[tilespmem:v11+s10+$0x0] =	vst.idx.add.f32.msk $0xffff, v10  }
0x3fc: {  	v10 =	vld [tilespmem:s2+$0x3A30];
	_ =	sdelay $0x1  }
0x3fd: {  	v11 =	vor.u32 v12, v25;
	_ =	sdelay $0x2  }
0x3fe: {  	v10 =	vmul.f32 v10, v27;
	_ =	sdelay $0x1  }
0x3ff: {  	[tilespmem:v11+s10+$0x0] =	vst.idx.add.f32.msk $0xffff, v10  }
0x400: {  	v10 =	vld [tilespmem:s24+$0x2C80];
	_ =	sdelay $0x1  }
0x401: {  	v11 =	vld [tilespmem:s2+$0x3A40];
	_ =	sdelay $0x1  }
0x402: {  	v52 =	vor.u32 v13, v25  }
0x403: {  	v10 =	vperm.xlane v10, v51;
	_ =	sdelay $0x1  }
0x404: {  	v11 =	vmul.f32 v11, v10;
	_ =	sdelay $0x1  }
0x405: {  	[tilespmem:v52+s10+$0x0] =	vst.idx.add.f32.msk $0xffff, v11  }
0x406: {  	v11 =	vld [tilespmem:s2+$0x3A50];
	_ =	sdelay $0x1  }
0x407: {  	v53 =	vor.u32 v14, v25;
	_ =	sdelay $0x2  }
0x408: {  	v11 =	vmul.f32 v11, v10;
	_ =	sdelay $0x1  }
0x409: {  	[tilespmem:v53+s10+$0x0] =	vst.idx.add.f32.msk $0xffff, v11  }
0x40a: {  	v11 =	vld [tilespmem:s2+$0x3A60];
	_ =	sdelay $0x1  }
0x40b: {  	v54 =	vor.u32 v15, v25;
	_ =	sdelay $0x2  }
0x40c: {  	v11 =	vmul.f32 v11, v10;
	_ =	sdelay $0x1  }
0x40d: {  	[tilespmem:v54+s10+$0x0] =	vst.idx.add.f32.msk $0xffff, v11  }
0x40e: {  	v11 =	vld [tilespmem:s2+$0x3A70];
	_ =	sdelay $0x1  }
0x40f: {  	v55 =	vor.u32 v16, v25;
	_ =	sdelay $0x2  }
0x410: {  	v10 =	vmul.f32 v11, v10;
	_ =	sdelay $0x1  }
0x411: {  	[tilespmem:v55+s10+$0x0] =	vst.idx.add.f32.msk $0xffff, v10  }
0x412: {  	v10 =	vld [tilespmem:s24+$0x2D00];
	_ =	sdelay $0x1  }
0x413: {  	v11 =	vld [tilespmem:s2+$0x3E00];
	_ =	sdelay $0x1  }
0x414: {  	v56 =	vor.u32 v17, v25  }
0x415: {  	v10 =	vperm.xlane v10, v51;
	_ =	sdelay $0x1  }
0x416: {  	v11 =	vmul.f32 v11, v10;
	_ =	sdelay $0x1  }
0x417: {  	[tilespmem:v56+s10+$0x0] =	vst.idx.add.f32.msk $0xffff, v11  }
0x418: {  	v11 =	vld [tilespmem:s2+$0x3E10];
	_ =	sdelay $0x1  }
0x419: {  	v57 =	vor.u32 v18, v25;
	_ =	sdelay $0x2  }
0x41a: {  	v11 =	vmul.f32 v11, v10;
	_ =	sdelay $0x1  }
0x41b: {  	[tilespmem:v57+s10+$0x0] =	vst.idx.add.f32.msk $0xffff, v11  }
0x41c: {  	v11 =	vld [tilespmem:s2+$0x3E20];
	_ =	sdelay $0x1  }
0x41d: {  	v58 =	vor.u32 v19, v25;
	_ =	sdelay $0x2  }
0x41e: {  	v11 =	vmul.f32 v11, v10;
	_ =	sdelay $0x1  }
0x41f: {  	[tilespmem:v58+s10+$0x0] =	vst.idx.add.f32.msk $0xffff, v11  }
0x420: {  	v11 =	vld [tilespmem:s2+$0x3E30];
	_ =	sdelay $0x1  }
0x421: {  	v59 =	vor.u32 v20, v25;
	_ =	sdelay $0x2  }
0x422: {  	v10 =	vmul.f32 v11, v10;
	_ =	sdelay $0x1  }
0x423: {  	[tilespmem:v59+s10+$0x0] =	vst.idx.add.f32.msk $0xffff, v10  }
0x424: {  	v10 =	vld [tilespmem:s24+$0x2D80];
	_ =	sdelay $0x1  }
0x425: {  	v11 =	vld [tilespmem:s2+$0x3E40];
	_ =	sdelay $0x1  }
0x426: {  	v60 =	vor.u32 v21, v25  }
0x427: {  	v10 =	vperm.xlane v10, v51;
	_ =	sdelay $0x1  }
0x428: {  	v11 =	vmul.f32 v11, v10;
	_ =	sdelay $0x1  }
0x429: {  	[tilespmem:v60+s10+$0x0] =	vst.idx.add.f32.msk $0xffff, v11  }
0x42a: {  	v11 =	vld [tilespmem:s2+$0x3E50];
	_ =	sdelay $0x1  }
0x42b: {  	v61 =	vor.u32 v22, v25;
	_ =	sdelay $0x2  }
0x42c: {  	v11 =	vmul.f32 v11, v10;
	_ =	sdelay $0x1  }
0x42d: {  	[tilespmem:v61+s10+$0x0] =	vst.idx.add.f32.msk $0xffff, v11  }
0x42e: {  	v11 =	vld [tilespmem:s2+$0x3E60];
	_ =	sdelay $0x1  }
0x42f: {  	v62 =	vor.u32 v23, v25;
	_ =	sdelay $0x2  }
0x430: {  	v11 =	vmul.f32 v11, v10;
	_ =	sdelay $0x1  }
0x431: {  	[tilespmem:v62+s10+$0x0] =	vst.idx.add.f32.msk $0xffff, v11  }
0x432: {  	v11 =	vld [tilespmem:s2+$0x3E70]  }
0x433: {  	s15 =	sadd.s32 $0x1, s15  }
0x434: {  	p0 =	sne.s32 s15, s13;
	v63 =	vor.u32 v24, v25  }
.Ltmp6:
0x435: {  	_ = 	snop;
	(pc) =	sbr.rel @p0 .LBB2_8-.Ltmp6, $4  }
.Ltmp7:
0x436: {  	_ = 	snop;
	(pc) =	sbr.rel @!p0 .LBB2_11-.Ltmp7, $4  }
0x437: {  	v10 =	vmul.f32 v11, v10  }
0x438: {  	_ = 	snop  }
0x439: {  	[tilespmem:v63+s10+$0x0] =	vst.idx.add.f32.msk $0xffff, v10  }
0x43a: {  	_ = 	snop  }
.LBB2_12:
0x43b: {  	v8 =	vld [tilespmem:$0x2E00]  }
0x43c: {  	v9 =	vld [tilespmem:$0x2E10]  }
0x43d: {  	v10 =	vld [tilespmem:$0x2E20]  }
0x43e: {  	v11 =	vld [tilespmem:$0x2E30]  }
0x43f: {  	v12 =	vld [tilespmem:$0x2E40]  }
0x440: {  	v13 =	vld [tilespmem:$0x2E50];
	v8 =	vadd.f32 $1.000000020e-16, v8  }
0x441: {  	v14 =	vld [tilespmem:$0x2E60];
	v9 =	vadd.f32 $1.000000020e-16, v9  }
0x442: {  	(erf) = vrcp.f32 v8;
	v8 =	vadd.f32 $1.000000020e-16, v10;
	v10 =	vld [tilespmem:$0x2E70]  }
0x443: {  	(erf) = vrcp.f32 v9;
	v9 =	vadd.f32 $1.000000020e-16, v11;
	v11 =	vld [tilespmem:$0x2E80]  }
0x444: {  	v46 =	vld [tilespmem:$0x2E90];
	(erf) = vrcp.f32 v8;
	v8 =	vadd.f32 $1.000000020e-16, v12  }
0x445: {  	v47 =	vld [tilespmem:$0x2EA0];
	(erf) = vrcp.f32 v9;
	v9 =	vadd.f32 $1.000000020e-16, v13  }
0x446: {  	v48 =	vld [tilespmem:$0x2EB0];
	(erf) = vrcp.f32 v8;
	v8 =	vadd.f32 $1.000000020e-16, v14  }
0x447: {  	(erf) = vrcp.f32 v9;
	v9 =	vadd.f32 $1.000000020e-16, v10;
	v10 =	vld [tilespmem:$0x2EC0]  }
0x448: {  	(erf) = vrcp.f32 v8;
	v8 =	vadd.f32 $1.000000020e-16, v11;
	v11 =	vld [tilespmem:$0x2ED0]  }
0x449: {  	v49 =	vld [tilespmem:$0x2EE0];
	(erf) = vrcp.f32 v9;
	v9 =	vadd.f32 $1.000000020e-16, v46  }
0x44a: {  	v50 =	vld [tilespmem:$0x2EF0];
	(erf) = vrcp.f32 v8;
	v8 =	vadd.f32 $1.000000020e-16, v47  }
0x44b: {  	v51 =	vld [tilespmem:$0x2F00];
	v15 =	vpop (erf);
	(erf) = vrcp.f32 v9;
	v9 =	vadd.f32 $1.000000020e-16, v48  }
0x44c: {  	v52 =	vpop (erf);
	(erf) = vrcp.f32 v8;
	v8 =	vadd.f32 $1.000000020e-16, v10;
	v10 =	vld [tilespmem:$0x2F10]  }
0x44d: {  	[tilespmem:$0x2E00] =	vst v15;
	v53 =	vpop (erf);
	(erf) = vrcp.f32 v9;
	v9 =	vadd.f32 $1.000000020e-16, v11;
	v11 =	vld [tilespmem:$0x2F20]  }
0x44e: {  	v55 =	vld [tilespmem:$0x2F30];
	[tilespmem:$0x2E10] =	vst v52;
	v54 =	vpop (erf);
	(erf) = vrcp.f32 v8;
	v8 =	vadd.f32 $1.000000020e-16, v49  }
0x44f: {  	v57 =	vld [tilespmem:$0x2F80];
	[tilespmem:$0x2E20] =	vst v53;
	v56 =	vpop (erf);
	(erf) = vrcp.f32 v9;
	v9 =	vadd.f32 $1.000000020e-16, v50  }
0x450: {  	v59 =	vld [tilespmem:$0x2F90];
	[tilespmem:$0x2E30] =	vst v54;
	v58 =	vpop (erf);
	(erf) = vrcp.f32 v8;
	v8 =	vadd.f32 $1.000000020e-16, v51  }
0x451: {  	[tilespmem:$0x2E40] =	vst v56;
	v60 =	vpop (erf);
	(erf) = vrcp.f32 v9;
	v9 =	vadd.f32 $1.000000020e-16, v10;
	v10 =	vld [tilespmem:$0x2FA0]  }
0x452: {  	[tilespmem:$0x2E50] =	vst v58;
	v61 =	vpop (erf);
	(erf) = vrcp.f32 v8;
	v8 =	vadd.f32 $1.000000020e-16, v11;
	v11 =	vld [tilespmem:$0x2FB0]  }
0x453: {  	v63 =	vld [tilespmem:$0x2FC0];
	[tilespmem:$0x2E60] =	vst v60;
	v62 =	vpop (erf);
	(erf) = vrcp.f32 v9;
	v9 =	vadd.f32 $1.000000020e-16, v55  }
0x454: {  	v19 =	vld [tilespmem:$0x2FD0];
	[tilespmem:$0x2E70] =	vst v61;
	v18 =	vpop (erf);
	(erf) = vrcp.f32 v8;
	v8 =	vadd.f32 $1.000000020e-16, v57  }
0x455: {  	v21 =	vld [tilespmem:$0x2FE0];
	[tilespmem:$0x2E80] =	vst v62;
	v20 =	vpop (erf);
	(erf) = vrcp.f32 v9;
	v9 =	vadd.f32 $1.000000020e-16, v59  }
0x456: {  	[tilespmem:$0x2E90] =	vst v18;
	v22 =	vpop (erf);
	(erf) = vrcp.f32 v8;
	v8 =	vadd.f32 $1.000000020e-16, v10;
	v10 =	vld [tilespmem:$0x2FF0]  }
0x457: {  	[tilespmem:$0x2EA0] =	vst v20;
	v23 =	vpop (erf);
	(erf) = vrcp.f32 v9;
	v9 =	vadd.f32 $1.000000020e-16, v11;
	v11 =	vld [tilespmem:$0x3000]  }
0x458: {  	v25 =	vld [tilespmem:$0x3010];
	[tilespmem:$0x2EB0] =	vst v22;
	v24 =	vpop (erf);
	(erf) = vrcp.f32 v8;
	v8 =	vadd.f32 $1.000000020e-16, v63  }
0x459: {  	v27 =	vld [tilespmem:$0x3020];
	[tilespmem:$0x2EC0] =	vst v23;
	v26 =	vpop (erf);
	(erf) = vrcp.f32 v9;
	v9 =	vadd.f32 $1.000000020e-16, v19  }
0x45a: {  	v29 =	vld [tilespmem:$0x3030];
	[tilespmem:$0x2ED0] =	vst v24;
	v28 =	vpop (erf);
	(erf) = vrcp.f32 v8;
	v8 =	vadd.f32 $1.000000020e-16, v21  }
0x45b: {  	[tilespmem:$0x2EE0] =	vst v26;
	v30 =	vpop (erf);
	(erf) = vrcp.f32 v9;
	v9 =	vadd.f32 $1.000000020e-16, v10;
	v10 =	vld [tilespmem:$0x3040]  }
0x45c: {  	[tilespmem:$0x2EF0] =	vst v28;
	v31 =	vpop (erf);
	(erf) = vrcp.f32 v8;
	v8 =	vadd.f32 $1.000000020e-16, v11;
	v11 =	vld [tilespmem:$0x3050]  }
0x45d: {  	v33 =	vld [tilespmem:$0x3060];
	[tilespmem:$0x2F00] =	vst v30;
	v32 =	vpop (erf);
	(erf) = vrcp.f32 v9;
	v9 =	vadd.f32 $1.000000020e-16, v25  }
0x45e: {  	v35 =	vld [tilespmem:$0x3070];
	[tilespmem:$0x2F10] =	vst v31;
	v34 =	vpop (erf);
	(erf) = vrcp.f32 v8;
	v8 =	vadd.f32 $1.000000020e-16, v27  }
0x45f: {  	v37 =	vld [tilespmem:$0x3080];
	[tilespmem:$0x2F20] =	vst v32;
	v36 =	vpop (erf);
	(erf) = vrcp.f32 v9;
	v9 =	vadd.f32 $1.000000020e-16, v29  }
0x460: {  	[tilespmem:$0x2F30] =	vst v34;
	v38 =	vpop (erf);
	(erf) = vrcp.f32 v8;
	v8 =	vadd.f32 $1.000000020e-16, v10;
	v10 =	vld [tilespmem:$0x3090]  }
0x461: {  	[tilespmem:$0x2F80] =	vst v36;
	v39 =	vpop (erf);
	(erf) = vrcp.f32 v9;
	v9 =	vadd.f32 $1.000000020e-16, v11;
	v11 =	vld [tilespmem:$0x30A0]  }
0x462: {  	v41 =	vld [tilespmem:$0x30B0];
	[tilespmem:$0x2F90] =	vst v38;
	v40 =	vpop (erf);
	(erf) = vrcp.f32 v8;
	v8 =	vadd.f32 $1.000000020e-16, v33  }
0x463: {  	v43 =	vld [tilespmem:$0x3100];
	[tilespmem:$0x2FA0] =	vst v39;
	v42 =	vpop (erf);
	(erf) = vrcp.f32 v9;
	v9 =	vadd.f32 $1.000000020e-16, v35  }
0x464: {  	v45 =	vld [tilespmem:$0x3110];
	[tilespmem:$0x2FB0] =	vst v40;
	v44 =	vpop (erf);
	(erf) = vrcp.f32 v8;
	v8 =	vadd.f32 $1.000000020e-16, v37  }
0x465: {  	[tilespmem:$0x2FC0] =	vst v42;
	v46 =	vpop (erf);
	(erf) = vrcp.f32 v9;
	v9 =	vadd.f32 $1.000000020e-16, v10;
	v10 =	vld [tilespmem:$0x3120]  }
0x466: {  	[tilespmem:$0x2FD0] =	vst v44;
	v47 =	vpop (erf);
	(erf) = vrcp.f32 v8;
	v8 =	vadd.f32 $1.000000020e-16, v11;
	v11 =	vld [tilespmem:$0x3130]  }
0x467: {  	v49 =	vld [tilespmem:$0x3140];
	[tilespmem:$0x2FE0] =	vst v46;
	v48 =	vpop (erf);
	(erf) = vrcp.f32 v9;
	v9 =	vadd.f32 $1.000000020e-16, v41  }
0x468: {  	v51 =	vld [tilespmem:$0x3150];
	[tilespmem:$0x2FF0] =	vst v47;
	v50 =	vpop (erf);
	(erf) = vrcp.f32 v8;
	v8 =	vadd.f32 $1.000000020e-16, v43  }
0x469: {  	v53 =	vld [tilespmem:$0x3160];
	[tilespmem:$0x3000] =	vst v48;
	v52 =	vpop (erf);
	(erf) = vrcp.f32 v9;
	v9 =	vadd.f32 $1.000000020e-16, v45  }
0x46a: {  	[tilespmem:$0x3010] =	vst v50;
	v54 =	vpop (erf);
	(erf) = vrcp.f32 v8;
	v8 =	vadd.f32 $1.000000020e-16, v10;
	v10 =	vld [tilespmem:$0x3170]  }
0x46b: {  	[tilespmem:$0x3020] =	vst v52;
	v55 =	vpop (erf);
	(erf) = vrcp.f32 v9;
	v9 =	vadd.f32 $1.000000020e-16, v11;
	v11 =	vld [tilespmem:$0x3180]  }
0x46c: {  	v57 =	vld [tilespmem:$0x3190];
	[tilespmem:$0x3030] =	vst v54;
	v56 =	vpop (erf);
	(erf) = vrcp.f32 v8;
	v8 =	vadd.f32 $1.000000020e-16, v49  }
0x46d: {  	v59 =	vld [tilespmem:$0x31A0];
	[tilespmem:$0x3040] =	vst v55;
	v58 =	vpop (erf);
	(erf) = vrcp.f32 v9;
	v9 =	vadd.f32 $1.000000020e-16, v51  }
0x46e: {  	v61 =	vld [tilespmem:$0x31B0];
	[tilespmem:$0x3050] =	vst v56;
	v60 =	vpop (erf);
	(erf) = vrcp.f32 v8;
	v8 =	vadd.f32 $1.000000020e-16, v53  }
0x46f: {  	[tilespmem:$0x3060] =	vst v58;
	v62 =	vpop (erf);
	(erf) = vrcp.f32 v9;
	v9 =	vadd.f32 $1.000000020e-16, v10;
	v10 =	vld [tilespmem:$0x31C0]  }
0x470: {  	[tilespmem:$0x3070] =	vst v60;
	v63 =	vpop (erf);
	(erf) = vrcp.f32 v8;
	v8 =	vadd.f32 $1.000000020e-16, v11;
	v11 =	vld [tilespmem:$0x31D0]  }
0x471: {  	v19 =	vld [tilespmem:$0x31E0];
	[tilespmem:$0x3080] =	vst v62;
	v18 =	vpop (erf);
	(erf) = vrcp.f32 v9;
	v9 =	vadd.f32 $1.000000020e-16, v57  }
0x472: {  	v21 =	vld [tilespmem:$0x31F0];
	[tilespmem:$0x3090] =	vst v63;
	v20 =	vpop (erf);
	(erf) = vrcp.f32 v8;
	v8 =	vadd.f32 $1.000000020e-16, v59  }
0x473: {  	v23 =	vld [tilespmem:$0x3200];
	[tilespmem:$0x30A0] =	vst v18;
	v22 =	vpop (erf);
	(erf) = vrcp.f32 v9;
	v9 =	vadd.f32 $1.000000020e-16, v61  }
0x474: {  	[tilespmem:$0x30B0] =	vst v20;
	v24 =	vpop (erf);
	(erf) = vrcp.f32 v8;
	v8 =	vadd.f32 $1.000000020e-16, v10;
	v10 =	vld [tilespmem:$0x3210]  }
0x475: {  	[tilespmem:$0x3100] =	vst v22;
	v25 =	vpop (erf);
	(erf) = vrcp.f32 v9;
	v9 =	vadd.f32 $1.000000020e-16, v11;
	v11 =	vld [tilespmem:$0x3220]  }
0x476: {  	v27 =	vld [tilespmem:$0x3230];
	[tilespmem:$0x3110] =	vst v24;
	v26 =	vpop (erf);
	(erf) = vrcp.f32 v8;
	v8 =	vadd.f32 $1.000000020e-16, v19  }
0x477: {  	v29 =	vld [tilespmem:$0x3280];
	[tilespmem:$0x3120] =	vst v25;
	v28 =	vpop (erf);
	(erf) = vrcp.f32 v9;
	v9 =	vadd.f32 $1.000000020e-16, v21  }
0x478: {  	v31 =	vld [tilespmem:$0x3290];
	[tilespmem:$0x3130] =	vst v26;
	v30 =	vpop (erf);
	(erf) = vrcp.f32 v8;
	v8 =	vadd.f32 $1.000000020e-16, v23  }
0x479: {  	[tilespmem:$0x3140] =	vst v28;
	v32 =	vpop (erf);
	(erf) = vrcp.f32 v9;
	v9 =	vadd.f32 $1.000000020e-16, v10;
	v10 =	vld [tilespmem:$0x32A0]  }
0x47a: {  	[tilespmem:$0x3150] =	vst v30;
	v33 =	vpop (erf);
	(erf) = vrcp.f32 v8;
	v8 =	vadd.f32 $1.000000020e-16, v11;
	v11 =	vld [tilespmem:$0x32B0]  }
0x47b: {  	v35 =	vld [tilespmem:$0x32C0];
	[tilespmem:$0x3160] =	vst v32;
	v34 =	vpop (erf);
	(erf) = vrcp.f32 v9;
	v9 =	vadd.f32 $1.000000020e-16, v27  }
0x47c: {  	v37 =	vld [tilespmem:$0x32D0];
	[tilespmem:$0x3170] =	vst v33;
	v36 =	vpop (erf);
	(erf) = vrcp.f32 v8;
	v8 =	vadd.f32 $1.000000020e-16, v29  }
0x47d: {  	v39 =	vld [tilespmem:$0x32E0];
	[tilespmem:$0x3180] =	vst v34;
	v38 =	vpop (erf);
	(erf) = vrcp.f32 v9;
	v9 =	vadd.f32 $1.000000020e-16, v31  }
0x47e: {  	[tilespmem:$0x3190] =	vst v36;
	v40 =	vpop (erf);
	(erf) = vrcp.f32 v8;
	v8 =	vadd.f32 $1.000000020e-16, v10;
	v10 =	vld [tilespmem:$0x32F0]  }
0x47f: {  	[tilespmem:$0x31A0] =	vst v38;
	v41 =	vpop (erf);
	(erf) = vrcp.f32 v9;
	v9 =	vadd.f32 $1.000000020e-16, v11;
	v11 =	vld [tilespmem:$0x3300]  }
0x480: {  	v43 =	vld [tilespmem:$0x3310];
	[tilespmem:$0x31B0] =	vst v40;
	v42 =	vpop (erf);
	(erf) = vrcp.f32 v8;
	v8 =	vadd.f32 $1.000000020e-16, v35  }
0x481: {  	v45 =	vld [tilespmem:$0x3320];
	[tilespmem:$0x31C0] =	vst v41;
	v44 =	vpop (erf);
	(erf) = vrcp.f32 v9;
	v9 =	vadd.f32 $1.000000020e-16, v37  }
0x482: {  	v47 =	vld [tilespmem:$0x3330];
	[tilespmem:$0x31D0] =	vst v42;
	v46 =	vpop (erf);
	(erf) = vrcp.f32 v8;
	v8 =	vadd.f32 $1.000000020e-16, v39  }
0x483: {  	[tilespmem:$0x31E0] =	vst v44;
	v48 =	vpop (erf);
	(erf) = vrcp.f32 v9;
	v9 =	vadd.f32 $1.000000020e-16, v10;
	v10 =	vld [tilespmem:$0x3340]  }
0x484: {  	[tilespmem:$0x31F0] =	vst v46;
	v49 =	vpop (erf);
	(erf) = vrcp.f32 v8;
	v8 =	vadd.f32 $1.000000020e-16, v11;
	v11 =	vld [tilespmem:$0x3350]  }
0x485: {  	v51 =	vld [tilespmem:$0x3360];
	[tilespmem:$0x3200] =	vst v48;
	v50 =	vpop (erf);
	(erf) = vrcp.f32 v9;
	v9 =	vadd.f32 $1.000000020e-16, v43  }
0x486: {  	v53 =	vld [tilespmem:$0x3370];
	[tilespmem:$0x3210] =	vst v49;
	v52 =	vpop (erf);
	(erf) = vrcp.f32 v8;
	v8 =	vadd.f32 $1.000000020e-16, v45  }
0x487: {  	v55 =	vld [tilespmem:$0x3380];
	[tilespmem:$0x3220] =	vst v50;
	v54 =	vpop (erf);
	(erf) = vrcp.f32 v9;
	v9 =	vadd.f32 $1.000000020e-16, v47  }
0x488: {  	[tilespmem:$0x3230] =	vst v52;
	v56 =	vpop (erf);
	(erf) = vrcp.f32 v8;
	v8 =	vadd.f32 $1.000000020e-16, v10;
	v10 =	vld [tilespmem:$0x3390]  }
0x489: {  	[tilespmem:$0x3280] =	vst v54;
	v57 =	vpop (erf);
	(erf) = vrcp.f32 v9;
	v9 =	vadd.f32 $1.000000020e-16, v11;
	v11 =	vld [tilespmem:$0x33A0]  }
0x48a: {  	v59 =	vld [tilespmem:$0x33B0];
	[tilespmem:$0x3290] =	vst v56;
	v58 =	vpop (erf);
	(erf) = vrcp.f32 v8;
	v8 =	vadd.f32 $1.000000020e-16, v51  }
0x48b: {  	[tilespmem:$0x32A0] =	vst v57;
	v60 =	vpop (erf);
	(erf) = vrcp.f32 v9;
	v9 =	vadd.f32 $1.000000020e-16, v53  }
0x48c: {  	[tilespmem:$0x32B0] =	vst v58;
	v61 =	vpop (erf);
	(erf) = vrcp.f32 v8;
	v8 =	vadd.f32 $1.000000020e-16, v55  }
0x48d: {  	[tilespmem:$0x32C0] =	vst v60;
	v62 =	vpop (erf);
	(erf) = vrcp.f32 v9;
	v9 =	vadd.f32 $1.000000020e-16, v10  }
0x48e: {  	[tilespmem:$0x32D0] =	vst v61;
	v10 =	vpop (erf);
	(erf) = vrcp.f32 v8;
	v8 =	vadd.f32 $1.000000020e-16, v11  }
0x48f: {  	[tilespmem:$0x32F0] =	vst v10;
	v10 =	vpop (erf);
	(erf) = vrcp.f32 v9;
	v9 =	vadd.f32 $1.000000020e-16, v59  }
0x490: {  	[tilespmem:$0x32E0] =	vst v62  }
0x491: {  	[tilespmem:$0x3300] =	vst v10;
	v10 =	vpop (erf);
	(erf) = vrcp.f32 v8  }
0x492: {  	[tilespmem:$0x3310] =	vst v10;
	v8 =	vpop (erf);
	(erf) = vrcp.f32 v9  }
0x493: {  	v9 =	vpop (erf);
	[tilespmem:$0x3320] =	vst v8  }
0x494: {  	v8 =	vpop (erf);
	[tilespmem:$0x3330] =	vst v9  }
0x495: {  	v9 =	vpop (erf);
	[tilespmem:$0x3340] =	vst v8  }
0x496: {  	v8 =	vpop (erf);
	[tilespmem:$0x3350] =	vst v9  }
0x497: {  	v9 =	vpop (erf);
	[tilespmem:$0x3360] =	vst v8  }
0x498: {  	v8 =	vpop (erf);
	[tilespmem:$0x3370] =	vst v9  }
0x499: {  	v9 =	vpop (erf);
	[tilespmem:$0x3380] =	vst v8  }
0x49a: {  	v8 =	vpop (erf);
	[tilespmem:$0x3390] =	vst v9  }
0x49b: {  	s11 =	simm.s32 $0x0;
	[tilespmem:$0x33A0] =	vst v8;
	v8 =	vpop (erf)  }
0x49c: {  	s3 =	sand.u32 $0x1F0, s11;
	[tilespmem:$0x33B0] =	vst v8  }
0x49d: {  	s2 =	sand.u32 $0x1F800, s11;
	s12 =	sand.u32 $0x380, s11;
	v9 =	vld [tilespmem:s3+$0x2E00]  }
0x49e: {  	s2 =	sor.u32 s12, s2  }
0x49f: {  	v10 =	vld [tilespmem:s2+$0xBA00]  }
0x4a0: {  	s29 =	sand.u32 $0xF, s11;
	v11 =	vld [tilespmem:s2+$0xBA30]  }
0x4a1: {  	v8 =	vmov s29;
	v63 =	vld [tilespmem:s2+$0xBA20]  }
0x4a2: {  	v13 =	vld [tilespmem:s2+$0xBA10];
	v9 =	vperm.xlane v9, v8;
	_ =	sdelay $0x1  }
0x4a3: {  	v10 =	vmul.f32 v10, v9  }
0x4a4: {  	v11 =	vmul.f32 v11, v9  }
0x4a5: {  	v12 =	vmul.f32 v63, v9;
	[tilespmem:s2+$0xBA00] =	vst v10  }
0x4a6: {  	v9 =	vmul.f32 v13, v9;
	[tilespmem:s2+$0xBA30] =	vst v11  }
0x4a7: {  	s13 =	simm.s32 $0x0;
	s12 =	simm.s32 $0x1;
	[tilespmem:s2+$0xBA20] =	vst v12  }
.LBB2_13:
0x4a8: {  	p0 =	sne.s32 s12, $0x13F;
	[tilespmem:s2+$0xBA10] =	vst v9;
	v9 =	vld [tilespmem:s2+$0xBA70];
	s11 =	sadd.s32 $0x80, s11;
	s13 =	sadd.s32 $0x100, s13  }
0x4a9: {  	s14 =	smov.u32 s12;
	s12 =	sadd.s32 $0x1, s12;
	v10 =	vld [tilespmem:s3+$0x2F80]  }
0x4aa: {  	v11 =	vld [tilespmem:s2+$0xBA50]  }
0x4ab: {  	v12 =	vld [tilespmem:s2+$0xBA40]  }
0x4ac: {  	v13 =	vld [tilespmem:s2+$0xBA60];
	_ =	sdelay $0x1  }
0x4ad: {  	v10 =	vperm.xlane v10, v8;
	_ =	sdelay $0x1  }
0x4ae: {  	v12 =	vmul.f32 v12, v10;
	v11 =	vmul.f32 v11, v10  }
0x4af: {  	v9 =	vmul.f32 v9, v10;
	v13 =	vmul.f32 v13, v10  }
0x4b0: {  	[tilespmem:s2+$0xBA50] =	vst v11  }
0x4b1: {  	[tilespmem:s2+$0xBA60] =	vst v13  }
0x4b2: {  	s15 =	sand.u32 $0x1F0, s14;
	[tilespmem:s2+$0xBA70] =	vst v9  }
0x4b3: {  	[tilespmem:s2+$0xBA40] =	vst v12;
	v9 =	vld [tilespmem:s2+$0xBE30]  }
0x4b4: {  	v10 =	vld [tilespmem:s3+$0x3100]  }
0x4b5: {  	v11 =	vld [tilespmem:s2+$0xBE10]  }
0x4b6: {  	v12 =	vld [tilespmem:s2+$0xBE00]  }
0x4b7: {  	v13 =	vld [tilespmem:s2+$0xBE20]  }
0x4b8: {  	s17 =	sand.u32 $0x1F800, s13;
	s24 =	sand.u32 $0x380, s11  }
0x4b9: {  	s17 =	sor.u32 s24, s17;
	v10 =	vperm.xlane v10, v8;
	v14 =	vld [tilespmem:s2+$0xBE70]  }
0x4ba: {  	v15 =	vld [tilespmem:s2+$0xBE60]  }
0x4bb: {  	v12 =	vmul.f32 v12, v10;
	v11 =	vmul.f32 v11, v10;
	v16 =	vld [tilespmem:s2+$0xBE50]  }
0x4bc: {  	v9 =	vmul.f32 v9, v10;
	v17 =	vld [tilespmem:s17+$0xBA10];
	v13 =	vmul.f32 v13, v10  }
0x4bd: {  	v10 =	vld [tilespmem:s17+$0xBA20];
	[tilespmem:s2+$0xBE00] =	vst v12  }
0x4be: {  	[tilespmem:s2+$0xBE30] =	vst v9;
	v9 =	vld [tilespmem:s2+$0xBE40]  }
0x4bf: {  	[tilespmem:s2+$0xBE10] =	vst v11  }
0x4c0: {  	[tilespmem:s2+$0xBE20] =	vst v13  }
0x4c1: {  	v11 =	vld [tilespmem:s3+$0x3280];
	s3 =	smov.u32 s15;
	_ =	sdelay $0x4  }
0x4c2: {  	v8 =	vperm.xlane v11, v8;
	_ =	sdelay $0x1  }
0x4c3: {  	v9 =	vmul.f32 v9, v8;
	v11 =	vmul.f32 v16, v8  }
0x4c4: {  	v12 =	vmul.f32 v15, v8;
	v8 =	vmul.f32 v14, v8  }
0x4c5: {  	[tilespmem:s2+$0xBE40] =	vst v9  }
0x4c6: {  	[tilespmem:s2+$0xBE70] =	vst v8  }
0x4c7: {  	[tilespmem:s2+$0xBE50] =	vst v11  }
0x4c8: {  	[tilespmem:s2+$0xBE60] =	vst v12;
	s2 =	smov.u32 s17  }
0x4c9: {  	v9 =	vld [tilespmem:s3+$0x2E00]  }
0x4ca: {  	v11 =	vld [tilespmem:s2+$0xBA30]  }
0x4cb: {  	v12 =	vld [tilespmem:s2+$0xBA00]  }
0x4cc: {  	s14 =	sand.u32 $0xF, s14  }
0x4cd: {  	v8 =	vmov s14  }
0x4ce: {  	v13 =	vperm.xlane v9, v8;
	_ =	sdelay $0x1  }
.Ltmp8:
0x4cf: {  	v12 =	vmul.f32 v12, v13;
	v11 =	vmul.f32 v11, v13;
	(pc) =	sbr.rel @p0 .LBB2_13-.Ltmp8, $4  }
0x4d0: {  	v9 =	vmul.f32 v17, v13;
	v10 =	vmul.f32 v10, v13  }
0x4d1: {  	[tilespmem:s2+$0xBA00] =	vst v12  }
0x4d2: {  	[tilespmem:s2+$0xBA30] =	vst v11  }
0x4d3: {  	[tilespmem:s2+$0xBA20] =	vst v10  }
0x4d4: {  	[tilespmem:s2+$0xBA10] =	vst v9  }
0x4d5: {  	v9 =	vld [tilespmem:s3+$0x2F80];
	_ =	sdelay $0x1  }
0x4d6: {  	v10 =	vld [tilespmem:s2+$0xBA50]  }
0x4d7: {  	v11 =	vld [tilespmem:s2+$0xBA60]  }
0x4d8: {  	v12 =	vld [tilespmem:s2+$0xBA70]  }
0x4d9: {  	v13 =	vld [tilespmem:s2+$0xBA40];
	v9 =	vperm.xlane v9, v8;
	_ =	sdelay $0x1  }
0x4da: {  	v10 =	vmul.f32 v10, v9  }
0x4db: {  	v11 =	vmul.f32 v11, v9  }
0x4dc: {  	v12 =	vmul.f32 v12, v9;
	[tilespmem:s2+$0xBA50] =	vst v10  }
0x4dd: {  	v9 =	vmul.f32 v13, v9;
	[tilespmem:s2+$0xBA60] =	vst v11  }
0x4de: {  	[tilespmem:s2+$0xBA70] =	vst v12  }
0x4df: {  	[tilespmem:s2+$0xBA40] =	vst v9  }
0x4e0: {  	v9 =	vld [tilespmem:s3+$0x3100];
	_ =	sdelay $0x1  }
0x4e1: {  	v56 =	vld [tilespmem:s2+$0xBE00]  }
0x4e2: {  	v57 =	vld [tilespmem:s2+$0xBE30]  }
0x4e3: {  	v58 =	vld [tilespmem:s2+$0xBE10]  }
0x4e4: {  	v59 =	vld [tilespmem:s2+$0xBE20];
	v9 =	vperm.xlane v9, v8;
	_ =	sdelay $0x1  }
0x4e5: {  	v10 =	vmul.f32 v56, v9  }
0x4e6: {  	v11 =	vmul.f32 v57, v9  }
0x4e7: {  	v60 =	vmul.f32 v58, v9;
	[tilespmem:s2+$0xBE00] =	vst v10  }
0x4e8: {  	v9 =	vmul.f32 v59, v9;
	[tilespmem:s2+$0xBE30] =	vst v11  }
0x4e9: {  	[tilespmem:s2+$0xBE10] =	vst v60  }
0x4ea: {  	[tilespmem:s2+$0xBE20] =	vst v9  }
0x4eb: {  	v9 =	vld [tilespmem:s3+$0x3280];
	_ =	sdelay $0x1  }
0x4ec: {  	v61 =	vld [tilespmem:s2+$0xBE40]  }
0x4ed: {  	v62 =	vld [tilespmem:s2+$0xBE70]  }
0x4ee: {  	v15 =	vld [tilespmem:s2+$0xBE50]  }
0x4ef: {  	v14 =	vld [tilespmem:s2+$0xBE60];
	v8 =	vperm.xlane v9, v8;
	_ =	sdelay $0x1  }
0x4f0: {  	v9 =	vmul.f32 v61, v8  }
0x4f1: {  	v10 =	vmul.f32 v62, v8  }
0x4f2: {  	v63 =	vmul.f32 v15, v8;
	[tilespmem:s2+$0xBE40] =	vst v9  }
0x4f3: {  	v8 =	vmul.f32 v14, v8;
	[tilespmem:s2+$0xBE70] =	vst v10  }
0x4f4: {  	[tilespmem:s2+$0xBE50] =	vst v63  }
0x4f5: {  	s12 =	simm.s32 $0x0;
	s24 =	rddreg [dreg:$0x7];
	[tilespmem:s2+$0xBE60] =	vst v8  }
0x4f6: {  	[hbm4b:s24+s12] =	stream.linear.scatter [tilespmem:s10], [sflag:$0x2], $0x14000, $0x38;
	[tilespmem:$0x1FA00] =	vst v63  }
0x4f7: {  	_ =	swait.ge [sflag:s26], $0x14000  }
0x4f8: {  	s28 =	rddreg [dreg:$0x9]  }
0x4f9: {  	s29 =	rddreg [dreg:$0x8];
	s3 =	sadd.s32 $0x1, s28  }
0x4fa: {  	p0 =	sne.s32 s3, s29  }
.Ltmp9:
0x4fb: {  	_ = 	snop;
	(pc) =	sbr.rel @p0 .LBB2_1-.Ltmp9, $3  }
0x4fc: {  	_ =	sdelay $0x1  }
0x4fd: {  	[sflag:s26] =	ssyncset.done $0x0  }
0x4fe: {  	[sflag:s26] =	ssyncadd.s32 $0xFFFEC000  }
0x4ff: {  	_ =	sfence.sel $0x180000  }
0x500: {  	[bflag:$0x0] =	sbarrier.arrive $0xFFFF  }
0x501: {  	_ =	strace $0x90000047  }
0x502: {  	s0 =	stileid.u32;
	[bflag:$0x2] =	sbarrier.arrive $0xFFFF  }
0x503: {  	p0 =	sne.s32 s0, $0x0;
	s0 =	rddreg [dreg:$0x2]  }
0x504: {  	s0 =	sadd.s32 @!p0 $0x100000, s0  }
0x505: {  	[sflag:s0] =	ssyncadd.tile.s32 @!p0 $0x1;
	_ =	shalt  }
.Lfunc_end2:
_tile_overlayer_lowered:
.L_overlay_start_2:
0x506: {  	(tag) =	ssettag $0x2  }
0x507: {  	s0 =	rddreg [dreg:$0x0];
	s2 =	stileid.u32  }
0x508: {  	s1 =	rddreg [dreg:$0x1];
	p0 =	sne.s32 s2, $0x0  }
0x509: {  	s3 =	rddreg [dreg:$0x2];
	[bflag:$0x3] =	sbarrier.arrive $0xFFFF;
	s2 =	simm.s32 @!p0 $0x1C02  }
0x50a: {  	[timem:s3], [sflag:s2] =	dma.local @!p0 [hbm:s0], s1  }
0x50b: {  	s0 =	simm.s32 @!p0 $0x2  }
0x50c: {  	_ =	swait.ge @!p0 [sflag:s0], s1  }
0x50d: {  	s1 =	ssub.s32 @!p0 $0x0, s1;
	[sflag:s0] =	ssyncset.done @!p0 $0x0  }
0x50e: {  	[sflag:s0] =	ssyncadd.s32 @!p0 s1  }
0x50f: {  	[bflag:$0x3] =	sbarrier.arrive $0xFFFF  }
0x510: {  	_ =	shalt  }

</sc_bundles>
